<compile_context>
chip_gen: v7x
topology: tpu7x:2x2x1
jax: 0.10.2.dev20260603
libtpu: 0.0.44.dev20260713+nightly
codegen_flags: <defaults>
</compile_context>

<pallas_src>
import functools

import jax
import jax.numpy as jnp
from jax import lax
from jax.experimental import pallas as pl
from jax.experimental.pallas import tpu as pltpu
from jax.experimental.pallas import tpu_sc as plsc

_BM = 1024


def _ln_argmax_body(x_ref, wt_ref, g_ref, b_ref, iota_ref, idx_ref):
    x = x_ref[...]
    mu = jnp.mean(x, axis=-1, keepdims=True)
    var = jnp.mean((x - mu) ** 2, axis=-1, keepdims=True)
    h = (x - mu) / jnp.sqrt(var + 1e-5) * g_ref[...] + b_ref[...]
    logits = jnp.dot(h, wt_ref[...], preferred_element_type=jnp.float32)
    k = logits.shape[1]
    nrg = _BM // 128
    nch = k // 128
    lane_f = iota_ref[0:1, 0:128]
    big = jnp.float32(3.0e38)
    for g in range(nrg):
        rows = lax.slice(logits, (g * 128, 0), ((g + 1) * 128, k))
        m_run = lax.slice(rows, (0, 0), (128, 128))
        c_run = jnp.zeros((128, 128), jnp.float32)
        for c in range(1, nch):
            chunk = lax.slice(rows, (0, c * 128), (128, (c + 1) * 128))
            gt = chunk > m_run
            m_run = jnp.where(gt, chunk, m_run)
            c_run = jnp.where(gt, jnp.float32(c), c_run)
        m = jnp.max(m_run, axis=-1, keepdims=True)
        cand = jnp.where(m_run == m, c_run * 128.0 + lane_f, big)
        idxf = jnp.min(cand, axis=-1)
        idx_ref[g * (128 // 128):(g + 1) * (128 // 128), :] = (
            idxf.astype(jnp.int32).reshape(1, 128))


def _ln_argmax(x2, wt, g2, b2, iota_f):
    n, d = x2.shape
    k = wt.shape[1]
    grid = n // _BM
    rows = _BM // 128
    idx2 = pl.pallas_call(
        _ln_argmax_body,
        grid=(grid,),
        in_specs=[
            pl.BlockSpec((_BM, d), lambda i: (i, 0)),
            pl.BlockSpec((d, k), lambda i: (0, 0)),
            pl.BlockSpec((1, d), lambda i: (0, 0)),
            pl.BlockSpec((1, d), lambda i: (0, 0)),
            pl.BlockSpec((1, k), lambda i: (0, 0)),
        ],
        out_specs=pl.BlockSpec((rows, 128), lambda i: (i, 0)),
        out_shape=jax.ShapeDtypeStruct((grid * rows, 128), jnp.int32),
    )(x2, wt, g2, b2, iota_f)
    return idx2.reshape(n)


def _sc_gather(table, idx):
    b = idx.shape[0]
    d = table.shape[1]
    nw = 32
    b_per_w = b // nw
    mesh = plsc.VectorSubcoreMesh(core_axis_name="c", subcore_axis_name="s")

    @functools.partial(
        pl.kernel,
        mesh=mesh,
        compiler_params=pltpu.CompilerParams(use_tc_tiling_on_sc=False),
        out_type=jax.ShapeDtypeStruct((b, d), jnp.float32),
        scratch_types=[
            pltpu.VMEM((b_per_w,), jnp.int32),
            pltpu.VMEM((b_per_w, d), jnp.float32),
            pltpu.SemaphoreType.DMA,
        ],
    )
    def k(table_hbm, idx_hbm, out_hbm, idx_v, rows_v, sem):
        wid = lax.axis_index("s") * 2 + lax.axis_index("c")
        base = wid * b_per_w
        pltpu.sync_copy(idx_hbm.at[pl.ds(base, b_per_w)], idx_v)
        pltpu.async_copy(table_hbm.at[idx_v], rows_v, sem).wait()
        pltpu.sync_copy(rows_v, out_hbm.at[pl.ds(base, b_per_w)])

    return k(table, idx)


def kernel(input, embd_weight, ln_gamma, ln_beta):
    bsz, seq, d = input.shape
    n = bsz * seq
    k = embd_weight.shape[0]
    x2 = input.reshape(n, d)
    wt = embd_weight.T
    g2 = ln_gamma.reshape(1, d)
    b2 = ln_beta.reshape(1, d)
    iota_f = jnp.arange(k, dtype=jnp.float32).reshape(1, k)
    idx = _ln_argmax(x2, wt, g2, b2, iota_f)
    q = _sc_gather(embd_weight, idx)
    return q.reshape(bsz, seq, d), idx.reshape(bsz, seq)

# --- scband reference (transcript-rebuilt; emitter-appended) ---
"""Pipeline reference for scband-argmax-quantize-4174708212514 (READ-ONLY COPY).

The authoritative reference and input builder live on the scoring server;
editing this copy changes nothing except your own understanding.
"""

import jax, jax.numpy as jnp
import numpy as np


def layer_norm(x, gamma, beta, eps=1e-5):
    mu = jnp.mean(x, axis=-1, keepdims=True)
    var = jnp.mean((x - mu) ** 2, axis=-1, keepdims=True)
    return (x - mu) / jnp.sqrt(var + eps) * gamma + beta


def setup_inputs(seed: int = 0) -> dict:
    key = jax.random.key(seed)
    k1, k2 = jax.random.split(key, 2)
    x = jax.random.normal(k1, (16, 576, 64), dtype=jnp.float32)
    embd_weight = jax.random.normal(k2, (8192, 64), dtype=jnp.float32) * 0.02
    ln_gamma = jnp.ones((64,), dtype=jnp.float32)
    ln_beta = jnp.zeros((64,), dtype=jnp.float32)
    return {"input": x, "embd_weight": embd_weight, "ln_gamma": ln_gamma, "ln_beta": ln_beta}


def reference(input, embd_weight, ln_gamma, ln_beta):
    # input = self.ln(input)
    h = layer_norm(input, ln_gamma, ln_beta)
    # idxs = (input @ self.embd.weight.t()).argmax(-1)
    logits = h @ embd_weight.T
    idxs = jnp.argmax(logits, axis=-1)
    # quantize1 = self.embd(idxs)  -- embedding gather
    quantize1 = jnp.take(embd_weight, idxs, axis=0)
    # quantize2 = input + (quantize1 - input).detach()
    quantize2 = h + jax.lax.stop_gradient(quantize1 - h)
    quantize = (quantize1 + quantize2) / 2
    return (quantize, idxs)

if __name__ == "__main__":
    import jax
    _d = setup_inputs()
    print(jax.jit(kernel)(*tuple(_d.values())))

</pallas_src>

<mosaic_0001>
#map = affine_map<(d0, d1) -> (0, 0)>
#map1 = affine_map<(d0, d1) -> (0)>
module attributes {stable_mosaic.version = 14 : i64} {
  func.func @k(%arg0: i32, %arg1: i32, %arg2: memref<8192x64xf32, #tpu.memory_space<hbm>>, %arg3: memref<9216xi32, #tpu.memory_space<hbm>>, %arg4: memref<9216x64xf32, #tpu.memory_space<hbm>>, %arg5: memref<288xi32, #tpu.memory_space<vmem>>, %arg6: memref<288x64xf32, #tpu.memory_space<vmem>>, %arg7: memref<!tpu.dma_semaphore, #tpu.memory_space<semaphore_mem>>) attributes {dimension_semantics = [#tpu.dimension_semantics<core_parallel>, #tpu.dimension_semantics<subcore_parallel>], iteration_bounds = array<i64: 2, 16>, scalar_prefetch = 0 : i64, scratch_operands = 3 : i64, tpu.core_type = #tpu.core_type<sc_vector_subcore>, window_params = [{transform_indices = #map}, {transform_indices = #map1}, {transform_indices = #map}]} {
    %mul3A = arith.constant 2 : i32
    %mul3A_0 = arith.muli %arg1, %mul3A : i32
    %add3A = arith.addi %mul3A_0, %arg0 : i32
    %mul3A_1 = arith.constant 288 : i32
    %mul3A_2 = arith.muli %add3A, %mul3A_1 : i32
    "tpu.region"() ({
      %run_scoped3A = tpu.sem_alloc : memref<!tpu.dma_semaphore, #tpu.memory_space<semaphore_mem>>
      %dma_start3A_7 = tpu.memref_slice %arg3[%mul3A_2] : memref<9216xi32, #tpu.memory_space<hbm>> -> memref<288xi32, #tpu.memory_space<hbm>>
      %dma_start3A_8 = tpu.memref_slice %arg3[%mul3A_2] : memref<9216xi32, #tpu.memory_space<hbm>> -> memref<288xi32, #tpu.memory_space<hbm>>
      tpu.enqueue_dma source(%dma_start3A_8 : memref<288xi32, #tpu.memory_space<hbm>>) target(%arg5 : memref<288xi32, #tpu.memory_space<vmem>>) target_semaphore(%run_scoped3A : memref<!tpu.dma_semaphore, #tpu.memory_space<semaphore_mem>>)
      %dma_wait3A_9 = tpu.memref_slice %arg3[%mul3A_2] : memref<9216xi32, #tpu.memory_space<hbm>> -> memref<288xi32, #tpu.memory_space<hbm>>
      %dma_wait3A_10 = tpu.memref_slice %arg3[%mul3A_2] : memref<9216xi32, #tpu.memory_space<hbm>> -> memref<288xi32, #tpu.memory_space<hbm>>
      tpu.wait_dma2 semaphore(%run_scoped3A : memref<!tpu.dma_semaphore, #tpu.memory_space<semaphore_mem>>) src(%dma_wait3A_10 : memref<288xi32, #tpu.memory_space<hbm>>) dst(%arg5 : memref<288xi32, #tpu.memory_space<vmem>>)
      tpu.yield
    }) : () -> ()
    %dma_start3A = arith.constant 0 : i32
    %dma_start3A_3 = arith.constant 0 : i32
    %dma_start3A_4 = tpu.memref_slice %arg2[%dma_start3A, %dma_start3A_3] : memref<8192x64xf32, #tpu.memory_space<hbm>> -> memref<8192x64xf32, #tpu.memory_space<hbm>>
    tpu.enqueue_indirect_dma source(%dma_start3A_4 : memref<8192x64xf32, #tpu.memory_space<hbm>>) target(%arg6 : memref<288x64xf32, #tpu.memory_space<vmem>>) offsets(%arg5 : memref<288xi32, #tpu.memory_space<vmem>>) semaphore(%arg7 : memref<!tpu.dma_semaphore, #tpu.memory_space<semaphore_mem>>)
    %dma_wait3A = arith.constant 0 : i32
    %dma_wait3A_5 = arith.constant 0 : i32
    %dma_wait3A_6 = tpu.memref_slice %arg2[%dma_wait3A, %dma_wait3A_5] : memref<8192x64xf32, #tpu.memory_space<hbm>> -> memref<8192x64xf32, #tpu.memory_space<hbm>>
    tpu.wait_indirect_dma semaphore(%arg7 : memref<!tpu.dma_semaphore, #tpu.memory_space<semaphore_mem>>) src(%dma_wait3A_6 : memref<8192x64xf32, #tpu.memory_space<hbm>>) dst(%arg6 : memref<288x64xf32, #tpu.memory_space<vmem>>)
    "tpu.region"() ({
      %run_scoped3A = tpu.sem_alloc : memref<!tpu.dma_semaphore, #tpu.memory_space<semaphore_mem>>
      %dma_start3A_7 = arith.constant 0 : i32
      %dma_start3A_8 = tpu.memref_slice %arg4[%mul3A_2, %dma_start3A_7] : memref<9216x64xf32, #tpu.memory_space<hbm>> -> memref<288x64xf32, #tpu.memory_space<hbm>>
      %dma_start3A_9 = arith.constant 0 : i32
      %dma_start3A_10 = tpu.memref_slice %arg4[%mul3A_2, %dma_start3A_9] : memref<9216x64xf32, #tpu.memory_space<hbm>> -> memref<288x64xf32, #tpu.memory_space<hbm>>
      tpu.enqueue_dma source(%arg6 : memref<288x64xf32, #tpu.memory_space<vmem>>) target(%dma_start3A_10 : memref<288x64xf32, #tpu.memory_space<hbm>>) target_semaphore(%run_scoped3A : memref<!tpu.dma_semaphore, #tpu.memory_space<semaphore_mem>>)
      %dma_wait3A_11 = arith.constant 0 : i32
      %dma_wait3A_12 = tpu.memref_slice %arg4[%mul3A_2, %dma_wait3A_11] : memref<9216x64xf32, #tpu.memory_space<hbm>> -> memref<288x64xf32, #tpu.memory_space<hbm>>
      %dma_wait3A_13 = arith.constant 0 : i32
      %dma_wait3A_14 = tpu.memref_slice %arg4[%mul3A_2, %dma_wait3A_13] : memref<9216x64xf32, #tpu.memory_space<hbm>> -> memref<288x64xf32, #tpu.memory_space<hbm>>
      tpu.wait_dma2 semaphore(%run_scoped3A : memref<!tpu.dma_semaphore, #tpu.memory_space<semaphore_mem>>) src(%arg6 : memref<288x64xf32, #tpu.memory_space<vmem>>) dst(%dma_wait3A_14 : memref<288x64xf32, #tpu.memory_space<hbm>>)
      tpu.yield
    }) : () -> ()
    return
  }
}

module attributes {stable_mosaic.version = 14 : i64} {
  func.func @_ln_argmax_body(%arg0: i32, %arg1: memref<1024x64xf32, #tpu.memory_space<vmem>>, %arg2: memref<64x8192xf32, #tpu.memory_space<vmem>>, %arg3: memref<1x64xf32, #tpu.memory_space<vmem>>, %arg4: memref<1x64xf32, #tpu.memory_space<vmem>>, %arg5: memref<1x8192xf32, #tpu.memory_space<vmem>>, %arg6: memref<8x128xi32, #tpu.memory_space<vmem>>) attributes {dimension_semantics = [#tpu.dimension_semantics<arbitrary>], iteration_bounds = array<i64: 9>, scalar_prefetch = 0 : i64, scratch_operands = 0 : i64, tpu.core_type = #tpu.core_type<tc>, window_params = [{transform_indices = @transform_0, window_bounds = array<i64: 1024, 64>}, {pipeline_mode = #tpu.pipeline_mode<synchronous>, transform_indices = @transform_1, window_bounds = array<i64: 64, 8192>}, {pipeline_mode = #tpu.pipeline_mode<synchronous>, transform_indices = @transform_2, window_bounds = array<i64: 1, 64>}, {pipeline_mode = #tpu.pipeline_mode<synchronous>, transform_indices = @transform_3, window_bounds = array<i64: 1, 64>}, {pipeline_mode = #tpu.pipeline_mode<synchronous>, transform_indices = @transform_4, window_bounds = array<i64: 1, 8192>}, {transform_indices = @transform_5, window_bounds = array<i64: 8, 128>}]} {
    %get3A = arith.constant 0 : index
    %get3A_0 = arith.constant 0 : index
    %get3A_1 = vector.load %arg1[%get3A, %get3A_0] : memref<1024x64xf32, #tpu.memory_space<vmem>>, vector<1024x64xf32>
    %reduce_sum3A = arith.constant dense<0.000000e+00> : vector<1024xf32>
    %reduce_sum3A_2 = vector.multi_reduction <add>, %get3A_1, %reduce_sum3A [1] : vector<1024x64xf32> to vector<1024xf32>
    %broadcast_in_dim3A = vector.shape_cast %reduce_sum3A_2 : vector<1024xf32> to vector<1024x1xf32>
    %div3A = arith.constant 6.400000e+01 : f32
    %div3A_3 = vector.broadcast %div3A : f32 to vector<1024x1xf32>
    %div3A_4 = arith.divf %broadcast_in_dim3A, %div3A_3 : vector<1024x1xf32>
    %sub3A = vector.broadcast %div3A_4 : vector<1024x1xf32> to vector<1024x64xf32>
    %sub3A_5 = arith.subf %get3A_1, %sub3A : vector<1024x64xf32>
    %integer_pow3A = arith.mulf %sub3A_5, %sub3A_5 : vector<1024x64xf32>
    %reduce_sum3A_6 = arith.constant dense<0.000000e+00> : vector<1024xf32>
    %reduce_sum3A_7 = vector.multi_reduction <add>, %integer_pow3A, %reduce_sum3A_6 [1] : vector<1024x64xf32> to vector<1024xf32>
    %broadcast_in_dim3A_8 = vector.shape_cast %reduce_sum3A_7 : vector<1024xf32> to vector<1024x1xf32>
    %div3A_9 = arith.constant 6.400000e+01 : f32
    %div3A_10 = vector.broadcast %div3A_9 : f32 to vector<1024x1xf32>
    %div3A_11 = arith.divf %broadcast_in_dim3A_8, %div3A_10 : vector<1024x1xf32>
    %sub3A_12 = vector.broadcast %div3A_4 : vector<1024x1xf32> to vector<1024x64xf32>
    %sub3A_13 = arith.subf %get3A_1, %sub3A_12 : vector<1024x64xf32>
    %add3A = arith.constant 9.99999974E-6 : f32
    %add3A_14 = vector.broadcast %add3A : f32 to vector<1024x1xf32>
    %add3A_15 = arith.addf %div3A_11, %add3A_14 : vector<1024x1xf32>
    %sqrt3A = math.sqrt %add3A_15 : vector<1024x1xf32>
    %div3A_16 = vector.broadcast %sqrt3A : vector<1024x1xf32> to vector<1024x64xf32>
    %div3A_17 = arith.divf %sub3A_13, %div3A_16 : vector<1024x64xf32>
    %get3A_18 = arith.constant 0 : index
    %get3A_19 = arith.constant 0 : index
    %get3A_20 = vector.load %arg3[%get3A_18, %get3A_19] : memref<1x64xf32, #tpu.memory_space<vmem>>, vector<1x64xf32>
    %mul3A = vector.broadcast %get3A_20 : vector<1x64xf32> to vector<1024x64xf32>
    %mul3A_21 = arith.mulf %div3A_17, %mul3A : vector<1024x64xf32>
    %get3A_22 = arith.constant 0 : index
    %get3A_23 = arith.constant 0 : index
    %get3A_24 = vector.load %arg4[%get3A_22, %get3A_23] : memref<1x64xf32, #tpu.memory_space<vmem>>, vector<1x64xf32>
    %add3A_25 = vector.broadcast %get3A_24 : vector<1x64xf32> to vector<1024x64xf32>
    %add3A_26 = arith.addf %mul3A_21, %add3A_25 : vector<1024x64xf32>
    %get3A_27 = arith.constant 0 : index
    %get3A_28 = arith.constant 0 : index
    %get3A_29 = vector.load %arg2[%get3A_27, %get3A_28] : memref<64x8192xf32, #tpu.memory_space<vmem>>, vector<64x8192xf32>
    %dot_general3A = arith.constant dense<0.000000e+00> : vector<1024x8192xf32>
    %dot_general3A_30 = tpu.matmul %add3A_26, %get3A_29, %dot_general3A {dimension_numbers = #tpu.dot_dimension_numbers<[1], [0], [0], [1], [0, 0, 1, 1], [], []>, transpose_lhs_hint = false} : vector<1024x64xf32>, vector<64x8192xf32>, vector<1024x8192xf32> -> vector<1024x8192xf32>
    %get3A_31 = arith.constant 0 : index
    %get3A_32 = arith.constant 0 : index
    %get3A_33 = vector.load %arg5[%get3A_31, %get3A_32] : memref<1x8192xf32, #tpu.memory_space<vmem>>, vector<1x128xf32>
    %slice3A = vector.extract_strided_slice %dot_general3A_30 {offsets = [0, 0], sizes = [128, 8192], strides = [1, 1]} : vector<1024x8192xf32> to vector<128x8192xf32>
    %slice3A_34 = vector.extract_strided_slice %slice3A {offsets = [0, 0], sizes = [128, 128], strides = [1, 1]} : vector<128x8192xf32> to vector<128x128xf32>
    %broadcast_in_dim3A_35 = arith.constant 0.000000e+00 : f32
    %broadcast_in_dim3A_36 = vector.broadcast %broadcast_in_dim3A_35 : f32 to vector<128x128xf32>
    %slice3A_37 = vector.extract_strided_slice %slice3A {offsets = [0, 128], sizes = [128, 128], strides = [1, 1]} : vector<128x8192xf32> to vector<128x128xf32>
    %gt3A = arith.cmpf ogt, %slice3A_37, %slice3A_34 : vector<128x128xf32>
    %select_n3A = arith.select %gt3A, %slice3A_37, %slice3A_34 : vector<128x128xi1>, vector<128x128xf32>
    %jit3A = arith.constant 1.000000e+00 : f32
    %broadcast_in_dim3A_38 = vector.broadcast %jit3A : f32 to vector<128x128xf32>
    %select_n3A_39 = arith.select %gt3A, %broadcast_in_dim3A_38, %broadcast_in_dim3A_36 : vector<128x128xi1>, vector<128x128xf32>
    %slice3A_40 = vector.extract_strided_slice %slice3A {offsets = [0, 256], sizes = [128, 128], strides = [1, 1]} : vector<128x8192xf32> to vector<128x128xf32>
    %gt3A_41 = arith.cmpf ogt, %slice3A_40, %select_n3A : vector<128x128xf32>
    %select_n3A_42 = arith.select %gt3A_41, %slice3A_40, %select_n3A : vector<128x128xi1>, vector<128x128xf32>
    %jit3A_43 = arith.constant 2.000000e+00 : f32
    %broadcast_in_dim3A_44 = vector.broadcast %jit3A_43 : f32 to vector<128x128xf32>
    %select_n3A_45 = arith.select %gt3A_41, %broadcast_in_dim3A_44, %select_n3A_39 : vector<128x128xi1>, vector<128x128xf32>
    %slice3A_46 = vector.extract_strided_slice %slice3A {offsets = [0, 384], sizes = [128, 128], strides = [1, 1]} : vector<128x8192xf32> to vector<128x128xf32>
    %gt3A_47 = arith.cmpf ogt, %slice3A_46, %select_n3A_42 : vector<128x128xf32>
    %select_n3A_48 = arith.select %gt3A_47, %slice3A_46, %select_n3A_42 : vector<128x128xi1>, vector<128x128xf32>
    %jit3A_49 = arith.constant 3.000000e+00 : f32
    %broadcast_in_dim3A_50 = vector.broadcast %jit3A_49 : f32 to vector<128x128xf32>
    %select_n3A_51 = arith.select %gt3A_47, %broadcast_in_dim3A_50, %select_n3A_45 : vector<128x128xi1>, vector<128x128xf32>
    %slice3A_52 = vector.extract_strided_slice %slice3A {offsets = [0, 512], sizes = [128, 128], strides = [1, 1]} : vector<128x8192xf32> to vector<128x128xf32>
    %gt3A_53 = arith.cmpf ogt, %slice3A_52, %select_n3A_48 : vector<128x128xf32>
    %select_n3A_54 = arith.select %gt3A_53, %slice3A_52, %select_n3A_48 : vector<128x128xi1>, vector<128x128xf32>
    %jit3A_55 = arith.constant 4.000000e+00 : f32
    %broadcast_in_dim3A_56 = vector.broadcast %jit3A_55 : f32 to vector<128x128xf32>
    %select_n3A_57 = arith.select %gt3A_53, %broadcast_in_dim3A_56, %select_n3A_51 : vector<128x128xi1>, vector<128x128xf32>
    %slice3A_58 = vector.extract_strided_slice %slice3A {offsets = [0, 640], sizes = [128, 128], strides = [1, 1]} : vector<128x8192xf32> to vector<128x128xf32>
    %gt3A_59 = arith.cmpf ogt, %slice3A_58, %select_n3A_54 : vector<128x128xf32>
    %select_n3A_60 = arith.select %gt3A_59, %slice3A_58, %select_n3A_54 : vector<128x128xi1>, vector<128x128xf32>
    %jit3A_61 = arith.constant 5.000000e+00 : f32
    %broadcast_in_dim3A_62 = vector.broadcast %jit3A_61 : f32 to vector<128x128xf32>
    %select_n3A_63 = arith.select %gt3A_59, %broadcast_in_dim3A_62, %select_n3A_57 : vector<128x128xi1>, vector<128x128xf32>
    %slice3A_64 = vector.extract_strided_slice %slice3A {offsets = [0, 768], sizes = [128, 128], strides = [1, 1]} : vector<128x8192xf32> to vector<128x128xf32>
    %gt3A_65 = arith.cmpf ogt, %slice3A_64, %select_n3A_60 : vector<128x128xf32>
    %select_n3A_66 = arith.select %gt3A_65, %slice3A_64, %select_n3A_60 : vector<128x128xi1>, vector<128x128xf32>
    %jit3A_67 = arith.constant 6.000000e+00 : f32
    %broadcast_in_dim3A_68 = vector.broadcast %jit3A_67 : f32 to vector<128x128xf32>
    %select_n3A_69 = arith.select %gt3A_65, %broadcast_in_dim3A_68, %select_n3A_63 : vector<128x128xi1>, vector<128x128xf32>
    %slice3A_70 = vector.extract_strided_slice %slice3A {offsets = [0, 896], sizes = [128, 128], strides = [1, 1]} : vector<128x8192xf32> to vector<128x128xf32>
    %gt3A_71 = arith.cmpf ogt, %slice3A_70, %select_n3A_66 : vector<128x128xf32>
    %select_n3A_72 = arith.select %gt3A_71, %slice3A_70, %select_n3A_66 : vector<128x128xi1>, vector<128x128xf32>
    %jit3A_73 = arith.constant 7.000000e+00 : f32
    %broadcast_in_dim3A_74 = vector.broadcast %jit3A_73 : f32 to vector<128x128xf32>
    %select_n3A_75 = arith.select %gt3A_71, %broadcast_in_dim3A_74, %select_n3A_69 : vector<128x128xi1>, vector<128x128xf32>
    %slice3A_76 = vector.extract_strided_slice %slice3A {offsets = [0, 1024], sizes = [128, 128], strides = [1, 1]} : vector<128x8192xf32> to vector<128x128xf32>
    %gt3A_77 = arith.cmpf ogt, %slice3A_76, %select_n3A_72 : vector<128x128xf32>
    %select_n3A_78 = arith.select %gt3A_77, %slice3A_76, %select_n3A_72 : vector<128x128xi1>, vector<128x128xf32>
    %jit3A_79 = arith.constant 8.000000e+00 : f32
    %broadcast_in_dim3A_80 = vector.broadcast %jit3A_79 : f32 to vector<128x128xf32>
    %select_n3A_81 = arith.select %gt3A_77, %broadcast_in_dim3A_80, %select_n3A_75 : vector<128x128xi1>, vector<128x128xf32>
    %slice3A_82 = vector.extract_strided_slice %slice3A {offsets = [0, 1152], sizes = [128, 128], strides = [1, 1]} : vector<128x8192xf32> to vector<128x128xf32>
    %gt3A_83 = arith.cmpf ogt, %slice3A_82, %select_n3A_78 : vector<128x128xf32>
    %select_n3A_84 = arith.select %gt3A_83, %slice3A_82, %select_n3A_78 : vector<128x128xi1>, vector<128x128xf32>
    %jit3A_85 = arith.constant 9.000000e+00 : f32
    %broadcast_in_dim3A_86 = vector.broadcast %jit3A_85 : f32 to vector<128x128xf32>
    %select_n3A_87 = arith.select %gt3A_83, %broadcast_in_dim3A_86, %select_n3A_81 : vector<128x128xi1>, vector<128x128xf32>
    %slice3A_88 = vector.extract_strided_slice %slice3A {offsets = [0, 1280], sizes = [128, 128], strides = [1, 1]} : vector<128x8192xf32> to vector<128x128xf32>
    %gt3A_89 = arith.cmpf ogt, %slice3A_88, %select_n3A_84 : vector<128x128xf32>
    %select_n3A_90 = arith.select %gt3A_89, %slice3A_88, %select_n3A_84 : vector<128x128xi1>, vector<128x128xf32>
    %jit3A_91 = arith.constant 1.000000e+01 : f32
    %broadcast_in_dim3A_92 = vector.broadcast %jit3A_91 : f32 to vector<128x128xf32>
    %select_n3A_93 = arith.select %gt3A_89, %broadcast_in_dim3A_92, %select_n3A_87 : vector<128x128xi1>, vector<128x128xf32>
    %slice3A_94 = vector.extract_strided_slice %slice3A {offsets = [0, 1408], sizes = [128, 128], strides = [1, 1]} : vector<128x8192xf32> to vector<128x128xf32>
    %gt3A_95 = arith.cmpf ogt, %slice3A_94, %select_n3A_90 : vector<128x128xf32>
    %select_n3A_96 = arith.select %gt3A_95, %slice3A_94, %select_n3A_90 : vector<128x128xi1>, vector<128x128xf32>
    %jit3A_97 = arith.constant 1.100000e+01 : f32
    %broadcast_in_dim3A_98 = vector.broadcast %jit3A_97 : f32 to vector<128x128xf32>
    %select_n3A_99 = arith.select %gt3A_95, %broadcast_in_dim3A_98, %select_n3A_93 : vector<128x128xi1>, vector<128x128xf32>
    %slice3A_100 = vector.extract_strided_slice %slice3A {offsets = [0, 1536], sizes = [128, 128], strides = [1, 1]} : vector<128x8192xf32> to vector<128x128xf32>
    %gt3A_101 = arith.cmpf ogt, %slice3A_100, %select_n3A_96 : vector<128x128xf32>
    %select_n3A_102 = arith.select %gt3A_101, %slice3A_100, %select_n3A_96 : vector<128x128xi1>, vector<128x128xf32>
    %jit3A_103 = arith.constant 1.200000e+01 : f32
    %broadcast_in_dim3A_104 = vector.broadcast %jit3A_103 : f32 to vector<128x128xf32>
    %select_n3A_105 = arith.select %gt3A_101, %broadcast_in_dim3A_104, %select_n3A_99 : vector<128x128xi1>, vector<128x128xf32>
    %slice3A_106 = vector.extract_strided_slice %slice3A {offsets = [0, 1664], sizes = [128, 128], strides = [1, 1]} : vector<128x8192xf32> to vector<128x128xf32>
    %gt3A_107 = arith.cmpf ogt, %slice3A_106, %select_n3A_102 : vector<128x128xf32>
    %select_n3A_108 = arith.select %gt3A_107, %slice3A_106, %select_n3A_102 : vector<128x128xi1>, vector<128x128xf32>
    %jit3A_109 = arith.constant 1.300000e+01 : f32
    %broadcast_in_dim3A_110 = vector.broadcast %jit3A_109 : f32 to vector<128x128xf32>
    %select_n3A_111 = arith.select %gt3A_107, %broadcast_in_dim3A_110, %select_n3A_105 : vector<128x128xi1>, vector<128x128xf32>
    %slice3A_112 = vector.extract_strided_slice %slice3A {offsets = [0, 1792], sizes = [128, 128], strides = [1, 1]} : vector<128x8192xf32> to vector<128x128xf32>
    %gt3A_113 = arith.cmpf ogt, %slice3A_112, %select_n3A_108 : vector<128x128xf32>
    %select_n3A_114 = arith.select %gt3A_113, %slice3A_112, %select_n3A_108 : vector<128x128xi1>, vector<128x128xf32>
    %jit3A_115 = arith.constant 1.400000e+01 : f32
    %broadcast_in_dim3A_116 = vector.broadcast %jit3A_115 : f32 to vector<128x128xf32>
    %select_n3A_117 = arith.select %gt3A_113, %broadcast_in_dim3A_116, %select_n3A_111 : vector<128x128xi1>, vector<128x128xf32>
    %slice3A_118 = vector.extract_strided_slice %slice3A {offsets = [0, 1920], sizes = [128, 128], strides = [1, 1]} : vector<128x8192xf32> to vector<128x128xf32>
    %gt3A_119 = arith.cmpf ogt, %slice3A_118, %select_n3A_114 : vector<128x128xf32>
    %select_n3A_120 = arith.select %gt3A_119, %slice3A_118, %select_n3A_114 : vector<128x128xi1>, vector<128x128xf32>
    %jit3A_121 = arith.constant 1.500000e+01 : f32
    %broadcast_in_dim3A_122 = vector.broadcast %jit3A_121 : f32 to vector<128x128xf32>
    %select_n3A_123 = arith.select %gt3A_119, %broadcast_in_dim3A_122, %select_n3A_117 : vector<128x128xi1>, vector<128x128xf32>
    %slice3A_124 = vector.extract_strided_slice %slice3A {offsets = [0, 2048], sizes = [128, 128], strides = [1, 1]} : vector<128x8192xf32> to vector<128x128xf32>
    %gt3A_125 = arith.cmpf ogt, %slice3A_124, %select_n3A_120 : vector<128x128xf32>
    %select_n3A_126 = arith.select %gt3A_125, %slice3A_124, %select_n3A_120 : vector<128x128xi1>, vector<128x128xf32>
    %jit3A_127 = arith.constant 1.600000e+01 : f32
    %broadcast_in_dim3A_128 = vector.broadcast %jit3A_127 : f32 to vector<128x128xf32>
    %select_n3A_129 = arith.select %gt3A_125, %broadcast_in_dim3A_128, %select_n3A_123 : vector<128x128xi1>, vector<128x128xf32>
    %slice3A_130 = vector.extract_strided_slice %slice3A {offsets = [0, 2176], sizes = [128, 128], strides = [1, 1]} : vector<128x8192xf32> to vector<128x128xf32>
    %gt3A_131 = arith.cmpf ogt, %slice3A_130, %select_n3A_126 : vector<128x128xf32>
    %select_n3A_132 = arith.select %gt3A_131, %slice3A_130, %select_n3A_126 : vector<128x128xi1>, vector<128x128xf32>
    %jit3A_133 = arith.constant 1.700000e+01 : f32
    %broadcast_in_dim3A_134 = vector.broadcast %jit3A_133 : f32 to vector<128x128xf32>
    %select_n3A_135 = arith.select %gt3A_131, %broadcast_in_dim3A_134, %select_n3A_129 : vector<128x128xi1>, vector<128x128xf32>
    %slice3A_136 = vector.extract_strided_slice %slice3A {offsets = [0, 2304], sizes = [128, 128], strides = [1, 1]} : vector<128x8192xf32> to vector<128x128xf32>
    %gt3A_137 = arith.cmpf ogt, %slice3A_136, %select_n3A_132 : vector<128x128xf32>
    %select_n3A_138 = arith.select %gt3A_137, %slice3A_136, %select_n3A_132 : vector<128x128xi1>, vector<128x128xf32>
    %jit3A_139 = arith.constant 1.800000e+01 : f32
    %broadcast_in_dim3A_140 = vector.broadcast %jit3A_139 : f32 to vector<128x128xf32>
    %select_n3A_141 = arith.select %gt3A_137, %broadcast_in_dim3A_140, %select_n3A_135 : vector<128x128xi1>, vector<128x128xf32>
    %slice3A_142 = vector.extract_strided_slice %slice3A {offsets = [0, 2432], sizes = [128, 128], strides = [1, 1]} : vector<128x8192xf32> to vector<128x128xf32>
    %gt3A_143 = arith.cmpf ogt, %slice3A_142, %select_n3A_138 : vector<128x128xf32>
    %select_n3A_144 = arith.select %gt3A_143, %slice3A_142, %select_n3A_138 : vector<128x128xi1>, vector<128x128xf32>
    %jit3A_145 = arith.constant 1.900000e+01 : f32
    %broadcast_in_dim3A_146 = vector.broadcast %jit3A_145 : f32 to vector<128x128xf32>
    %select_n3A_147 = arith.select %gt3A_143, %broadcast_in_dim3A_146, %select_n3A_141 : vector<128x128xi1>, vector<128x128xf32>
    %slice3A_148 = vector.extract_strided_slice %slice3A {offsets = [0, 2560], sizes = [128, 128], strides = [1, 1]} : vector<128x8192xf32> to vector<128x128xf32>
    %gt3A_149 = arith.cmpf ogt, %slice3A_148, %select_n3A_144 : vector<128x128xf32>
    %select_n3A_150 = arith.select %gt3A_149, %slice3A_148, %select_n3A_144 : vector<128x128xi1>, vector<128x128xf32>
    %jit3A_151 = arith.constant 2.000000e+01 : f32
    %broadcast_in_dim3A_152 = vector.broadcast %jit3A_151 : f32 to vector<128x128xf32>
    %select_n3A_153 = arith.select %gt3A_149, %broadcast_in_dim3A_152, %select_n3A_147 : vector<128x128xi1>, vector<128x128xf32>
    %slice3A_154 = vector.extract_strided_slice %slice3A {offsets = [0, 2688], sizes = [128, 128], strides = [1, 1]} : vector<128x8192xf32> to vector<128x128xf32>
    %gt3A_155 = arith.cmpf ogt, %slice3A_154, %select_n3A_150 : vector<128x128xf32>
    %select_n3A_156 = arith.select %gt3A_155, %slice3A_154, %select_n3A_150 : vector<128x128xi1>, vector<128x128xf32>
    %jit3A_157 = arith.constant 2.100000e+01 : f32
    %broadcast_in_dim3A_158 = vector.broadcast %jit3A_157 : f32 to vector<128x128xf32>
    %select_n3A_159 = arith.select %gt3A_155, %broadcast_in_dim3A_158, %select_n3A_153 : vector<128x128xi1>, vector<128x128xf32>
    %slice3A_160 = vector.extract_strided_slice %slice3A {offsets = [0, 2816], sizes = [128, 128], strides = [1, 1]} : vector<128x8192xf32> to vector<128x128xf32>
    %gt3A_161 = arith.cmpf ogt, %slice3A_160, %select_n3A_156 : vector<128x128xf32>
    %select_n3A_162 = arith.select %gt3A_161, %slice3A_160, %select_n3A_156 : vector<128x128xi1>, vector<128x128xf32>
    %jit3A_163 = arith.constant 2.200000e+01 : f32
    %broadcast_in_dim3A_164 = vector.broadcast %jit3A_163 : f32 to vector<128x128xf32>
    %select_n3A_165 = arith.select %gt3A_161, %broadcast_in_dim3A_164, %select_n3A_159 : vector<128x128xi1>, vector<128x128xf32>
    %slice3A_166 = vector.extract_strided_slice %slice3A {offsets = [0, 2944], sizes = [128, 128], strides = [1, 1]} : vector<128x8192xf32> to vector<128x128xf32>
    %gt3A_167 = arith.cmpf ogt, %slice3A_166, %select_n3A_162 : vector<128x128xf32>
    %select_n3A_168 = arith.select %gt3A_167, %slice3A_166, %select_n3A_162 : vector<128x128xi1>, vector<128x128xf32>
    %jit3A_169 = arith.constant 2.300000e+01 : f32
    %broadcast_in_dim3A_170 = vector.broadcast %jit3A_169 : f32 to vector<128x128xf32>
    %select_n3A_171 = arith.select %gt3A_167, %broadcast_in_dim3A_170, %select_n3A_165 : vector<128x128xi1>, vector<128x128xf32>
    %slice3A_172 = vector.extract_strided_slice %slice3A {offsets = [0, 3072], sizes = [128, 128], strides = [1, 1]} : vector<128x8192xf32> to vector<128x128xf32>
    %gt3A_173 = arith.cmpf ogt, %slice3A_172, %select_n3A_168 : vector<128x128xf32>
    %select_n3A_174 = arith.select %gt3A_173, %slice3A_172, %select_n3A_168 : vector<128x128xi1>, vector<128x128xf32>
    %jit3A_175 = arith.constant 2.400000e+01 : f32
    %broadcast_in_dim3A_176 = vector.broadcast %jit3A_175 : f32 to vector<128x128xf32>
    %select_n3A_177 = arith.select %gt3A_173, %broadcast_in_dim3A_176, %select_n3A_171 : vector<128x128xi1>, vector<128x128xf32>
    %slice3A_178 = vector.extract_strided_slice %slice3A {offsets = [0, 3200], sizes = [128, 128], strides = [1, 1]} : vector<128x8192xf32> to vector<128x128xf32>
    %gt3A_179 = arith.cmpf ogt, %slice3A_178, %select_n3A_174 : vector<128x128xf32>
    %select_n3A_180 = arith.select %gt3A_179, %slice3A_178, %select_n3A_174 : vector<128x128xi1>, vector<128x128xf32>
    %jit3A_181 = arith.constant 2.500000e+01 : f32
    %broadcast_in_dim3A_182 = vector.broadcast %jit3A_181 : f32 to vector<128x128xf32>
    %select_n3A_183 = arith.select %gt3A_179, %broadcast_in_dim3A_182, %select_n3A_177 : vector<128x128xi1>, vector<128x128xf32>
    %slice3A_184 = vector.extract_strided_slice %slice3A {offsets = [0, 3328], sizes = [128, 128], strides = [1, 1]} : vector<128x8192xf32> to vector<128x128xf32>
    %gt3A_185 = arith.cmpf ogt, %slice3A_184, %select_n3A_180 : vector<128x128xf32>
    %select_n3A_186 = arith.select %gt3A_185, %slice3A_184, %select_n3A_180 : vector<128x128xi1>, vector<128x128xf32>
    %jit3A_187 = arith.constant 2.600000e+01 : f32
    %broadcast_in_dim3A_188 = vector.broadcast %jit3A_187 : f32 to vector<128x128xf32>
    %select_n3A_189 = arith.select %gt3A_185, %broadcast_in_dim3A_188, %select_n3A_183 : vector<128x128xi1>, vector<128x128xf32>
    %slice3A_190 = vector.extract_strided_slice %slice3A {offsets = [0, 3456], sizes = [128, 128], strides = [1, 1]} : vector<128x8192xf32> to vector<128x128xf32>
    %gt3A_191 = arith.cmpf ogt, %slice3A_190, %select_n3A_186 : vector<128x128xf32>
    %select_n3A_192 = arith.select %gt3A_191, %slice3A_190, %select_n3A_186 : vector<128x128xi1>, vector<128x128xf32>
    %jit3A_193 = arith.constant 2.700000e+01 : f32
    %broadcast_in_dim3A_194 = vector.broadcast %jit3A_193 : f32 to vector<128x128xf32>
    %select_n3A_195 = arith.select %gt3A_191, %broadcast_in_dim3A_194, %select_n3A_189 : vector<128x128xi1>, vector<128x128xf32>
    %slice3A_196 = vector.extract_strided_slice %slice3A {offsets = [0, 3584], sizes = [128, 128], strides = [1, 1]} : vector<128x8192xf32> to vector<128x128xf32>
    %gt3A_197 = arith.cmpf ogt, %slice3A_196, %select_n3A_192 : vector<128x128xf32>
    %select_n3A_198 = arith.select %gt3A_197, %slice3A_196, %select_n3A_192 : vector<128x128xi1>, vector<128x128xf32>
    %jit3A_199 = arith.constant 2.800000e+01 : f32
    %broadcast_in_dim3A_200 = vector.broadcast %jit3A_199 : f32 to vector<128x128xf32>
    %select_n3A_201 = arith.select %gt3A_197, %broadcast_in_dim3A_200, %select_n3A_195 : vector<128x128xi1>, vector<128x128xf32>
    %slice3A_202 = vector.extract_strided_slice %slice3A {offsets = [0, 3712], sizes = [128, 128], strides = [1, 1]} : vector<128x8192xf32> to vector<128x128xf32>
    %gt3A_203 = arith.cmpf ogt, %slice3A_202, %select_n3A_198 : vector<128x128xf32>
    %select_n3A_204 = arith.select %gt3A_203, %slice3A_202, %select_n3A_198 : vector<128x128xi1>, vector<128x128xf32>
    %jit3A_205 = arith.constant 2.900000e+01 : f32
    %broadcast_in_dim3A_206 = vector.broadcast %jit3A_205 : f32 to vector<128x128xf32>
    %select_n3A_207 = arith.select %gt3A_203, %broadcast_in_dim3A_206, %select_n3A_201 : vector<128x128xi1>, vector<128x128xf32>
    %slice3A_208 = vector.extract_strided_slice %slice3A {offsets = [0, 3840], sizes = [128, 128], strides = [1, 1]} : vector<128x8192xf32> to vector<128x128xf32>
    %gt3A_209 = arith.cmpf ogt, %slice3A_208, %select_n3A_204 : vector<128x128xf32>
    %select_n3A_210 = arith.select %gt3A_209, %slice3A_208, %select_n3A_204 : vector<128x128xi1>, vector<128x128xf32>
    %jit3A_211 = arith.constant 3.000000e+01 : f32
    %broadcast_in_dim3A_212 = vector.broadcast %jit3A_211 : f32 to vector<128x128xf32>
    %select_n3A_213 = arith.select %gt3A_209, %broadcast_in_dim3A_212, %select_n3A_207 : vector<128x128xi1>, vector<128x128xf32>
    %slice3A_214 = vector.extract_strided_slice %slice3A {offsets = [0, 3968], sizes = [128, 128], strides = [1, 1]} : vector<128x8192xf32> to vector<128x128xf32>
    %gt3A_215 = arith.cmpf ogt, %slice3A_214, %select_n3A_210 : vector<128x128xf32>
    %select_n3A_216 = arith.select %gt3A_215, %slice3A_214, %select_n3A_210 : vector<128x128xi1>, vector<128x128xf32>
    %jit3A_217 = arith.constant 3.100000e+01 : f32
    %broadcast_in_dim3A_218 = vector.broadcast %jit3A_217 : f32 to vector<128x128xf32>
    %select_n3A_219 = arith.select %gt3A_215, %broadcast_in_dim3A_218, %select_n3A_213 : vector<128x128xi1>, vector<128x128xf32>
    %slice3A_220 = vector.extract_strided_slice %slice3A {offsets = [0, 4096], sizes = [128, 128], strides = [1, 1]} : vector<128x8192xf32> to vector<128x128xf32>
    %gt3A_221 = arith.cmpf ogt, %slice3A_220, %select_n3A_216 : vector<128x128xf32>
    %select_n3A_222 = arith.select %gt3A_221, %slice3A_220, %select_n3A_216 : vector<128x128xi1>, vector<128x128xf32>
    %jit3A_223 = arith.constant 3.200000e+01 : f32
    %broadcast_in_dim3A_224 = vector.broadcast %jit3A_223 : f32 to vector<128x128xf32>
    %select_n3A_225 = arith.select %gt3A_221, %broadcast_in_dim3A_224, %select_n3A_219 : vector<128x128xi1>, vector<128x128xf32>
    %slice3A_226 = vector.extract_strided_slice %slice3A {offsets = [0, 4224], sizes = [128, 128], strides = [1, 1]} : vector<128x8192xf32> to vector<128x128xf32>
    %gt3A_227 = arith.cmpf ogt, %slice3A_226, %select_n3A_222 : vector<128x128xf32>
    %select_n3A_228 = arith.select %gt3A_227, %slice3A_226, %select_n3A_222 : vector<128x128xi1>, vector<128x128xf32>
    %jit3A_229 = arith.constant 3.300000e+01 : f32
    %broadcast_in_dim3A_230 = vector.broadcast %jit3A_229 : f32 to vector<128x128xf32>
    %select_n3A_231 = arith.select %gt3A_227, %broadcast_in_dim3A_230, %select_n3A_225 : vector<128x128xi1>, vector<128x128xf32>
    %slice3A_232 = vector.extract_strided_slice %slice3A {offsets = [0, 4352], sizes = [128, 128], strides = [1, 1]} : vector<128x8192xf32> to vector<128x128xf32>
    %gt3A_233 = arith.cmpf ogt, %slice3A_232, %select_n3A_228 : vector<128x128xf32>
    %select_n3A_234 = arith.select %gt3A_233, %slice3A_232, %select_n3A_228 : vector<128x128xi1>, vector<128x128xf32>
    %jit3A_235 = arith.constant 3.400000e+01 : f32
    %broadcast_in_dim3A_236 = vector.broadcast %jit3A_235 : f32 to vector<128x128xf32>
    %select_n3A_237 = arith.select %gt3A_233, %broadcast_in_dim3A_236, %select_n3A_231 : vector<128x128xi1>, vector<128x128xf32>
    %slice3A_238 = vector.extract_strided_slice %slice3A {offsets = [0, 4480], sizes = [128, 128], strides = [1, 1]} : vector<128x8192xf32> to vector<128x128xf32>
    %gt3A_239 = arith.cmpf ogt, %slice3A_238, %select_n3A_234 : vector<128x128xf32>
    %select_n3A_240 = arith.select %gt3A_239, %slice3A_238, %select_n3A_234 : vector<128x128xi1>, vector<128x128xf32>
    %jit3A_241 = arith.constant 3.500000e+01 : f32
    %broadcast_in_dim3A_242 = vector.broadcast %jit3A_241 : f32 to vector<128x128xf32>
    %select_n3A_243 = arith.select %gt3A_239, %broadcast_in_dim3A_242, %select_n3A_237 : vector<128x128xi1>, vector<128x128xf32>
    %slice3A_244 = vector.extract_strided_slice %slice3A {offsets = [0, 4608], sizes = [128, 128], strides = [1, 1]} : vector<128x8192xf32> to vector<128x128xf32>
    %gt3A_245 = arith.cmpf ogt, %slice3A_244, %select_n3A_240 : vector<128x128xf32>
    %select_n3A_246 = arith.select %gt3A_245, %slice3A_244, %select_n3A_240 : vector<128x128xi1>, vector<128x128xf32>
    %jit3A_247 = arith.constant 3.600000e+01 : f32
    %broadcast_in_dim3A_248 = vector.broadcast %jit3A_247 : f32 to vector<128x128xf32>
    %select_n3A_249 = arith.select %gt3A_245, %broadcast_in_dim3A_248, %select_n3A_243 : vector<128x128xi1>, vector<128x128xf32>
    %slice3A_250 = vector.extract_strided_slice %slice3A {offsets = [0, 4736], sizes = [128, 128], strides = [1, 1]} : vector<128x8192xf32> to vector<128x128xf32>
    %gt3A_251 = arith.cmpf ogt, %slice3A_250, %select_n3A_246 : vector<128x128xf32>
    %select_n3A_252 = arith.select %gt3A_251, %slice3A_250, %select_n3A_246 : vector<128x128xi1>, vector<128x128xf32>
    %jit3A_253 = arith.constant 3.700000e+01 : f32
    %broadcast_in_dim3A_254 = vector.broadcast %jit3A_253 : f32 to vector<128x128xf32>
    %select_n3A_255 = arith.select %gt3A_251, %broadcast_in_dim3A_254, %select_n3A_249 : vector<128x128xi1>, vector<128x128xf32>
    %slice3A_256 = vector.extract_strided_slice %slice3A {offsets = [0, 4864], sizes = [128, 128], strides = [1, 1]} : vector<128x8192xf32> to vector<128x128xf32>
    %gt3A_257 = arith.cmpf ogt, %slice3A_256, %select_n3A_252 : vector<128x128xf32>
    %select_n3A_258 = arith.select %gt3A_257, %slice3A_256, %select_n3A_252 : vector<128x128xi1>, vector<128x128xf32>
    %jit3A_259 = arith.constant 3.800000e+01 : f32
    %broadcast_in_dim3A_260 = vector.broadcast %jit3A_259 : f32 to vector<128x128xf32>
    %select_n3A_261 = arith.select %gt3A_257, %broadcast_in_dim3A_260, %select_n3A_255 : vector<128x128xi1>, vector<128x128xf32>
    %slice3A_262 = vector.extract_strided_slice %slice3A {offsets = [0, 4992], sizes = [128, 128], strides = [1, 1]} : vector<128x8192xf32> to vector<128x128xf32>
    %gt3A_263 = arith.cmpf ogt, %slice3A_262, %select_n3A_258 : vector<128x128xf32>
    %select_n3A_264 = arith.select %gt3A_263, %slice3A_262, %select_n3A_258 : vector<128x128xi1>, vector<128x128xf32>
    %jit3A_265 = arith.constant 3.900000e+01 : f32
    %broadcast_in_dim3A_266 = vector.broadcast %jit3A_265 : f32 to vector<128x128xf32>
    %select_n3A_267 = arith.select %gt3A_263, %broadcast_in_dim3A_266, %select_n3A_261 : vector<128x128xi1>, vector<128x128xf32>
    %slice3A_268 = vector.extract_strided_slice %slice3A {offsets = [0, 5120], sizes = [128, 128], strides = [1, 1]} : vector<128x8192xf32> to vector<128x128xf32>
    %gt3A_269 = arith.cmpf ogt, %slice3A_268, %select_n3A_264 : vector<128x128xf32>
    %select_n3A_270 = arith.select %gt3A_269, %slice3A_268, %select_n3A_264 : vector<128x128xi1>, vector<128x128xf32>
    %jit3A_271 = arith.constant 4.000000e+01 : f32
    %broadcast_in_dim3A_272 = vector.broadcast %jit3A_271 : f32 to vector<128x128xf32>
    %select_n3A_273 = arith.select %gt3A_269, %broadcast_in_dim3A_272, %select_n3A_267 : vector<128x128xi1>, vector<128x128xf32>
    %slice3A_274 = vector.extract_strided_slice %slice3A {offsets = [0, 5248], sizes = [128, 128], strides = [1, 1]} : vector<128x8192xf32> to vector<128x128xf32>
    %gt3A_275 = arith.cmpf ogt, %slice3A_274, %select_n3A_270 : vector<128x128xf32>
    %select_n3A_276 = arith.select %gt3A_275, %slice3A_274, %select_n3A_270 : vector<128x128xi1>, vector<128x128xf32>
    %jit3A_277 = arith.constant 4.100000e+01 : f32
    %broadcast_in_dim3A_278 = vector.broadcast %jit3A_277 : f32 to vector<128x128xf32>
    %select_n3A_279 = arith.select %gt3A_275, %broadcast_in_dim3A_278, %select_n3A_273 : vector<128x128xi1>, vector<128x128xf32>
    %slice3A_280 = vector.extract_strided_slice %slice3A {offsets = [0, 5376], sizes = [128, 128], strides = [1, 1]} : vector<128x8192xf32> to vector<128x128xf32>
    %gt3A_281 = arith.cmpf ogt, %slice3A_280, %select_n3A_276 : vector<128x128xf32>
    %select_n3A_282 = arith.select %gt3A_281, %slice3A_280, %select_n3A_276 : vector<128x128xi1>, vector<128x128xf32>
    %jit3A_283 = arith.constant 4.200000e+01 : f32
    %broadcast_in_dim3A_284 = vector.broadcast %jit3A_283 : f32 to vector<128x128xf32>
    %select_n3A_285 = arith.select %gt3A_281, %broadcast_in_dim3A_284, %select_n3A_279 : vector<128x128xi1>, vector<128x128xf32>
    %slice3A_286 = vector.extract_strided_slice %slice3A {offsets = [0, 5504], sizes = [128, 128], strides = [1, 1]} : vector<128x8192xf32> to vector<128x128xf32>
    %gt3A_287 = arith.cmpf ogt, %slice3A_286, %select_n3A_282 : vector<128x128xf32>
    %select_n3A_288 = arith.select %gt3A_287, %slice3A_286, %select_n3A_282 : vector<128x128xi1>, vector<128x128xf32>
    %jit3A_289 = arith.constant 4.300000e+01 : f32
    %broadcast_in_dim3A_290 = vector.broadcast %jit3A_289 : f32 to vector<128x128xf32>
    %select_n3A_291 = arith.select %gt3A_287, %broadcast_in_dim3A_290, %select_n3A_285 : vector<128x128xi1>, vector<128x128xf32>
    %slice3A_292 = vector.extract_strided_slice %slice3A {offsets = [0, 5632], sizes = [128, 128], strides = [1, 1]} : vector<128x8192xf32> to vector<128x128xf32>
    %gt3A_293 = arith.cmpf ogt, %slice3A_292, %select_n3A_288 : vector<128x128xf32>
    %select_n3A_294 = arith.select %gt3A_293, %slice3A_292, %select_n3A_288 : vector<128x128xi1>, vector<128x128xf32>
    %jit3A_295 = arith.constant 4.400000e+01 : f32
    %broadcast_in_dim3A_296 = vector.broadcast %jit3A_295 : f32 to vector<128x128xf32>
    %select_n3A_297 = arith.select %gt3A_293, %broadcast_in_dim3A_296, %select_n3A_291 : vector<128x128xi1>, vector<128x128xf32>
    %slice3A_298 = vector.extract_strided_slice %slice3A {offsets = [0, 5760], sizes = [128, 128], strides = [1, 1]} : vector<128x8192xf32> to vector<128x128xf32>
    %gt3A_299 = arith.cmpf ogt, %slice3A_298, %select_n3A_294 : vector<128x128xf32>
    %select_n3A_300 = arith.select %gt3A_299, %slice3A_298, %select_n3A_294 : vector<128x128xi1>, vector<128x128xf32>
    %jit3A_301 = arith.constant 4.500000e+01 : f32
    %broadcast_in_dim3A_302 = vector.broadcast %jit3A_301 : f32 to vector<128x128xf32>
    %select_n3A_303 = arith.select %gt3A_299, %broadcast_in_dim3A_302, %select_n3A_297 : vector<128x128xi1>, vector<128x128xf32>
    %slice3A_304 = vector.extract_strided_slice %slice3A {offsets = [0, 5888], sizes = [128, 128], strides = [1, 1]} : vector<128x8192xf32> to vector<128x128xf32>
    %gt3A_305 = arith.cmpf ogt, %slice3A_304, %select_n3A_300 : vector<128x128xf32>
    %select_n3A_306 = arith.select %gt3A_305, %slice3A_304, %select_n3A_300 : vector<128x128xi1>, vector<128x128xf32>
    %jit3A_307 = arith.constant 4.600000e+01 : f32
    %broadcast_in_dim3A_308 = vector.broadcast %jit3A_307 : f32 to vector<128x128xf32>
    %select_n3A_309 = arith.select %gt3A_305, %broadcast_in_dim3A_308, %select_n3A_303 : vector<128x128xi1>, vector<128x128xf32>
    %slice3A_310 = vector.extract_strided_slice %slice3A {offsets = [0, 6016], sizes = [128, 128], strides = [1, 1]} : vector<128x8192xf32> to vector<128x128xf32>
    %gt3A_311 = arith.cmpf ogt, %slice3A_310, %select_n3A_306 : vector<128x128xf32>
    %select_n3A_312 = arith.select %gt3A_311, %slice3A_310, %select_n3A_306 : vector<128x128xi1>, vector<128x128xf32>
    %jit3A_313 = arith.constant 4.700000e+01 : f32
    %broadcast_in_dim3A_314 = vector.broadcast %jit3A_313 : f32 to vector<128x128xf32>
    %select_n3A_315 = arith.select %gt3A_311, %broadcast_in_dim3A_314, %select_n3A_309 : vector<128x128xi1>, vector<128x128xf32>
    %slice3A_316 = vector.extract_strided_slice %slice3A {offsets = [0, 6144], sizes = [128, 128], strides = [1, 1]} : vector<128x8192xf32> to vector<128x128xf32>
    %gt3A_317 = arith.cmpf ogt, %slice3A_316, %select_n3A_312 : vector<128x128xf32>
    %select_n3A_318 = arith.select %gt3A_317, %slice3A_316, %select_n3A_312 : vector<128x128xi1>, vector<128x128xf32>
    %jit3A_319 = arith.constant 4.800000e+01 : f32
    %broadcast_in_dim3A_320 = vector.broadcast %jit3A_319 : f32 to vector<128x128xf32>
    %select_n3A_321 = arith.select %gt3A_317, %broadcast_in_dim3A_320, %select_n3A_315 : vector<128x128xi1>, vector<128x128xf32>
    %slice3A_322 = vector.extract_strided_slice %slice3A {offsets = [0, 6272], sizes = [128, 128], strides = [1, 1]} : vector<128x8192xf32> to vector<128x128xf32>
    %gt3A_323 = arith.cmpf ogt, %slice3A_322, %select_n3A_318 : vector<128x128xf32>
    %select_n3A_324 = arith.select %gt3A_323, %slice3A_322, %select_n3A_318 : vector<128x128xi1>, vector<128x128xf32>
    %jit3A_325 = arith.constant 4.900000e+01 : f32
    %broadcast_in_dim3A_326 = vector.broadcast %jit3A_325 : f32 to vector<128x128xf32>
    %select_n3A_327 = arith.select %gt3A_323, %broadcast_in_dim3A_326, %select_n3A_321 : vector<128x128xi1>, vector<128x128xf32>
    %slice3A_328 = vector.extract_strided_slice %slice3A {offsets = [0, 6400], sizes = [128, 128], strides = [1, 1]} : vector<128x8192xf32> to vector<128x128xf32>
    %gt3A_329 = arith.cmpf ogt, %slice3A_328, %select_n3A_324 : vector<128x128xf32>
    %select_n3A_330 = arith.select %gt3A_329, %slice3A_328, %select_n3A_324 : vector<128x128xi1>, vector<128x128xf32>
    %jit3A_331 = arith.constant 5.000000e+01 : f32
    %broadcast_in_dim3A_332 = vector.broadcast %jit3A_331 : f32 to vector<128x128xf32>
    %select_n3A_333 = arith.select %gt3A_329, %broadcast_in_dim3A_332, %select_n3A_327 : vector<128x128xi1>, vector<128x128xf32>
    %slice3A_334 = vector.extract_strided_slice %slice3A {offsets = [0, 6528], sizes = [128, 128], strides = [1, 1]} : vector<128x8192xf32> to vector<128x128xf32>
    %gt3A_335 = arith.cmpf ogt, %slice3A_334, %select_n3A_330 : vector<128x128xf32>
    %select_n3A_336 = arith.select %gt3A_335, %slice3A_334, %select_n3A_330 : vector<128x128xi1>, vector<128x128xf32>
    %jit3A_337 = arith.constant 5.100000e+01 : f32
    %broadcast_in_dim3A_338 = vector.broadcast %jit3A_337 : f32 to vector<128x128xf32>
    %select_n3A_339 = arith.select %gt3A_335, %broadcast_in_dim3A_338, %select_n3A_333 : vector<128x128xi1>, vector<128x128xf32>
    %slice3A_340 = vector.extract_strided_slice %slice3A {offsets = [0, 6656], sizes = [128, 128], strides = [1, 1]} : vector<128x8192xf32> to vector<128x128xf32>
    %gt3A_341 = arith.cmpf ogt, %slice3A_340, %select_n3A_336 : vector<128x128xf32>
    %select_n3A_342 = arith.select %gt3A_341, %slice3A_340, %select_n3A_336 : vector<128x128xi1>, vector<128x128xf32>
    %jit3A_343 = arith.constant 5.200000e+01 : f32
    %broadcast_in_dim3A_344 = vector.broadcast %jit3A_343 : f32 to vector<128x128xf32>
    %select_n3A_345 = arith.select %gt3A_341, %broadcast_in_dim3A_344, %select_n3A_339 : vector<128x128xi1>, vector<128x128xf32>
    %slice3A_346 = vector.extract_strided_slice %slice3A {offsets = [0, 6784], sizes = [128, 128], strides = [1, 1]} : vector<128x8192xf32> to vector<128x128xf32>
    %gt3A_347 = arith.cmpf ogt, %slice3A_346, %select_n3A_342 : vector<128x128xf32>
    %select_n3A_348 = arith.select %gt3A_347, %slice3A_346, %select_n3A_342 : vector<128x128xi1>, vector<128x128xf32>
    %jit3A_349 = arith.constant 5.300000e+01 : f32
    %broadcast_in_dim3A_350 = vector.broadcast %jit3A_349 : f32 to vector<128x128xf32>
    %select_n3A_351 = arith.select %gt3A_347, %broadcast_in_dim3A_350, %select_n3A_345 : vector<128x128xi1>, vector<128x128xf32>
    %slice3A_352 = vector.extract_strided_slice %slice3A {offsets = [0, 6912], sizes = [128, 128], strides = [1, 1]} : vector<128x8192xf32> to vector<128x128xf32>
    %gt3A_353 = arith.cmpf ogt, %slice3A_352, %select_n3A_348 : vector<128x128xf32>
    %select_n3A_354 = arith.select %gt3A_353, %slice3A_352, %select_n3A_348 : vector<128x128xi1>, vector<128x128xf32>
    %jit3A_355 = arith.constant 5.400000e+01 : f32
    %broadcast_in_dim3A_356 = vector.broadcast %jit3A_355 : f32 to vector<128x128xf32>
    %select_n3A_357 = arith.select %gt3A_353, %broadcast_in_dim3A_356, %select_n3A_351 : vector<128x128xi1>, vector<128x128xf32>
    %slice3A_358 = vector.extract_strided_slice %slice3A {offsets = [0, 7040], sizes = [128, 128], strides = [1, 1]} : vector<128x8192xf32> to vector<128x128xf32>
    %gt3A_359 = arith.cmpf ogt, %slice3A_358, %select_n3A_354 : vector<128x128xf32>
    %select_n3A_360 = arith.select %gt3A_359, %slice3A_358, %select_n3A_354 : vector<128x128xi1>, vector<128x128xf32>
    %jit3A_361 = arith.constant 5.500000e+01 : f32
    %broadcast_in_dim3A_362 = vector.broadcast %jit3A_361 : f32 to vector<128x128xf32>
    %select_n3A_363 = arith.select %gt3A_359, %broadcast_in_dim3A_362, %select_n3A_357 : vector<128x128xi1>, vector<128x128xf32>
    %slice3A_364 = vector.extract_strided_slice %slice3A {offsets = [0, 7168], sizes = [128, 128], strides = [1, 1]} : vector<128x8192xf32> to vector<128x128xf32>
    %gt3A_365 = arith.cmpf ogt, %slice3A_364, %select_n3A_360 : vector<128x128xf32>
    %select_n3A_366 = arith.select %gt3A_365, %slice3A_364, %select_n3A_360 : vector<128x128xi1>, vector<128x128xf32>
    %jit3A_367 = arith.constant 5.600000e+01 : f32
    %broadcast_in_dim3A_368 = vector.broadcast %jit3A_367 : f32 to vector<128x128xf32>
    %select_n3A_369 = arith.select %gt3A_365, %broadcast_in_dim3A_368, %select_n3A_363 : vector<128x128xi1>, vector<128x128xf32>
    %slice3A_370 = vector.extract_strided_slice %slice3A {offsets = [0, 7296], sizes = [128, 128], strides = [1, 1]} : vector<128x8192xf32> to vector<128x128xf32>
    %gt3A_371 = arith.cmpf ogt, %slice3A_370, %select_n3A_366 : vector<128x128xf32>
    %select_n3A_372 = arith.select %gt3A_371, %slice3A_370, %select_n3A_366 : vector<128x128xi1>, vector<128x128xf32>
    %jit3A_373 = arith.constant 5.700000e+01 : f32
    %broadcast_in_dim3A_374 = vector.broadcast %jit3A_373 : f32 to vector<128x128xf32>
    %select_n3A_375 = arith.select %gt3A_371, %broadcast_in_dim3A_374, %select_n3A_369 : vector<128x128xi1>, vector<128x128xf32>
    %slice3A_376 = vector.extract_strided_slice %slice3A {offsets = [0, 7424], sizes = [128, 128], strides = [1, 1]} : vector<128x8192xf32> to vector<128x128xf32>
    %gt3A_377 = arith.cmpf ogt, %slice3A_376, %select_n3A_372 : vector<128x128xf32>
    %select_n3A_378 = arith.select %gt3A_377, %slice3A_376, %select_n3A_372 : vector<128x128xi1>, vector<128x128xf32>
    %jit3A_379 = arith.constant 5.800000e+01 : f32
    %broadcast_in_dim3A_380 = vector.broadcast %jit3A_379 : f32 to vector<128x128xf32>
    %select_n3A_381 = arith.select %gt3A_377, %broadcast_in_dim3A_380, %select_n3A_375 : vector<128x128xi1>, vector<128x128xf32>
    %slice3A_382 = vector.extract_strided_slice %slice3A {offsets = [0, 7552], sizes = [128, 128], strides = [1, 1]} : vector<128x8192xf32> to vector<128x128xf32>
    %gt3A_383 = arith.cmpf ogt, %slice3A_382, %select_n3A_378 : vector<128x128xf32>
    %select_n3A_384 = arith.select %gt3A_383, %slice3A_382, %select_n3A_378 : vector<128x128xi1>, vector<128x128xf32>
    %jit3A_385 = arith.constant 5.900000e+01 : f32
    %broadcast_in_dim3A_386 = vector.broadcast %jit3A_385 : f32 to vector<128x128xf32>
    %select_n3A_387 = arith.select %gt3A_383, %broadcast_in_dim3A_386, %select_n3A_381 : vector<128x128xi1>, vector<128x128xf32>
    %slice3A_388 = vector.extract_strided_slice %slice3A {offsets = [0, 7680], sizes = [128, 128], strides = [1, 1]} : vector<128x8192xf32> to vector<128x128xf32>
    %gt3A_389 = arith.cmpf ogt, %slice3A_388, %select_n3A_384 : vector<128x128xf32>
    %select_n3A_390 = arith.select %gt3A_389, %slice3A_388, %select_n3A_384 : vector<128x128xi1>, vector<128x128xf32>
    %jit3A_391 = arith.constant 6.000000e+01 : f32
    %broadcast_in_dim3A_392 = vector.broadcast %jit3A_391 : f32 to vector<128x128xf32>
    %select_n3A_393 = arith.select %gt3A_389, %broadcast_in_dim3A_392, %select_n3A_387 : vector<128x128xi1>, vector<128x128xf32>
    %slice3A_394 = vector.extract_strided_slice %slice3A {offsets = [0, 7808], sizes = [128, 128], strides = [1, 1]} : vector<128x8192xf32> to vector<128x128xf32>
    %gt3A_395 = arith.cmpf ogt, %slice3A_394, %select_n3A_390 : vector<128x128xf32>
    %select_n3A_396 = arith.select %gt3A_395, %slice3A_394, %select_n3A_390 : vector<128x128xi1>, vector<128x128xf32>
    %jit3A_397 = arith.constant 6.100000e+01 : f32
    %broadcast_in_dim3A_398 = vector.broadcast %jit3A_397 : f32 to vector<128x128xf32>
    %select_n3A_399 = arith.select %gt3A_395, %broadcast_in_dim3A_398, %select_n3A_393 : vector<128x128xi1>, vector<128x128xf32>
    %slice3A_400 = vector.extract_strided_slice %slice3A {offsets = [0, 7936], sizes = [128, 128], strides = [1, 1]} : vector<128x8192xf32> to vector<128x128xf32>
    %gt3A_401 = arith.cmpf ogt, %slice3A_400, %select_n3A_396 : vector<128x128xf32>
    %select_n3A_402 = arith.select %gt3A_401, %slice3A_400, %select_n3A_396 : vector<128x128xi1>, vector<128x128xf32>
    %jit3A_403 = arith.constant 6.200000e+01 : f32
    %broadcast_in_dim3A_404 = vector.broadcast %jit3A_403 : f32 to vector<128x128xf32>
    %select_n3A_405 = arith.select %gt3A_401, %broadcast_in_dim3A_404, %select_n3A_399 : vector<128x128xi1>, vector<128x128xf32>
    %slice3A_406 = vector.extract_strided_slice %slice3A {offsets = [0, 8064], sizes = [128, 128], strides = [1, 1]} : vector<128x8192xf32> to vector<128x128xf32>
    %gt3A_407 = arith.cmpf ogt, %slice3A_406, %select_n3A_402 : vector<128x128xf32>
    %select_n3A_408 = arith.select %gt3A_407, %slice3A_406, %select_n3A_402 : vector<128x128xi1>, vector<128x128xf32>
    %jit3A_409 = arith.constant 6.300000e+01 : f32
    %broadcast_in_dim3A_410 = vector.broadcast %jit3A_409 : f32 to vector<128x128xf32>
    %select_n3A_411 = arith.select %gt3A_407, %broadcast_in_dim3A_410, %select_n3A_405 : vector<128x128xi1>, vector<128x128xf32>
    %reduce_max3A = arith.constant dense<0xFF800000> : vector<128xf32>
    %reduce_max3A_412 = vector.multi_reduction <maximumf>, %select_n3A_408, %reduce_max3A [1] : vector<128x128xf32> to vector<128xf32>
    %broadcast_in_dim3A_413 = vector.shape_cast %reduce_max3A_412 : vector<128xf32> to vector<128x1xf32>
    %eq3A = vector.broadcast %broadcast_in_dim3A_413 : vector<128x1xf32> to vector<128x128xf32>
    %eq3A_414 = arith.cmpf oeq, %select_n3A_408, %eq3A : vector<128x128xf32>
    %mul3A_415 = arith.constant 1.280000e+02 : f32
    %mul3A_416 = vector.broadcast %mul3A_415 : f32 to vector<128x128xf32>
    %mul3A_417 = arith.mulf %select_n3A_411, %mul3A_416 : vector<128x128xf32>
    %add3A_418 = vector.broadcast %get3A_33 : vector<1x128xf32> to vector<128x128xf32>
    %add3A_419 = arith.addf %mul3A_417, %add3A_418 : vector<128x128xf32>
    %jit3A_420 = arith.constant 3.000000e+38 : f32
    %broadcast_in_dim3A_421 = vector.broadcast %jit3A_420 : f32 to vector<128x128xf32>
    %select_n3A_422 = arith.select %eq3A_414, %add3A_419, %broadcast_in_dim3A_421 : vector<128x128xi1>, vector<128x128xf32>
    %reduce_min3A = arith.constant dense<0x7F800000> : vector<128xf32>
    %reduce_min3A_423 = vector.multi_reduction <minimumf>, %select_n3A_422, %reduce_min3A [1] : vector<128x128xf32> to vector<128xf32>
    %convert_element_type3A = arith.fptosi %reduce_min3A_423 : vector<128xf32> to vector<128xi32>
    %reshape3A = vector.shape_cast %convert_element_type3A : vector<128xi32> to vector<1x128xi32>
    %swap3A = arith.constant 0 : index
    %swap3A_424 = arith.constant 0 : index
    %swap3A_425 = vector.load %arg6[%swap3A, %swap3A_424] : memref<8x128xi32, #tpu.memory_space<vmem>>, vector<1x128xi32>
    tpu.vector_store %arg6[%swap3A, %swap3A_424], %reshape3A {strides = array<i32>} : memref<8x128xi32, #tpu.memory_space<vmem>>, vector<1x128xi32>,
    %slice3A_426 = vector.extract_strided_slice %dot_general3A_30 {offsets = [128, 0], sizes = [128, 8192], strides = [1, 1]} : vector<1024x8192xf32> to vector<128x8192xf32>
    %slice3A_427 = vector.extract_strided_slice %slice3A_426 {offsets = [0, 0], sizes = [128, 128], strides = [1, 1]} : vector<128x8192xf32> to vector<128x128xf32>
    %broadcast_in_dim3A_428 = arith.constant 0.000000e+00 : f32
    %broadcast_in_dim3A_429 = vector.broadcast %broadcast_in_dim3A_428 : f32 to vector<128x128xf32>
    %slice3A_430 = vector.extract_strided_slice %slice3A_426 {offsets = [0, 128], sizes = [128, 128], strides = [1, 1]} : vector<128x8192xf32> to vector<128x128xf32>
    %gt3A_431 = arith.cmpf ogt, %slice3A_430, %slice3A_427 : vector<128x128xf32>
    %select_n3A_432 = arith.select %gt3A_431, %slice3A_430, %slice3A_427 : vector<128x128xi1>, vector<128x128xf32>
    %jit3A_433 = arith.constant 1.000000e+00 : f32
    %broadcast_in_dim3A_434 = vector.broadcast %jit3A_433 : f32 to vector<128x128xf32>
    %select_n3A_435 = arith.select %gt3A_431, %broadcast_in_dim3A_434, %broadcast_in_dim3A_429 : vector<128x128xi1>, vector<128x128xf32>
    %slice3A_436 = vector.extract_strided_slice %slice3A_426 {offsets = [0, 256], sizes = [128, 128], strides = [1, 1]} : vector<128x8192xf32> to vector<128x128xf32>
    %gt3A_437 = arith.cmpf ogt, %slice3A_436, %select_n3A_432 : vector<128x128xf32>
    %select_n3A_438 = arith.select %gt3A_437, %slice3A_436, %select_n3A_432 : vector<128x128xi1>, vector<128x128xf32>
    %jit3A_439 = arith.constant 2.000000e+00 : f32
    %broadcast_in_dim3A_440 = vector.broadcast %jit3A_439 : f32 to vector<128x128xf32>
    %select_n3A_441 = arith.select %gt3A_437, %broadcast_in_dim3A_440, %select_n3A_435 : vector<128x128xi1>, vector<128x128xf32>
    %slice3A_442 = vector.extract_strided_slice %slice3A_426 {offsets = [0, 384], sizes = [128, 128], strides = [1, 1]} : vector<128x8192xf32> to vector<128x128xf32>
    %gt3A_443 = arith.cmpf ogt, %slice3A_442, %select_n3A_438 : vector<128x128xf32>
    %select_n3A_444 = arith.select %gt3A_443, %slice3A_442, %select_n3A_438 : vector<128x128xi1>, vector<128x128xf32>
    %jit3A_445 = arith.constant 3.000000e+00 : f32
    %broadcast_in_dim3A_446 = vector.broadcast %jit3A_445 : f32 to vector<128x128xf32>
    %select_n3A_447 = arith.select %gt3A_443, %broadcast_in_dim3A_446, %select_n3A_441 : vector<128x128xi1>, vector<128x128xf32>
    %slice3A_448 = vector.extract_strided_slice %slice3A_426 {offsets = [0, 512], sizes = [128, 128], strides = [1, 1]} : vector<128x8192xf32> to vector<128x128xf32>
    %gt3A_449 = arith.cmpf ogt, %slice3A_448, %select_n3A_444 : vector<128x128xf32>
    %select_n3A_450 = arith.select %gt3A_449, %slice3A_448, %select_n3A_444 : vector<128x128xi1>, vector<128x128xf32>
    %jit3A_451 = arith.constant 4.000000e+00 : f32
    %broadcast_in_dim3A_452 = vector.broadcast %jit3A_451 : f32 to vector<128x128xf32>
    %select_n3A_453 = arith.select %gt3A_449, %broadcast_in_dim3A_452, %select_n3A_447 : vector<128x128xi1>, vector<128x128xf32>
    %slice3A_454 = vector.extract_strided_slice %slice3A_426 {offsets = [0, 640], sizes = [128, 128], strides = [1, 1]} : vector<128x8192xf32> to vector<128x128xf32>
    %gt3A_455 = arith.cmpf ogt, %slice3A_454, %select_n3A_450 : vector<128x128xf32>
    %select_n3A_456 = arith.select %gt3A_455, %slice3A_454, %select_n3A_450 : vector<128x128xi1>, vector<128x128xf32>
    %jit3A_457 = arith.constant 5.000000e+00 : f32
    %broadcast_in_dim3A_458 = vector.broadcast %jit3A_457 : f32 to vector<128x128xf32>
    %select_n3A_459 = arith.select %gt3A_455, %broadcast_in_dim3A_458, %select_n3A_453 : vector<128x128xi1>, vector<128x128xf32>
    %slice3A_460 = vector.extract_strided_slice %slice3A_426 {offsets = [0, 768], sizes = [128, 128], strides = [1, 1]} : vector<128x8192xf32> to vector<128x128xf32>
    %gt3A_461 = arith.cmpf ogt, %slice3A_460, %select_n3A_456 : vector<128x128xf32>
    %select_n3A_462 = arith.select %gt3A_461, %slice3A_460, %select_n3A_456 : vector<128x128xi1>, vector<128x128xf32>
    %jit3A_463 = arith.constant 6.000000e+00 : f32
    %broadcast_in_dim3A_464 = vector.broadcast %jit3A_463 : f32 to vector<128x128xf32>
    %select_n3A_465 = arith.select %gt3A_461, %broadcast_in_dim3A_464, %select_n3A_459 : vector<128x128xi1>, vector<128x128xf32>
    %slice3A_466 = vector.extract_strided_slice %slice3A_426 {offsets = [0, 896], sizes = [128, 128], strides = [1, 1]} : vector<128x8192xf32> to vector<128x128xf32>
    %gt3A_467 = arith.cmpf ogt, %slice3A_466, %select_n3A_462 : vector<128x128xf32>
    %select_n3A_468 = arith.select %gt3A_467, %slice3A_466, %select_n3A_462 : vector<128x128xi1>, vector<128x128xf32>
    %jit3A_469 = arith.constant 7.000000e+00 : f32
    %broadcast_in_dim3A_470 = vector.broadcast %jit3A_469 : f32 to vector<128x128xf32>
    %select_n3A_471 = arith.select %gt3A_467, %broadcast_in_dim3A_470, %select_n3A_465 : vector<128x128xi1>, vector<128x128xf32>
    %slice3A_472 = vector.extract_strided_slice %slice3A_426 {offsets = [0, 1024], sizes = [128, 128], strides = [1, 1]} : vector<128x8192xf32> to vector<128x128xf32>
    %gt3A_473 = arith.cmpf ogt, %slice3A_472, %select_n3A_468 : vector<128x128xf32>
    %select_n3A_474 = arith.select %gt3A_473, %slice3A_472, %select_n3A_468 : vector<128x128xi1>, vector<128x128xf32>
    %jit3A_475 = arith.constant 8.000000e+00 : f32
    %broadcast_in_dim3A_476 = vector.broadcast %jit3A_475 : f32 to vector<128x128xf32>
    %select_n3A_477 = arith.select %gt3A_473, %broadcast_in_dim3A_476, %select_n3A_471 : vector<128x128xi1>, vector<128x128xf32>
    %slice3A_478 = vector.extract_strided_slice %slice3A_426 {offsets = [0, 1152], sizes = [128, 128], strides = [1, 1]} : vector<128x8192xf32> to vector<128x128xf32>
    %gt3A_479 = arith.cmpf ogt, %slice3A_478, %select_n3A_474 : vector<128x128xf32>
    %select_n3A_480 = arith.select %gt3A_479, %slice3A_478, %select_n3A_474 : vector<128x128xi1>, vector<128x128xf32>
    %jit3A_481 = arith.constant 9.000000e+00 : f32
    %broadcast_in_dim3A_482 = vector.broadcast %jit3A_481 : f32 to vector<128x128xf32>
    %select_n3A_483 = arith.select %gt3A_479, %broadcast_in_dim3A_482, %select_n3A_477 : vector<128x128xi1>, vector<128x128xf32>
    %slice3A_484 = vector.extract_strided_slice %slice3A_426 {offsets = [0, 1280], sizes = [128, 128], strides = [1, 1]} : vector<128x8192xf32> to vector<128x128xf32>
    %gt3A_485 = arith.cmpf ogt, %slice3A_484, %select_n3A_480 : vector<128x128xf32>
    %select_n3A_486 = arith.select %gt3A_485, %slice3A_484, %select_n3A_480 : vector<128x128xi1>, vector<128x128xf32>
    %jit3A_487 = arith.constant 1.000000e+01 : f32
    %broadcast_in_dim3A_488 = vector.broadcast %jit3A_487 : f32 to vector<128x128xf32>
    %select_n3A_489 = arith.select %gt3A_485, %broadcast_in_dim3A_488, %select_n3A_483 : vector<128x128xi1>, vector<128x128xf32>
    %slice3A_490 = vector.extract_strided_slice %slice3A_426 {offsets = [0, 1408], sizes = [128, 128], strides = [1, 1]} : vector<128x8192xf32> to vector<128x128xf32>
    %gt3A_491 = arith.cmpf ogt, %slice3A_490, %select_n3A_486 : vector<128x128xf32>
    %select_n3A_492 = arith.select %gt3A_491, %slice3A_490, %select_n3A_486 : vector<128x128xi1>, vector<128x128xf32>
    %jit3A_493 = arith.constant 1.100000e+01 : f32
    %broadcast_in_dim3A_494 = vector.broadcast %jit3A_493 : f32 to vector<128x128xf32>
    %select_n3A_495 = arith.select %gt3A_491, %broadcast_in_dim3A_494, %select_n3A_489 : vector<128x128xi1>, vector<128x128xf32>
    %slice3A_496 = vector.extract_strided_slice %slice3A_426 {offsets = [0, 1536], sizes = [128, 128], strides = [1, 1]} : vector<128x8192xf32> to vector<128x128xf32>
    %gt3A_497 = arith.cmpf ogt, %slice3A_496, %select_n3A_492 : vector<128x128xf32>
    %select_n3A_498 = arith.select %gt3A_497, %slice3A_496, %select_n3A_492 : vector<128x128xi1>, vector<128x128xf32>
    %jit3A_499 = arith.constant 1.200000e+01 : f32
    %broadcast_in_dim3A_500 = vector.broadcast %jit3A_499 : f32 to vector<128x128xf32>
    %select_n3A_501 = arith.select %gt3A_497, %broadcast_in_dim3A_500, %select_n3A_495 : vector<128x128xi1>, vector<128x128xf32>
    %slice3A_502 = vector.extract_strided_slice %slice3A_426 {offsets = [0, 1664], sizes = [128, 128], strides = [1, 1]} : vector<128x8192xf32> to vector<128x128xf32>
    %gt3A_503 = arith.cmpf ogt, %slice3A_502, %select_n3A_498 : vector<128x128xf32>
    %select_n3A_504 = arith.select %gt3A_503, %slice3A_502, %select_n3A_498 : vector<128x128xi1>, vector<128x128xf32>
    %jit3A_505 = arith.constant 1.300000e+01 : f32
    %broadcast_in_dim3A_506 = vector.broadcast %jit3A_505 : f32 to vector<128x128xf32>
    %select_n3A_507 = arith.select %gt3A_503, %broadcast_in_dim3A_506, %select_n3A_501 : vector<128x128xi1>, vector<128x128xf32>
    %slice3A_508 = vector.extract_strided_slice %slice3A_426 {offsets = [0, 1792], sizes = [128, 128], strides = [1, 1]} : vector<128x8192xf32> to vector<128x128xf32>
    %gt3A_509 = arith.cmpf ogt, %slice3A_508, %select_n3A_504 : vector<128x128xf32>
    %select_n3A_510 = arith.select %gt3A_509, %slice3A_508, %select_n3A_504 : vector<128x128xi1>, vector<128x128xf32>
    %jit3A_511 = arith.constant 1.400000e+01 : f32
    %broadcast_in_dim3A_512 = vector.broadcast %jit3A_511 : f32 to vector<128x128xf32>
    %select_n3A_513 = arith.select %gt3A_509, %broadcast_in_dim3A_512, %select_n3A_507 : vector<128x128xi1>, vector<128x128xf32>
    %slice3A_514 = vector.extract_strided_slice %slice3A_426 {offsets = [0, 1920], sizes = [128, 128], strides = [1, 1]} : vector<128x8192xf32> to vector<128x128xf32>
    %gt3A_515 = arith.cmpf ogt, %slice3A_514, %select_n3A_510 : vector<128x128xf32>
    %select_n3A_516 = arith.select %gt3A_515, %slice3A_514, %select_n3A_510 : vector<128x128xi1>, vector<128x128xf32>
    %jit3A_517 = arith.constant 1.500000e+01 : f32
    %broadcast_in_dim3A_518 = vector.broadcast %jit3A_517 : f32 to vector<128x128xf32>
    %select_n3A_519 = arith.select %gt3A_515, %broadcast_in_dim3A_518, %select_n3A_513 : vector<128x128xi1>, vector<128x128xf32>
    %slice3A_520 = vector.extract_strided_slice %slice3A_426 {offsets = [0, 2048], sizes = [128, 128], strides = [1, 1]} : vector<128x8192xf32> to vector<128x128xf32>
    %gt3A_521 = arith.cmpf ogt, %slice3A_520, %select_n3A_516 : vector<128x128xf32>
    %select_n3A_522 = arith.select %gt3A_521, %slice3A_520, %select_n3A_516 : vector<128x128xi1>, vector<128x128xf32>
    %jit3A_523 = arith.constant 1.600000e+01 : f32
    %broadcast_in_dim3A_524 = vector.broadcast %jit3A_523 : f32 to vector<128x128xf32>
    %select_n3A_525 = arith.select %gt3A_521, %broadcast_in_dim3A_524, %select_n3A_519 : vector<128x128xi1>, vector<128x128xf32>
    %slice3A_526 = vector.extract_strided_slice %slice3A_426 {offsets = [0, 2176], sizes = [128, 128], strides = [1, 1]} : vector<128x8192xf32> to vector<128x128xf32>
    %gt3A_527 = arith.cmpf ogt, %slice3A_526, %select_n3A_522 : vector<128x128xf32>
    %select_n3A_528 = arith.select %gt3A_527, %slice3A_526, %select_n3A_522 : vector<128x128xi1>, vector<128x128xf32>
    %jit3A_529 = arith.constant 1.700000e+01 : f32
    %broadcast_in_dim3A_530 = vector.broadcast %jit3A_529 : f32 to vector<128x128xf32>
    %select_n3A_531 = arith.select %gt3A_527, %broadcast_in_dim3A_530, %select_n3A_525 : vector<128x128xi1>, vector<128x128xf32>
    %slice3A_532 = vector.extract_strided_slice %slice3A_426 {offsets = [0, 2304], sizes = [128, 128], strides = [1, 1]} : vector<128x8192xf32> to vector<128x128xf32>
    %gt3A_533 = arith.cmpf ogt, %slice3A_532, %select_n3A_528 : vector<128x128xf32>
    %select_n3A_534 = arith.select %gt3A_533, %slice3A_532, %select_n3A_528 : vector<128x128xi1>, vector<128x128xf32>
    %jit3A_535 = arith.constant 1.800000e+01 : f32
    %broadcast_in_dim3A_536 = vector.broadcast %jit3A_535 : f32 to vector<128x128xf32>
    %select_n3A_537 = arith.select %gt3A_533, %broadcast_in_dim3A_536, %select_n3A_531 : vector<128x128xi1>, vector<128x128xf32>
    %slice3A_538 = vector.extract_strided_slice %slice3A_426 {offsets = [0, 2432], sizes = [128, 128], strides = [1, 1]} : vector<128x8192xf32> to vector<128x128xf32>
    %gt3A_539 = arith.cmpf ogt, %slice3A_538, %select_n3A_534 : vector<128x128xf32>
    %select_n3A_540 = arith.select %gt3A_539, %slice3A_538, %select_n3A_534 : vector<128x128xi1>, vector<128x128xf32>
    %jit3A_541 = arith.constant 1.900000e+01 : f32
    %broadcast_in_dim3A_542 = vector.broadcast %jit3A_541 : f32 to vector<128x128xf32>
    %select_n3A_543 = arith.select %gt3A_539, %broadcast_in_dim3A_542, %select_n3A_537 : vector<128x128xi1>, vector<128x128xf32>
    %slice3A_544 = vector.extract_strided_slice %slice3A_426 {offsets = [0, 2560], sizes = [128, 128], strides = [1, 1]} : vector<128x8192xf32> to vector<128x128xf32>
    %gt3A_545 = arith.cmpf ogt, %slice3A_544, %select_n3A_540 : vector<128x128xf32>
    %select_n3A_546 = arith.select %gt3A_545, %slice3A_544, %select_n3A_540 : vector<128x128xi1>, vector<128x128xf32>
    %jit3A_547 = arith.constant 2.000000e+01 : f32
    %broadcast_in_dim3A_548 = vector.broadcast %jit3A_547 : f32 to vector<128x128xf32>
    %select_n3A_549 = arith.select %gt3A_545, %broadcast_in_dim3A_548, %select_n3A_543 : vector<128x128xi1>, vector<128x128xf32>
    %slice3A_550 = vector.extract_strided_slice %slice3A_426 {offsets = [0, 2688], sizes = [128, 128], strides = [1, 1]} : vector<128x8192xf32> to vector<128x128xf32>
    %gt3A_551 = arith.cmpf ogt, %slice3A_550, %select_n3A_546 : vector<128x128xf32>
    %select_n3A_552 = arith.select %gt3A_551, %slice3A_550, %select_n3A_546 : vector<128x128xi1>, vector<128x128xf32>
    %jit3A_553 = arith.constant 2.100000e+01 : f32
    %broadcast_in_dim3A_554 = vector.broadcast %jit3A_553 : f32 to vector<128x128xf32>
    %select_n3A_555 = arith.select %gt3A_551, %broadcast_in_dim3A_554, %select_n3A_549 : vector<128x128xi1>, vector<128x128xf32>
    %slice3A_556 = vector.extract_strided_slice %slice3A_426 {offsets = [0, 2816], sizes = [128, 128], strides = [1, 1]} : vector<128x8192xf32> to vector<128x128xf32>
    %gt3A_557 = arith.cmpf ogt, %slice3A_556, %select_n3A_552 : vector<128x128xf32>
    %select_n3A_558 = arith.select %gt3A_557, %slice3A_556, %select_n3A_552 : vector<128x128xi1>, vector<128x128xf32>
    %jit3A_559 = arith.constant 2.200000e+01 : f32
    %broadcast_in_dim3A_560 = vector.broadcast %jit3A_559 : f32 to vector<128x128xf32>
    %select_n3A_561 = arith.select %gt3A_557, %broadcast_in_dim3A_560, %select_n3A_555 : vector<128x128xi1>, vector<128x128xf32>
    %slice3A_562 = vector.extract_strided_slice %slice3A_426 {offsets = [0, 2944], sizes = [128, 128], strides = [1, 1]} : vector<128x8192xf32> to vector<128x128xf32>
    %gt3A_563 = arith.cmpf ogt, %slice3A_562, %select_n3A_558 : vector<128x128xf32>
    %select_n3A_564 = arith.select %gt3A_563, %slice3A_562, %select_n3A_558 : vector<128x128xi1>, vector<128x128xf32>
    %jit3A_565 = arith.constant 2.300000e+01 : f32
    %broadcast_in_dim3A_566 = vector.broadcast %jit3A_565 : f32 to vector<128x128xf32>
    %select_n3A_567 = arith.select %gt3A_563, %broadcast_in_dim3A_566, %select_n3A_561 : vector<128x128xi1>, vector<128x128xf32>
    %slice3A_568 = vector.extract_strided_slice %slice3A_426 {offsets = [0, 3072], sizes = [128, 128], strides = [1, 1]} : vector<128x8192xf32> to vector<128x128xf32>
    %gt3A_569 = arith.cmpf ogt, %slice3A_568, %select_n3A_564 : vector<128x128xf32>
    %select_n3A_570 = arith.select %gt3A_569, %slice3A_568, %select_n3A_564 : vector<128x128xi1>, vector<128x128xf32>
    %jit3A_571 = arith.constant 2.400000e+01 : f32
    %broadcast_in_dim3A_572 = vector.broadcast %jit3A_571 : f32 to vector<128x128xf32>
    %select_n3A_573 = arith.select %gt3A_569, %broadcast_in_dim3A_572, %select_n3A_567 : vector<128x128xi1>, vector<128x128xf32>
    %slice3A_574 = vector.extract_strided_slice %slice3A_426 {offsets = [0, 3200], sizes = [128, 128], strides = [1, 1]} : vector<128x8192xf32> to vector<128x128xf32>
    %gt3A_575 = arith.cmpf ogt, %slice3A_574, %select_n3A_570 : vector<128x128xf32>
    %select_n3A_576 = arith.select %gt3A_575, %slice3A_574, %select_n3A_570 : vector<128x128xi1>, vector<128x128xf32>
    %jit3A_577 = arith.constant 2.500000e+01 : f32
    %broadcast_in_dim3A_578 = vector.broadcast %jit3A_577 : f32 to vector<128x128xf32>
    %select_n3A_579 = arith.select %gt3A_575, %broadcast_in_dim3A_578, %select_n3A_573 : vector<128x128xi1>, vector<128x128xf32>
    %slice3A_580 = vector.extract_strided_slice %slice3A_426 {offsets = [0, 3328], sizes = [128, 128], strides = [1, 1]} : vector<128x8192xf32> to vector<128x128xf32>
    %gt3A_581 = arith.cmpf ogt, %slice3A_580, %select_n3A_576 : vector<128x128xf32>
    %select_n3A_582 = arith.select %gt3A_581, %slice3A_580, %select_n3A_576 : vector<128x128xi1>, vector<128x128xf32>
    %jit3A_583 = arith.constant 2.600000e+01 : f32
    %broadcast_in_dim3A_584 = vector.broadcast %jit3A_583 : f32 to vector<128x128xf32>
    %select_n3A_585 = arith.select %gt3A_581, %broadcast_in_dim3A_584, %select_n3A_579 : vector<128x128xi1>, vector<128x128xf32>
    %slice3A_586 = vector.extract_strided_slice %slice3A_426 {offsets = [0, 3456], sizes = [128, 128], strides = [1, 1]} : vector<128x8192xf32> to vector<128x128xf32>
    %gt3A_587 = arith.cmpf ogt, %slice3A_586, %select_n3A_582 : vector<128x128xf32>
    %select_n3A_588 = arith.select %gt3A_587, %slice3A_586, %select_n3A_582 : vector<128x128xi1>, vector<128x128xf32>
    %jit3A_589 = arith.constant 2.700000e+01 : f32
    %broadcast_in_dim3A_590 = vector.broadcast %jit3A_589 : f32 to vector<128x128xf32>
    %select_n3A_591 = arith.select %gt3A_587, %broadcast_in_dim3A_590, %select_n3A_585 : vector<128x128xi1>, vector<128x128xf32>
    %slice3A_592 = vector.extract_strided_slice %slice3A_426 {offsets = [0, 3584], sizes = [128, 128], strides = [1, 1]} : vector<128x8192xf32> to vector<128x128xf32>
    %gt3A_593 = arith.cmpf ogt, %slice3A_592, %select_n3A_588 : vector<128x128xf32>
    %select_n3A_594 = arith.select %gt3A_593, %slice3A_592, %select_n3A_588 : vector<128x128xi1>, vector<128x128xf32>
    %jit3A_595 = arith.constant 2.800000e+01 : f32
    %broadcast_in_dim3A_596 = vector.broadcast %jit3A_595 : f32 to vector<128x128xf32>
    %select_n3A_597 = arith.select %gt3A_593, %broadcast_in_dim3A_596, %select_n3A_591 : vector<128x128xi1>, vector<128x128xf32>
    %slice3A_598 = vector.extract_strided_slice %slice3A_426 {offsets = [0, 3712], sizes = [128, 128], strides = [1, 1]} : vector<128x8192xf32> to vector<128x128xf32>
    %gt3A_599 = arith.cmpf ogt, %slice3A_598, %select_n3A_594 : vector<128x128xf32>
    %select_n3A_600 = arith.select %gt3A_599, %slice3A_598, %select_n3A_594 : vector<128x128xi1>, vector<128x128xf32>
    %jit3A_601 = arith.constant 2.900000e+01 : f32
    %broadcast_in_dim3A_602 = vector.broadcast %jit3A_601 : f32 to vector<128x128xf32>
    %select_n3A_603 = arith.select %gt3A_599, %broadcast_in_dim3A_602, %select_n3A_597 : vector<128x128xi1>, vector<128x128xf32>
    %slice3A_604 = vector.extract_strided_slice %slice3A_426 {offsets = [0, 3840], sizes = [128, 128], strides = [1, 1]} : vector<128x8192xf32> to vector<128x128xf32>
    %gt3A_605 = arith.cmpf ogt, %slice3A_604, %select_n3A_600 : vector<128x128xf32>
    %select_n3A_606 = arith.select %gt3A_605, %slice3A_604, %select_n3A_600 : vector<128x128xi1>, vector<128x128xf32>
    %jit3A_607 = arith.constant 3.000000e+01 : f32
    %broadcast_in_dim3A_608 = vector.broadcast %jit3A_607 : f32 to vector<128x128xf32>
    %select_n3A_609 = arith.select %gt3A_605, %broadcast_in_dim3A_608, %select_n3A_603 : vector<128x128xi1>, vector<128x128xf32>
    %slice3A_610 = vector.extract_strided_slice %slice3A_426 {offsets = [0, 3968], sizes = [128, 128], strides = [1, 1]} : vector<128x8192xf32> to vector<128x128xf32>
    %gt3A_611 = arith.cmpf ogt, %slice3A_610, %select_n3A_606 : vector<128x128xf32>
    %select_n3A_612 = arith.select %gt3A_611, %slice3A_610, %select_n3A_606 : vector<128x128xi1>, vector<128x128xf32>
    %jit3A_613 = arith.constant 3.100000e+01 : f32
    %broadcast_in_dim3A_614 = vector.broadcast %jit3A_613 : f32 to vector<128x128xf32>
    %select_n3A_615 = arith.select %gt3A_611, %broadcast_in_dim3A_614, %select_n3A_609 : vector<128x128xi1>, vector<128x128xf32>
    %slice3A_616 = vector.extract_strided_slice %slice3A_426 {offsets = [0, 4096], sizes = [128, 128], strides = [1, 1]} : vector<128x8192xf32> to vector<128x128xf32>
    %gt3A_617 = arith.cmpf ogt, %slice3A_616, %select_n3A_612 : vector<128x128xf32>
    %select_n3A_618 = arith.select %gt3A_617, %slice3A_616, %select_n3A_612 : vector<128x128xi1>, vector<128x128xf32>
    %jit3A_619 = arith.constant 3.200000e+01 : f32
    %broadcast_in_dim3A_620 = vector.broadcast %jit3A_619 : f32 to vector<128x128xf32>
    %select_n3A_621 = arith.select %gt3A_617, %broadcast_in_dim3A_620, %select_n3A_615 : vector<128x128xi1>, vector<128x128xf32>
    %slice3A_622 = vector.extract_strided_slice %slice3A_426 {offsets = [0, 4224], sizes = [128, 128], strides = [1, 1]} : vector<128x8192xf32> to vector<128x128xf32>
    %gt3A_623 = arith.cmpf ogt, %slice3A_622, %select_n3A_618 : vector<128x128xf32>
    %select_n3A_624 = arith.select %gt3A_623, %slice3A_622, %select_n3A_618 : vector<128x128xi1>, vector<128x128xf32>
    %jit3A_625 = arith.constant 3.300000e+01 : f32
    %broadcast_in_dim3A_626 = vector.broadcast %jit3A_625 : f32 to vector<128x128xf32>
    %select_n3A_627 = arith.select %gt3A_623, %broadcast_in_dim3A_626, %select_n3A_621 : vector<128x128xi1>, vector<128x128xf32>
    %slice3A_628 = vector.extract_strided_slice %slice3A_426 {offsets = [0, 4352], sizes = [128, 128], strides = [1, 1]} : vector<128x8192xf32> to vector<128x128xf32>
    %gt3A_629 = arith.cmpf ogt, %slice3A_628, %select_n3A_624 : vector<128x128xf32>
    %select_n3A_630 = arith.select %gt3A_629, %slice3A_628, %select_n3A_624 : vector<128x128xi1>, vector<128x128xf32>
    %jit3A_631 = arith.constant 3.400000e+01 : f32
    %broadcast_in_dim3A_632 = vector.broadcast %jit3A_631 : f32 to vector<128x128xf32>
    %select_n3A_633 = arith.select %gt3A_629, %broadcast_in_dim3A_632, %select_n3A_627 : vector<128x128xi1>, vector<128x128xf32>
    %slice3A_634 = vector.extract_strided_slice %slice3A_426 {offsets = [0, 4480], sizes = [128, 128], strides = [1, 1]} : vector<128x8192xf32> to vector<128x128xf32>
    %gt3A_635 = arith.cmpf ogt, %slice3A_634, %select_n3A_630 : vector<128x128xf32>
    %select_n3A_636 = arith.select %gt3A_635, %slice3A_634, %select_n3A_630 : vector<128x128xi1>, vector<128x128xf32>
    %jit3A_637 = arith.constant 3.500000e+01 : f32
    %broadcast_in_dim3A_638 = vector.broadcast %jit3A_637 : f32 to vector<128x128xf32>
    %select_n3A_639 = arith.select %gt3A_635, %broadcast_in_dim3A_638, %select_n3A_633 : vector<128x128xi1>, vector<128x128xf32>
    %slice3A_640 = vector.extract_strided_slice %slice3A_426 {offsets = [0, 4608], sizes = [128, 128], strides = [1, 1]} : vector<128x8192xf32> to vector<128x128xf32>
    %gt3A_641 = arith.cmpf ogt, %slice3A_640, %select_n3A_636 : vector<128x128xf32>
    %select_n3A_642 = arith.select %gt3A_641, %slice3A_640, %select_n3A_636 : vector<128x128xi1>, vector<128x128xf32>
    %jit3A_643 = arith.constant 3.600000e+01 : f32
    %broadcast_in_dim3A_644 = vector.broadcast %jit3A_643 : f32 to vector<128x128xf32>
    %select_n3A_645 = arith.select %gt3A_641, %broadcast_in_dim3A_644, %select_n3A_639 : vector<128x128xi1>, vector<128x128xf32>
    %slice3A_646 = vector.extract_strided_slice %slice3A_426 {offsets = [0, 4736], sizes = [128, 128], strides = [1, 1]} : vector<128x8192xf32> to vector<128x128xf32>
    %gt3A_647 = arith.cmpf ogt, %slice3A_646, %select_n3A_642 : vector<128x128xf32>
    %select_n3A_648 = arith.select %gt3A_647, %slice3A_646, %select_n3A_642 : vector<128x128xi1>, vector<128x128xf32>
    %jit3A_649 = arith.constant 3.700000e+01 : f32
    %broadcast_in_dim3A_650 = vector.broadcast %jit3A_649 : f32 to vector<128x128xf32>
    %select_n3A_651 = arith.select %gt3A_647, %broadcast_in_dim3A_650, %select_n3A_645 : vector<128x128xi1>, vector<128x128xf32>
    %slice3A_652 = vector.extract_strided_slice %slice3A_426 {offsets = [0, 4864], sizes = [128, 128], strides = [1, 1]} : vector<128x8192xf32> to vector<128x128xf32>
    %gt3A_653 = arith.cmpf ogt, %slice3A_652, %select_n3A_648 : vector<128x128xf32>
    %select_n3A_654 = arith.select %gt3A_653, %slice3A_652, %select_n3A_648 : vector<128x128xi1>, vector<128x128xf32>
    %jit3A_655 = arith.constant 3.800000e+01 : f32
    %broadcast_in_dim3A_656 = vector.broadcast %jit3A_655 : f32 to vector<128x128xf32>
    %select_n3A_657 = arith.select %gt3A_653, %broadcast_in_dim3A_656, %select_n3A_651 : vector<128x128xi1>, vector<128x128xf32>
    %slice3A_658 = vector.extract_strided_slice %slice3A_426 {offsets = [0, 4992], sizes = [128, 128], strides = [1, 1]} : vector<128x8192xf32> to vector<128x128xf32>
    %gt3A_659 = arith.cmpf ogt, %slice3A_658, %select_n3A_654 : vector<128x128xf32>
    %select_n3A_660 = arith.select %gt3A_659, %slice3A_658, %select_n3A_654 : vector<128x128xi1>, vector<128x128xf32>
    %jit3A_661 = arith.constant 3.900000e+01 : f32
    %broadcast_in_dim3A_662 = vector.broadcast %jit3A_661 : f32 to vector<128x128xf32>
    %select_n3A_663 = arith.select %gt3A_659, %broadcast_in_dim3A_662, %select_n3A_657 : vector<128x128xi1>, vector<128x128xf32>
    %slice3A_664 = vector.extract_strided_slice %slice3A_426 {offsets = [0, 5120], sizes = [128, 128], strides = [1, 1]} : vector<128x8192xf32> to vector<128x128xf32>
    %gt3A_665 = arith.cmpf ogt, %slice3A_664, %select_n3A_660 : vector<128x128xf32>
    %select_n3A_666 = arith.select %gt3A_665, %slice3A_664, %select_n3A_660 : vector<128x128xi1>, vector<128x128xf32>
    %jit3A_667 = arith.constant 4.000000e+01 : f32
    %broadcast_in_dim3A_668 = vector.broadcast %jit3A_667 : f32 to vector<128x128xf32>
    %select_n3A_669 = arith.select %gt3A_665, %broadcast_in_dim3A_668, %select_n3A_663 : vector<128x128xi1>, vector<128x128xf32>
    %slice3A_670 = vector.extract_strided_slice %slice3A_426 {offsets = [0, 5248], sizes = [128, 128], strides = [1, 1]} : vector<128x8192xf32> to vector<128x128xf32>
    %gt3A_671 = arith.cmpf ogt, %slice3A_670, %select_n3A_666 : vector<128x128xf32>
    %select_n3A_672 = arith.select %gt3A_671, %slice3A_670, %select_n3A_666 : vector<128x128xi1>, vector<128x128xf32>
    %jit3A_673 = arith.constant 4.100000e+01 : f32
    %broadcast_in_dim3A_674 = vector.broadcast %jit3A_673 : f32 to vector<128x128xf32>
    %select_n3A_675 = arith.select %gt3A_671, %broadcast_in_dim3A_674, %select_n3A_669 : vector<128x128xi1>, vector<128x128xf32>
    %slice3A_676 = vector.extract_strided_slice %slice3A_426 {offsets = [0, 5376], sizes = [128, 128], strides = [1, 1]} : vector<128x8192xf32> to vector<128x128xf32>
    %gt3A_677 = arith.cmpf ogt, %slice3A_676, %select_n3A_672 : vector<128x128xf32>
    %select_n3A_678 = arith.select %gt3A_677, %slice3A_676, %select_n3A_672 : vector<128x128xi1>, vector<128x128xf32>
    %jit3A_679 = arith.constant 4.200000e+01 : f32
    %broadcast_in_dim3A_680 = vector.broadcast %jit3A_679 : f32 to vector<128x128xf32>
    %select_n3A_681 = arith.select %gt3A_677, %broadcast_in_dim3A_680, %select_n3A_675 : vector<128x128xi1>, vector<128x128xf32>
    %slice3A_682 = vector.extract_strided_slice %slice3A_426 {offsets = [0, 5504], sizes = [128, 128], strides = [1, 1]} : vector<128x8192xf32> to vector<128x128xf32>
    %gt3A_683 = arith.cmpf ogt, %slice3A_682, %select_n3A_678 : vector<128x128xf32>
    %select_n3A_684 = arith.select %gt3A_683, %slice3A_682, %select_n3A_678 : vector<128x128xi1>, vector<128x128xf32>
    %jit3A_685 = arith.constant 4.300000e+01 : f32
    %broadcast_in_dim3A_686 = vector.broadcast %jit3A_685 : f32 to vector<128x128xf32>
    %select_n3A_687 = arith.select %gt3A_683, %broadcast_in_dim3A_686, %select_n3A_681 : vector<128x128xi1>, vector<128x128xf32>
    %slice3A_688 = vector.extract_strided_slice %slice3A_426 {offsets = [0, 5632], sizes = [128, 128], strides = [1, 1]} : vector<128x8192xf32> to vector<128x128xf32>
    %gt3A_689 = arith.cmpf ogt, %slice3A_688, %select_n3A_684 : vector<128x128xf32>
    %select_n3A_690 = arith.select %gt3A_689, %slice3A_688, %select_n3A_684 : vector<128x128xi1>, vector<128x128xf32>
    %jit3A_691 = arith.constant 4.400000e+01 : f32
    %broadcast_in_dim3A_692 = vector.broadcast %jit3A_691 : f32 to vector<128x128xf32>
    %select_n3A_693 = arith.select %gt3A_689, %broadcast_in_dim3A_692, %select_n3A_687 : vector<128x128xi1>, vector<128x128xf32>
    %slice3A_694 = vector.extract_strided_slice %slice3A_426 {offsets = [0, 5760], sizes = [128, 128], strides = [1, 1]} : vector<128x8192xf32> to vector<128x128xf32>
    %gt3A_695 = arith.cmpf ogt, %slice3A_694, %select_n3A_690 : vector<128x128xf32>
    %select_n3A_696 = arith.select %gt3A_695, %slice3A_694, %select_n3A_690 : vector<128x128xi1>, vector<128x128xf32>
    %jit3A_697 = arith.constant 4.500000e+01 : f32
    %broadcast_in_dim3A_698 = vector.broadcast %jit3A_697 : f32 to vector<128x128xf32>
    %select_n3A_699 = arith.select %gt3A_695, %broadcast_in_dim3A_698, %select_n3A_693 : vector<128x128xi1>, vector<128x128xf32>
    %slice3A_700 = vector.extract_strided_slice %slice3A_426 {offsets = [0, 5888], sizes = [128, 128], strides = [1, 1]} : vector<128x8192xf32> to vector<128x128xf32>
    %gt3A_701 = arith.cmpf ogt, %slice3A_700, %select_n3A_696 : vector<128x128xf32>
    %select_n3A_702 = arith.select %gt3A_701, %slice3A_700, %select_n3A_696 : vector<128x128xi1>, vector<128x128xf32>
    %jit3A_703 = arith.constant 4.600000e+01 : f32
    %broadcast_in_dim3A_704 = vector.broadcast %jit3A_703 : f32 to vector<128x128xf32>
    %select_n3A_705 = arith.select %gt3A_701, %broadcast_in_dim3A_704, %select_n3A_699 : vector<128x128xi1>, vector<128x128xf32>
    %slice3A_706 = vector.extract_strided_slice %slice3A_426 {offsets = [0, 6016], sizes = [128, 128], strides = [1, 1]} : vector<128x8192xf32> to vector<128x128xf32>
    %gt3A_707 = arith.cmpf ogt, %slice3A_706, %select_n3A_702 : vector<128x128xf32>
    %select_n3A_708 = arith.select %gt3A_707, %slice3A_706, %select_n3A_702 : vector<128x128xi1>, vector<128x128xf32>
    %jit3A_709 = arith.constant 4.700000e+01 : f32
    %broadcast_in_dim3A_710 = vector.broadcast %jit3A_709 : f32 to vector<128x128xf32>
    %select_n3A_711 = arith.select %gt3A_707, %broadcast_in_dim3A_710, %select_n3A_705 : vector<128x128xi1>, vector<128x128xf32>
    %slice3A_712 = vector.extract_strided_slice %slice3A_426 {offsets = [0, 6144], sizes = [128, 128], strides = [1, 1]} : vector<128x8192xf32> to vector<128x128xf32>
    %gt3A_713 = arith.cmpf ogt, %slice3A_712, %select_n3A_708 : vector<128x128xf32>
    %select_n3A_714 = arith.select %gt3A_713, %slice3A_712, %select_n3A_708 : vector<128x128xi1>, vector<128x128xf32>
    %jit3A_715 = arith.constant 4.800000e+01 : f32
    %broadcast_in_dim3A_716 = vector.broadcast %jit3A_715 : f32 to vector<128x128xf32>
    %select_n3A_717 = arith.select %gt3A_713, %broadcast_in_dim3A_716, %select_n3A_711 : vector<128x128xi1>, vector<128x128xf32>
    %slice3A_718 = vector.extract_strided_slice %slice3A_426 {offsets = [0, 6272], sizes = [128, 128], strides = [1, 1]} : vector<128x8192xf32> to vector<128x128xf32>
    %gt3A_719 = arith.cmpf ogt, %slice3A_718, %select_n3A_714 : vector<128x128xf32>
    %select_n3A_720 = arith.select %gt3A_719, %slice3A_718, %select_n3A_714 : vector<128x128xi1>, vector<128x128xf32>
    %jit3A_721 = arith.constant 4.900000e+01 : f32
    %broadcast_in_dim3A_722 = vector.broadcast %jit3A_721 : f32 to vector<128x128xf32>
    %select_n3A_723 = arith.select %gt3A_719, %broadcast_in_dim3A_722, %select_n3A_717 : vector<128x128xi1>, vector<128x128xf32>
    %slice3A_724 = vector.extract_strided_slice %slice3A_426 {offsets = [0, 6400], sizes = [128, 128], strides = [1, 1]} : vector<128x8192xf32> to vector<128x128xf32>
    %gt3A_725 = arith.cmpf ogt, %slice3A_724, %select_n3A_720 : vector<128x128xf32>
    %select_n3A_726 = arith.select %gt3A_725, %slice3A_724, %select_n3A_720 : vector<128x128xi1>, vector<128x128xf32>
    %jit3A_727 = arith.constant 5.000000e+01 : f32
    %broadcast_in_dim3A_728 = vector.broadcast %jit3A_727 : f32 to vector<128x128xf32>
    %select_n3A_729 = arith.select %gt3A_725, %broadcast_in_dim3A_728, %select_n3A_723 : vector<128x128xi1>, vector<128x128xf32>
    %slice3A_730 = vector.extract_strided_slice %slice3A_426 {offsets = [0, 6528], sizes = [128, 128], strides = [1, 1]} : vector<128x8192xf32> to vector<128x128xf32>
    %gt3A_731 = arith.cmpf ogt, %slice3A_730, %select_n3A_726 : vector<128x128xf32>
    %select_n3A_732 = arith.select %gt3A_731, %slice3A_730, %select_n3A_726 : vector<128x128xi1>, vector<128x128xf32>
    %jit3A_733 = arith.constant 5.100000e+01 : f32
    %broadcast_in_dim3A_734 = vector.broadcast %jit3A_733 : f32 to vector<128x128xf32>
    %select_n3A_735 = arith.select %gt3A_731, %broadcast_in_dim3A_734, %select_n3A_729 : vector<128x128xi1>, vector<128x128xf32>
    %slice3A_736 = vector.extract_strided_slice %slice3A_426 {offsets = [0, 6656], sizes = [128, 128], strides = [1, 1]} : vector<128x8192xf32> to vector<128x128xf32>
    %gt3A_737 = arith.cmpf ogt, %slice3A_736, %select_n3A_732 : vector<128x128xf32>
    %select_n3A_738 = arith.select %gt3A_737, %slice3A_736, %select_n3A_732 : vector<128x128xi1>, vector<128x128xf32>
    %jit3A_739 = arith.constant 5.200000e+01 : f32
    %broadcast_in_dim3A_740 = vector.broadcast %jit3A_739 : f32 to vector<128x128xf32>
    %select_n3A_741 = arith.select %gt3A_737, %broadcast_in_dim3A_740, %select_n3A_735 : vector<128x128xi1>, vector<128x128xf32>
    %slice3A_742 = vector.extract_strided_slice %slice3A_426 {offsets = [0, 6784], sizes = [128, 128], strides = [1, 1]} : vector<128x8192xf32> to vector<128x128xf32>
    %gt3A_743 = arith.cmpf ogt, %slice3A_742, %select_n3A_738 : vector<128x128xf32>
    %select_n3A_744 = arith.select %gt3A_743, %slice3A_742, %select_n3A_738 : vector<128x128xi1>, vector<128x128xf32>
    %jit3A_745 = arith.constant 5.300000e+01 : f32
    %broadcast_in_dim3A_746 = vector.broadcast %jit3A_745 : f32 to vector<128x128xf32>
    %select_n3A_747 = arith.select %gt3A_743, %broadcast_in_dim3A_746, %select_n3A_741 : vector<128x128xi1>, vector<128x128xf32>
    %slice3A_748 = vector.extract_strided_slice %slice3A_426 {offsets = [0, 6912], sizes = [128, 128], strides = [1, 1]} : vector<128x8192xf32> to vector<128x128xf32>
    %gt3A_749 = arith.cmpf ogt, %slice3A_748, %select_n3A_744 : vector<128x128xf32>
    %select_n3A_750 = arith.select %gt3A_749, %slice3A_748, %select_n3A_744 : vector<128x128xi1>, vector<128x128xf32>
    %jit3A_751 = arith.constant 5.400000e+01 : f32
    %broadcast_in_dim3A_752 = vector.broadcast %jit3A_751 : f32 to vector<128x128xf32>
    %select_n3A_753 = arith.select %gt3A_749, %broadcast_in_dim3A_752, %select_n3A_747 : vector<128x128xi1>, vector<128x128xf32>
    %slice3A_754 = vector.extract_strided_slice %slice3A_426 {offsets = [0, 7040], sizes = [128, 128], strides = [1, 1]} : vector<128x8192xf32> to vector<128x128xf32>
    %gt3A_755 = arith.cmpf ogt, %slice3A_754, %select_n3A_750 : vector<128x128xf32>
    %select_n3A_756 = arith.select %gt3A_755, %slice3A_754, %select_n3A_750 : vector<128x128xi1>, vector<128x128xf32>
    %jit3A_757 = arith.constant 5.500000e+01 : f32
    %broadcast_in_dim3A_758 = vector.broadcast %jit3A_757 : f32 to vector<128x128xf32>
    %select_n3A_759 = arith.select %gt3A_755, %broadcast_in_dim3A_758, %select_n3A_753 : vector<128x128xi1>, vector<128x128xf32>
    %slice3A_760 = vector.extract_strided_slice %slice3A_426 {offsets = [0, 7168], sizes = [128, 128], strides = [1, 1]} : vector<128x8192xf32> to vector<128x128xf32>
    %gt3A_761 = arith.cmpf ogt, %slice3A_760, %select_n3A_756 : vector<128x128xf32>
    %select_n3A_762 = arith.select %gt3A_761, %slice3A_760, %select_n3A_756 : vector<128x128xi1>, vector<128x128xf32>
    %jit3A_763 = arith.constant 5.600000e+01 : f32
    %broadcast_in_dim3A_764 = vector.broadcast %jit3A_763 : f32 to vector<128x128xf32>
    %select_n3A_765 = arith.select %gt3A_761, %broadcast_in_dim3A_764, %select_n3A_759 : vector<128x128xi1>, vector<128x128xf32>
    %slice3A_766 = vector.extract_strided_slice %slice3A_426 {offsets = [0, 7296], sizes = [128, 128], strides = [1, 1]} : vector<128x8192xf32> to vector<128x128xf32>
    %gt3A_767 = arith.cmpf ogt, %slice3A_766, %select_n3A_762 : vector<128x128xf32>
    %select_n3A_768 = arith.select %gt3A_767, %slice3A_766, %select_n3A_762 : vector<128x128xi1>, vector<128x128xf32>
    %jit3A_769 = arith.constant 5.700000e+01 : f32
    %broadcast_in_dim3A_770 = vector.broadcast %jit3A_769 : f32 to vector<128x128xf32>
    %select_n3A_771 = arith.select %gt3A_767, %broadcast_in_dim3A_770, %select_n3A_765 : vector<128x128xi1>, vector<128x128xf32>
    %slice3A_772 = vector.extract_strided_slice %slice3A_426 {offsets = [0, 7424], sizes = [128, 128], strides = [1, 1]} : vector<128x8192xf32> to vector<128x128xf32>
    %gt3A_773 = arith.cmpf ogt, %slice3A_772, %select_n3A_768 : vector<128x128xf32>
    %select_n3A_774 = arith.select %gt3A_773, %slice3A_772, %select_n3A_768 : vector<128x128xi1>, vector<128x128xf32>
    %jit3A_775 = arith.constant 5.800000e+01 : f32
    %broadcast_in_dim3A_776 = vector.broadcast %jit3A_775 : f32 to vector<128x128xf32>
    %select_n3A_777 = arith.select %gt3A_773, %broadcast_in_dim3A_776, %select_n3A_771 : vector<128x128xi1>, vector<128x128xf32>
    %slice3A_778 = vector.extract_strided_slice %slice3A_426 {offsets = [0, 7552], sizes = [128, 128], strides = [1, 1]} : vector<128x8192xf32> to vector<128x128xf32>
    %gt3A_779 = arith.cmpf ogt, %slice3A_778, %select_n3A_774 : vector<128x128xf32>
    %select_n3A_780 = arith.select %gt3A_779, %slice3A_778, %select_n3A_774 : vector<128x128xi1>, vector<128x128xf32>
    %jit3A_781 = arith.constant 5.900000e+01 : f32
    %broadcast_in_dim3A_782 = vector.broadcast %jit3A_781 : f32 to vector<128x128xf32>
    %select_n3A_783 = arith.select %gt3A_779, %broadcast_in_dim3A_782, %select_n3A_777 : vector<128x128xi1>, vector<128x128xf32>
    %slice3A_784 = vector.extract_strided_slice %slice3A_426 {offsets = [0, 7680], sizes = [128, 128], strides = [1, 1]} : vector<128x8192xf32> to vector<128x128xf32>
    %gt3A_785 = arith.cmpf ogt, %slice3A_784, %select_n3A_780 : vector<128x128xf32>
    %select_n3A_786 = arith.select %gt3A_785, %slice3A_784, %select_n3A_780 : vector<128x128xi1>, vector<128x128xf32>
    %jit3A_787 = arith.constant 6.000000e+01 : f32
    %broadcast_in_dim3A_788 = vector.broadcast %jit3A_787 : f32 to vector<128x128xf32>
    %select_n3A_789 = arith.select %gt3A_785, %broadcast_in_dim3A_788, %select_n3A_783 : vector<128x128xi1>, vector<128x128xf32>
    %slice3A_790 = vector.extract_strided_slice %slice3A_426 {offsets = [0, 7808], sizes = [128, 128], strides = [1, 1]} : vector<128x8192xf32> to vector<128x128xf32>
    %gt3A_791 = arith.cmpf ogt, %slice3A_790, %select_n3A_786 : vector<128x128xf32>
    %select_n3A_792 = arith.select %gt3A_791, %slice3A_790, %select_n3A_786 : vector<128x128xi1>, vector<128x128xf32>
    %jit3A_793 = arith.constant 6.100000e+01 : f32
    %broadcast_in_dim3A_794 = vector.broadcast %jit3A_793 : f32 to vector<128x128xf32>
    %select_n3A_795 = arith.select %gt3A_791, %broadcast_in_dim3A_794, %select_n3A_789 : vector<128x128xi1>, vector<128x128xf32>
    %slice3A_796 = vector.extract_strided_slice %slice3A_426 {offsets = [0, 7936], sizes = [128, 128], strides = [1, 1]} : vector<128x8192xf32> to vector<128x128xf32>
    %gt3A_797 = arith.cmpf ogt, %slice3A_796, %select_n3A_792 : vector<128x128xf32>
    %select_n3A_798 = arith.select %gt3A_797, %slice3A_796, %select_n3A_792 : vector<128x128xi1>, vector<128x128xf32>
    %jit3A_799 = arith.constant 6.200000e+01 : f32
    %broadcast_in_dim3A_800 = vector.broadcast %jit3A_799 : f32 to vector<128x128xf32>
    %select_n3A_801 = arith.select %gt3A_797, %broadcast_in_dim3A_800, %select_n3A_795 : vector<128x128xi1>, vector<128x128xf32>
    %slice3A_802 = vector.extract_strided_slice %slice3A_426 {offsets = [0, 8064], sizes = [128, 128], strides = [1, 1]} : vector<128x8192xf32> to vector<128x128xf32>
    %gt3A_803 = arith.cmpf ogt, %slice3A_802, %select_n3A_798 : vector<128x128xf32>
    %select_n3A_804 = arith.select %gt3A_803, %slice3A_802, %select_n3A_798 : vector<128x128xi1>, vector<128x128xf32>
    %jit3A_805 = arith.constant 6.300000e+01 : f32
    %broadcast_in_dim3A_806 = vector.broadcast %jit3A_805 : f32 to vector<128x128xf32>
    %select_n3A_807 = arith.select %gt3A_803, %broadcast_in_dim3A_806, %select_n3A_801 : vector<128x128xi1>, vector<128x128xf32>
    %reduce_max3A_808 = arith.constant dense<0xFF800000> : vector<128xf32>
    %reduce_max3A_809 = vector.multi_reduction <maximumf>, %select_n3A_804, %reduce_max3A_808 [1] : vector<128x128xf32> to vector<128xf32>
    %broadcast_in_dim3A_810 = vector.shape_cast %reduce_max3A_809 : vector<128xf32> to vector<128x1xf32>
    %eq3A_811 = vector.broadcast %broadcast_in_dim3A_810 : vector<128x1xf32> to vector<128x128xf32>
    %eq3A_812 = arith.cmpf oeq, %select_n3A_804, %eq3A_811 : vector<128x128xf32>
    %mul3A_813 = arith.constant 1.280000e+02 : f32
    %mul3A_814 = vector.broadcast %mul3A_813 : f32 to vector<128x128xf32>
    %mul3A_815 = arith.mulf %select_n3A_807, %mul3A_814 : vector<128x128xf32>
    %add3A_816 = vector.broadcast %get3A_33 : vector<1x128xf32> to vector<128x128xf32>
    %add3A_817 = arith.addf %mul3A_815, %add3A_816 : vector<128x128xf32>
    %jit3A_818 = arith.constant 3.000000e+38 : f32
    %broadcast_in_dim3A_819 = vector.broadcast %jit3A_818 : f32 to vector<128x128xf32>
    %select_n3A_820 = arith.select %eq3A_812, %add3A_817, %broadcast_in_dim3A_819 : vector<128x128xi1>, vector<128x128xf32>
    %reduce_min3A_821 = arith.constant dense<0x7F800000> : vector<128xf32>
    %reduce_min3A_822 = vector.multi_reduction <minimumf>, %select_n3A_820, %reduce_min3A_821 [1] : vector<128x128xf32> to vector<128xf32>
    %convert_element_type3A_823 = arith.fptosi %reduce_min3A_822 : vector<128xf32> to vector<128xi32>
    %reshape3A_824 = vector.shape_cast %convert_element_type3A_823 : vector<128xi32> to vector<1x128xi32>
    %swap3A_825 = arith.constant 1 : index
    %swap3A_826 = arith.constant 0 : index
    %swap3A_827 = vector.load %arg6[%swap3A_825, %swap3A_826] : memref<8x128xi32, #tpu.memory_space<vmem>>, vector<1x128xi32>
    tpu.vector_store %arg6[%swap3A_825, %swap3A_826], %reshape3A_824 {strides = array<i32>} : memref<8x128xi32, #tpu.memory_space<vmem>>, vector<1x128xi32>,
    %slice3A_828 = vector.extract_strided_slice %dot_general3A_30 {offsets = [256, 0], sizes = [128, 8192], strides = [1, 1]} : vector<1024x8192xf32> to vector<128x8192xf32>
    %slice3A_829 = vector.extract_strided_slice %slice3A_828 {offsets = [0, 0], sizes = [128, 128], strides = [1, 1]} : vector<128x8192xf32> to vector<128x128xf32>
    %broadcast_in_dim3A_830 = arith.constant 0.000000e+00 : f32
    %broadcast_in_dim3A_831 = vector.broadcast %broadcast_in_dim3A_830 : f32 to vector<128x128xf32>
    %slice3A_832 = vector.extract_strided_slice %slice3A_828 {offsets = [0, 128], sizes = [128, 128], strides = [1, 1]} : vector<128x8192xf32> to vector<128x128xf32>
    %gt3A_833 = arith.cmpf ogt, %slice3A_832, %slice3A_829 : vector<128x128xf32>
    %select_n3A_834 = arith.select %gt3A_833, %slice3A_832, %slice3A_829 : vector<128x128xi1>, vector<128x128xf32>
    %jit3A_835 = arith.constant 1.000000e+00 : f32
    %broadcast_in_dim3A_836 = vector.broadcast %jit3A_835 : f32 to vector<128x128xf32>
    %select_n3A_837 = arith.select %gt3A_833, %broadcast_in_dim3A_836, %broadcast_in_dim3A_831 : vector<128x128xi1>, vector<128x128xf32>
    %slice3A_838 = vector.extract_strided_slice %slice3A_828 {offsets = [0, 256], sizes = [128, 128], strides = [1, 1]} : vector<128x8192xf32> to vector<128x128xf32>
    %gt3A_839 = arith.cmpf ogt, %slice3A_838, %select_n3A_834 : vector<128x128xf32>
    %select_n3A_840 = arith.select %gt3A_839, %slice3A_838, %select_n3A_834 : vector<128x128xi1>, vector<128x128xf32>
    %jit3A_841 = arith.constant 2.000000e+00 : f32
    %broadcast_in_dim3A_842 = vector.broadcast %jit3A_841 : f32 to vector<128x128xf32>
    %select_n3A_843 = arith.select %gt3A_839, %broadcast_in_dim3A_842, %select_n3A_837 : vector<128x128xi1>, vector<128x128xf32>
    %slice3A_844 = vector.extract_strided_slice %slice3A_828 {offsets = [0, 384], sizes = [128, 128], strides = [1, 1]} : vector<128x8192xf32> to vector<128x128xf32>
    %gt3A_845 = arith.cmpf ogt, %slice3A_844, %select_n3A_840 : vector<128x128xf32>
    %select_n3A_846 = arith.select %gt3A_845, %slice3A_844, %select_n3A_840 : vector<128x128xi1>, vector<128x128xf32>
    %jit3A_847 = arith.constant 3.000000e+00 : f32
    %broadcast_in_dim3A_848 = vector.broadcast %jit3A_847 : f32 to vector<128x128xf32>
    %select_n3A_849 = arith.select %gt3A_845, %broadcast_in_dim3A_848, %select_n3A_843 : vector<128x128xi1>, vector<128x128xf32>
    %slice3A_850 = vector.extract_strided_slice %slice3A_828 {offsets = [0, 512], sizes = [128, 128], strides = [1, 1]} : vector<128x8192xf32> to vector<128x128xf32>
    %gt3A_851 = arith.cmpf ogt, %slice3A_850, %select_n3A_846 : vector<128x128xf32>
    %select_n3A_852 = arith.select %gt3A_851, %slice3A_850, %select_n3A_846 : vector<128x128xi1>, vector<128x128xf32>
    %jit3A_853 = arith.constant 4.000000e+00 : f32
    %broadcast_in_dim3A_854 = vector.broadcast %jit3A_853 : f32 to vector<128x128xf32>
    %select_n3A_855 = arith.select %gt3A_851, %broadcast_in_dim3A_854, %select_n3A_849 : vector<128x128xi1>, vector<128x128xf32>
    %slice3A_856 = vector.extract_strided_slice %slice3A_828 {offsets = [0, 640], sizes = [128, 128], strides = [1, 1]} : vector<128x8192xf32> to vector<128x128xf32>
    %gt3A_857 = arith.cmpf ogt, %slice3A_856, %select_n3A_852 : vector<128x128xf32>
    %select_n3A_858 = arith.select %gt3A_857, %slice3A_856, %select_n3A_852 : vector<128x128xi1>, vector<128x128xf32>
    %jit3A_859 = arith.constant 5.000000e+00 : f32
    %broadcast_in_dim3A_860 = vector.broadcast %jit3A_859 : f32 to vector<128x128xf32>
    %select_n3A_861 = arith.select %gt3A_857, %broadcast_in_dim3A_860, %select_n3A_855 : vector<128x128xi1>, vector<128x128xf32>
    %slice3A_862 = vector.extract_strided_slice %slice3A_828 {offsets = [0, 768], sizes = [128, 128], strides = [1, 1]} : vector<128x8192xf32> to vector<128x128xf32>
    %gt3A_863 = arith.cmpf ogt, %slice3A_862, %select_n3A_858 : vector<128x128xf32>
    %select_n3A_864 = arith.select %gt3A_863, %slice3A_862, %select_n3A_858 : vector<128x128xi1>, vector<128x128xf32>
    %jit3A_865 = arith.constant 6.000000e+00 : f32
    %broadcast_in_dim3A_866 = vector.broadcast %jit3A_865 : f32 to vector<128x128xf32>
    %select_n3A_867 = arith.select %gt3A_863, %broadcast_in_dim3A_866, %select_n3A_861 : vector<128x128xi1>, vector<128x128xf32>
    %slice3A_868 = vector.extract_strided_slice %slice3A_828 {offsets = [0, 896], sizes = [128, 128], strides = [1, 1]} : vector<128x8192xf32> to vector<128x128xf32>
    %gt3A_869 = arith.cmpf ogt, %slice3A_868, %select_n3A_864 : vector<128x128xf32>
    %select_n3A_870 = arith.select %gt3A_869, %slice3A_868, %select_n3A_864 : vector<128x128xi1>, vector<128x128xf32>
    %jit3A_871 = arith.constant 7.000000e+00 : f32
    %broadcast_in_dim3A_872 = vector.broadcast %jit3A_871 : f32 to vector<128x128xf32>
    %select_n3A_873 = arith.select %gt3A_869, %broadcast_in_dim3A_872, %select_n3A_867 : vector<128x128xi1>, vector<128x128xf32>
    %slice3A_874 = vector.extract_strided_slice %slice3A_828 {offsets = [0, 1024], sizes = [128, 128], strides = [1, 1]} : vector<128x8192xf32> to vector<128x128xf32>
    %gt3A_875 = arith.cmpf ogt, %slice3A_874, %select_n3A_870 : vector<128x128xf32>
    %select_n3A_876 = arith.select %gt3A_875, %slice3A_874, %select_n3A_870 : vector<128x128xi1>, vector<128x128xf32>
    %jit3A_877 = arith.constant 8.000000e+00 : f32
    %broadcast_in_dim3A_878 = vector.broadcast %jit3A_877 : f32 to vector<128x128xf32>
    %select_n3A_879 = arith.select %gt3A_875, %broadcast_in_dim3A_878, %select_n3A_873 : vector<128x128xi1>, vector<128x128xf32>
    %slice3A_880 = vector.extract_strided_slice %slice3A_828 {offsets = [0, 1152], sizes = [128, 128], strides = [1, 1]} : vector<128x8192xf32> to vector<128x128xf32>
    %gt3A_881 = arith.cmpf ogt, %slice3A_880, %select_n3A_876 : vector<128x128xf32>
    %select_n3A_882 = arith.select %gt3A_881, %slice3A_880, %select_n3A_876 : vector<128x128xi1>, vector<128x128xf32>
    %jit3A_883 = arith.constant 9.000000e+00 : f32
    %broadcast_in_dim3A_884 = vector.broadcast %jit3A_883 : f32 to vector<128x128xf32>
    %select_n3A_885 = arith.select %gt3A_881, %broadcast_in_dim3A_884, %select_n3A_879 : vector<128x128xi1>, vector<128x128xf32>
    %slice3A_886 = vector.extract_strided_slice %slice3A_828 {offsets = [0, 1280], sizes = [128, 128], strides = [1, 1]} : vector<128x8192xf32> to vector<128x128xf32>
    %gt3A_887 = arith.cmpf ogt, %slice3A_886, %select_n3A_882 : vector<128x128xf32>
    %select_n3A_888 = arith.select %gt3A_887, %slice3A_886, %select_n3A_882 : vector<128x128xi1>, vector<128x128xf32>
    %jit3A_889 = arith.constant 1.000000e+01 : f32
    %broadcast_in_dim3A_890 = vector.broadcast %jit3A_889 : f32 to vector<128x128xf32>
    %select_n3A_891 = arith.select %gt3A_887, %broadcast_in_dim3A_890, %select_n3A_885 : vector<128x128xi1>, vector<128x128xf32>
    %slice3A_892 = vector.extract_strided_slice %slice3A_828 {offsets = [0, 1408], sizes = [128, 128], strides = [1, 1]} : vector<128x8192xf32> to vector<128x128xf32>
    %gt3A_893 = arith.cmpf ogt, %slice3A_892, %select_n3A_888 : vector<128x128xf32>
    %select_n3A_894 = arith.select %gt3A_893, %slice3A_892, %select_n3A_888 : vector<128x128xi1>, vector<128x128xf32>
    %jit3A_895 = arith.constant 1.100000e+01 : f32
    %broadcast_in_dim3A_896 = vector.broadcast %jit3A_895 : f32 to vector<128x128xf32>
    %select_n3A_897 = arith.select %gt3A_893, %broadcast_in_dim3A_896, %select_n3A_891 : vector<128x128xi1>, vector<128x128xf32>
    %slice3A_898 = vector.extract_strided_slice %slice3A_828 {offsets = [0, 1536], sizes = [128, 128], strides = [1, 1]} : vector<128x8192xf32> to vector<128x128xf32>
    %gt3A_899 = arith.cmpf ogt, %slice3A_898, %select_n3A_894 : vector<128x128xf32>
    %select_n3A_900 = arith.select %gt3A_899, %slice3A_898, %select_n3A_894 : vector<128x128xi1>, vector<128x128xf32>
    %jit3A_901 = arith.constant 1.200000e+01 : f32
    %broadcast_in_dim3A_902 = vector.broadcast %jit3A_901 : f32 to vector<128x128xf32>
    %select_n3A_903 = arith.select %gt3A_899, %broadcast_in_dim3A_902, %select_n3A_897 : vector<128x128xi1>, vector<128x128xf32>
    %slice3A_904 = vector.extract_strided_slice %slice3A_828 {offsets = [0, 1664], sizes = [128, 128], strides = [1, 1]} : vector<128x8192xf32> to vector<128x128xf32>
    %gt3A_905 = arith.cmpf ogt, %slice3A_904, %select_n3A_900 : vector<128x128xf32>
    %select_n3A_906 = arith.select %gt3A_905, %slice3A_904, %select_n3A_900 : vector<128x128xi1>, vector<128x128xf32>
    %jit3A_907 = arith.constant 1.300000e+01 : f32
    %broadcast_in_dim3A_908 = vector.broadcast %jit3A_907 : f32 to vector<128x128xf32>
    %select_n3A_909 = arith.select %gt3A_905, %broadcast_in_dim3A_908, %select_n3A_903 : vector<128x128xi1>, vector<128x128xf32>
    %slice3A_910 = vector.extract_strided_slice %slice3A_828 {offsets = [0, 1792], sizes = [128, 128], strides = [1, 1]} : vector<128x8192xf32> to vector<128x128xf32>
    %gt3A_911 = arith.cmpf ogt, %slice3A_910, %select_n3A_906 : vector<128x128xf32>
    %select_n3A_912 = arith.select %gt3A_911, %slice3A_910, %select_n3A_906 : vector<128x128xi1>, vector<128x128xf32>
    %jit3A_913 = arith.constant 1.400000e+01 : f32
    %broadcast_in_dim3A_914 = vector.broadcast %jit3A_913 : f32 to vector<128x128xf32>
    %select_n3A_915 = arith.select %gt3A_911, %broadcast_in_dim3A_914, %select_n3A_909 : vector<128x128xi1>, vector<128x128xf32>
    %slice3A_916 = vector.extract_strided_slice %slice3A_828 {offsets = [0, 1920], sizes = [128, 128], strides = [1, 1]} : vector<128x8192xf32> to vector<128x128xf32>
    %gt3A_917 = arith.cmpf ogt, %slice3A_916, %select_n3A_912 : vector<128x128xf32>
    %select_n3A_918 = arith.select %gt3A_917, %slice3A_916, %select_n3A_912 : vector<128x128xi1>, vector<128x128xf32>
    %jit3A_919 = arith.constant 1.500000e+01 : f32
    %broadcast_in_dim3A_920 = vector.broadcast %jit3A_919 : f32 to vector<128x128xf32>
    %select_n3A_921 = arith.select %gt3A_917, %broadcast_in_dim3A_920, %select_n3A_915 : vector<128x128xi1>, vector<128x128xf32>
    %slice3A_922 = vector.extract_strided_slice %slice3A_828 {offsets = [0, 2048], sizes = [128, 128], strides = [1, 1]} : vector<128x8192xf32> to vector<128x128xf32>
    %gt3A_923 = arith.cmpf ogt, %slice3A_922, %select_n3A_918 : vector<128x128xf32>
    %select_n3A_924 = arith.select %gt3A_923, %slice3A_922, %select_n3A_918 : vector<128x128xi1>, vector<128x128xf32>
    %jit3A_925 = arith.constant 1.600000e+01 : f32
    %broadcast_in_dim3A_926 = vector.broadcast %jit3A_925 : f32 to vector<128x128xf32>
    %select_n3A_927 = arith.select %gt3A_923, %broadcast_in_dim3A_926, %select_n3A_921 : vector<128x128xi1>, vector<128x128xf32>
    %slice3A_928 = vector.extract_strided_slice %slice3A_828 {offsets = [0, 2176], sizes = [128, 128], strides = [1, 1]} : vector<128x8192xf32> to vector<128x128xf32>
    %gt3A_929 = arith.cmpf ogt, %slice3A_928, %select_n3A_924 : vector<128x128xf32>
    %select_n3A_930 = arith.select %gt3A_929, %slice3A_928, %select_n3A_924 : vector<128x128xi1>, vector<128x128xf32>
    %jit3A_931 = arith.constant 1.700000e+01 : f32
    %broadcast_in_dim3A_932 = vector.broadcast %jit3A_931 : f32 to vector<128x128xf32>
    %select_n3A_933 = arith.select %gt3A_929, %broadcast_in_dim3A_932, %select_n3A_927 : vector<128x128xi1>, vector<128x128xf32>
    %slice3A_934 = vector.extract_strided_slice %slice3A_828 {offsets = [0, 2304], sizes = [128, 128], strides = [1, 1]} : vector<128x8192xf32> to vector<128x128xf32>
    %gt3A_935 = arith.cmpf ogt, %slice3A_934, %select_n3A_930 : vector<128x128xf32>
    %select_n3A_936 = arith.select %gt3A_935, %slice3A_934, %select_n3A_930 : vector<128x128xi1>, vector<128x128xf32>
    %jit3A_937 = arith.constant 1.800000e+01 : f32
    %broadcast_in_dim3A_938 = vector.broadcast %jit3A_937 : f32 to vector<128x128xf32>
    %select_n3A_939 = arith.select %gt3A_935, %broadcast_in_dim3A_938, %select_n3A_933 : vector<128x128xi1>, vector<128x128xf32>
    %slice3A_940 = vector.extract_strided_slice %slice3A_828 {offsets = [0, 2432], sizes = [128, 128], strides = [1, 1]} : vector<128x8192xf32> to vector<128x128xf32>
    %gt3A_941 = arith.cmpf ogt, %slice3A_940, %select_n3A_936 : vector<128x128xf32>
    %select_n3A_942 = arith.select %gt3A_941, %slice3A_940, %select_n3A_936 : vector<128x128xi1>, vector<128x128xf32>
    %jit3A_943 = arith.constant 1.900000e+01 : f32
    %broadcast_in_dim3A_944 = vector.broadcast %jit3A_943 : f32 to vector<128x128xf32>
    %select_n3A_945 = arith.select %gt3A_941, %broadcast_in_dim3A_944, %select_n3A_939 : vector<128x128xi1>, vector<128x128xf32>
    %slice3A_946 = vector.extract_strided_slice %slice3A_828 {offsets = [0, 2560], sizes = [128, 128], strides = [1, 1]} : vector<128x8192xf32> to vector<128x128xf32>
    %gt3A_947 = arith.cmpf ogt, %slice3A_946, %select_n3A_942 : vector<128x128xf32>
    %select_n3A_948 = arith.select %gt3A_947, %slice3A_946, %select_n3A_942 : vector<128x128xi1>, vector<128x128xf32>
    %jit3A_949 = arith.constant 2.000000e+01 : f32
    %broadcast_in_dim3A_950 = vector.broadcast %jit3A_949 : f32 to vector<128x128xf32>
    %select_n3A_951 = arith.select %gt3A_947, %broadcast_in_dim3A_950, %select_n3A_945 : vector<128x128xi1>, vector<128x128xf32>
    %slice3A_952 = vector.extract_strided_slice %slice3A_828 {offsets = [0, 2688], sizes = [128, 128], strides = [1, 1]} : vector<128x8192xf32> to vector<128x128xf32>
    %gt3A_953 = arith.cmpf ogt, %slice3A_952, %select_n3A_948 : vector<128x128xf32>
    %select_n3A_954 = arith.select %gt3A_953, %slice3A_952, %select_n3A_948 : vector<128x128xi1>, vector<128x128xf32>
    %jit3A_955 = arith.constant 2.100000e+01 : f32
    %broadcast_in_dim3A_956 = vector.broadcast %jit3A_955 : f32 to vector<128x128xf32>
    %select_n3A_957 = arith.select %gt3A_953, %broadcast_in_dim3A_956, %select_n3A_951 : vector<128x128xi1>, vector<128x128xf32>
    %slice3A_958 = vector.extract_strided_slice %slice3A_828 {offsets = [0, 2816], sizes = [128, 128], strides = [1, 1]} : vector<128x8192xf32> to vector<128x128xf32>
    %gt3A_959 = arith.cmpf ogt, %slice3A_958, %select_n3A_954 : vector<128x128xf32>
    %select_n3A_960 = arith.select %gt3A_959, %slice3A_958, %select_n3A_954 : vector<128x128xi1>, vector<128x128xf32>
    %jit3A_961 = arith.constant 2.200000e+01 : f32
    %broadcast_in_dim3A_962 = vector.broadcast %jit3A_961 : f32 to vector<128x128xf32>
    %select_n3A_963 = arith.select %gt3A_959, %broadcast_in_dim3A_962, %select_n3A_957 : vector<128x128xi1>, vector<128x128xf32>
    %slice3A_964 = vector.extract_strided_slice %slice3A_828 {offsets = [0, 2944], sizes = [128, 128], strides = [1, 1]} : vector<128x8192xf32> to vector<128x128xf32>
    %gt3A_965 = arith.cmpf ogt, %slice3A_964, %select_n3A_960 : vector<128x128xf32>
    %select_n3A_966 = arith.select %gt3A_965, %slice3A_964, %select_n3A_960 : vector<128x128xi1>, vector<128x128xf32>
    %jit3A_967 = arith.constant 2.300000e+01 : f32
    %broadcast_in_dim3A_968 = vector.broadcast %jit3A_967 : f32 to vector<128x128xf32>
    %select_n3A_969 = arith.select %gt3A_965, %broadcast_in_dim3A_968, %select_n3A_963 : vector<128x128xi1>, vector<128x128xf32>
    %slice3A_970 = vector.extract_strided_slice %slice3A_828 {offsets = [0, 3072], sizes = [128, 128], strides = [1, 1]} : vector<128x8192xf32> to vector<128x128xf32>
    %gt3A_971 = arith.cmpf ogt, %slice3A_970, %select_n3A_966 : vector<128x128xf32>
    %select_n3A_972 = arith.select %gt3A_971, %slice3A_970, %select_n3A_966 : vector<128x128xi1>, vector<128x128xf32>
    %jit3A_973 = arith.constant 2.400000e+01 : f32
    %broadcast_in_dim3A_974 = vector.broadcast %jit3A_973 : f32 to vector<128x128xf32>
    %select_n3A_975 = arith.select %gt3A_971, %broadcast_in_dim3A_974, %select_n3A_969 : vector<128x128xi1>, vector<128x128xf32>
    %slice3A_976 = vector.extract_strided_slice %slice3A_828 {offsets = [0, 3200], sizes = [128, 128], strides = [1, 1]} : vector<128x8192xf32> to vector<128x128xf32>
    %gt3A_977 = arith.cmpf ogt, %slice3A_976, %select_n3A_972 : vector<128x128xf32>
    %select_n3A_978 = arith.select %gt3A_977, %slice3A_976, %select_n3A_972 : vector<128x128xi1>, vector<128x128xf32>
    %jit3A_979 = arith.constant 2.500000e+01 : f32
    %broadcast_in_dim3A_980 = vector.broadcast %jit3A_979 : f32 to vector<128x128xf32>
    %select_n3A_981 = arith.select %gt3A_977, %broadcast_in_dim3A_980, %select_n3A_975 : vector<128x128xi1>, vector<128x128xf32>
    %slice3A_982 = vector.extract_strided_slice %slice3A_828 {offsets = [0, 3328], sizes = [128, 128], strides = [1, 1]} : vector<128x8192xf32> to vector<128x128xf32>
    %gt3A_983 = arith.cmpf ogt, %slice3A_982, %select_n3A_978 : vector<128x128xf32>
    %select_n3A_984 = arith.select %gt3A_983, %slice3A_982, %select_n3A_978 : vector<128x128xi1>, vector<128x128xf32>
    %jit3A_985 = arith.constant 2.600000e+01 : f32
    %broadcast_in_dim3A_986 = vector.broadcast %jit3A_985 : f32 to vector<128x128xf32>
    %select_n3A_987 = arith.select %gt3A_983, %broadcast_in_dim3A_986, %select_n3A_981 : vector<128x128xi1>, vector<128x128xf32>
    %slice3A_988 = vector.extract_strided_slice %slice3A_828 {offsets = [0, 3456], sizes = [128, 128], strides = [1, 1]} : vector<128x8192xf32> to vector<128x128xf32>
    %gt3A_989 = arith.cmpf ogt, %slice3A_988, %select_n3A_984 : vector<128x128xf32>
    %select_n3A_990 = arith.select %gt3A_989, %slice3A_988, %select_n3A_984 : vector<128x128xi1>, vector<128x128xf32>
    %jit3A_991 = arith.constant 2.700000e+01 : f32
    %broadcast_in_dim3A_992 = vector.broadcast %jit3A_991 : f32 to vector<128x128xf32>
    %select_n3A_993 = arith.select %gt3A_989, %broadcast_in_dim3A_992, %select_n3A_987 : vector<128x128xi1>, vector<128x128xf32>
    %slice3A_994 = vector.extract_strided_slice %slice3A_828 {offsets = [0, 3584], sizes = [128, 128], strides = [1, 1]} : vector<128x8192xf32> to vector<128x128xf32>
    %gt3A_995 = arith.cmpf ogt, %slice3A_994, %select_n3A_990 : vector<128x128xf32>
    %select_n3A_996 = arith.select %gt3A_995, %slice3A_994, %select_n3A_990 : vector<128x128xi1>, vector<128x128xf32>
    %jit3A_997 = arith.constant 2.800000e+01 : f32
    %broadcast_in_dim3A_998 = vector.broadcast %jit3A_997 : f32 to vector<128x128xf32>
    %select_n3A_999 = arith.select %gt3A_995, %broadcast_in_dim3A_998, %select_n3A_993 : vector<128x128xi1>, vector<128x128xf32>
    %slice3A_1000 = vector.extract_strided_slice %slice3A_828 {offsets = [0, 3712], sizes = [128, 128], strides = [1, 1]} : vector<128x8192xf32> to vector<128x128xf32>
    %gt3A_1001 = arith.cmpf ogt, %slice3A_1000, %select_n3A_996 : vector<128x128xf32>
    %select_n3A_1002 = arith.select %gt3A_1001, %slice3A_1000, %select_n3A_996 : vector<128x128xi1>, vector<128x128xf32>
    %jit3A_1003 = arith.constant 2.900000e+01 : f32
    %broadcast_in_dim3A_1004 = vector.broadcast %jit3A_1003 : f32 to vector<128x128xf32>
    %select_n3A_1005 = arith.select %gt3A_1001, %broadcast_in_dim3A_1004, %select_n3A_999 : vector<128x128xi1>, vector<128x128xf32>
    %slice3A_1006 = vector.extract_strided_slice %slice3A_828 {offsets = [0, 3840], sizes = [128, 128], strides = [1, 1]} : vector<128x8192xf32> to vector<128x128xf32>
    %gt3A_1007 = arith.cmpf ogt, %slice3A_1006, %select_n3A_1002 : vector<128x128xf32>
    %select_n3A_1008 = arith.select %gt3A_1007, %slice3A_1006, %select_n3A_1002 : vector<128x128xi1>, vector<128x128xf32>
    %jit3A_1009 = arith.constant 3.000000e+01 : f32
    %broadcast_in_dim3A_1010 = vector.broadcast %jit3A_1009 : f32 to vector<128x128xf32>
    %select_n3A_1011 = arith.select %gt3A_1007, %broadcast_in_dim3A_1010, %select_n3A_1005 : vector<128x128xi1>, vector<128x128xf32>
    %slice3A_1012 = vector.extract_strided_slice %slice3A_828 {offsets = [0, 3968], sizes = [128, 128], strides = [1, 1]} : vector<128x8192xf32> to vector<128x128xf32>
    %gt3A_1013 = arith.cmpf ogt, %slice3A_1012, %select_n3A_1008 : vector<128x128xf32>
    %select_n3A_1014 = arith.select %gt3A_1013, %slice3A_1012, %select_n3A_1008 : vector<128x128xi1>, vector<128x128xf32>
    %jit3A_1015 = arith.constant 3.100000e+01 : f32
    %broadcast_in_dim3A_1016 = vector.broadcast %jit3A_1015 : f32 to vector<128x128xf32>
    %select_n3A_1017 = arith.select %gt3A_1013, %broadcast_in_dim3A_1016, %select_n3A_1011 : vector<128x128xi1>, vector<128x128xf32>
    %slice3A_1018 = vector.extract_strided_slice %slice3A_828 {offsets = [0, 4096], sizes = [128, 128], strides = [1, 1]} : vector<128x8192xf32> to vector<128x128xf32>
    %gt3A_1019 = arith.cmpf ogt, %slice3A_1018, %select_n3A_1014 : vector<128x128xf32>
    %select_n3A_1020 = arith.select %gt3A_1019, %slice3A_1018, %select_n3A_1014 : vector<128x128xi1>, vector<128x128xf32>
    %jit3A_1021 = arith.constant 3.200000e+01 : f32
    %broadcast_in_dim3A_1022 = vector.broadcast %jit3A_1021 : f32 to vector<128x128xf32>
    %select_n3A_1023 = arith.select %gt3A_1019, %broadcast_in_dim3A_1022, %select_n3A_1017 : vector<128x128xi1>, vector<128x128xf32>
    %slice3A_1024 = vector.extract_strided_slice %slice3A_828 {offsets = [0, 4224], sizes = [128, 128], strides = [1, 1]} : vector<128x8192xf32> to vector<128x128xf32>
    %gt3A_1025 = arith.cmpf ogt, %slice3A_1024, %select_n3A_1020 : vector<128x128xf32>
    %select_n3A_1026 = arith.select %gt3A_1025, %slice3A_1024, %select_n3A_1020 : vector<128x128xi1>, vector<128x128xf32>
    %jit3A_1027 = arith.constant 3.300000e+01 : f32
    %broadcast_in_dim3A_1028 = vector.broadcast %jit3A_1027 : f32 to vector<128x128xf32>
    %select_n3A_1029 = arith.select %gt3A_1025, %broadcast_in_dim3A_1028, %select_n3A_1023 : vector<128x128xi1>, vector<128x128xf32>
    %slice3A_1030 = vector.extract_strided_slice %slice3A_828 {offsets = [0, 4352], sizes = [128, 128], strides = [1, 1]} : vector<128x8192xf32> to vector<128x128xf32>
    %gt3A_1031 = arith.cmpf ogt, %slice3A_1030, %select_n3A_1026 : vector<128x128xf32>
    %select_n3A_1032 = arith.select %gt3A_1031, %slice3A_1030, %select_n3A_1026 : vector<128x128xi1>, vector<128x128xf32>
    %jit3A_1033 = arith.constant 3.400000e+01 : f32
    %broadcast_in_dim3A_1034 = vector.broadcast %jit3A_1033 : f32 to vector<128x128xf32>
    %select_n3A_1035 = arith.select %gt3A_1031, %broadcast_in_dim3A_1034, %select_n3A_1029 : vector<128x128xi1>, vector<128x128xf32>
    %slice3A_1036 = vector.extract_strided_slice %slice3A_828 {offsets = [0, 4480], sizes = [128, 128], strides = [1, 1]} : vector<128x8192xf32> to vector<128x128xf32>
    %gt3A_1037 = arith.cmpf ogt, %slice3A_1036, %select_n3A_1032 : vector<128x128xf32>
    %select_n3A_1038 = arith.select %gt3A_1037, %slice3A_1036, %select_n3A_1032 : vector<128x128xi1>, vector<128x128xf32>
    %jit3A_1039 = arith.constant 3.500000e+01 : f32
    %broadcast_in_dim3A_1040 = vector.broadcast %jit3A_1039 : f32 to vector<128x128xf32>
    %select_n3A_1041 = arith.select %gt3A_1037, %broadcast_in_dim3A_1040, %select_n3A_1035 : vector<128x128xi1>, vector<128x128xf32>
    %slice3A_1042 = vector.extract_strided_slice %slice3A_828 {offsets = [0, 4608], sizes = [128, 128], strides = [1, 1]} : vector<128x8192xf32> to vector<128x128xf32>
    %gt3A_1043 = arith.cmpf ogt, %slice3A_1042, %select_n3A_1038 : vector<128x128xf32>
    %select_n3A_1044 = arith.select %gt3A_1043, %slice3A_1042, %select_n3A_1038 : vector<128x128xi1>, vector<128x128xf32>
    %jit3A_1045 = arith.constant 3.600000e+01 : f32
    %broadcast_in_dim3A_1046 = vector.broadcast %jit3A_1045 : f32 to vector<128x128xf32>
    %select_n3A_1047 = arith.select %gt3A_1043, %broadcast_in_dim3A_1046, %select_n3A_1041 : vector<128x128xi1>, vector<128x128xf32>
    %slice3A_1048 = vector.extract_strided_slice %slice3A_828 {offsets = [0, 4736], sizes = [128, 128], strides = [1, 1]} : vector<128x8192xf32> to vector<128x128xf32>
    %gt3A_1049 = arith.cmpf ogt, %slice3A_1048, %select_n3A_1044 : vector<128x128xf32>
    %select_n3A_1050 = arith.select %gt3A_1049, %slice3A_1048, %select_n3A_1044 : vector<128x128xi1>, vector<128x128xf32>
    %jit3A_1051 = arith.constant 3.700000e+01 : f32
    %broadcast_in_dim3A_1052 = vector.broadcast %jit3A_1051 : f32 to vector<128x128xf32>
    %select_n3A_1053 = arith.select %gt3A_1049, %broadcast_in_dim3A_1052, %select_n3A_1047 : vector<128x128xi1>, vector<128x128xf32>
    %slice3A_1054 = vector.extract_strided_slice %slice3A_828 {offsets = [0, 4864], sizes = [128, 128], strides = [1, 1]} : vector<128x8192xf32> to vector<128x128xf32>
    %gt3A_1055 = arith.cmpf ogt, %slice3A_1054, %select_n3A_1050 : vector<128x128xf32>
    %select_n3A_1056 = arith.select %gt3A_1055, %slice3A_1054, %select_n3A_1050 : vector<128x128xi1>, vector<128x128xf32>
    %jit3A_1057 = arith.constant 3.800000e+01 : f32
    %broadcast_in_dim3A_1058 = vector.broadcast %jit3A_1057 : f32 to vector<128x128xf32>
    %select_n3A_1059 = arith.select %gt3A_1055, %broadcast_in_dim3A_1058, %select_n3A_1053 : vector<128x128xi1>, vector<128x128xf32>
    %slice3A_1060 = vector.extract_strided_slice %slice3A_828 {offsets = [0, 4992], sizes = [128, 128], strides = [1, 1]} : vector<128x8192xf32> to vector<128x128xf32>
    %gt3A_1061 = arith.cmpf ogt, %slice3A_1060, %select_n3A_1056 : vector<128x128xf32>
    %select_n3A_1062 = arith.select %gt3A_1061, %slice3A_1060, %select_n3A_1056 : vector<128x128xi1>, vector<128x128xf32>
    %jit3A_1063 = arith.constant 3.900000e+01 : f32
    %broadcast_in_dim3A_1064 = vector.broadcast %jit3A_1063 : f32 to vector<128x128xf32>
    %select_n3A_1065 = arith.select %gt3A_1061, %broadcast_in_dim3A_1064, %select_n3A_1059 : vector<128x128xi1>, vector<128x128xf32>
    %slice3A_1066 = vector.extract_strided_slice %slice3A_828 {offsets = [0, 5120], sizes = [128, 128], strides = [1, 1]} : vector<128x8192xf32> to vector<128x128xf32>
    %gt3A_1067 = arith.cmpf ogt, %slice3A_1066, %select_n3A_1062 : vector<128x128xf32>
    %select_n3A_1068 = arith.select %gt3A_1067, %slice3A_1066, %select_n3A_1062 : vector<128x128xi1>, vector<128x128xf32>
    %jit3A_1069 = arith.constant 4.000000e+01 : f32
    %broadcast_in_dim3A_1070 = vector.broadcast %jit3A_1069 : f32 to vector<128x128xf32>
    %select_n3A_1071 = arith.select %gt3A_1067, %broadcast_in_dim3A_1070, %select_n3A_1065 : vector<128x128xi1>, vector<128x128xf32>
    %slice3A_1072 = vector.extract_strided_slice %slice3A_828 {offsets = [0, 5248], sizes = [128, 128], strides = [1, 1]} : vector<128x8192xf32> to vector<128x128xf32>
    %gt3A_1073 = arith.cmpf ogt, %slice3A_1072, %select_n3A_1068 : vector<128x128xf32>
    %select_n3A_1074 = arith.select %gt3A_1073, %slice3A_1072, %select_n3A_1068 : vector<128x128xi1>, vector<128x128xf32>
    %jit3A_1075 = arith.constant 4.100000e+01 : f32
    %broadcast_in_dim3A_1076 = vector.broadcast %jit3A_1075 : f32 to vector<128x128xf32>
    %select_n3A_1077 = arith.select %gt3A_1073, %broadcast_in_dim3A_1076, %select_n3A_1071 : vector<128x128xi1>, vector<128x128xf32>
    %slice3A_1078 = vector.extract_strided_slice %slice3A_828 {offsets = [0, 5376], sizes = [128, 128], strides = [1, 1]} : vector<128x8192xf32> to vector<128x128xf32>
    %gt3A_1079 = arith.cmpf ogt, %slice3A_1078, %select_n3A_1074 : vector<128x128xf32>
    %select_n3A_1080 = arith.select %gt3A_1079, %slice3A_1078, %select_n3A_1074 : vector<128x128xi1>, vector<128x128xf32>
    %jit3A_1081 = arith.constant 4.200000e+01 : f32
    %broadcast_in_dim3A_1082 = vector.broadcast %jit3A_1081 : f32 to vector<128x128xf32>
    %select_n3A_1083 = arith.select %gt3A_1079, %broadcast_in_dim3A_1082, %select_n3A_1077 : vector<128x128xi1>, vector<128x128xf32>
    %slice3A_1084 = vector.extract_strided_slice %slice3A_828 {offsets = [0, 5504], sizes = [128, 128], strides = [1, 1]} : vector<128x8192xf32> to vector<128x128xf32>
    %gt3A_1085 = arith.cmpf ogt, %slice3A_1084, %select_n3A_1080 : vector<128x128xf32>
    %select_n3A_1086 = arith.select %gt3A_1085, %slice3A_1084, %select_n3A_1080 : vector<128x128xi1>, vector<128x128xf32>
    %jit3A_1087 = arith.constant 4.300000e+01 : f32
    %broadcast_in_dim3A_1088 = vector.broadcast %jit3A_1087 : f32 to vector<128x128xf32>
    %select_n3A_1089 = arith.select %gt3A_1085, %broadcast_in_dim3A_1088, %select_n3A_1083 : vector<128x128xi1>, vector<128x128xf32>
    %slice3A_1090 = vector.extract_strided_slice %slice3A_828 {offsets = [0, 5632], sizes = [128, 128], strides = [1, 1]} : vector<128x8192xf32> to vector<128x128xf32>
    %gt3A_1091 = arith.cmpf ogt, %slice3A_1090, %select_n3A_1086 : vector<128x128xf32>
    %select_n3A_1092 = arith.select %gt3A_1091, %slice3A_1090, %select_n3A_1086 : vector<128x128xi1>, vector<128x128xf32>
    %jit3A_1093 = arith.constant 4.400000e+01 : f32
    %broadcast_in_dim3A_1094 = vector.broadcast %jit3A_1093 : f32 to vector<128x128xf32>
    %select_n3A_1095 = arith.select %gt3A_1091, %broadcast_in_dim3A_1094, %select_n3A_1089 : vector<128x128xi1>, vector<128x128xf32>
    %slice3A_1096 = vector.extract_strided_slice %slice3A_828 {offsets = [0, 5760], sizes = [128, 128], strides = [1, 1]} : vector<128x8192xf32> to vector<128x128xf32>
    %gt3A_1097 = arith.cmpf ogt, %slice3A_1096, %select_n3A_1092 : vector<128x128xf32>
    %select_n3A_1098 = arith.select %gt3A_1097, %slice3A_1096, %select_n3A_1092 : vector<128x128xi1>, vector<128x128xf32>
    %jit3A_1099 = arith.constant 4.500000e+01 : f32
    %broadcast_in_dim3A_1100 = vector.broadcast %jit3A_1099 : f32 to vector<128x128xf32>
    %select_n3A_1101 = arith.select %gt3A_1097, %broadcast_in_dim3A_1100, %select_n3A_1095 : vector<128x128xi1>, vector<128x128xf32>
    %slice3A_1102 = vector.extract_strided_slice %slice3A_828 {offsets = [0, 5888], sizes = [128, 128], strides = [1, 1]} : vector<128x8192xf32> to vector<128x128xf32>
    %gt3A_1103 = arith.cmpf ogt, %slice3A_1102, %select_n3A_1098 : vector<128x128xf32>
    %select_n3A_1104 = arith.select %gt3A_1103, %slice3A_1102, %select_n3A_1098 : vector<128x128xi1>, vector<128x128xf32>
    %jit3A_1105 = arith.constant 4.600000e+01 : f32
    %broadcast_in_dim3A_1106 = vector.broadcast %jit3A_1105 : f32 to vector<128x128xf32>
    %select_n3A_1107 = arith.select %gt3A_1103, %broadcast_in_dim3A_1106, %select_n3A_1101 : vector<128x128xi1>, vector<128x128xf32>
    %slice3A_1108 = vector.extract_strided_slice %slice3A_828 {offsets = [0, 6016], sizes = [128, 128], strides = [1, 1]} : vector<128x8192xf32> to vector<128x128xf32>
    %gt3A_1109 = arith.cmpf ogt, %slice3A_1108, %select_n3A_1104 : vector<128x128xf32>
    %select_n3A_1110 = arith.select %gt3A_1109, %slice3A_1108, %select_n3A_1104 : vector<128x128xi1>, vector<128x128xf32>
    %jit3A_1111 = arith.constant 4.700000e+01 : f32
    %broadcast_in_dim3A_1112 = vector.broadcast %jit3A_1111 : f32 to vector<128x128xf32>
    %select_n3A_1113 = arith.select %gt3A_1109, %broadcast_in_dim3A_1112, %select_n3A_1107 : vector<128x128xi1>, vector<128x128xf32>
    %slice3A_1114 = vector.extract_strided_slice %slice3A_828 {offsets = [0, 6144], sizes = [128, 128], strides = [1, 1]} : vector<128x8192xf32> to vector<128x128xf32>
    %gt3A_1115 = arith.cmpf ogt, %slice3A_1114, %select_n3A_1110 : vector<128x128xf32>
    %select_n3A_1116 = arith.select %gt3A_1115, %slice3A_1114, %select_n3A_1110 : vector<128x128xi1>, vector<128x128xf32>
    %jit3A_1117 = arith.constant 4.800000e+01 : f32
    %broadcast_in_dim3A_1118 = vector.broadcast %jit3A_1117 : f32 to vector<128x128xf32>
    %select_n3A_1119 = arith.select %gt3A_1115, %broadcast_in_dim3A_1118, %select_n3A_1113 : vector<128x128xi1>, vector<128x128xf32>
    %slice3A_1120 = vector.extract_strided_slice %slice3A_828 {offsets = [0, 6272], sizes = [128, 128], strides = [1, 1]} : vector<128x8192xf32> to vector<128x128xf32>
    %gt3A_1121 = arith.cmpf ogt, %slice3A_1120, %select_n3A_1116 : vector<128x128xf32>
    %select_n3A_1122 = arith.select %gt3A_1121, %slice3A_1120, %select_n3A_1116 : vector<128x128xi1>, vector<128x128xf32>
    %jit3A_1123 = arith.constant 4.900000e+01 : f32
    %broadcast_in_dim3A_1124 = vector.broadcast %jit3A_1123 : f32 to vector<128x128xf32>
    %select_n3A_1125 = arith.select %gt3A_1121, %broadcast_in_dim3A_1124, %select_n3A_1119 : vector<128x128xi1>, vector<128x128xf32>
    %slice3A_1126 = vector.extract_strided_slice %slice3A_828 {offsets = [0, 6400], sizes = [128, 128], strides = [1, 1]} : vector<128x8192xf32> to vector<128x128xf32>
    %gt3A_1127 = arith.cmpf ogt, %slice3A_1126, %select_n3A_1122 : vector<128x128xf32>
    %select_n3A_1128 = arith.select %gt3A_1127, %slice3A_1126, %select_n3A_1122 : vector<128x128xi1>, vector<128x128xf32>
    %jit3A_1129 = arith.constant 5.000000e+01 : f32
    %broadcast_in_dim3A_1130 = vector.broadcast %jit3A_1129 : f32 to vector<128x128xf32>
    %select_n3A_1131 = arith.select %gt3A_1127, %broadcast_in_dim3A_1130, %select_n3A_1125 : vector<128x128xi1>, vector<128x128xf32>
    %slice3A_1132 = vector.extract_strided_slice %slice3A_828 {offsets = [0, 6528], sizes = [128, 128], strides = [1, 1]} : vector<128x8192xf32> to vector<128x128xf32>
    %gt3A_1133 = arith.cmpf ogt, %slice3A_1132, %select_n3A_1128 : vector<128x128xf32>
    %select_n3A_1134 = arith.select %gt3A_1133, %slice3A_1132, %select_n3A_1128 : vector<128x128xi1>, vector<128x128xf32>
    %jit3A_1135 = arith.constant 5.100000e+01 : f32
    %broadcast_in_dim3A_1136 = vector.broadcast %jit3A_1135 : f32 to vector<128x128xf32>
    %select_n3A_1137 = arith.select %gt3A_1133, %broadcast_in_dim3A_1136, %select_n3A_1131 : vector<128x128xi1>, vector<128x128xf32>
    %slice3A_1138 = vector.extract_strided_slice %slice3A_828 {offsets = [0, 6656], sizes = [128, 128], strides = [1, 1]} : vector<128x8192xf32> to vector<128x128xf32>
    %gt3A_1139 = arith.cmpf ogt, %slice3A_1138, %select_n3A_1134 : vector<128x128xf32>
    %select_n3A_1140 = arith.select %gt3A_1139, %slice3A_1138, %select_n3A_1134 : vector<128x128xi1>, vector<128x128xf32>
    %jit3A_1141 = arith.constant 5.200000e+01 : f32
    %broadcast_in_dim3A_1142 = vector.broadcast %jit3A_1141 : f32 to vector<128x128xf32>
    %select_n3A_1143 = arith.select %gt3A_1139, %broadcast_in_dim3A_1142, %select_n3A_1137 : vector<128x128xi1>, vector<128x128xf32>
    %slice3A_1144 = vector.extract_strided_slice %slice3A_828 {offsets = [0, 6784], sizes = [128, 128], strides = [1, 1]} : vector<128x8192xf32> to vector<128x128xf32>
    %gt3A_1145 = arith.cmpf ogt, %slice3A_1144, %select_n3A_1140 : vector<128x128xf32>
    %select_n3A_1146 = arith.select %gt3A_1145, %slice3A_1144, %select_n3A_1140 : vector<128x128xi1>, vector<128x128xf32>
    %jit3A_1147 = arith.constant 5.300000e+01 : f32
    %broadcast_in_dim3A_1148 = vector.broadcast %jit3A_1147 : f32 to vector<128x128xf32>
    %select_n3A_1149 = arith.select %gt3A_1145, %broadcast_in_dim3A_1148, %select_n3A_1143 : vector<128x128xi1>, vector<128x128xf32>
    %slice3A_1150 = vector.extract_strided_slice %slice3A_828 {offsets = [0, 6912], sizes = [128, 128], strides = [1, 1]} : vector<128x8192xf32> to vector<128x128xf32>
    %gt3A_1151 = arith.cmpf ogt, %slice3A_1150, %select_n3A_1146 : vector<128x128xf32>
    %select_n3A_1152 = arith.select %gt3A_1151, %slice3A_1150, %select_n3A_1146 : vector<128x128xi1>, vector<128x128xf32>
    %jit3A_1153 = arith.constant 5.400000e+01 : f32
    %broadcast_in_dim3A_1154 = vector.broadcast %jit3A_1153 : f32 to vector<128x128xf32>
    %select_n3A_1155 = arith.select %gt3A_1151, %broadcast_in_dim3A_1154, %select_n3A_1149 : vector<128x128xi1>, vector<128x128xf32>
    %slice3A_1156 = vector.extract_strided_slice %slice3A_828 {offsets = [0, 7040], sizes = [128, 128], strides = [1, 1]} : vector<128x8192xf32> to vector<128x128xf32>
    %gt3A_1157 = arith.cmpf ogt, %slice3A_1156, %select_n3A_1152 : vector<128x128xf32>
    %select_n3A_1158 = arith.select %gt3A_1157, %slice3A_1156, %select_n3A_1152 : vector<128x128xi1>, vector<128x128xf32>
    %jit3A_1159 = arith.constant 5.500000e+01 : f32
    %broadcast_in_dim3A_1160 = vector.broadcast %jit3A_1159 : f32 to vector<128x128xf32>
    %select_n3A_1161 = arith.select %gt3A_1157, %broadcast_in_dim3A_1160, %select_n3A_1155 : vector<128x128xi1>, vector<128x128xf32>
    %slice3A_1162 = vector.extract_strided_slice %slice3A_828 {offsets = [0, 7168], sizes = [128, 128], strides = [1, 1]} : vector<128x8192xf32> to vector<128x128xf32>
    %gt3A_1163 = arith.cmpf ogt, %slice3A_1162, %select_n3A_1158 : vector<128x128xf32>
    %select_n3A_1164 = arith.select %gt3A_1163, %slice3A_1162, %select_n3A_1158 : vector<128x128xi1>, vector<128x128xf32>
    %jit3A_1165 = arith.constant 5.600000e+01 : f32
    %broadcast_in_dim3A_1166 = vector.broadcast %jit3A_1165 : f32 to vector<128x128xf32>
    %select_n3A_1167 = arith.select %gt3A_1163, %broadcast_in_dim3A_1166, %select_n3A_1161 : vector<128x128xi1>, vector<128x128xf32>
    %slice3A_1168 = vector.extract_strided_slice %slice3A_828 {offsets = [0, 7296], sizes = [128, 128], strides = [1, 1]} : vector<128x8192xf32> to vector<128x128xf32>
    %gt3A_1169 = arith.cmpf ogt, %slice3A_1168, %select_n3A_1164 : vector<128x128xf32>
    %select_n3A_1170 = arith.select %gt3A_1169, %slice3A_1168, %select_n3A_1164 : vector<128x128xi1>, vector<128x128xf32>
    %jit3A_1171 = arith.constant 5.700000e+01 : f32
    %broadcast_in_dim3A_1172 = vector.broadcast %jit3A_1171 : f32 to vector<128x128xf32>
    %select_n3A_1173 = arith.select %gt3A_1169, %broadcast_in_dim3A_1172, %select_n3A_1167 : vector<128x128xi1>, vector<128x128xf32>
    %slice3A_1174 = vector.extract_strided_slice %slice3A_828 {offsets = [0, 7424], sizes = [128, 128], strides = [1, 1]} : vector<128x8192xf32> to vector<128x128xf32>
    %gt3A_1175 = arith.cmpf ogt, %slice3A_1174, %select_n3A_1170 : vector<128x128xf32>
    %select_n3A_1176 = arith.select %gt3A_1175, %slice3A_1174, %select_n3A_1170 : vector<128x128xi1>, vector<128x128xf32>
    %jit3A_1177 = arith.constant 5.800000e+01 : f32
    %broadcast_in_dim3A_1178 = vector.broadcast %jit3A_1177 : f32 to vector<128x128xf32>
    %select_n3A_1179 = arith.select %gt3A_1175, %broadcast_in_dim3A_1178, %select_n3A_1173 : vector<128x128xi1>, vector<128x128xf32>
    %slice3A_1180 = vector.extract_strided_slice %slice3A_828 {offsets = [0, 7552], sizes = [128, 128], strides = [1, 1]} : vector<128x8192xf32> to vector<128x128xf32>
    %gt3A_1181 = arith.cmpf ogt, %slice3A_1180, %select_n3A_1176 : vector<128x128xf32>
    %select_n3A_1182 = arith.select %gt3A_1181, %slice3A_1180, %select_n3A_1176 : vector<128x128xi1>, vector<128x128xf32>
    %jit3A_1183 = arith.constant 5.900000e+01 : f32
    %broadcast_in_dim3A_1184 = vector.broadcast %jit3A_1183 : f32 to vector<128x128xf32>
    %select_n3A_1185 = arith.select %gt3A_1181, %broadcast_in_dim3A_1184, %select_n3A_1179 : vector<128x128xi1>, vector<128x128xf32>
    %slice3A_1186 = vector.extract_strided_slice %slice3A_828 {offsets = [0, 7680], sizes = [128, 128], strides = [1, 1]} : vector<128x8192xf32> to vector<128x128xf32>
    %gt3A_1187 = arith.cmpf ogt, %slice3A_1186, %select_n3A_1182 : vector<128x128xf32>
    %select_n3A_1188 = arith.select %gt3A_1187, %slice3A_1186, %select_n3A_1182 : vector<128x128xi1>, vector<128x128xf32>
    %jit3A_1189 = arith.constant 6.000000e+01 : f32
    %broadcast_in_dim3A_1190 = vector.broadcast %jit3A_1189 : f32 to vector<128x128xf32>
    %select_n3A_1191 = arith.select %gt3A_1187, %broadcast_in_dim3A_1190, %select_n3A_1185 : vector<128x128xi1>, vector<128x128xf32>
    %slice3A_1192 = vector.extract_strided_slice %slice3A_828 {offsets = [0, 7808], sizes = [128, 128], strides = [1, 1]} : vector<128x8192xf32> to vector<128x128xf32>
    %gt3A_1193 = arith.cmpf ogt, %slice3A_1192, %select_n3A_1188 : vector<128x128xf32>
    %select_n3A_1194 = arith.select %gt3A_1193, %slice3A_1192, %select_n3A_1188 : vector<128x128xi1>, vector<128x128xf32>
    %jit3A_1195 = arith.constant 6.100000e+01 : f32
    %broadcast_in_dim3A_1196 = vector.broadcast %jit3A_1195 : f32 to vector<128x128xf32>
    %select_n3A_1197 = arith.select %gt3A_1193, %broadcast_in_dim3A_1196, %select_n3A_1191 : vector<128x128xi1>, vector<128x128xf32>
    %slice3A_1198 = vector.extract_strided_slice %slice3A_828 {offsets = [0, 7936], sizes = [128, 128], strides = [1, 1]} : vector<128x8192xf32> to vector<128x128xf32>
    %gt3A_1199 = arith.cmpf ogt, %slice3A_1198, %select_n3A_1194 : vector<128x128xf32>
    %select_n3A_1200 = arith.select %gt3A_1199, %slice3A_1198, %select_n3A_1194 : vector<128x128xi1>, vector<128x128xf32>
    %jit3A_1201 = arith.constant 6.200000e+01 : f32
    %broadcast_in_dim3A_1202 = vector.broadcast %jit3A_1201 : f32 to vector<128x128xf32>
    %select_n3A_1203 = arith.select %gt3A_1199, %broadcast_in_dim3A_1202, %select_n3A_1197 : vector<128x128xi1>, vector<128x128xf32>
    %slice3A_1204 = vector.extract_strided_slice %slice3A_828 {offsets = [0, 8064], sizes = [128, 128], strides = [1, 1]} : vector<128x8192xf32> to vector<128x128xf32>
    %gt3A_1205 = arith.cmpf ogt, %slice3A_1204, %select_n3A_1200 : vector<128x128xf32>
    %select_n3A_1206 = arith.select %gt3A_1205, %slice3A_1204, %select_n3A_1200 : vector<128x128xi1>, vector<128x128xf32>
    %jit3A_1207 = arith.constant 6.300000e+01 : f32
    %broadcast_in_dim3A_1208 = vector.broadcast %jit3A_1207 : f32 to vector<128x128xf32>
    %select_n3A_1209 = arith.select %gt3A_1205, %broadcast_in_dim3A_1208, %select_n3A_1203 : vector<128x128xi1>, vector<128x128xf32>
    %reduce_max3A_1210 = arith.constant dense<0xFF800000> : vector<128xf32>
    %reduce_max3A_1211 = vector.multi_reduction <maximumf>, %select_n3A_1206, %reduce_max3A_1210 [1] : vector<128x128xf32> to vector<128xf32>
    %broadcast_in_dim3A_1212 = vector.shape_cast %reduce_max3A_1211 : vector<128xf32> to vector<128x1xf32>
    %eq3A_1213 = vector.broadcast %broadcast_in_dim3A_1212 : vector<128x1xf32> to vector<128x128xf32>
    %eq3A_1214 = arith.cmpf oeq, %select_n3A_1206, %eq3A_1213 : vector<128x128xf32>
    %mul3A_1215 = arith.constant 1.280000e+02 : f32
    %mul3A_1216 = vector.broadcast %mul3A_1215 : f32 to vector<128x128xf32>
    %mul3A_1217 = arith.mulf %select_n3A_1209, %mul3A_1216 : vector<128x128xf32>
    %add3A_1218 = vector.broadcast %get3A_33 : vector<1x128xf32> to vector<128x128xf32>
    %add3A_1219 = arith.addf %mul3A_1217, %add3A_1218 : vector<128x128xf32>
    %jit3A_1220 = arith.constant 3.000000e+38 : f32
    %broadcast_in_dim3A_1221 = vector.broadcast %jit3A_1220 : f32 to vector<128x128xf32>
    %select_n3A_1222 = arith.select %eq3A_1214, %add3A_1219, %broadcast_in_dim3A_1221 : vector<128x128xi1>, vector<128x128xf32>
    %reduce_min3A_1223 = arith.constant dense<0x7F800000> : vector<128xf32>
    %reduce_min3A_1224 = vector.multi_reduction <minimumf>, %select_n3A_1222, %reduce_min3A_1223 [1] : vector<128x128xf32> to vector<128xf32>
    %convert_element_type3A_1225 = arith.fptosi %reduce_min3A_1224 : vector<128xf32> to vector<128xi32>
    %reshape3A_1226 = vector.shape_cast %convert_element_type3A_1225 : vector<128xi32> to vector<1x128xi32>
    %swap3A_1227 = arith.constant 2 : index
    %swap3A_1228 = arith.constant 0 : index
    %swap3A_1229 = vector.load %arg6[%swap3A_1227, %swap3A_1228] : memref<8x128xi32, #tpu.memory_space<vmem>>, vector<1x128xi32>
    tpu.vector_store %arg6[%swap3A_1227, %swap3A_1228], %reshape3A_1226 {strides = array<i32>} : memref<8x128xi32, #tpu.memory_space<vmem>>, vector<1x128xi32>,
    %slice3A_1230 = vector.extract_strided_slice %dot_general3A_30 {offsets = [384, 0], sizes = [128, 8192], strides = [1, 1]} : vector<1024x8192xf32> to vector<128x8192xf32>
    %slice3A_1231 = vector.extract_strided_slice %slice3A_1230 {offsets = [0, 0], sizes = [128, 128], strides = [1, 1]} : vector<128x8192xf32> to vector<128x128xf32>
    %broadcast_in_dim3A_1232 = arith.constant 0.000000e+00 : f32
    %broadcast_in_dim3A_1233 = vector.broadcast %broadcast_in_dim3A_1232 : f32 to vector<128x128xf32>
    %slice3A_1234 = vector.extract_strided_slice %slice3A_1230 {offsets = [0, 128], sizes = [128, 128], strides = [1, 1]} : vector<128x8192xf32> to vector<128x128xf32>
    %gt3A_1235 = arith.cmpf ogt, %slice3A_1234, %slice3A_1231 : vector<128x128xf32>
    %select_n3A_1236 = arith.select %gt3A_1235, %slice3A_1234, %slice3A_1231 : vector<128x128xi1>, vector<128x128xf32>
    %jit3A_1237 = arith.constant 1.000000e+00 : f32
    %broadcast_in_dim3A_1238 = vector.broadcast %jit3A_1237 : f32 to vector<128x128xf32>
    %select_n3A_1239 = arith.select %gt3A_1235, %broadcast_in_dim3A_1238, %broadcast_in_dim3A_1233 : vector<128x128xi1>, vector<128x128xf32>
    %slice3A_1240 = vector.extract_strided_slice %slice3A_1230 {offsets = [0, 256], sizes = [128, 128], strides = [1, 1]} : vector<128x8192xf32> to vector<128x128xf32>
    %gt3A_1241 = arith.cmpf ogt, %slice3A_1240, %select_n3A_1236 : vector<128x128xf32>
    %select_n3A_1242 = arith.select %gt3A_1241, %slice3A_1240, %select_n3A_1236 : vector<128x128xi1>, vector<128x128xf32>
    %jit3A_1243 = arith.constant 2.000000e+00 : f32
    %broadcast_in_dim3A_1244 = vector.broadcast %jit3A_1243 : f32 to vector<128x128xf32>
    %select_n3A_1245 = arith.select %gt3A_1241, %broadcast_in_dim3A_1244, %select_n3A_1239 : vector<128x128xi1>, vector<128x128xf32>
    %slice3A_1246 = vector.extract_strided_slice %slice3A_1230 {offsets = [0, 384], sizes = [128, 128], strides = [1, 1]} : vector<128x8192xf32> to vector<128x128xf32>
    %gt3A_1247 = arith.cmpf ogt, %slice3A_1246, %select_n3A_1242 : vector<128x128xf32>
    %select_n3A_1248 = arith.select %gt3A_1247, %slice3A_1246, %select_n3A_1242 : vector<128x128xi1>, vector<128x128xf32>
    %jit3A_1249 = arith.constant 3.000000e+00 : f32
    %broadcast_in_dim3A_1250 = vector.broadcast %jit3A_1249 : f32 to vector<128x128xf32>
    %select_n3A_1251 = arith.select %gt3A_1247, %broadcast_in_dim3A_1250, %select_n3A_1245 : vector<128x128xi1>, vector<128x128xf32>
    %slice3A_1252 = vector.extract_strided_slice %slice3A_1230 {offsets = [0, 512], sizes = [128, 128], strides = [1, 1]} : vector<128x8192xf32> to vector<128x128xf32>
    %gt3A_1253 = arith.cmpf ogt, %slice3A_1252, %select_n3A_1248 : vector<128x128xf32>
    %select_n3A_1254 = arith.select %gt3A_1253, %slice3A_1252, %select_n3A_1248 : vector<128x128xi1>, vector<128x128xf32>
    %jit3A_1255 = arith.constant 4.000000e+00 : f32
    %broadcast_in_dim3A_1256 = vector.broadcast %jit3A_1255 : f32 to vector<128x128xf32>
    %select_n3A_1257 = arith.select %gt3A_1253, %broadcast_in_dim3A_1256, %select_n3A_1251 : vector<128x128xi1>, vector<128x128xf32>
    %slice3A_1258 = vector.extract_strided_slice %slice3A_1230 {offsets = [0, 640], sizes = [128, 128], strides = [1, 1]} : vector<128x8192xf32> to vector<128x128xf32>
    %gt3A_1259 = arith.cmpf ogt, %slice3A_1258, %select_n3A_1254 : vector<128x128xf32>
    %select_n3A_1260 = arith.select %gt3A_1259, %slice3A_1258, %select_n3A_1254 : vector<128x128xi1>, vector<128x128xf32>
    %jit3A_1261 = arith.constant 5.000000e+00 : f32
    %broadcast_in_dim3A_1262 = vector.broadcast %jit3A_1261 : f32 to vector<128x128xf32>
    %select_n3A_1263 = arith.select %gt3A_1259, %broadcast_in_dim3A_1262, %select_n3A_1257 : vector<128x128xi1>, vector<128x128xf32>
    %slice3A_1264 = vector.extract_strided_slice %slice3A_1230 {offsets = [0, 768], sizes = [128, 128], strides = [1, 1]} : vector<128x8192xf32> to vector<128x128xf32>
    %gt3A_1265 = arith.cmpf ogt, %slice3A_1264, %select_n3A_1260 : vector<128x128xf32>
    %select_n3A_1266 = arith.select %gt3A_1265, %slice3A_1264, %select_n3A_1260 : vector<128x128xi1>, vector<128x128xf32>
    %jit3A_1267 = arith.constant 6.000000e+00 : f32
    %broadcast_in_dim3A_1268 = vector.broadcast %jit3A_1267 : f32 to vector<128x128xf32>
    %select_n3A_1269 = arith.select %gt3A_1265, %broadcast_in_dim3A_1268, %select_n3A_1263 : vector<128x128xi1>, vector<128x128xf32>
    %slice3A_1270 = vector.extract_strided_slice %slice3A_1230 {offsets = [0, 896], sizes = [128, 128], strides = [1, 1]} : vector<128x8192xf32> to vector<128x128xf32>
    %gt3A_1271 = arith.cmpf ogt, %slice3A_1270, %select_n3A_1266 : vector<128x128xf32>
    %select_n3A_1272 = arith.select %gt3A_1271, %slice3A_1270, %select_n3A_1266 : vector<128x128xi1>, vector<128x128xf32>
    %jit3A_1273 = arith.constant 7.000000e+00 : f32
    %broadcast_in_dim3A_1274 = vector.broadcast %jit3A_1273 : f32 to vector<128x128xf32>
    %select_n3A_1275 = arith.select %gt3A_1271, %broadcast_in_dim3A_1274, %select_n3A_1269 : vector<128x128xi1>, vector<128x128xf32>
    %slice3A_1276 = vector.extract_strided_slice %slice3A_1230 {offsets = [0, 1024], sizes = [128, 128], strides = [1, 1]} : vector<128x8192xf32> to vector<128x128xf32>
    %gt3A_1277 = arith.cmpf ogt, %slice3A_1276, %select_n3A_1272 : vector<128x128xf32>
    %select_n3A_1278 = arith.select %gt3A_1277, %slice3A_1276, %select_n3A_1272 : vector<128x128xi1>, vector<128x128xf32>
    %jit3A_1279 = arith.constant 8.000000e+00 : f32
    %broadcast_in_dim3A_1280 = vector.broadcast %jit3A_1279 : f32 to vector<128x128xf32>
    %select_n3A_1281 = arith.select %gt3A_1277, %broadcast_in_dim3A_1280, %select_n3A_1275 : vector<128x128xi1>, vector<128x128xf32>
    %slice3A_1282 = vector.extract_strided_slice %slice3A_1230 {offsets = [0, 1152], sizes = [128, 128], strides = [1, 1]} : vector<128x8192xf32> to vector<128x128xf32>
    %gt3A_1283 = arith.cmpf ogt, %slice3A_1282, %select_n3A_1278 : vector<128x128xf32>
    %select_n3A_1284 = arith.select %gt3A_1283, %slice3A_1282, %select_n3A_1278 : vector<128x128xi1>, vector<128x128xf32>
    %jit3A_1285 = arith.constant 9.000000e+00 : f32
    %broadcast_in_dim3A_1286 = vector.broadcast %jit3A_1285 : f32 to vector<128x128xf32>
    %select_n3A_1287 = arith.select %gt3A_1283, %broadcast_in_dim3A_1286, %select_n3A_1281 : vector<128x128xi1>, vector<128x128xf32>
    %slice3A_1288 = vector.extract_strided_slice %slice3A_1230 {offsets = [0, 1280], sizes = [128, 128], strides = [1, 1]} : vector<128x8192xf32> to vector<128x128xf32>
    %gt3A_1289 = arith.cmpf ogt, %slice3A_1288, %select_n3A_1284 : vector<128x128xf32>
    %select_n3A_1290 = arith.select %gt3A_1289, %slice3A_1288, %select_n3A_1284 : vector<128x128xi1>, vector<128x128xf32>
    %jit3A_1291 = arith.constant 1.000000e+01 : f32
    %broadcast_in_dim3A_1292 = vector.broadcast %jit3A_1291 : f32 to vector<128x128xf32>
    %select_n3A_1293 = arith.select %gt3A_1289, %broadcast_in_dim3A_1292, %select_n3A_1287 : vector<128x128xi1>, vector<128x128xf32>
    %slice3A_1294 = vector.extract_strided_slice %slice3A_1230 {offsets = [0, 1408], sizes = [128, 128], strides = [1, 1]} : vector<128x8192xf32> to vector<128x128xf32>
    %gt3A_1295 = arith.cmpf ogt, %slice3A_1294, %select_n3A_1290 : vector<128x128xf32>
    %select_n3A_1296 = arith.select %gt3A_1295, %slice3A_1294, %select_n3A_1290 : vector<128x128xi1>, vector<128x128xf32>
    %jit3A_1297 = arith.constant 1.100000e+01 : f32
    %broadcast_in_dim3A_1298 = vector.broadcast %jit3A_1297 : f32 to vector<128x128xf32>
    %select_n3A_1299 = arith.select %gt3A_1295, %broadcast_in_dim3A_1298, %select_n3A_1293 : vector<128x128xi1>, vector<128x128xf32>
    %slice3A_1300 = vector.extract_strided_slice %slice3A_1230 {offsets = [0, 1536], sizes = [128, 128], strides = [1, 1]} : vector<128x8192xf32> to vector<128x128xf32>
    %gt3A_1301 = arith.cmpf ogt, %slice3A_1300, %select_n3A_1296 : vector<128x128xf32>
    %select_n3A_1302 = arith.select %gt3A_1301, %slice3A_1300, %select_n3A_1296 : vector<128x128xi1>, vector<128x128xf32>
    %jit3A_1303 = arith.constant 1.200000e+01 : f32
    %broadcast_in_dim3A_1304 = vector.broadcast %jit3A_1303 : f32 to vector<128x128xf32>
    %select_n3A_1305 = arith.select %gt3A_1301, %broadcast_in_dim3A_1304, %select_n3A_1299 : vector<128x128xi1>, vector<128x128xf32>
    %slice3A_1306 = vector.extract_strided_slice %slice3A_1230 {offsets = [0, 1664], sizes = [128, 128], strides = [1, 1]} : vector<128x8192xf32> to vector<128x128xf32>
    %gt3A_1307 = arith.cmpf ogt, %slice3A_1306, %select_n3A_1302 : vector<128x128xf32>
    %select_n3A_1308 = arith.select %gt3A_1307, %slice3A_1306, %select_n3A_1302 : vector<128x128xi1>, vector<128x128xf32>
    %jit3A_1309 = arith.constant 1.300000e+01 : f32
    %broadcast_in_dim3A_1310 = vector.broadcast %jit3A_1309 : f32 to vector<128x128xf32>
    %select_n3A_1311 = arith.select %gt3A_1307, %broadcast_in_dim3A_1310, %select_n3A_1305 : vector<128x128xi1>, vector<128x128xf32>
    %slice3A_1312 = vector.extract_strided_slice %slice3A_1230 {offsets = [0, 1792], sizes = [128, 128], strides = [1, 1]} : vector<128x8192xf32> to vector<128x128xf32>
    %gt3A_1313 = arith.cmpf ogt, %slice3A_1312, %select_n3A_1308 : vector<128x128xf32>
    %select_n3A_1314 = arith.select %gt3A_1313, %slice3A_1312, %select_n3A_1308 : vector<128x128xi1>, vector<128x128xf32>
    %jit3A_1315 = arith.constant 1.400000e+01 : f32
    %broadcast_in_dim3A_1316 = vector.broadcast %jit3A_1315 : f32 to vector<128x128xf32>
    %select_n3A_1317 = arith.select %gt3A_1313, %broadcast_in_dim3A_1316, %select_n3A_1311 : vector<128x128xi1>, vector<128x128xf32>
    %slice3A_1318 = vector.extract_strided_slice %slice3A_1230 {offsets = [0, 1920], sizes = [128, 128], strides = [1, 1]} : vector<128x8192xf32> to vector<128x128xf32>
    %gt3A_1319 = arith.cmpf ogt, %slice3A_1318, %select_n3A_1314 : vector<128x128xf32>
    %select_n3A_1320 = arith.select %gt3A_1319, %slice3A_1318, %select_n3A_1314 : vector<128x128xi1>, vector<128x128xf32>
    %jit3A_1321 = arith.constant 1.500000e+01 : f32
    %broadcast_in_dim3A_1322 = vector.broadcast %jit3A_1321 : f32 to vector<128x128xf32>
    %select_n3A_1323 = arith.select %gt3A_1319, %broadcast_in_dim3A_1322, %select_n3A_1317 : vector<128x128xi1>, vector<128x128xf32>
    %slice3A_1324 = vector.extract_strided_slice %slice3A_1230 {offsets = [0, 2048], sizes = [128, 128], strides = [1, 1]} : vector<128x8192xf32> to vector<128x128xf32>
    %gt3A_1325 = arith.cmpf ogt, %slice3A_1324, %select_n3A_1320 : vector<128x128xf32>
    %select_n3A_1326 = arith.select %gt3A_1325, %slice3A_1324, %select_n3A_1320 : vector<128x128xi1>, vector<128x128xf32>
    %jit3A_1327 = arith.constant 1.600000e+01 : f32
    %broadcast_in_dim3A_1328 = vector.broadcast %jit3A_1327 : f32 to vector<128x128xf32>
    %select_n3A_1329 = arith.select %gt3A_1325, %broadcast_in_dim3A_1328, %select_n3A_1323 : vector<128x128xi1>, vector<128x128xf32>
    %slice3A_1330 = vector.extract_strided_slice %slice3A_1230 {offsets = [0, 2176], sizes = [128, 128], strides = [1, 1]} : vector<128x8192xf32> to vector<128x128xf32>
    %gt3A_1331 = arith.cmpf ogt, %slice3A_1330, %select_n3A_1326 : vector<128x128xf32>
    %select_n3A_1332 = arith.select %gt3A_1331, %slice3A_1330, %select_n3A_1326 : vector<128x128xi1>, vector<128x128xf32>
    %jit3A_1333 = arith.constant 1.700000e+01 : f32
    %broadcast_in_dim3A_1334 = vector.broadcast %jit3A_1333 : f32 to vector<128x128xf32>
    %select_n3A_1335 = arith.select %gt3A_1331, %broadcast_in_dim3A_1334, %select_n3A_1329 : vector<128x128xi1>, vector<128x128xf32>
    %slice3A_1336 = vector.extract_strided_slice %slice3A_1230 {offsets = [0, 2304], sizes = [128, 128], strides = [1, 1]} : vector<128x8192xf32> to vector<128x128xf32>
    %gt3A_1337 = arith.cmpf ogt, %slice3A_1336, %select_n3A_1332 : vector<128x128xf32>
    %select_n3A_1338 = arith.select %gt3A_1337, %slice3A_1336, %select_n3A_1332 : vector<128x128xi1>, vector<128x128xf32>
    %jit3A_1339 = arith.constant 1.800000e+01 : f32
    %broadcast_in_dim3A_1340 = vector.broadcast %jit3A_1339 : f32 to vector<128x128xf32>
    %select_n3A_1341 = arith.select %gt3A_1337, %broadcast_in_dim3A_1340, %select_n3A_1335 : vector<128x128xi1>, vector<128x128xf32>
    %slice3A_1342 = vector.extract_strided_slice %slice3A_1230 {offsets = [0, 2432], sizes = [128, 128], strides = [1, 1]} : vector<128x8192xf32> to vector<128x128xf32>
    %gt3A_1343 = arith.cmpf ogt, %slice3A_1342, %select_n3A_1338 : vector<128x128xf32>
    %select_n3A_1344 = arith.select %gt3A_1343, %slice3A_1342, %select_n3A_1338 : vector<128x128xi1>, vector<128x128xf32>
    %jit3A_1345 = arith.constant 1.900000e+01 : f32
    %broadcast_in_dim3A_1346 = vector.broadcast %jit3A_1345 : f32 to vector<128x128xf32>
    %select_n3A_1347 = arith.select %gt3A_1343, %broadcast_in_dim3A_1346, %select_n3A_1341 : vector<128x128xi1>, vector<128x128xf32>
    %slice3A_1348 = vector.extract_strided_slice %slice3A_1230 {offsets = [0, 2560], sizes = [128, 128], strides = [1, 1]} : vector<128x8192xf32> to vector<128x128xf32>
    %gt3A_1349 = arith.cmpf ogt, %slice3A_1348, %select_n3A_1344 : vector<128x128xf32>
    %select_n3A_1350 = arith.select %gt3A_1349, %slice3A_1348, %select_n3A_1344 : vector<128x128xi1>, vector<128x128xf32>
    %jit3A_1351 = arith.constant 2.000000e+01 : f32
    %broadcast_in_dim3A_1352 = vector.broadcast %jit3A_1351 : f32 to vector<128x128xf32>
    %select_n3A_1353 = arith.select %gt3A_1349, %broadcast_in_dim3A_1352, %select_n3A_1347 : vector<128x128xi1>, vector<128x128xf32>
    %slice3A_1354 = vector.extract_strided_slice %slice3A_1230 {offsets = [0, 2688], sizes = [128, 128], strides = [1, 1]} : vector<128x8192xf32> to vector<128x128xf32>
    %gt3A_1355 = arith.cmpf ogt, %slice3A_1354, %select_n3A_1350 : vector<128x128xf32>
    %select_n3A_1356 = arith.select %gt3A_1355, %slice3A_1354, %select_n3A_1350 : vector<128x128xi1>, vector<128x128xf32>
    %jit3A_1357 = arith.constant 2.100000e+01 : f32
    %broadcast_in_dim3A_1358 = vector.broadcast %jit3A_1357 : f32 to vector<128x128xf32>
    %select_n3A_1359 = arith.select %gt3A_1355, %broadcast_in_dim3A_1358, %select_n3A_1353 : vector<128x128xi1>, vector<128x128xf32>
    %slice3A_1360 = vector.extract_strided_slice %slice3A_1230 {offsets = [0, 2816], sizes = [128, 128], strides = [1, 1]} : vector<128x8192xf32> to vector<128x128xf32>
    %gt3A_1361 = arith.cmpf ogt, %slice3A_1360, %select_n3A_1356 : vector<128x128xf32>
    %select_n3A_1362 = arith.select %gt3A_1361, %slice3A_1360, %select_n3A_1356 : vector<128x128xi1>, vector<128x128xf32>
    %jit3A_1363 = arith.constant 2.200000e+01 : f32
    %broadcast_in_dim3A_1364 = vector.broadcast %jit3A_1363 : f32 to vector<128x128xf32>
    %select_n3A_1365 = arith.select %gt3A_1361, %broadcast_in_dim3A_1364, %select_n3A_1359 : vector<128x128xi1>, vector<128x128xf32>
    %slice3A_1366 = vector.extract_strided_slice %slice3A_1230 {offsets = [0, 2944], sizes = [128, 128], strides = [1, 1]} : vector<128x8192xf32> to vector<128x128xf32>
    %gt3A_1367 = arith.cmpf ogt, %slice3A_1366, %select_n3A_1362 : vector<128x128xf32>
    %select_n3A_1368 = arith.select %gt3A_1367, %slice3A_1366, %select_n3A_1362 : vector<128x128xi1>, vector<128x128xf32>
    %jit3A_1369 = arith.constant 2.300000e+01 : f32
    %broadcast_in_dim3A_1370 = vector.broadcast %jit3A_1369 : f32 to vector<128x128xf32>
    %select_n3A_1371 = arith.select %gt3A_1367, %broadcast_in_dim3A_1370, %select_n3A_1365 : vector<128x128xi1>, vector<128x128xf32>
    %slice3A_1372 = vector.extract_strided_slice %slice3A_1230 {offsets = [0, 3072], sizes = [128, 128], strides = [1, 1]} : vector<128x8192xf32> to vector<128x128xf32>
    %gt3A_1373 = arith.cmpf ogt, %slice3A_1372, %select_n3A_1368 : vector<128x128xf32>
    %select_n3A_1374 = arith.select %gt3A_1373, %slice3A_1372, %select_n3A_1368 : vector<128x128xi1>, vector<128x128xf32>
    %jit3A_1375 = arith.constant 2.400000e+01 : f32
    %broadcast_in_dim3A_1376 = vector.broadcast %jit3A_1375 : f32 to vector<128x128xf32>
    %select_n3A_1377 = arith.select %gt3A_1373, %broadcast_in_dim3A_1376, %select_n3A_1371 : vector<128x128xi1>, vector<128x128xf32>
    %slice3A_1378 = vector.extract_strided_slice %slice3A_1230 {offsets = [0, 3200], sizes = [128, 128], strides = [1, 1]} : vector<128x8192xf32> to vector<128x128xf32>
    %gt3A_1379 = arith.cmpf ogt, %slice3A_1378, %select_n3A_1374 : vector<128x128xf32>
    %select_n3A_1380 = arith.select %gt3A_1379, %slice3A_1378, %select_n3A_1374 : vector<128x128xi1>, vector<128x128xf32>
    %jit3A_1381 = arith.constant 2.500000e+01 : f32
    %broadcast_in_dim3A_1382 = vector.broadcast %jit3A_1381 : f32 to vector<128x128xf32>
    %select_n3A_1383 = arith.select %gt3A_1379, %broadcast_in_dim3A_1382, %select_n3A_1377 : vector<128x128xi1>, vector<128x128xf32>
    %slice3A_1384 = vector.extract_strided_slice %slice3A_1230 {offsets = [0, 3328], sizes = [128, 128], strides = [1, 1]} : vector<128x8192xf32> to vector<128x128xf32>
    %gt3A_1385 = arith.cmpf ogt, %slice3A_1384, %select_n3A_1380 : vector<128x128xf32>
    %select_n3A_1386 = arith.select %gt3A_1385, %slice3A_1384, %select_n3A_1380 : vector<128x128xi1>, vector<128x128xf32>
    %jit3A_1387 = arith.constant 2.600000e+01 : f32
    %broadcast_in_dim3A_1388 = vector.broadcast %jit3A_1387 : f32 to vector<128x128xf32>
    %select_n3A_1389 = arith.select %gt3A_1385, %broadcast_in_dim3A_1388, %select_n3A_1383 : vector<128x128xi1>, vector<128x128xf32>
    %slice3A_1390 = vector.extract_strided_slice %slice3A_1230 {offsets = [0, 3456], sizes = [128, 128], strides = [1, 1]} : vector<128x8192xf32> to vector<128x128xf32>
    %gt3A_1391 = arith.cmpf ogt, %slice3A_1390, %select_n3A_1386 : vector<128x128xf32>
    %select_n3A_1392 = arith.select %gt3A_1391, %slice3A_1390, %select_n3A_1386 : vector<128x128xi1>, vector<128x128xf32>
    %jit3A_1393 = arith.constant 2.700000e+01 : f32
    %broadcast_in_dim3A_1394 = vector.broadcast %jit3A_1393 : f32 to vector<128x128xf32>
    %select_n3A_1395 = arith.select %gt3A_1391, %broadcast_in_dim3A_1394, %select_n3A_1389 : vector<128x128xi1>, vector<128x128xf32>
    %slice3A_1396 = vector.extract_strided_slice %slice3A_1230 {offsets = [0, 3584], sizes = [128, 128], strides = [1, 1]} : vector<128x8192xf32> to vector<128x128xf32>
    %gt3A_1397 = arith.cmpf ogt, %slice3A_1396, %select_n3A_1392 : vector<128x128xf32>
    %select_n3A_1398 = arith.select %gt3A_1397, %slice3A_1396, %select_n3A_1392 : vector<128x128xi1>, vector<128x128xf32>
    %jit3A_1399 = arith.constant 2.800000e+01 : f32
    %broadcast_in_dim3A_1400 = vector.broadcast %jit3A_1399 : f32 to vector<128x128xf32>
    %select_n3A_1401 = arith.select %gt3A_1397, %broadcast_in_dim3A_1400, %select_n3A_1395 : vector<128x128xi1>, vector<128x128xf32>
    %slice3A_1402 = vector.extract_strided_slice %slice3A_1230 {offsets = [0, 3712], sizes = [128, 128], strides = [1, 1]} : vector<128x8192xf32> to vector<128x128xf32>
    %gt3A_1403 = arith.cmpf ogt, %slice3A_1402, %select_n3A_1398 : vector<128x128xf32>
    %select_n3A_1404 = arith.select %gt3A_1403, %slice3A_1402, %select_n3A_1398 : vector<128x128xi1>, vector<128x128xf32>
    %jit3A_1405 = arith.constant 2.900000e+01 : f32
    %broadcast_in_dim3A_1406 = vector.broadcast %jit3A_1405 : f32 to vector<128x128xf32>
    %select_n3A_1407 = arith.select %gt3A_1403, %broadcast_in_dim3A_1406, %select_n3A_1401 : vector<128x128xi1>, vector<128x128xf32>
    %slice3A_1408 = vector.extract_strided_slice %slice3A_1230 {offsets = [0, 3840], sizes = [128, 128], strides = [1, 1]} : vector<128x8192xf32> to vector<128x128xf32>
    %gt3A_1409 = arith.cmpf ogt, %slice3A_1408, %select_n3A_1404 : vector<128x128xf32>
    %select_n3A_1410 = arith.select %gt3A_1409, %slice3A_1408, %select_n3A_1404 : vector<128x128xi1>, vector<128x128xf32>
    %jit3A_1411 = arith.constant 3.000000e+01 : f32
    %broadcast_in_dim3A_1412 = vector.broadcast %jit3A_1411 : f32 to vector<128x128xf32>
    %select_n3A_1413 = arith.select %gt3A_1409, %broadcast_in_dim3A_1412, %select_n3A_1407 : vector<128x128xi1>, vector<128x128xf32>
    %slice3A_1414 = vector.extract_strided_slice %slice3A_1230 {offsets = [0, 3968], sizes = [128, 128], strides = [1, 1]} : vector<128x8192xf32> to vector<128x128xf32>
    %gt3A_1415 = arith.cmpf ogt, %slice3A_1414, %select_n3A_1410 : vector<128x128xf32>
    %select_n3A_1416 = arith.select %gt3A_1415, %slice3A_1414, %select_n3A_1410 : vector<128x128xi1>, vector<128x128xf32>
    %jit3A_1417 = arith.constant 3.100000e+01 : f32
    %broadcast_in_dim3A_1418 = vector.broadcast %jit3A_1417 : f32 to vector<128x128xf32>
    %select_n3A_1419 = arith.select %gt3A_1415, %broadcast_in_dim3A_1418, %select_n3A_1413 : vector<128x128xi1>, vector<128x128xf32>
    %slice3A_1420 = vector.extract_strided_slice %slice3A_1230 {offsets = [0, 4096], sizes = [128, 128], strides = [1, 1]} : vector<128x8192xf32> to vector<128x128xf32>
    %gt3A_1421 = arith.cmpf ogt, %slice3A_1420, %select_n3A_1416 : vector<128x128xf32>
    %select_n3A_1422 = arith.select %gt3A_1421, %slice3A_1420, %select_n3A_1416 : vector<128x128xi1>, vector<128x128xf32>
    %jit3A_1423 = arith.constant 3.200000e+01 : f32
    %broadcast_in_dim3A_1424 = vector.broadcast %jit3A_1423 : f32 to vector<128x128xf32>
    %select_n3A_1425 = arith.select %gt3A_1421, %broadcast_in_dim3A_1424, %select_n3A_1419 : vector<128x128xi1>, vector<128x128xf32>
    %slice3A_1426 = vector.extract_strided_slice %slice3A_1230 {offsets = [0, 4224], sizes = [128, 128], strides = [1, 1]} : vector<128x8192xf32> to vector<128x128xf32>
    %gt3A_1427 = arith.cmpf ogt, %slice3A_1426, %select_n3A_1422 : vector<128x128xf32>
    %select_n3A_1428 = arith.select %gt3A_1427, %slice3A_1426, %select_n3A_1422 : vector<128x128xi1>, vector<128x128xf32>
    %jit3A_1429 = arith.constant 3.300000e+01 : f32
    %broadcast_in_dim3A_1430 = vector.broadcast %jit3A_1429 : f32 to vector<128x128xf32>
    %select_n3A_1431 = arith.select %gt3A_1427, %broadcast_in_dim3A_1430, %select_n3A_1425 : vector<128x128xi1>, vector<128x128xf32>
    %slice3A_1432 = vector.extract_strided_slice %slice3A_1230 {offsets = [0, 4352], sizes = [128, 128], strides = [1, 1]} : vector<128x8192xf32> to vector<128x128xf32>
    %gt3A_1433 = arith.cmpf ogt, %slice3A_1432, %select_n3A_1428 : vector<128x128xf32>
    %select_n3A_1434 = arith.select %gt3A_1433, %slice3A_1432, %select_n3A_1428 : vector<128x128xi1>, vector<128x128xf32>
    %jit3A_1435 = arith.constant 3.400000e+01 : f32
    %broadcast_in_dim3A_1436 = vector.broadcast %jit3A_1435 : f32 to vector<128x128xf32>
    %select_n3A_1437 = arith.select %gt3A_1433, %broadcast_in_dim3A_1436, %select_n3A_1431 : vector<128x128xi1>, vector<128x128xf32>
    %slice3A_1438 = vector.extract_strided_slice %slice3A_1230 {offsets = [0, 4480], sizes = [128, 128], strides = [1, 1]} : vector<128x8192xf32> to vector<128x128xf32>
    %gt3A_1439 = arith.cmpf ogt, %slice3A_1438, %select_n3A_1434 : vector<128x128xf32>
    %select_n3A_1440 = arith.select %gt3A_1439, %slice3A_1438, %select_n3A_1434 : vector<128x128xi1>, vector<128x128xf32>
    %jit3A_1441 = arith.constant 3.500000e+01 : f32
    %broadcast_in_dim3A_1442 = vector.broadcast %jit3A_1441 : f32 to vector<128x128xf32>
    %select_n3A_1443 = arith.select %gt3A_1439, %broadcast_in_dim3A_1442, %select_n3A_1437 : vector<128x128xi1>, vector<128x128xf32>
    %slice3A_1444 = vector.extract_strided_slice %slice3A_1230 {offsets = [0, 4608], sizes = [128, 128], strides = [1, 1]} : vector<128x8192xf32> to vector<128x128xf32>
    %gt3A_1445 = arith.cmpf ogt, %slice3A_1444, %select_n3A_1440 : vector<128x128xf32>
    %select_n3A_1446 = arith.select %gt3A_1445, %slice3A_1444, %select_n3A_1440 : vector<128x128xi1>, vector<128x128xf32>
    %jit3A_1447 = arith.constant 3.600000e+01 : f32
    %broadcast_in_dim3A_1448 = vector.broadcast %jit3A_1447 : f32 to vector<128x128xf32>
    %select_n3A_1449 = arith.select %gt3A_1445, %broadcast_in_dim3A_1448, %select_n3A_1443 : vector<128x128xi1>, vector<128x128xf32>
    %slice3A_1450 = vector.extract_strided_slice %slice3A_1230 {offsets = [0, 4736], sizes = [128, 128], strides = [1, 1]} : vector<128x8192xf32> to vector<128x128xf32>
    %gt3A_1451 = arith.cmpf ogt, %slice3A_1450, %select_n3A_1446 : vector<128x128xf32>
    %select_n3A_1452 = arith.select %gt3A_1451, %slice3A_1450, %select_n3A_1446 : vector<128x128xi1>, vector<128x128xf32>
    %jit3A_1453 = arith.constant 3.700000e+01 : f32
    %broadcast_in_dim3A_1454 = vector.broadcast %jit3A_1453 : f32 to vector<128x128xf32>
    %select_n3A_1455 = arith.select %gt3A_1451, %broadcast_in_dim3A_1454, %select_n3A_1449 : vector<128x128xi1>, vector<128x128xf32>
    %slice3A_1456 = vector.extract_strided_slice %slice3A_1230 {offsets = [0, 4864], sizes = [128, 128], strides = [1, 1]} : vector<128x8192xf32> to vector<128x128xf32>
    %gt3A_1457 = arith.cmpf ogt, %slice3A_1456, %select_n3A_1452 : vector<128x128xf32>
    %select_n3A_1458 = arith.select %gt3A_1457, %slice3A_1456, %select_n3A_1452 : vector<128x128xi1>, vector<128x128xf32>
    %jit3A_1459 = arith.constant 3.800000e+01 : f32
    %broadcast_in_dim3A_1460 = vector.broadcast %jit3A_1459 : f32 to vector<128x128xf32>
    %select_n3A_1461 = arith.select %gt3A_1457, %broadcast_in_dim3A_1460, %select_n3A_1455 : vector<128x128xi1>, vector<128x128xf32>
    %slice3A_1462 = vector.extract_strided_slice %slice3A_1230 {offsets = [0, 4992], sizes = [128, 128], strides = [1, 1]} : vector<128x8192xf32> to vector<128x128xf32>
    %gt3A_1463 = arith.cmpf ogt, %slice3A_1462, %select_n3A_1458 : vector<128x128xf32>
    %select_n3A_1464 = arith.select %gt3A_1463, %slice3A_1462, %select_n3A_1458 : vector<128x128xi1>, vector<128x128xf32>
    %jit3A_1465 = arith.constant 3.900000e+01 : f32
    %broadcast_in_dim3A_1466 = vector.broadcast %jit3A_1465 : f32 to vector<128x128xf32>
    %select_n3A_1467 = arith.select %gt3A_1463, %broadcast_in_dim3A_1466, %select_n3A_1461 : vector<128x128xi1>, vector<128x128xf32>
    %slice3A_1468 = vector.extract_strided_slice %slice3A_1230 {offsets = [0, 5120], sizes = [128, 128], strides = [1, 1]} : vector<128x8192xf32> to vector<128x128xf32>
    %gt3A_1469 = arith.cmpf ogt, %slice3A_1468, %select_n3A_1464 : vector<128x128xf32>
    %select_n3A_1470 = arith.select %gt3A_1469, %slice3A_1468, %select_n3A_1464 : vector<128x128xi1>, vector<128x128xf32>
    %jit3A_1471 = arith.constant 4.000000e+01 : f32
    %broadcast_in_dim3A_1472 = vector.broadcast %jit3A_1471 : f32 to vector<128x128xf32>
    %select_n3A_1473 = arith.select %gt3A_1469, %broadcast_in_dim3A_1472, %select_n3A_1467 : vector<128x128xi1>, vector<128x128xf32>
    %slice3A_1474 = vector.extract_strided_slice %slice3A_1230 {offsets = [0, 5248], sizes = [128, 128], strides = [1, 1]} : vector<128x8192xf32> to vector<128x128xf32>
    %gt3A_1475 = arith.cmpf ogt, %slice3A_1474, %select_n3A_1470 : vector<128x128xf32>
    %select_n3A_1476 = arith.select %gt3A_1475, %slice3A_1474, %select_n3A_1470 : vector<128x128xi1>, vector<128x128xf32>
    %jit3A_1477 = arith.constant 4.100000e+01 : f32
    %broadcast_in_dim3A_1478 = vector.broadcast %jit3A_1477 : f32 to vector<128x128xf32>
    %select_n3A_1479 = arith.select %gt3A_1475, %broadcast_in_dim3A_1478, %select_n3A_1473 : vector<128x128xi1>, vector<128x128xf32>
    %slice3A_1480 = vector.extract_strided_slice %slice3A_1230 {offsets = [0, 5376], sizes = [128, 128], strides = [1, 1]} : vector<128x8192xf32> to vector<128x128xf32>
    %gt3A_1481 = arith.cmpf ogt, %slice3A_1480, %select_n3A_1476 : vector<128x128xf32>
    %select_n3A_1482 = arith.select %gt3A_1481, %slice3A_1480, %select_n3A_1476 : vector<128x128xi1>, vector<128x128xf32>
    %jit3A_1483 = arith.constant 4.200000e+01 : f32
    %broadcast_in_dim3A_1484 = vector.broadcast %jit3A_1483 : f32 to vector<128x128xf32>
    %select_n3A_1485 = arith.select %gt3A_1481, %broadcast_in_dim3A_1484, %select_n3A_1479 : vector<128x128xi1>, vector<128x128xf32>
    %slice3A_1486 = vector.extract_strided_slice %slice3A_1230 {offsets = [0, 5504], sizes = [128, 128], strides = [1, 1]} : vector<128x8192xf32> to vector<128x128xf32>
    %gt3A_1487 = arith.cmpf ogt, %slice3A_1486, %select_n3A_1482 : vector<128x128xf32>
    %select_n3A_1488 = arith.select %gt3A_1487, %slice3A_1486, %select_n3A_1482 : vector<128x128xi1>, vector<128x128xf32>
    %jit3A_1489 = arith.constant 4.300000e+01 : f32
    %broadcast_in_dim3A_1490 = vector.broadcast %jit3A_1489 : f32 to vector<128x128xf32>
    %select_n3A_1491 = arith.select %gt3A_1487, %broadcast_in_dim3A_1490, %select_n3A_1485 : vector<128x128xi1>, vector<128x128xf32>
    %slice3A_1492 = vector.extract_strided_slice %slice3A_1230 {offsets = [0, 5632], sizes = [128, 128], strides = [1, 1]} : vector<128x8192xf32> to vector<128x128xf32>
    %gt3A_1493 = arith.cmpf ogt, %slice3A_1492, %select_n3A_1488 : vector<128x128xf32>
    %select_n3A_1494 = arith.select %gt3A_1493, %slice3A_1492, %select_n3A_1488 : vector<128x128xi1>, vector<128x128xf32>
    %jit3A_1495 = arith.constant 4.400000e+01 : f32
    %broadcast_in_dim3A_1496 = vector.broadcast %jit3A_1495 : f32 to vector<128x128xf32>
    %select_n3A_1497 = arith.select %gt3A_1493, %broadcast_in_dim3A_1496, %select_n3A_1491 : vector<128x128xi1>, vector<128x128xf32>
    %slice3A_1498 = vector.extract_strided_slice %slice3A_1230 {offsets = [0, 5760], sizes = [128, 128], strides = [1, 1]} : vector<128x8192xf32> to vector<128x128xf32>
    %gt3A_1499 = arith.cmpf ogt, %slice3A_1498, %select_n3A_1494 : vector<128x128xf32>
    %select_n3A_1500 = arith.select %gt3A_1499, %slice3A_1498, %select_n3A_1494 : vector<128x128xi1>, vector<128x128xf32>
    %jit3A_1501 = arith.constant 4.500000e+01 : f32
    %broadcast_in_dim3A_1502 = vector.broadcast %jit3A_1501 : f32 to vector<128x128xf32>
    %select_n3A_1503 = arith.select %gt3A_1499, %broadcast_in_dim3A_1502, %select_n3A_1497 : vector<128x128xi1>, vector<128x128xf32>
    %slice3A_1504 = vector.extract_strided_slice %slice3A_1230 {offsets = [0, 5888], sizes = [128, 128], strides = [1, 1]} : vector<128x8192xf32> to vector<128x128xf32>
    %gt3A_1505 = arith.cmpf ogt, %slice3A_1504, %select_n3A_1500 : vector<128x128xf32>
    %select_n3A_1506 = arith.select %gt3A_1505, %slice3A_1504, %select_n3A_1500 : vector<128x128xi1>, vector<128x128xf32>
    %jit3A_1507 = arith.constant 4.600000e+01 : f32
    %broadcast_in_dim3A_1508 = vector.broadcast %jit3A_1507 : f32 to vector<128x128xf32>
    %select_n3A_1509 = arith.select %gt3A_1505, %broadcast_in_dim3A_1508, %select_n3A_1503 : vector<128x128xi1>, vector<128x128xf32>
    %slice3A_1510 = vector.extract_strided_slice %slice3A_1230 {offsets = [0, 6016], sizes = [128, 128], strides = [1, 1]} : vector<128x8192xf32> to vector<128x128xf32>
    %gt3A_1511 = arith.cmpf ogt, %slice3A_1510, %select_n3A_1506 : vector<128x128xf32>
    %select_n3A_1512 = arith.select %gt3A_1511, %slice3A_1510, %select_n3A_1506 : vector<128x128xi1>, vector<128x128xf32>
    %jit3A_1513 = arith.constant 4.700000e+01 : f32
    %broadcast_in_dim3A_1514 = vector.broadcast %jit3A_1513 : f32 to vector<128x128xf32>
    %select_n3A_1515 = arith.select %gt3A_1511, %broadcast_in_dim3A_1514, %select_n3A_1509 : vector<128x128xi1>, vector<128x128xf32>
    %slice3A_1516 = vector.extract_strided_slice %slice3A_1230 {offsets = [0, 6144], sizes = [128, 128], strides = [1, 1]} : vector<128x8192xf32> to vector<128x128xf32>
    %gt3A_1517 = arith.cmpf ogt, %slice3A_1516, %select_n3A_1512 : vector<128x128xf32>
    %select_n3A_1518 = arith.select %gt3A_1517, %slice3A_1516, %select_n3A_1512 : vector<128x128xi1>, vector<128x128xf32>
    %jit3A_1519 = arith.constant 4.800000e+01 : f32
    %broadcast_in_dim3A_1520 = vector.broadcast %jit3A_1519 : f32 to vector<128x128xf32>
    %select_n3A_1521 = arith.select %gt3A_1517, %broadcast_in_dim3A_1520, %select_n3A_1515 : vector<128x128xi1>, vector<128x128xf32>
    %slice3A_1522 = vector.extract_strided_slice %slice3A_1230 {offsets = [0, 6272], sizes = [128, 128], strides = [1, 1]} : vector<128x8192xf32> to vector<128x128xf32>
    %gt3A_1523 = arith.cmpf ogt, %slice3A_1522, %select_n3A_1518 : vector<128x128xf32>
    %select_n3A_1524 = arith.select %gt3A_1523, %slice3A_1522, %select_n3A_1518 : vector<128x128xi1>, vector<128x128xf32>
    %jit3A_1525 = arith.constant 4.900000e+01 : f32
    %broadcast_in_dim3A_1526 = vector.broadcast %jit3A_1525 : f32 to vector<128x128xf32>
    %select_n3A_1527 = arith.select %gt3A_1523, %broadcast_in_dim3A_1526, %select_n3A_1521 : vector<128x128xi1>, vector<128x128xf32>
    %slice3A_1528 = vector.extract_strided_slice %slice3A_1230 {offsets = [0, 6400], sizes = [128, 128], strides = [1, 1]} : vector<128x8192xf32> to vector<128x128xf32>
    %gt3A_1529 = arith.cmpf ogt, %slice3A_1528, %select_n3A_1524 : vector<128x128xf32>
    %select_n3A_1530 = arith.select %gt3A_1529, %slice3A_1528, %select_n3A_1524 : vector<128x128xi1>, vector<128x128xf32>
    %jit3A_1531 = arith.constant 5.000000e+01 : f32
    %broadcast_in_dim3A_1532 = vector.broadcast %jit3A_1531 : f32 to vector<128x128xf32>
    %select_n3A_1533 = arith.select %gt3A_1529, %broadcast_in_dim3A_1532, %select_n3A_1527 : vector<128x128xi1>, vector<128x128xf32>
    %slice3A_1534 = vector.extract_strided_slice %slice3A_1230 {offsets = [0, 6528], sizes = [128, 128], strides = [1, 1]} : vector<128x8192xf32> to vector<128x128xf32>
    %gt3A_1535 = arith.cmpf ogt, %slice3A_1534, %select_n3A_1530 : vector<128x128xf32>
    %select_n3A_1536 = arith.select %gt3A_1535, %slice3A_1534, %select_n3A_1530 : vector<128x128xi1>, vector<128x128xf32>
    %jit3A_1537 = arith.constant 5.100000e+01 : f32
    %broadcast_in_dim3A_1538 = vector.broadcast %jit3A_1537 : f32 to vector<128x128xf32>
    %select_n3A_1539 = arith.select %gt3A_1535, %broadcast_in_dim3A_1538, %select_n3A_1533 : vector<128x128xi1>, vector<128x128xf32>
    %slice3A_1540 = vector.extract_strided_slice %slice3A_1230 {offsets = [0, 6656], sizes = [128, 128], strides = [1, 1]} : vector<128x8192xf32> to vector<128x128xf32>
    %gt3A_1541 = arith.cmpf ogt, %slice3A_1540, %select_n3A_1536 : vector<128x128xf32>
    %select_n3A_1542 = arith.select %gt3A_1541, %slice3A_1540, %select_n3A_1536 : vector<128x128xi1>, vector<128x128xf32>
    %jit3A_1543 = arith.constant 5.200000e+01 : f32
    %broadcast_in_dim3A_1544 = vector.broadcast %jit3A_1543 : f32 to vector<128x128xf32>
    %select_n3A_1545 = arith.select %gt3A_1541, %broadcast_in_dim3A_1544, %select_n3A_1539 : vector<128x128xi1>, vector<128x128xf32>
    %slice3A_1546 = vector.extract_strided_slice %slice3A_1230 {offsets = [0, 6784], sizes = [128, 128], strides = [1, 1]} : vector<128x8192xf32> to vector<128x128xf32>
    %gt3A_1547 = arith.cmpf ogt, %slice3A_1546, %select_n3A_1542 : vector<128x128xf32>
    %select_n3A_1548 = arith.select %gt3A_1547, %slice3A_1546, %select_n3A_1542 : vector<128x128xi1>, vector<128x128xf32>
    %jit3A_1549 = arith.constant 5.300000e+01 : f32
    %broadcast_in_dim3A_1550 = vector.broadcast %jit3A_1549 : f32 to vector<128x128xf32>
    %select_n3A_1551 = arith.select %gt3A_1547, %broadcast_in_dim3A_1550, %select_n3A_1545 : vector<128x128xi1>, vector<128x128xf32>
    %slice3A_1552 = vector.extract_strided_slice %slice3A_1230 {offsets = [0, 6912], sizes = [128, 128], strides = [1, 1]} : vector<128x8192xf32> to vector<128x128xf32>
    %gt3A_1553 = arith.cmpf ogt, %slice3A_1552, %select_n3A_1548 : vector<128x128xf32>
    %select_n3A_1554 = arith.select %gt3A_1553, %slice3A_1552, %select_n3A_1548 : vector<128x128xi1>, vector<128x128xf32>
    %jit3A_1555 = arith.constant 5.400000e+01 : f32
    %broadcast_in_dim3A_1556 = vector.broadcast %jit3A_1555 : f32 to vector<128x128xf32>
    %select_n3A_1557 = arith.select %gt3A_1553, %broadcast_in_dim3A_1556, %select_n3A_1551 : vector<128x128xi1>, vector<128x128xf32>
    %slice3A_1558 = vector.extract_strided_slice %slice3A_1230 {offsets = [0, 7040], sizes = [128, 128], strides = [1, 1]} : vector<128x8192xf32> to vector<128x128xf32>
    %gt3A_1559 = arith.cmpf ogt, %slice3A_1558, %select_n3A_1554 : vector<128x128xf32>
    %select_n3A_1560 = arith.select %gt3A_1559, %slice3A_1558, %select_n3A_1554 : vector<128x128xi1>, vector<128x128xf32>
    %jit3A_1561 = arith.constant 5.500000e+01 : f32
    %broadcast_in_dim3A_1562 = vector.broadcast %jit3A_1561 : f32 to vector<128x128xf32>
    %select_n3A_1563 = arith.select %gt3A_1559, %broadcast_in_dim3A_1562, %select_n3A_1557 : vector<128x128xi1>, vector<128x128xf32>
    %slice3A_1564 = vector.extract_strided_slice %slice3A_1230 {offsets = [0, 7168], sizes = [128, 128], strides = [1, 1]} : vector<128x8192xf32> to vector<128x128xf32>
    %gt3A_1565 = arith.cmpf ogt, %slice3A_1564, %select_n3A_1560 : vector<128x128xf32>
    %select_n3A_1566 = arith.select %gt3A_1565, %slice3A_1564, %select_n3A_1560 : vector<128x128xi1>, vector<128x128xf32>
    %jit3A_1567 = arith.constant 5.600000e+01 : f32
    %broadcast_in_dim3A_1568 = vector.broadcast %jit3A_1567 : f32 to vector<128x128xf32>
    %select_n3A_1569 = arith.select %gt3A_1565, %broadcast_in_dim3A_1568, %select_n3A_1563 : vector<128x128xi1>, vector<128x128xf32>
    %slice3A_1570 = vector.extract_strided_slice %slice3A_1230 {offsets = [0, 7296], sizes = [128, 128], strides = [1, 1]} : vector<128x8192xf32> to vector<128x128xf32>
    %gt3A_1571 = arith.cmpf ogt, %slice3A_1570, %select_n3A_1566 : vector<128x128xf32>
    %select_n3A_1572 = arith.select %gt3A_1571, %slice3A_1570, %select_n3A_1566 : vector<128x128xi1>, vector<128x128xf32>
    %jit3A_1573 = arith.constant 5.700000e+01 : f32
    %broadcast_in_dim3A_1574 = vector.broadcast %jit3A_1573 : f32 to vector<128x128xf32>
    %select_n3A_1575 = arith.select %gt3A_1571, %broadcast_in_dim3A_1574, %select_n3A_1569 : vector<128x128xi1>, vector<128x128xf32>
    %slice3A_1576 = vector.extract_strided_slice %slice3A_1230 {offsets = [0, 7424], sizes = [128, 128], strides = [1, 1]} : vector<128x8192xf32> to vector<128x128xf32>
    %gt3A_1577 = arith.cmpf ogt, %slice3A_1576, %select_n3A_1572 : vector<128x128xf32>
    %select_n3A_1578 = arith.select %gt3A_1577, %slice3A_1576, %select_n3A_1572 : vector<128x128xi1>, vector<128x128xf32>
    %jit3A_1579 = arith.constant 5.800000e+01 : f32
    %broadcast_in_dim3A_1580 = vector.broadcast %jit3A_1579 : f32 to vector<128x128xf32>
    %select_n3A_1581 = arith.select %gt3A_1577, %broadcast_in_dim3A_1580, %select_n3A_1575 : vector<128x128xi1>, vector<128x128xf32>
    %slice3A_1582 = vector.extract_strided_slice %slice3A_1230 {offsets = [0, 7552], sizes = [128, 128], strides = [1, 1]} : vector<128x8192xf32> to vector<128x128xf32>
    %gt3A_1583 = arith.cmpf ogt, %slice3A_1582, %select_n3A_1578 : vector<128x128xf32>
    %select_n3A_1584 = arith.select %gt3A_1583, %slice3A_1582, %select_n3A_1578 : vector<128x128xi1>, vector<128x128xf32>
    %jit3A_1585 = arith.constant 5.900000e+01 : f32
    %broadcast_in_dim3A_1586 = vector.broadcast %jit3A_1585 : f32 to vector<128x128xf32>
    %select_n3A_1587 = arith.select %gt3A_1583, %broadcast_in_dim3A_1586, %select_n3A_1581 : vector<128x128xi1>, vector<128x128xf32>
    %slice3A_1588 = vector.extract_strided_slice %slice3A_1230 {offsets = [0, 7680], sizes = [128, 128], strides = [1, 1]} : vector<128x8192xf32> to vector<128x128xf32>
    %gt3A_1589 = arith.cmpf ogt, %slice3A_1588, %select_n3A_1584 : vector<128x128xf32>
    %select_n3A_1590 = arith.select %gt3A_1589, %slice3A_1588, %select_n3A_1584 : vector<128x128xi1>, vector<128x128xf32>
    %jit3A_1591 = arith.constant 6.000000e+01 : f32
    %broadcast_in_dim3A_1592 = vector.broadcast %jit3A_1591 : f32 to vector<128x128xf32>
    %select_n3A_1593 = arith.select %gt3A_1589, %broadcast_in_dim3A_1592, %select_n3A_1587 : vector<128x128xi1>, vector<128x128xf32>
    %slice3A_1594 = vector.extract_strided_slice %slice3A_1230 {offsets = [0, 7808], sizes = [128, 128], strides = [1, 1]} : vector<128x8192xf32> to vector<128x128xf32>
    %gt3A_1595 = arith.cmpf ogt, %slice3A_1594, %select_n3A_1590 : vector<128x128xf32>
    %select_n3A_1596 = arith.select %gt3A_1595, %slice3A_1594, %select_n3A_1590 : vector<128x128xi1>, vector<128x128xf32>
    %jit3A_1597 = arith.constant 6.100000e+01 : f32
    %broadcast_in_dim3A_1598 = vector.broadcast %jit3A_1597 : f32 to vector<128x128xf32>
    %select_n3A_1599 = arith.select %gt3A_1595, %broadcast_in_dim3A_1598, %select_n3A_1593 : vector<128x128xi1>, vector<128x128xf32>
    %slice3A_1600 = vector.extract_strided_slice %slice3A_1230 {offsets = [0, 7936], sizes = [128, 128], strides = [1, 1]} : vector<128x8192xf32> to vector<128x128xf32>
    %gt3A_1601 = arith.cmpf ogt, %slice3A_1600, %select_n3A_1596 : vector<128x128xf32>
    %select_n3A_1602 = arith.select %gt3A_1601, %slice3A_1600, %select_n3A_1596 : vector<128x128xi1>, vector<128x128xf32>
    %jit3A_1603 = arith.constant 6.200000e+01 : f32
    %broadcast_in_dim3A_1604 = vector.broadcast %jit3A_1603 : f32 to vector<128x128xf32>
    %select_n3A_1605 = arith.select %gt3A_1601, %broadcast_in_dim3A_1604, %select_n3A_1599 : vector<128x128xi1>, vector<128x128xf32>
    %slice3A_1606 = vector.extract_strided_slice %slice3A_1230 {offsets = [0, 8064], sizes = [128, 128], strides = [1, 1]} : vector<128x8192xf32> to vector<128x128xf32>
    %gt3A_1607 = arith.cmpf ogt, %slice3A_1606, %select_n3A_1602 : vector<128x128xf32>
    %select_n3A_1608 = arith.select %gt3A_1607, %slice3A_1606, %select_n3A_1602 : vector<128x128xi1>, vector<128x128xf32>
    %jit3A_1609 = arith.constant 6.300000e+01 : f32
    %broadcast_in_dim3A_1610 = vector.broadcast %jit3A_1609 : f32 to vector<128x128xf32>
    %select_n3A_1611 = arith.select %gt3A_1607, %broadcast_in_dim3A_1610, %select_n3A_1605 : vector<128x128xi1>, vector<128x128xf32>
    %reduce_max3A_1612 = arith.constant dense<0xFF800000> : vector<128xf32>
    %reduce_max3A_1613 = vector.multi_reduction <maximumf>, %select_n3A_1608, %reduce_max3A_1612 [1] : vector<128x128xf32> to vector<128xf32>
    %broadcast_in_dim3A_1614 = vector.shape_cast %reduce_max3A_1613 : vector<128xf32> to vector<128x1xf32>
    %eq3A_1615 = vector.broadcast %broadcast_in_dim3A_1614 : vector<128x1xf32> to vector<128x128xf32>
    %eq3A_1616 = arith.cmpf oeq, %select_n3A_1608, %eq3A_1615 : vector<128x128xf32>
    %mul3A_1617 = arith.constant 1.280000e+02 : f32
    %mul3A_1618 = vector.broadcast %mul3A_1617 : f32 to vector<128x128xf32>
    %mul3A_1619 = arith.mulf %select_n3A_1611, %mul3A_1618 : vector<128x128xf32>
    %add3A_1620 = vector.broadcast %get3A_33 : vector<1x128xf32> to vector<128x128xf32>
    %add3A_1621 = arith.addf %mul3A_1619, %add3A_1620 : vector<128x128xf32>
    %jit3A_1622 = arith.constant 3.000000e+38 : f32
    %broadcast_in_dim3A_1623 = vector.broadcast %jit3A_1622 : f32 to vector<128x128xf32>
    %select_n3A_1624 = arith.select %eq3A_1616, %add3A_1621, %broadcast_in_dim3A_1623 : vector<128x128xi1>, vector<128x128xf32>
    %reduce_min3A_1625 = arith.constant dense<0x7F800000> : vector<128xf32>
    %reduce_min3A_1626 = vector.multi_reduction <minimumf>, %select_n3A_1624, %reduce_min3A_1625 [1] : vector<128x128xf32> to vector<128xf32>
    %convert_element_type3A_1627 = arith.fptosi %reduce_min3A_1626 : vector<128xf32> to vector<128xi32>
    %reshape3A_1628 = vector.shape_cast %convert_element_type3A_1627 : vector<128xi32> to vector<1x128xi32>
    %swap3A_1629 = arith.constant 3 : index
    %swap3A_1630 = arith.constant 0 : index
    %swap3A_1631 = vector.load %arg6[%swap3A_1629, %swap3A_1630] : memref<8x128xi32, #tpu.memory_space<vmem>>, vector<1x128xi32>
    tpu.vector_store %arg6[%swap3A_1629, %swap3A_1630], %reshape3A_1628 {strides = array<i32>} : memref<8x128xi32, #tpu.memory_space<vmem>>, vector<1x128xi32>,
    %slice3A_1632 = vector.extract_strided_slice %dot_general3A_30 {offsets = [512, 0], sizes = [128, 8192], strides = [1, 1]} : vector<1024x8192xf32> to vector<128x8192xf32>
    %slice3A_1633 = vector.extract_strided_slice %slice3A_1632 {offsets = [0, 0], sizes = [128, 128], strides = [1, 1]} : vector<128x8192xf32> to vector<128x128xf32>
    %broadcast_in_dim3A_1634 = arith.constant 0.000000e+00 : f32
    %broadcast_in_dim3A_1635 = vector.broadcast %broadcast_in_dim3A_1634 : f32 to vector<128x128xf32>
    %slice3A_1636 = vector.extract_strided_slice %slice3A_1632 {offsets = [0, 128], sizes = [128, 128], strides = [1, 1]} : vector<128x8192xf32> to vector<128x128xf32>
    %gt3A_1637 = arith.cmpf ogt, %slice3A_1636, %slice3A_1633 : vector<128x128xf32>
    %select_n3A_1638 = arith.select %gt3A_1637, %slice3A_1636, %slice3A_1633 : vector<128x128xi1>, vector<128x128xf32>
    %jit3A_1639 = arith.constant 1.000000e+00 : f32
    %broadcast_in_dim3A_1640 = vector.broadcast %jit3A_1639 : f32 to vector<128x128xf32>
    %select_n3A_1641 = arith.select %gt3A_1637, %broadcast_in_dim3A_1640, %broadcast_in_dim3A_1635 : vector<128x128xi1>, vector<128x128xf32>
    %slice3A_1642 = vector.extract_strided_slice %slice3A_1632 {offsets = [0, 256], sizes = [128, 128], strides = [1, 1]} : vector<128x8192xf32> to vector<128x128xf32>
    %gt3A_1643 = arith.cmpf ogt, %slice3A_1642, %select_n3A_1638 : vector<128x128xf32>
    %select_n3A_1644 = arith.select %gt3A_1643, %slice3A_1642, %select_n3A_1638 : vector<128x128xi1>, vector<128x128xf32>
    %jit3A_1645 = arith.constant 2.000000e+00 : f32
    %broadcast_in_dim3A_1646 = vector.broadcast %jit3A_1645 : f32 to vector<128x128xf32>
    %select_n3A_1647 = arith.select %gt3A_1643, %broadcast_in_dim3A_1646, %select_n3A_1641 : vector<128x128xi1>, vector<128x128xf32>
    %slice3A_1648 = vector.extract_strided_slice %slice3A_1632 {offsets = [0, 384], sizes = [128, 128], strides = [1, 1]} : vector<128x8192xf32> to vector<128x128xf32>
    %gt3A_1649 = arith.cmpf ogt, %slice3A_1648, %select_n3A_1644 : vector<128x128xf32>
    %select_n3A_1650 = arith.select %gt3A_1649, %slice3A_1648, %select_n3A_1644 : vector<128x128xi1>, vector<128x128xf32>
    %jit3A_1651 = arith.constant 3.000000e+00 : f32
    %broadcast_in_dim3A_1652 = vector.broadcast %jit3A_1651 : f32 to vector<128x128xf32>
    %select_n3A_1653 = arith.select %gt3A_1649, %broadcast_in_dim3A_1652, %select_n3A_1647 : vector<128x128xi1>, vector<128x128xf32>
    %slice3A_1654 = vector.extract_strided_slice %slice3A_1632 {offsets = [0, 512], sizes = [128, 128], strides = [1, 1]} : vector<128x8192xf32> to vector<128x128xf32>
    %gt3A_1655 = arith.cmpf ogt, %slice3A_1654, %select_n3A_1650 : vector<128x128xf32>
    %select_n3A_1656 = arith.select %gt3A_1655, %slice3A_1654, %select_n3A_1650 : vector<128x128xi1>, vector<128x128xf32>
    %jit3A_1657 = arith.constant 4.000000e+00 : f32
    %broadcast_in_dim3A_1658 = vector.broadcast %jit3A_1657 : f32 to vector<128x128xf32>
    %select_n3A_1659 = arith.select %gt3A_1655, %broadcast_in_dim3A_1658, %select_n3A_1653 : vector<128x128xi1>, vector<128x128xf32>
    %slice3A_1660 = vector.extract_strided_slice %slice3A_1632 {offsets = [0, 640], sizes = [128, 128], strides = [1, 1]} : vector<128x8192xf32> to vector<128x128xf32>
    %gt3A_1661 = arith.cmpf ogt, %slice3A_1660, %select_n3A_1656 : vector<128x128xf32>
    %select_n3A_1662 = arith.select %gt3A_1661, %slice3A_1660, %select_n3A_1656 : vector<128x128xi1>, vector<128x128xf32>
    %jit3A_1663 = arith.constant 5.000000e+00 : f32
    %broadcast_in_dim3A_1664 = vector.broadcast %jit3A_1663 : f32 to vector<128x128xf32>
    %select_n3A_1665 = arith.select %gt3A_1661, %broadcast_in_dim3A_1664, %select_n3A_1659 : vector<128x128xi1>, vector<128x128xf32>
    %slice3A_1666 = vector.extract_strided_slice %slice3A_1632 {offsets = [0, 768], sizes = [128, 128], strides = [1, 1]} : vector<128x8192xf32> to vector<128x128xf32>
    %gt3A_1667 = arith.cmpf ogt, %slice3A_1666, %select_n3A_1662 : vector<128x128xf32>
    %select_n3A_1668 = arith.select %gt3A_1667, %slice3A_1666, %select_n3A_1662 : vector<128x128xi1>, vector<128x128xf32>
    %jit3A_1669 = arith.constant 6.000000e+00 : f32
    %broadcast_in_dim3A_1670 = vector.broadcast %jit3A_1669 : f32 to vector<128x128xf32>
    %select_n3A_1671 = arith.select %gt3A_1667, %broadcast_in_dim3A_1670, %select_n3A_1665 : vector<128x128xi1>, vector<128x128xf32>
    %slice3A_1672 = vector.extract_strided_slice %slice3A_1632 {offsets = [0, 896], sizes = [128, 128], strides = [1, 1]} : vector<128x8192xf32> to vector<128x128xf32>
    %gt3A_1673 = arith.cmpf ogt, %slice3A_1672, %select_n3A_1668 : vector<128x128xf32>
    %select_n3A_1674 = arith.select %gt3A_1673, %slice3A_1672, %select_n3A_1668 : vector<128x128xi1>, vector<128x128xf32>
    %jit3A_1675 = arith.constant 7.000000e+00 : f32
    %broadcast_in_dim3A_1676 = vector.broadcast %jit3A_1675 : f32 to vector<128x128xf32>
    %select_n3A_1677 = arith.select %gt3A_1673, %broadcast_in_dim3A_1676, %select_n3A_1671 : vector<128x128xi1>, vector<128x128xf32>
    %slice3A_1678 = vector.extract_strided_slice %slice3A_1632 {offsets = [0, 1024], sizes = [128, 128], strides = [1, 1]} : vector<128x8192xf32> to vector<128x128xf32>
    %gt3A_1679 = arith.cmpf ogt, %slice3A_1678, %select_n3A_1674 : vector<128x128xf32>
    %select_n3A_1680 = arith.select %gt3A_1679, %slice3A_1678, %select_n3A_1674 : vector<128x128xi1>, vector<128x128xf32>
    %jit3A_1681 = arith.constant 8.000000e+00 : f32
    %broadcast_in_dim3A_1682 = vector.broadcast %jit3A_1681 : f32 to vector<128x128xf32>
    %select_n3A_1683 = arith.select %gt3A_1679, %broadcast_in_dim3A_1682, %select_n3A_1677 : vector<128x128xi1>, vector<128x128xf32>
    %slice3A_1684 = vector.extract_strided_slice %slice3A_1632 {offsets = [0, 1152], sizes = [128, 128], strides = [1, 1]} : vector<128x8192xf32> to vector<128x128xf32>
    %gt3A_1685 = arith.cmpf ogt, %slice3A_1684, %select_n3A_1680 : vector<128x128xf32>
    %select_n3A_1686 = arith.select %gt3A_1685, %slice3A_1684, %select_n3A_1680 : vector<128x128xi1>, vector<128x128xf32>
    %jit3A_1687 = arith.constant 9.000000e+00 : f32
    %broadcast_in_dim3A_1688 = vector.broadcast %jit3A_1687 : f32 to vector<128x128xf32>
    %select_n3A_1689 = arith.select %gt3A_1685, %broadcast_in_dim3A_1688, %select_n3A_1683 : vector<128x128xi1>, vector<128x128xf32>
    %slice3A_1690 = vector.extract_strided_slice %slice3A_1632 {offsets = [0, 1280], sizes = [128, 128], strides = [1, 1]} : vector<128x8192xf32> to vector<128x128xf32>
    %gt3A_1691 = arith.cmpf ogt, %slice3A_1690, %select_n3A_1686 : vector<128x128xf32>
    %select_n3A_1692 = arith.select %gt3A_1691, %slice3A_1690, %select_n3A_1686 : vector<128x128xi1>, vector<128x128xf32>
    %jit3A_1693 = arith.constant 1.000000e+01 : f32
    %broadcast_in_dim3A_1694 = vector.broadcast %jit3A_1693 : f32 to vector<128x128xf32>
    %select_n3A_1695 = arith.select %gt3A_1691, %broadcast_in_dim3A_1694, %select_n3A_1689 : vector<128x128xi1>, vector<128x128xf32>
    %slice3A_1696 = vector.extract_strided_slice %slice3A_1632 {offsets = [0, 1408], sizes = [128, 128], strides = [1, 1]} : vector<128x8192xf32> to vector<128x128xf32>
    %gt3A_1697 = arith.cmpf ogt, %slice3A_1696, %select_n3A_1692 : vector<128x128xf32>
    %select_n3A_1698 = arith.select %gt3A_1697, %slice3A_1696, %select_n3A_1692 : vector<128x128xi1>, vector<128x128xf32>
    %jit3A_1699 = arith.constant 1.100000e+01 : f32
    %broadcast_in_dim3A_1700 = vector.broadcast %jit3A_1699 : f32 to vector<128x128xf32>
    %select_n3A_1701 = arith.select %gt3A_1697, %broadcast_in_dim3A_1700, %select_n3A_1695 : vector<128x128xi1>, vector<128x128xf32>
    %slice3A_1702 = vector.extract_strided_slice %slice3A_1632 {offsets = [0, 1536], sizes = [128, 128], strides = [1, 1]} : vector<128x8192xf32> to vector<128x128xf32>
    %gt3A_1703 = arith.cmpf ogt, %slice3A_1702, %select_n3A_1698 : vector<128x128xf32>
    %select_n3A_1704 = arith.select %gt3A_1703, %slice3A_1702, %select_n3A_1698 : vector<128x128xi1>, vector<128x128xf32>
    %jit3A_1705 = arith.constant 1.200000e+01 : f32
    %broadcast_in_dim3A_1706 = vector.broadcast %jit3A_1705 : f32 to vector<128x128xf32>
    %select_n3A_1707 = arith.select %gt3A_1703, %broadcast_in_dim3A_1706, %select_n3A_1701 : vector<128x128xi1>, vector<128x128xf32>
    %slice3A_1708 = vector.extract_strided_slice %slice3A_1632 {offsets = [0, 1664], sizes = [128, 128], strides = [1, 1]} : vector<128x8192xf32> to vector<128x128xf32>
    %gt3A_1709 = arith.cmpf ogt, %slice3A_1708, %select_n3A_1704 : vector<128x128xf32>
    %select_n3A_1710 = arith.select %gt3A_1709, %slice3A_1708, %select_n3A_1704 : vector<128x128xi1>, vector<128x128xf32>
    %jit3A_1711 = arith.constant 1.300000e+01 : f32
    %broadcast_in_dim3A_1712 = vector.broadcast %jit3A_1711 : f32 to vector<128x128xf32>
    %select_n3A_1713 = arith.select %gt3A_1709, %broadcast_in_dim3A_1712, %select_n3A_1707 : vector<128x128xi1>, vector<128x128xf32>
    %slice3A_1714 = vector.extract_strided_slice %slice3A_1632 {offsets = [0, 1792], sizes = [128, 128], strides = [1, 1]} : vector<128x8192xf32> to vector<128x128xf32>
    %gt3A_1715 = arith.cmpf ogt, %slice3A_1714, %select_n3A_1710 : vector<128x128xf32>
    %select_n3A_1716 = arith.select %gt3A_1715, %slice3A_1714, %select_n3A_1710 : vector<128x128xi1>, vector<128x128xf32>
    %jit3A_1717 = arith.constant 1.400000e+01 : f32
    %broadcast_in_dim3A_1718 = vector.broadcast %jit3A_1717 : f32 to vector<128x128xf32>
    %select_n3A_1719 = arith.select %gt3A_1715, %broadcast_in_dim3A_1718, %select_n3A_1713 : vector<128x128xi1>, vector<128x128xf32>
    %slice3A_1720 = vector.extract_strided_slice %slice3A_1632 {offsets = [0, 1920], sizes = [128, 128], strides = [1, 1]} : vector<128x8192xf32> to vector<128x128xf32>
    %gt3A_1721 = arith.cmpf ogt, %slice3A_1720, %select_n3A_1716 : vector<128x128xf32>
    %select_n3A_1722 = arith.select %gt3A_1721, %slice3A_1720, %select_n3A_1716 : vector<128x128xi1>, vector<128x128xf32>
    %jit3A_1723 = arith.constant 1.500000e+01 : f32
    %broadcast_in_dim3A_1724 = vector.broadcast %jit3A_1723 : f32 to vector<128x128xf32>
    %select_n3A_1725 = arith.select %gt3A_1721, %broadcast_in_dim3A_1724, %select_n3A_1719 : vector<128x128xi1>, vector<128x128xf32>
    %slice3A_1726 = vector.extract_strided_slice %slice3A_1632 {offsets = [0, 2048], sizes = [128, 128], strides = [1, 1]} : vector<128x8192xf32> to vector<128x128xf32>
    %gt3A_1727 = arith.cmpf ogt, %slice3A_1726, %select_n3A_1722 : vector<128x128xf32>
    %select_n3A_1728 = arith.select %gt3A_1727, %slice3A_1726, %select_n3A_1722 : vector<128x128xi1>, vector<128x128xf32>
    %jit3A_1729 = arith.constant 1.600000e+01 : f32
    %broadcast_in_dim3A_1730 = vector.broadcast %jit3A_1729 : f32 to vector<128x128xf32>
    %select_n3A_1731 = arith.select %gt3A_1727, %broadcast_in_dim3A_1730, %select_n3A_1725 : vector<128x128xi1>, vector<128x128xf32>
    %slice3A_1732 = vector.extract_strided_slice %slice3A_1632 {offsets = [0, 2176], sizes = [128, 128], strides = [1, 1]} : vector<128x8192xf32> to vector<128x128xf32>
    %gt3A_1733 = arith.cmpf ogt, %slice3A_1732, %select_n3A_1728 : vector<128x128xf32>
    %select_n3A_1734 = arith.select %gt3A_1733, %slice3A_1732, %select_n3A_1728 : vector<128x128xi1>, vector<128x128xf32>
    %jit3A_1735 = arith.constant 1.700000e+01 : f32
    %broadcast_in_dim3A_1736 = vector.broadcast %jit3A_1735 : f32 to vector<128x128xf32>
    %select_n3A_1737 = arith.select %gt3A_1733, %broadcast_in_dim3A_1736, %select_n3A_1731 : vector<128x128xi1>, vector<128x128xf32>
    %slice3A_1738 = vector.extract_strided_slice %slice3A_1632 {offsets = [0, 2304], sizes = [128, 128], strides = [1, 1]} : vector<128x8192xf32> to vector<128x128xf32>
    %gt3A_1739 = arith.cmpf ogt, %slice3A_1738, %select_n3A_1734 : vector<128x128xf32>
    %select_n3A_1740 = arith.select %gt3A_1739, %slice3A_1738, %select_n3A_1734 : vector<128x128xi1>, vector<128x128xf32>
    %jit3A_1741 = arith.constant 1.800000e+01 : f32
    %broadcast_in_dim3A_1742 = vector.broadcast %jit3A_1741 : f32 to vector<128x128xf32>
    %select_n3A_1743 = arith.select %gt3A_1739, %broadcast_in_dim3A_1742, %select_n3A_1737 : vector<128x128xi1>, vector<128x128xf32>
    %slice3A_1744 = vector.extract_strided_slice %slice3A_1632 {offsets = [0, 2432], sizes = [128, 128], strides = [1, 1]} : vector<128x8192xf32> to vector<128x128xf32>
    %gt3A_1745 = arith.cmpf ogt, %slice3A_1744, %select_n3A_1740 : vector<128x128xf32>
    %select_n3A_1746 = arith.select %gt3A_1745, %slice3A_1744, %select_n3A_1740 : vector<128x128xi1>, vector<128x128xf32>
    %jit3A_1747 = arith.constant 1.900000e+01 : f32
    %broadcast_in_dim3A_1748 = vector.broadcast %jit3A_1747 : f32 to vector<128x128xf32>
    %select_n3A_1749 = arith.select %gt3A_1745, %broadcast_in_dim3A_1748, %select_n3A_1743 : vector<128x128xi1>, vector<128x128xf32>
    %slice3A_1750 = vector.extract_strided_slice %slice3A_1632 {offsets = [0, 2560], sizes = [128, 128], strides = [1, 1]} : vector<128x8192xf32> to vector<128x128xf32>
    %gt3A_1751 = arith.cmpf ogt, %slice3A_1750, %select_n3A_1746 : vector<128x128xf32>
    %select_n3A_1752 = arith.select %gt3A_1751, %slice3A_1750, %select_n3A_1746 : vector<128x128xi1>, vector<128x128xf32>
    %jit3A_1753 = arith.constant 2.000000e+01 : f32
    %broadcast_in_dim3A_1754 = vector.broadcast %jit3A_1753 : f32 to vector<128x128xf32>
    %select_n3A_1755 = arith.select %gt3A_1751, %broadcast_in_dim3A_1754, %select_n3A_1749 : vector<128x128xi1>, vector<128x128xf32>
    %slice3A_1756 = vector.extract_strided_slice %slice3A_1632 {offsets = [0, 2688], sizes = [128, 128], strides = [1, 1]} : vector<128x8192xf32> to vector<128x128xf32>
    %gt3A_1757 = arith.cmpf ogt, %slice3A_1756, %select_n3A_1752 : vector<128x128xf32>
    %select_n3A_1758 = arith.select %gt3A_1757, %slice3A_1756, %select_n3A_1752 : vector<128x128xi1>, vector<128x128xf32>
    %jit3A_1759 = arith.constant 2.100000e+01 : f32
    %broadcast_in_dim3A_1760 = vector.broadcast %jit3A_1759 : f32 to vector<128x128xf32>
    %select_n3A_1761 = arith.select %gt3A_1757, %broadcast_in_dim3A_1760, %select_n3A_1755 : vector<128x128xi1>, vector<128x128xf32>
    %slice3A_1762 = vector.extract_strided_slice %slice3A_1632 {offsets = [0, 2816], sizes = [128, 128], strides = [1, 1]} : vector<128x8192xf32> to vector<128x128xf32>
    %gt3A_1763 = arith.cmpf ogt, %slice3A_1762, %select_n3A_1758 : vector<128x128xf32>
    %select_n3A_1764 = arith.select %gt3A_1763, %slice3A_1762, %select_n3A_1758 : vector<128x128xi1>, vector<128x128xf32>
    %jit3A_1765 = arith.constant 2.200000e+01 : f32
    %broadcast_in_dim3A_1766 = vector.broadcast %jit3A_1765 : f32 to vector<128x128xf32>
    %select_n3A_1767 = arith.select %gt3A_1763, %broadcast_in_dim3A_1766, %select_n3A_1761 : vector<128x128xi1>, vector<128x128xf32>
    %slice3A_1768 = vector.extract_strided_slice %slice3A_1632 {offsets = [0, 2944], sizes = [128, 128], strides = [1, 1]} : vector<128x8192xf32> to vector<128x128xf32>
    %gt3A_1769 = arith.cmpf ogt, %slice3A_1768, %select_n3A_1764 : vector<128x128xf32>
    %select_n3A_1770 = arith.select %gt3A_1769, %slice3A_1768, %select_n3A_1764 : vector<128x128xi1>, vector<128x128xf32>
    %jit3A_1771 = arith.constant 2.300000e+01 : f32
    %broadcast_in_dim3A_1772 = vector.broadcast %jit3A_1771 : f32 to vector<128x128xf32>
    %select_n3A_1773 = arith.select %gt3A_1769, %broadcast_in_dim3A_1772, %select_n3A_1767 : vector<128x128xi1>, vector<128x128xf32>
    %slice3A_1774 = vector.extract_strided_slice %slice3A_1632 {offsets = [0, 3072], sizes = [128, 128], strides = [1, 1]} : vector<128x8192xf32> to vector<128x128xf32>
    %gt3A_1775 = arith.cmpf ogt, %slice3A_1774, %select_n3A_1770 : vector<128x128xf32>
    %select_n3A_1776 = arith.select %gt3A_1775, %slice3A_1774, %select_n3A_1770 : vector<128x128xi1>, vector<128x128xf32>
    %jit3A_1777 = arith.constant 2.400000e+01 : f32
    %broadcast_in_dim3A_1778 = vector.broadcast %jit3A_1777 : f32 to vector<128x128xf32>
    %select_n3A_1779 = arith.select %gt3A_1775, %broadcast_in_dim3A_1778, %select_n3A_1773 : vector<128x128xi1>, vector<128x128xf32>
    %slice3A_1780 = vector.extract_strided_slice %slice3A_1632 {offsets = [0, 3200], sizes = [128, 128], strides = [1, 1]} : vector<128x8192xf32> to vector<128x128xf32>
    %gt3A_1781 = arith.cmpf ogt, %slice3A_1780, %select_n3A_1776 : vector<128x128xf32>
    %select_n3A_1782 = arith.select %gt3A_1781, %slice3A_1780, %select_n3A_1776 : vector<128x128xi1>, vector<128x128xf32>
    %jit3A_1783 = arith.constant 2.500000e+01 : f32
    %broadcast_in_dim3A_1784 = vector.broadcast %jit3A_1783 : f32 to vector<128x128xf32>
    %select_n3A_1785 = arith.select %gt3A_1781, %broadcast_in_dim3A_1784, %select_n3A_1779 : vector<128x128xi1>, vector<128x128xf32>
    %slice3A_1786 = vector.extract_strided_slice %slice3A_1632 {offsets = [0, 3328], sizes = [128, 128], strides = [1, 1]} : vector<128x8192xf32> to vector<128x128xf32>
    %gt3A_1787 = arith.cmpf ogt, %slice3A_1786, %select_n3A_1782 : vector<128x128xf32>
    %select_n3A_1788 = arith.select %gt3A_1787, %slice3A_1786, %select_n3A_1782 : vector<128x128xi1>, vector<128x128xf32>
    %jit3A_1789 = arith.constant 2.600000e+01 : f32
    %broadcast_in_dim3A_1790 = vector.broadcast %jit3A_1789 : f32 to vector<128x128xf32>
    %select_n3A_1791 = arith.select %gt3A_1787, %broadcast_in_dim3A_1790, %select_n3A_1785 : vector<128x128xi1>, vector<128x128xf32>
    %slice3A_1792 = vector.extract_strided_slice %slice3A_1632 {offsets = [0, 3456], sizes = [128, 128], strides = [1, 1]} : vector<128x8192xf32> to vector<128x128xf32>
    %gt3A_1793 = arith.cmpf ogt, %slice3A_1792, %select_n3A_1788 : vector<128x128xf32>
    %select_n3A_1794 = arith.select %gt3A_1793, %slice3A_1792, %select_n3A_1788 : vector<128x128xi1>, vector<128x128xf32>
    %jit3A_1795 = arith.constant 2.700000e+01 : f32
    %broadcast_in_dim3A_1796 = vector.broadcast %jit3A_1795 : f32 to vector<128x128xf32>
    %select_n3A_1797 = arith.select %gt3A_1793, %broadcast_in_dim3A_1796, %select_n3A_1791 : vector<128x128xi1>, vector<128x128xf32>
    %slice3A_1798 = vector.extract_strided_slice %slice3A_1632 {offsets = [0, 3584], sizes = [128, 128], strides = [1, 1]} : vector<128x8192xf32> to vector<128x128xf32>
    %gt3A_1799 = arith.cmpf ogt, %slice3A_1798, %select_n3A_1794 : vector<128x128xf32>
    %select_n3A_1800 = arith.select %gt3A_1799, %slice3A_1798, %select_n3A_1794 : vector<128x128xi1>, vector<128x128xf32>
    %jit3A_1801 = arith.constant 2.800000e+01 : f32
    %broadcast_in_dim3A_1802 = vector.broadcast %jit3A_1801 : f32 to vector<128x128xf32>
    %select_n3A_1803 = arith.select %gt3A_1799, %broadcast_in_dim3A_1802, %select_n3A_1797 : vector<128x128xi1>, vector<128x128xf32>
    %slice3A_1804 = vector.extract_strided_slice %slice3A_1632 {offsets = [0, 3712], sizes = [128, 128], strides = [1, 1]} : vector<128x8192xf32> to vector<128x128xf32>
    %gt3A_1805 = arith.cmpf ogt, %slice3A_1804, %select_n3A_1800 : vector<128x128xf32>
    %select_n3A_1806 = arith.select %gt3A_1805, %slice3A_1804, %select_n3A_1800 : vector<128x128xi1>, vector<128x128xf32>
    %jit3A_1807 = arith.constant 2.900000e+01 : f32
    %broadcast_in_dim3A_1808 = vector.broadcast %jit3A_1807 : f32 to vector<128x128xf32>
    %select_n3A_1809 = arith.select %gt3A_1805, %broadcast_in_dim3A_1808, %select_n3A_1803 : vector<128x128xi1>, vector<128x128xf32>
    %slice3A_1810 = vector.extract_strided_slice %slice3A_1632 {offsets = [0, 3840], sizes = [128, 128], strides = [1, 1]} : vector<128x8192xf32> to vector<128x128xf32>
    %gt3A_1811 = arith.cmpf ogt, %slice3A_1810, %select_n3A_1806 : vector<128x128xf32>
    %select_n3A_1812 = arith.select %gt3A_1811, %slice3A_1810, %select_n3A_1806 : vector<128x128xi1>, vector<128x128xf32>
    %jit3A_1813 = arith.constant 3.000000e+01 : f32
    %broadcast_in_dim3A_1814 = vector.broadcast %jit3A_1813 : f32 to vector<128x128xf32>
    %select_n3A_1815 = arith.select %gt3A_1811, %broadcast_in_dim3A_1814, %select_n3A_1809 : vector<128x128xi1>, vector<128x128xf32>
    %slice3A_1816 = vector.extract_strided_slice %slice3A_1632 {offsets = [0, 3968], sizes = [128, 128], strides = [1, 1]} : vector<128x8192xf32> to vector<128x128xf32>
    %gt3A_1817 = arith.cmpf ogt, %slice3A_1816, %select_n3A_1812 : vector<128x128xf32>
    %select_n3A_1818 = arith.select %gt3A_1817, %slice3A_1816, %select_n3A_1812 : vector<128x128xi1>, vector<128x128xf32>
    %jit3A_1819 = arith.constant 3.100000e+01 : f32
    %broadcast_in_dim3A_1820 = vector.broadcast %jit3A_1819 : f32 to vector<128x128xf32>
    %select_n3A_1821 = arith.select %gt3A_1817, %broadcast_in_dim3A_1820, %select_n3A_1815 : vector<128x128xi1>, vector<128x128xf32>
    %slice3A_1822 = vector.extract_strided_slice %slice3A_1632 {offsets = [0, 4096], sizes = [128, 128], strides = [1, 1]} : vector<128x8192xf32> to vector<128x128xf32>
    %gt3A_1823 = arith.cmpf ogt, %slice3A_1822, %select_n3A_1818 : vector<128x128xf32>
    %select_n3A_1824 = arith.select %gt3A_1823, %slice3A_1822, %select_n3A_1818 : vector<128x128xi1>, vector<128x128xf32>
    %jit3A_1825 = arith.constant 3.200000e+01 : f32
    %broadcast_in_dim3A_1826 = vector.broadcast %jit3A_1825 : f32 to vector<128x128xf32>
    %select_n3A_1827 = arith.select %gt3A_1823, %broadcast_in_dim3A_1826, %select_n3A_1821 : vector<128x128xi1>, vector<128x128xf32>
    %slice3A_1828 = vector.extract_strided_slice %slice3A_1632 {offsets = [0, 4224], sizes = [128, 128], strides = [1, 1]} : vector<128x8192xf32> to vector<128x128xf32>
    %gt3A_1829 = arith.cmpf ogt, %slice3A_1828, %select_n3A_1824 : vector<128x128xf32>
    %select_n3A_1830 = arith.select %gt3A_1829, %slice3A_1828, %select_n3A_1824 : vector<128x128xi1>, vector<128x128xf32>
    %jit3A_1831 = arith.constant 3.300000e+01 : f32
    %broadcast_in_dim3A_1832 = vector.broadcast %jit3A_1831 : f32 to vector<128x128xf32>
    %select_n3A_1833 = arith.select %gt3A_1829, %broadcast_in_dim3A_1832, %select_n3A_1827 : vector<128x128xi1>, vector<128x128xf32>
    %slice3A_1834 = vector.extract_strided_slice %slice3A_1632 {offsets = [0, 4352], sizes = [128, 128], strides = [1, 1]} : vector<128x8192xf32> to vector<128x128xf32>
    %gt3A_1835 = arith.cmpf ogt, %slice3A_1834, %select_n3A_1830 : vector<128x128xf32>
    %select_n3A_1836 = arith.select %gt3A_1835, %slice3A_1834, %select_n3A_1830 : vector<128x128xi1>, vector<128x128xf32>
    %jit3A_1837 = arith.constant 3.400000e+01 : f32
    %broadcast_in_dim3A_1838 = vector.broadcast %jit3A_1837 : f32 to vector<128x128xf32>
    %select_n3A_1839 = arith.select %gt3A_1835, %broadcast_in_dim3A_1838, %select_n3A_1833 : vector<128x128xi1>, vector<128x128xf32>
    %slice3A_1840 = vector.extract_strided_slice %slice3A_1632 {offsets = [0, 4480], sizes = [128, 128], strides = [1, 1]} : vector<128x8192xf32> to vector<128x128xf32>
    %gt3A_1841 = arith.cmpf ogt, %slice3A_1840, %select_n3A_1836 : vector<128x128xf32>
    %select_n3A_1842 = arith.select %gt3A_1841, %slice3A_1840, %select_n3A_1836 : vector<128x128xi1>, vector<128x128xf32>
    %jit3A_1843 = arith.constant 3.500000e+01 : f32
    %broadcast_in_dim3A_1844 = vector.broadcast %jit3A_1843 : f32 to vector<128x128xf32>
    %select_n3A_1845 = arith.select %gt3A_1841, %broadcast_in_dim3A_1844, %select_n3A_1839 : vector<128x128xi1>, vector<128x128xf32>
    %slice3A_1846 = vector.extract_strided_slice %slice3A_1632 {offsets = [0, 4608], sizes = [128, 128], strides = [1, 1]} : vector<128x8192xf32> to vector<128x128xf32>
    %gt3A_1847 = arith.cmpf ogt, %slice3A_1846, %select_n3A_1842 : vector<128x128xf32>
    %select_n3A_1848 = arith.select %gt3A_1847, %slice3A_1846, %select_n3A_1842 : vector<128x128xi1>, vector<128x128xf32>
    %jit3A_1849 = arith.constant 3.600000e+01 : f32
    %broadcast_in_dim3A_1850 = vector.broadcast %jit3A_1849 : f32 to vector<128x128xf32>
    %select_n3A_1851 = arith.select %gt3A_1847, %broadcast_in_dim3A_1850, %select_n3A_1845 : vector<128x128xi1>, vector<128x128xf32>
    %slice3A_1852 = vector.extract_strided_slice %slice3A_1632 {offsets = [0, 4736], sizes = [128, 128], strides = [1, 1]} : vector<128x8192xf32> to vector<128x128xf32>
    %gt3A_1853 = arith.cmpf ogt, %slice3A_1852, %select_n3A_1848 : vector<128x128xf32>
    %select_n3A_1854 = arith.select %gt3A_1853, %slice3A_1852, %select_n3A_1848 : vector<128x128xi1>, vector<128x128xf32>
    %jit3A_1855 = arith.constant 3.700000e+01 : f32
    %broadcast_in_dim3A_1856 = vector.broadcast %jit3A_1855 : f32 to vector<128x128xf32>
    %select_n3A_1857 = arith.select %gt3A_1853, %broadcast_in_dim3A_1856, %select_n3A_1851 : vector<128x128xi1>, vector<128x128xf32>
    %slice3A_1858 = vector.extract_strided_slice %slice3A_1632 {offsets = [0, 4864], sizes = [128, 128], strides = [1, 1]} : vector<128x8192xf32> to vector<128x128xf32>
    %gt3A_1859 = arith.cmpf ogt, %slice3A_1858, %select_n3A_1854 : vector<128x128xf32>
    %select_n3A_1860 = arith.select %gt3A_1859, %slice3A_1858, %select_n3A_1854 : vector<128x128xi1>, vector<128x128xf32>
    %jit3A_1861 = arith.constant 3.800000e+01 : f32
    %broadcast_in_dim3A_1862 = vector.broadcast %jit3A_1861 : f32 to vector<128x128xf32>
    %select_n3A_1863 = arith.select %gt3A_1859, %broadcast_in_dim3A_1862, %select_n3A_1857 : vector<128x128xi1>, vector<128x128xf32>
    %slice3A_1864 = vector.extract_strided_slice %slice3A_1632 {offsets = [0, 4992], sizes = [128, 128], strides = [1, 1]} : vector<128x8192xf32> to vector<128x128xf32>
    %gt3A_1865 = arith.cmpf ogt, %slice3A_1864, %select_n3A_1860 : vector<128x128xf32>
    %select_n3A_1866 = arith.select %gt3A_1865, %slice3A_1864, %select_n3A_1860 : vector<128x128xi1>, vector<128x128xf32>
    %jit3A_1867 = arith.constant 3.900000e+01 : f32
    %broadcast_in_dim3A_1868 = vector.broadcast %jit3A_1867 : f32 to vector<128x128xf32>
    %select_n3A_1869 = arith.select %gt3A_1865, %broadcast_in_dim3A_1868, %select_n3A_1863 : vector<128x128xi1>, vector<128x128xf32>
    %slice3A_1870 = vector.extract_strided_slice %slice3A_1632 {offsets = [0, 5120], sizes = [128, 128], strides = [1, 1]} : vector<128x8192xf32> to vector<128x128xf32>
    %gt3A_1871 = arith.cmpf ogt, %slice3A_1870, %select_n3A_1866 : vector<128x128xf32>
    %select_n3A_1872 = arith.select %gt3A_1871, %slice3A_1870, %select_n3A_1866 : vector<128x128xi1>, vector<128x128xf32>
    %jit3A_1873 = arith.constant 4.000000e+01 : f32
    %broadcast_in_dim3A_1874 = vector.broadcast %jit3A_1873 : f32 to vector<128x128xf32>
    %select_n3A_1875 = arith.select %gt3A_1871, %broadcast_in_dim3A_1874, %select_n3A_1869 : vector<128x128xi1>, vector<128x128xf32>
    %slice3A_1876 = vector.extract_strided_slice %slice3A_1632 {offsets = [0, 5248], sizes = [128, 128], strides = [1, 1]} : vector<128x8192xf32> to vector<128x128xf32>
    %gt3A_1877 = arith.cmpf ogt, %slice3A_1876, %select_n3A_1872 : vector<128x128xf32>
    %select_n3A_1878 = arith.select %gt3A_1877, %slice3A_1876, %select_n3A_1872 : vector<128x128xi1>, vector<128x128xf32>
    %jit3A_1879 = arith.constant 4.100000e+01 : f32
    %broadcast_in_dim3A_1880 = vector.broadcast %jit3A_1879 : f32 to vector<128x128xf32>
    %select_n3A_1881 = arith.select %gt3A_1877, %broadcast_in_dim3A_1880, %select_n3A_1875 : vector<128x128xi1>, vector<128x128xf32>
    %slice3A_1882 = vector.extract_strided_slice %slice3A_1632 {offsets = [0, 5376], sizes = [128, 128], strides = [1, 1]} : vector<128x8192xf32> to vector<128x128xf32>
    %gt3A_1883 = arith.cmpf ogt, %slice3A_1882, %select_n3A_1878 : vector<128x128xf32>
    %select_n3A_1884 = arith.select %gt3A_1883, %slice3A_1882, %select_n3A_1878 : vector<128x128xi1>, vector<128x128xf32>
    %jit3A_1885 = arith.constant 4.200000e+01 : f32
    %broadcast_in_dim3A_1886 = vector.broadcast %jit3A_1885 : f32 to vector<128x128xf32>
    %select_n3A_1887 = arith.select %gt3A_1883, %broadcast_in_dim3A_1886, %select_n3A_1881 : vector<128x128xi1>, vector<128x128xf32>
    %slice3A_1888 = vector.extract_strided_slice %slice3A_1632 {offsets = [0, 5504], sizes = [128, 128], strides = [1, 1]} : vector<128x8192xf32> to vector<128x128xf32>
    %gt3A_1889 = arith.cmpf ogt, %slice3A_1888, %select_n3A_1884 : vector<128x128xf32>
    %select_n3A_1890 = arith.select %gt3A_1889, %slice3A_1888, %select_n3A_1884 : vector<128x128xi1>, vector<128x128xf32>
    %jit3A_1891 = arith.constant 4.300000e+01 : f32
    %broadcast_in_dim3A_1892 = vector.broadcast %jit3A_1891 : f32 to vector<128x128xf32>
    %select_n3A_1893 = arith.select %gt3A_1889, %broadcast_in_dim3A_1892, %select_n3A_1887 : vector<128x128xi1>, vector<128x128xf32>
    %slice3A_1894 = vector.extract_strided_slice %slice3A_1632 {offsets = [0, 5632], sizes = [128, 128], strides = [1, 1]} : vector<128x8192xf32> to vector<128x128xf32>
    %gt3A_1895 = arith.cmpf ogt, %slice3A_1894, %select_n3A_1890 : vector<128x128xf32>
    %select_n3A_1896 = arith.select %gt3A_1895, %slice3A_1894, %select_n3A_1890 : vector<128x128xi1>, vector<128x128xf32>
    %jit3A_1897 = arith.constant 4.400000e+01 : f32
    %broadcast_in_dim3A_1898 = vector.broadcast %jit3A_1897 : f32 to vector<128x128xf32>
    %select_n3A_1899 = arith.select %gt3A_1895, %broadcast_in_dim3A_1898, %select_n3A_1893 : vector<128x128xi1>, vector<128x128xf32>
    %slice3A_1900 = vector.extract_strided_slice %slice3A_1632 {offsets = [0, 5760], sizes = [128, 128], strides = [1, 1]} : vector<128x8192xf32> to vector<128x128xf32>
    %gt3A_1901 = arith.cmpf ogt, %slice3A_1900, %select_n3A_1896 : vector<128x128xf32>
    %select_n3A_1902 = arith.select %gt3A_1901, %slice3A_1900, %select_n3A_1896 : vector<128x128xi1>, vector<128x128xf32>
    %jit3A_1903 = arith.constant 4.500000e+01 : f32
    %broadcast_in_dim3A_1904 = vector.broadcast %jit3A_1903 : f32 to vector<128x128xf32>
    %select_n3A_1905 = arith.select %gt3A_1901, %broadcast_in_dim3A_1904, %select_n3A_1899 : vector<128x128xi1>, vector<128x128xf32>
    %slice3A_1906 = vector.extract_strided_slice %slice3A_1632 {offsets = [0, 5888], sizes = [128, 128], strides = [1, 1]} : vector<128x8192xf32> to vector<128x128xf32>
    %gt3A_1907 = arith.cmpf ogt, %slice3A_1906, %select_n3A_1902 : vector<128x128xf32>
    %select_n3A_1908 = arith.select %gt3A_1907, %slice3A_1906, %select_n3A_1902 : vector<128x128xi1>, vector<128x128xf32>
    %jit3A_1909 = arith.constant 4.600000e+01 : f32
    %broadcast_in_dim3A_1910 = vector.broadcast %jit3A_1909 : f32 to vector<128x128xf32>
    %select_n3A_1911 = arith.select %gt3A_1907, %broadcast_in_dim3A_1910, %select_n3A_1905 : vector<128x128xi1>, vector<128x128xf32>
    %slice3A_1912 = vector.extract_strided_slice %slice3A_1632 {offsets = [0, 6016], sizes = [128, 128], strides = [1, 1]} : vector<128x8192xf32> to vector<128x128xf32>
    %gt3A_1913 = arith.cmpf ogt, %slice3A_1912, %select_n3A_1908 : vector<128x128xf32>
    %select_n3A_1914 = arith.select %gt3A_1913, %slice3A_1912, %select_n3A_1908 : vector<128x128xi1>, vector<128x128xf32>
    %jit3A_1915 = arith.constant 4.700000e+01 : f32
    %broadcast_in_dim3A_1916 = vector.broadcast %jit3A_1915 : f32 to vector<128x128xf32>
    %select_n3A_1917 = arith.select %gt3A_1913, %broadcast_in_dim3A_1916, %select_n3A_1911 : vector<128x128xi1>, vector<128x128xf32>
    %slice3A_1918 = vector.extract_strided_slice %slice3A_1632 {offsets = [0, 6144], sizes = [128, 128], strides = [1, 1]} : vector<128x8192xf32> to vector<128x128xf32>
    %gt3A_1919 = arith.cmpf ogt, %slice3A_1918, %select_n3A_1914 : vector<128x128xf32>
    %select_n3A_1920 = arith.select %gt3A_1919, %slice3A_1918, %select_n3A_1914 : vector<128x128xi1>, vector<128x128xf32>
    %jit3A_1921 = arith.constant 4.800000e+01 : f32
    %broadcast_in_dim3A_1922 = vector.broadcast %jit3A_1921 : f32 to vector<128x128xf32>
    %select_n3A_1923 = arith.select %gt3A_1919, %broadcast_in_dim3A_1922, %select_n3A_1917 : vector<128x128xi1>, vector<128x128xf32>
    %slice3A_1924 = vector.extract_strided_slice %slice3A_1632 {offsets = [0, 6272], sizes = [128, 128], strides = [1, 1]} : vector<128x8192xf32> to vector<128x128xf32>
    %gt3A_1925 = arith.cmpf ogt, %slice3A_1924, %select_n3A_1920 : vector<128x128xf32>
    %select_n3A_1926 = arith.select %gt3A_1925, %slice3A_1924, %select_n3A_1920 : vector<128x128xi1>, vector<128x128xf32>
    %jit3A_1927 = arith.constant 4.900000e+01 : f32
    %broadcast_in_dim3A_1928 = vector.broadcast %jit3A_1927 : f32 to vector<128x128xf32>
    %select_n3A_1929 = arith.select %gt3A_1925, %broadcast_in_dim3A_1928, %select_n3A_1923 : vector<128x128xi1>, vector<128x128xf32>
    %slice3A_1930 = vector.extract_strided_slice %slice3A_1632 {offsets = [0, 6400], sizes = [128, 128], strides = [1, 1]} : vector<128x8192xf32> to vector<128x128xf32>
    %gt3A_1931 = arith.cmpf ogt, %slice3A_1930, %select_n3A_1926 : vector<128x128xf32>
    %select_n3A_1932 = arith.select %gt3A_1931, %slice3A_1930, %select_n3A_1926 : vector<128x128xi1>, vector<128x128xf32>
    %jit3A_1933 = arith.constant 5.000000e+01 : f32
    %broadcast_in_dim3A_1934 = vector.broadcast %jit3A_1933 : f32 to vector<128x128xf32>
    %select_n3A_1935 = arith.select %gt3A_1931, %broadcast_in_dim3A_1934, %select_n3A_1929 : vector<128x128xi1>, vector<128x128xf32>
    %slice3A_1936 = vector.extract_strided_slice %slice3A_1632 {offsets = [0, 6528], sizes = [128, 128], strides = [1, 1]} : vector<128x8192xf32> to vector<128x128xf32>
    %gt3A_1937 = arith.cmpf ogt, %slice3A_1936, %select_n3A_1932 : vector<128x128xf32>
    %select_n3A_1938 = arith.select %gt3A_1937, %slice3A_1936, %select_n3A_1932 : vector<128x128xi1>, vector<128x128xf32>
    %jit3A_1939 = arith.constant 5.100000e+01 : f32
    %broadcast_in_dim3A_1940 = vector.broadcast %jit3A_1939 : f32 to vector<128x128xf32>
    %select_n3A_1941 = arith.select %gt3A_1937, %broadcast_in_dim3A_1940, %select_n3A_1935 : vector<128x128xi1>, vector<128x128xf32>
    %slice3A_1942 = vector.extract_strided_slice %slice3A_1632 {offsets = [0, 6656], sizes = [128, 128], strides = [1, 1]} : vector<128x8192xf32> to vector<128x128xf32>
    %gt3A_1943 = arith.cmpf ogt, %slice3A_1942, %select_n3A_1938 : vector<128x128xf32>
    %select_n3A_1944 = arith.select %gt3A_1943, %slice3A_1942, %select_n3A_1938 : vector<128x128xi1>, vector<128x128xf32>
    %jit3A_1945 = arith.constant 5.200000e+01 : f32
    %broadcast_in_dim3A_1946 = vector.broadcast %jit3A_1945 : f32 to vector<128x128xf32>
    %select_n3A_1947 = arith.select %gt3A_1943, %broadcast_in_dim3A_1946, %select_n3A_1941 : vector<128x128xi1>, vector<128x128xf32>
    %slice3A_1948 = vector.extract_strided_slice %slice3A_1632 {offsets = [0, 6784], sizes = [128, 128], strides = [1, 1]} : vector<128x8192xf32> to vector<128x128xf32>
    %gt3A_1949 = arith.cmpf ogt, %slice3A_1948, %select_n3A_1944 : vector<128x128xf32>
    %select_n3A_1950 = arith.select %gt3A_1949, %slice3A_1948, %select_n3A_1944 : vector<128x128xi1>, vector<128x128xf32>
    %jit3A_1951 = arith.constant 5.300000e+01 : f32
    %broadcast_in_dim3A_1952 = vector.broadcast %jit3A_1951 : f32 to vector<128x128xf32>
    %select_n3A_1953 = arith.select %gt3A_1949, %broadcast_in_dim3A_1952, %select_n3A_1947 : vector<128x128xi1>, vector<128x128xf32>
    %slice3A_1954 = vector.extract_strided_slice %slice3A_1632 {offsets = [0, 6912], sizes = [128, 128], strides = [1, 1]} : vector<128x8192xf32> to vector<128x128xf32>
    %gt3A_1955 = arith.cmpf ogt, %slice3A_1954, %select_n3A_1950 : vector<128x128xf32>
    %select_n3A_1956 = arith.select %gt3A_1955, %slice3A_1954, %select_n3A_1950 : vector<128x128xi1>, vector<128x128xf32>
    %jit3A_1957 = arith.constant 5.400000e+01 : f32
    %broadcast_in_dim3A_1958 = vector.broadcast %jit3A_1957 : f32 to vector<128x128xf32>
    %select_n3A_1959 = arith.select %gt3A_1955, %broadcast_in_dim3A_1958, %select_n3A_1953 : vector<128x128xi1>, vector<128x128xf32>
    %slice3A_1960 = vector.extract_strided_slice %slice3A_1632 {offsets = [0, 7040], sizes = [128, 128], strides = [1, 1]} : vector<128x8192xf32> to vector<128x128xf32>
    %gt3A_1961 = arith.cmpf ogt, %slice3A_1960, %select_n3A_1956 : vector<128x128xf32>
    %select_n3A_1962 = arith.select %gt3A_1961, %slice3A_1960, %select_n3A_1956 : vector<128x128xi1>, vector<128x128xf32>
    %jit3A_1963 = arith.constant 5.500000e+01 : f32
    %broadcast_in_dim3A_1964 = vector.broadcast %jit3A_1963 : f32 to vector<128x128xf32>
    %select_n3A_1965 = arith.select %gt3A_1961, %broadcast_in_dim3A_1964, %select_n3A_1959 : vector<128x128xi1>, vector<128x128xf32>
    %slice3A_1966 = vector.extract_strided_slice %slice3A_1632 {offsets = [0, 7168], sizes = [128, 128], strides = [1, 1]} : vector<128x8192xf32> to vector<128x128xf32>
    %gt3A_1967 = arith.cmpf ogt, %slice3A_1966, %select_n3A_1962 : vector<128x128xf32>
    %select_n3A_1968 = arith.select %gt3A_1967, %slice3A_1966, %select_n3A_1962 : vector<128x128xi1>, vector<128x128xf32>
    %jit3A_1969 = arith.constant 5.600000e+01 : f32
    %broadcast_in_dim3A_1970 = vector.broadcast %jit3A_1969 : f32 to vector<128x128xf32>
    %select_n3A_1971 = arith.select %gt3A_1967, %broadcast_in_dim3A_1970, %select_n3A_1965 : vector<128x128xi1>, vector<128x128xf32>
    %slice3A_1972 = vector.extract_strided_slice %slice3A_1632 {offsets = [0, 7296], sizes = [128, 128], strides = [1, 1]} : vector<128x8192xf32> to vector<128x128xf32>
    %gt3A_1973 = arith.cmpf ogt, %slice3A_1972, %select_n3A_1968 : vector<128x128xf32>
    %select_n3A_1974 = arith.select %gt3A_1973, %slice3A_1972, %select_n3A_1968 : vector<128x128xi1>, vector<128x128xf32>
    %jit3A_1975 = arith.constant 5.700000e+01 : f32
    %broadcast_in_dim3A_1976 = vector.broadcast %jit3A_1975 : f32 to vector<128x128xf32>
    %select_n3A_1977 = arith.select %gt3A_1973, %broadcast_in_dim3A_1976, %select_n3A_1971 : vector<128x128xi1>, vector<128x128xf32>
    %slice3A_1978 = vector.extract_strided_slice %slice3A_1632 {offsets = [0, 7424], sizes = [128, 128], strides = [1, 1]} : vector<128x8192xf32> to vector<128x128xf32>
    %gt3A_1979 = arith.cmpf ogt, %slice3A_1978, %select_n3A_1974 : vector<128x128xf32>
    %select_n3A_1980 = arith.select %gt3A_1979, %slice3A_1978, %select_n3A_1974 : vector<128x128xi1>, vector<128x128xf32>
    %jit3A_1981 = arith.constant 5.800000e+01 : f32
    %broadcast_in_dim3A_1982 = vector.broadcast %jit3A_1981 : f32 to vector<128x128xf32>
    %select_n3A_1983 = arith.select %gt3A_1979, %broadcast_in_dim3A_1982, %select_n3A_1977 : vector<128x128xi1>, vector<128x128xf32>
    %slice3A_1984 = vector.extract_strided_slice %slice3A_1632 {offsets = [0, 7552], sizes = [128, 128], strides = [1, 1]} : vector<128x8192xf32> to vector<128x128xf32>
    %gt3A_1985 = arith.cmpf ogt, %slice3A_1984, %select_n3A_1980 : vector<128x128xf32>
    %select_n3A_1986 = arith.select %gt3A_1985, %slice3A_1984, %select_n3A_1980 : vector<128x128xi1>, vector<128x128xf32>
    %jit3A_1987 = arith.constant 5.900000e+01 : f32
    %broadcast_in_dim3A_1988 = vector.broadcast %jit3A_1987 : f32 to vector<128x128xf32>
    %select_n3A_1989 = arith.select %gt3A_1985, %broadcast_in_dim3A_1988, %select_n3A_1983 : vector<128x128xi1>, vector<128x128xf32>
    %slice3A_1990 = vector.extract_strided_slice %slice3A_1632 {offsets = [0, 7680], sizes = [128, 128], strides = [1, 1]} : vector<128x8192xf32> to vector<128x128xf32>
    %gt3A_1991 = arith.cmpf ogt, %slice3A_1990, %select_n3A_1986 : vector<128x128xf32>
    %select_n3A_1992 = arith.select %gt3A_1991, %slice3A_1990, %select_n3A_1986 : vector<128x128xi1>, vector<128x128xf32>
    %jit3A_1993 = arith.constant 6.000000e+01 : f32
    %broadcast_in_dim3A_1994 = vector.broadcast %jit3A_1993 : f32 to vector<128x128xf32>
    %select_n3A_1995 = arith.select %gt3A_1991, %broadcast_in_dim3A_1994, %select_n3A_1989 : vector<128x128xi1>, vector<128x128xf32>
    %slice3A_1996 = vector.extract_strided_slice %slice3A_1632 {offsets = [0, 7808], sizes = [128, 128], strides = [1, 1]} : vector<128x8192xf32> to vector<128x128xf32>
    %gt3A_1997 = arith.cmpf ogt, %slice3A_1996, %select_n3A_1992 : vector<128x128xf32>
    %select_n3A_1998 = arith.select %gt3A_1997, %slice3A_1996, %select_n3A_1992 : vector<128x128xi1>, vector<128x128xf32>
    %jit3A_1999 = arith.constant 6.100000e+01 : f32
    %broadcast_in_dim3A_2000 = vector.broadcast %jit3A_1999 : f32 to vector<128x128xf32>
    %select_n3A_2001 = arith.select %gt3A_1997, %broadcast_in_dim3A_2000, %select_n3A_1995 : vector<128x128xi1>, vector<128x128xf32>
    %slice3A_2002 = vector.extract_strided_slice %slice3A_1632 {offsets = [0, 7936], sizes = [128, 128], strides = [1, 1]} : vector<128x8192xf32> to vector<128x128xf32>
    %gt3A_2003 = arith.cmpf ogt, %slice3A_2002, %select_n3A_1998 : vector<128x128xf32>
    %select_n3A_2004 = arith.select %gt3A_2003, %slice3A_2002, %select_n3A_1998 : vector<128x128xi1>, vector<128x128xf32>
    %jit3A_2005 = arith.constant 6.200000e+01 : f32
    %broadcast_in_dim3A_2006 = vector.broadcast %jit3A_2005 : f32 to vector<128x128xf32>
    %select_n3A_2007 = arith.select %gt3A_2003, %broadcast_in_dim3A_2006, %select_n3A_2001 : vector<128x128xi1>, vector<128x128xf32>
    %slice3A_2008 = vector.extract_strided_slice %slice3A_1632 {offsets = [0, 8064], sizes = [128, 128], strides = [1, 1]} : vector<128x8192xf32> to vector<128x128xf32>
    %gt3A_2009 = arith.cmpf ogt, %slice3A_2008, %select_n3A_2004 : vector<128x128xf32>
    %select_n3A_2010 = arith.select %gt3A_2009, %slice3A_2008, %select_n3A_2004 : vector<128x128xi1>, vector<128x128xf32>
    %jit3A_2011 = arith.constant 6.300000e+01 : f32
    %broadcast_in_dim3A_2012 = vector.broadcast %jit3A_2011 : f32 to vector<128x128xf32>
    %select_n3A_2013 = arith.select %gt3A_2009, %broadcast_in_dim3A_2012, %select_n3A_2007 : vector<128x128xi1>, vector<128x128xf32>
    %reduce_max3A_2014 = arith.constant dense<0xFF800000> : vector<128xf32>
    %reduce_max3A_2015 = vector.multi_reduction <maximumf>, %select_n3A_2010, %reduce_max3A_2014 [1] : vector<128x128xf32> to vector<128xf32>
    %broadcast_in_dim3A_2016 = vector.shape_cast %reduce_max3A_2015 : vector<128xf32> to vector<128x1xf32>
    %eq3A_2017 = vector.broadcast %broadcast_in_dim3A_2016 : vector<128x1xf32> to vector<128x128xf32>
    %eq3A_2018 = arith.cmpf oeq, %select_n3A_2010, %eq3A_2017 : vector<128x128xf32>
    %mul3A_2019 = arith.constant 1.280000e+02 : f32
    %mul3A_2020 = vector.broadcast %mul3A_2019 : f32 to vector<128x128xf32>
    %mul3A_2021 = arith.mulf %select_n3A_2013, %mul3A_2020 : vector<128x128xf32>
    %add3A_2022 = vector.broadcast %get3A_33 : vector<1x128xf32> to vector<128x128xf32>
    %add3A_2023 = arith.addf %mul3A_2021, %add3A_2022 : vector<128x128xf32>
    %jit3A_2024 = arith.constant 3.000000e+38 : f32
    %broadcast_in_dim3A_2025 = vector.broadcast %jit3A_2024 : f32 to vector<128x128xf32>
    %select_n3A_2026 = arith.select %eq3A_2018, %add3A_2023, %broadcast_in_dim3A_2025 : vector<128x128xi1>, vector<128x128xf32>
    %reduce_min3A_2027 = arith.constant dense<0x7F800000> : vector<128xf32>
    %reduce_min3A_2028 = vector.multi_reduction <minimumf>, %select_n3A_2026, %reduce_min3A_2027 [1] : vector<128x128xf32> to vector<128xf32>
    %convert_element_type3A_2029 = arith.fptosi %reduce_min3A_2028 : vector<128xf32> to vector<128xi32>
    %reshape3A_2030 = vector.shape_cast %convert_element_type3A_2029 : vector<128xi32> to vector<1x128xi32>
    %swap3A_2031 = arith.constant 4 : index
    %swap3A_2032 = arith.constant 0 : index
    %swap3A_2033 = vector.load %arg6[%swap3A_2031, %swap3A_2032] : memref<8x128xi32, #tpu.memory_space<vmem>>, vector<1x128xi32>
    tpu.vector_store %arg6[%swap3A_2031, %swap3A_2032], %reshape3A_2030 {strides = array<i32>} : memref<8x128xi32, #tpu.memory_space<vmem>>, vector<1x128xi32>,
    %slice3A_2034 = vector.extract_strided_slice %dot_general3A_30 {offsets = [640, 0], sizes = [128, 8192], strides = [1, 1]} : vector<1024x8192xf32> to vector<128x8192xf32>
    %slice3A_2035 = vector.extract_strided_slice %slice3A_2034 {offsets = [0, 0], sizes = [128, 128], strides = [1, 1]} : vector<128x8192xf32> to vector<128x128xf32>
    %broadcast_in_dim3A_2036 = arith.constant 0.000000e+00 : f32
    %broadcast_in_dim3A_2037 = vector.broadcast %broadcast_in_dim3A_2036 : f32 to vector<128x128xf32>
    %slice3A_2038 = vector.extract_strided_slice %slice3A_2034 {offsets = [0, 128], sizes = [128, 128], strides = [1, 1]} : vector<128x8192xf32> to vector<128x128xf32>
    %gt3A_2039 = arith.cmpf ogt, %slice3A_2038, %slice3A_2035 : vector<128x128xf32>
    %select_n3A_2040 = arith.select %gt3A_2039, %slice3A_2038, %slice3A_2035 : vector<128x128xi1>, vector<128x128xf32>
    %jit3A_2041 = arith.constant 1.000000e+00 : f32
    %broadcast_in_dim3A_2042 = vector.broadcast %jit3A_2041 : f32 to vector<128x128xf32>
    %select_n3A_2043 = arith.select %gt3A_2039, %broadcast_in_dim3A_2042, %broadcast_in_dim3A_2037 : vector<128x128xi1>, vector<128x128xf32>
    %slice3A_2044 = vector.extract_strided_slice %slice3A_2034 {offsets = [0, 256], sizes = [128, 128], strides = [1, 1]} : vector<128x8192xf32> to vector<128x128xf32>
    %gt3A_2045 = arith.cmpf ogt, %slice3A_2044, %select_n3A_2040 : vector<128x128xf32>
    %select_n3A_2046 = arith.select %gt3A_2045, %slice3A_2044, %select_n3A_2040 : vector<128x128xi1>, vector<128x128xf32>
    %jit3A_2047 = arith.constant 2.000000e+00 : f32
    %broadcast_in_dim3A_2048 = vector.broadcast %jit3A_2047 : f32 to vector<128x128xf32>
    %select_n3A_2049 = arith.select %gt3A_2045, %broadcast_in_dim3A_2048, %select_n3A_2043 : vector<128x128xi1>, vector<128x128xf32>
    %slice3A_2050 = vector.extract_strided_slice %slice3A_2034 {offsets = [0, 384], sizes = [128, 128], strides = [1, 1]} : vector<128x8192xf32> to vector<128x128xf32>
    %gt3A_2051 = arith.cmpf ogt, %slice3A_2050, %select_n3A_2046 : vector<128x128xf32>
    %select_n3A_2052 = arith.select %gt3A_2051, %slice3A_2050, %select_n3A_2046 : vector<128x128xi1>, vector<128x128xf32>
    %jit3A_2053 = arith.constant 3.000000e+00 : f32
    %broadcast_in_dim3A_2054 = vector.broadcast %jit3A_2053 : f32 to vector<128x128xf32>
    %select_n3A_2055 = arith.select %gt3A_2051, %broadcast_in_dim3A_2054, %select_n3A_2049 : vector<128x128xi1>, vector<128x128xf32>
    %slice3A_2056 = vector.extract_strided_slice %slice3A_2034 {offsets = [0, 512], sizes = [128, 128], strides = [1, 1]} : vector<128x8192xf32> to vector<128x128xf32>
    %gt3A_2057 = arith.cmpf ogt, %slice3A_2056, %select_n3A_2052 : vector<128x128xf32>
    %select_n3A_2058 = arith.select %gt3A_2057, %slice3A_2056, %select_n3A_2052 : vector<128x128xi1>, vector<128x128xf32>
    %jit3A_2059 = arith.constant 4.000000e+00 : f32
    %broadcast_in_dim3A_2060 = vector.broadcast %jit3A_2059 : f32 to vector<128x128xf32>
    %select_n3A_2061 = arith.select %gt3A_2057, %broadcast_in_dim3A_2060, %select_n3A_2055 : vector<128x128xi1>, vector<128x128xf32>
    %slice3A_2062 = vector.extract_strided_slice %slice3A_2034 {offsets = [0, 640], sizes = [128, 128], strides = [1, 1]} : vector<128x8192xf32> to vector<128x128xf32>
    %gt3A_2063 = arith.cmpf ogt, %slice3A_2062, %select_n3A_2058 : vector<128x128xf32>
    %select_n3A_2064 = arith.select %gt3A_2063, %slice3A_2062, %select_n3A_2058 : vector<128x128xi1>, vector<128x128xf32>
    %jit3A_2065 = arith.constant 5.000000e+00 : f32
    %broadcast_in_dim3A_2066 = vector.broadcast %jit3A_2065 : f32 to vector<128x128xf32>
    %select_n3A_2067 = arith.select %gt3A_2063, %broadcast_in_dim3A_2066, %select_n3A_2061 : vector<128x128xi1>, vector<128x128xf32>
    %slice3A_2068 = vector.extract_strided_slice %slice3A_2034 {offsets = [0, 768], sizes = [128, 128], strides = [1, 1]} : vector<128x8192xf32> to vector<128x128xf32>
    %gt3A_2069 = arith.cmpf ogt, %slice3A_2068, %select_n3A_2064 : vector<128x128xf32>
    %select_n3A_2070 = arith.select %gt3A_2069, %slice3A_2068, %select_n3A_2064 : vector<128x128xi1>, vector<128x128xf32>
    %jit3A_2071 = arith.constant 6.000000e+00 : f32
    %broadcast_in_dim3A_2072 = vector.broadcast %jit3A_2071 : f32 to vector<128x128xf32>
    %select_n3A_2073 = arith.select %gt3A_2069, %broadcast_in_dim3A_2072, %select_n3A_2067 : vector<128x128xi1>, vector<128x128xf32>
    %slice3A_2074 = vector.extract_strided_slice %slice3A_2034 {offsets = [0, 896], sizes = [128, 128], strides = [1, 1]} : vector<128x8192xf32> to vector<128x128xf32>
    %gt3A_2075 = arith.cmpf ogt, %slice3A_2074, %select_n3A_2070 : vector<128x128xf32>
    %select_n3A_2076 = arith.select %gt3A_2075, %slice3A_2074, %select_n3A_2070 : vector<128x128xi1>, vector<128x128xf32>
    %jit3A_2077 = arith.constant 7.000000e+00 : f32
    %broadcast_in_dim3A_2078 = vector.broadcast %jit3A_2077 : f32 to vector<128x128xf32>
    %select_n3A_2079 = arith.select %gt3A_2075, %broadcast_in_dim3A_2078, %select_n3A_2073 : vector<128x128xi1>, vector<128x128xf32>
    %slice3A_2080 = vector.extract_strided_slice %slice3A_2034 {offsets = [0, 1024], sizes = [128, 128], strides = [1, 1]} : vector<128x8192xf32> to vector<128x128xf32>
    %gt3A_2081 = arith.cmpf ogt, %slice3A_2080, %select_n3A_2076 : vector<128x128xf32>
    %select_n3A_2082 = arith.select %gt3A_2081, %slice3A_2080, %select_n3A_2076 : vector<128x128xi1>, vector<128x128xf32>
    %jit3A_2083 = arith.constant 8.000000e+00 : f32
    %broadcast_in_dim3A_2084 = vector.broadcast %jit3A_2083 : f32 to vector<128x128xf32>
    %select_n3A_2085 = arith.select %gt3A_2081, %broadcast_in_dim3A_2084, %select_n3A_2079 : vector<128x128xi1>, vector<128x128xf32>
    %slice3A_2086 = vector.extract_strided_slice %slice3A_2034 {offsets = [0, 1152], sizes = [128, 128], strides = [1, 1]} : vector<128x8192xf32> to vector<128x128xf32>
    %gt3A_2087 = arith.cmpf ogt, %slice3A_2086, %select_n3A_2082 : vector<128x128xf32>
    %select_n3A_2088 = arith.select %gt3A_2087, %slice3A_2086, %select_n3A_2082 : vector<128x128xi1>, vector<128x128xf32>
    %jit3A_2089 = arith.constant 9.000000e+00 : f32
    %broadcast_in_dim3A_2090 = vector.broadcast %jit3A_2089 : f32 to vector<128x128xf32>
    %select_n3A_2091 = arith.select %gt3A_2087, %broadcast_in_dim3A_2090, %select_n3A_2085 : vector<128x128xi1>, vector<128x128xf32>
    %slice3A_2092 = vector.extract_strided_slice %slice3A_2034 {offsets = [0, 1280], sizes = [128, 128], strides = [1, 1]} : vector<128x8192xf32> to vector<128x128xf32>
    %gt3A_2093 = arith.cmpf ogt, %slice3A_2092, %select_n3A_2088 : vector<128x128xf32>
    %select_n3A_2094 = arith.select %gt3A_2093, %slice3A_2092, %select_n3A_2088 : vector<128x128xi1>, vector<128x128xf32>
    %jit3A_2095 = arith.constant 1.000000e+01 : f32
    %broadcast_in_dim3A_2096 = vector.broadcast %jit3A_2095 : f32 to vector<128x128xf32>
    %select_n3A_2097 = arith.select %gt3A_2093, %broadcast_in_dim3A_2096, %select_n3A_2091 : vector<128x128xi1>, vector<128x128xf32>
    %slice3A_2098 = vector.extract_strided_slice %slice3A_2034 {offsets = [0, 1408], sizes = [128, 128], strides = [1, 1]} : vector<128x8192xf32> to vector<128x128xf32>
    %gt3A_2099 = arith.cmpf ogt, %slice3A_2098, %select_n3A_2094 : vector<128x128xf32>
    %select_n3A_2100 = arith.select %gt3A_2099, %slice3A_2098, %select_n3A_2094 : vector<128x128xi1>, vector<128x128xf32>
    %jit3A_2101 = arith.constant 1.100000e+01 : f32
    %broadcast_in_dim3A_2102 = vector.broadcast %jit3A_2101 : f32 to vector<128x128xf32>
    %select_n3A_2103 = arith.select %gt3A_2099, %broadcast_in_dim3A_2102, %select_n3A_2097 : vector<128x128xi1>, vector<128x128xf32>
    %slice3A_2104 = vector.extract_strided_slice %slice3A_2034 {offsets = [0, 1536], sizes = [128, 128], strides = [1, 1]} : vector<128x8192xf32> to vector<128x128xf32>
    %gt3A_2105 = arith.cmpf ogt, %slice3A_2104, %select_n3A_2100 : vector<128x128xf32>
    %select_n3A_2106 = arith.select %gt3A_2105, %slice3A_2104, %select_n3A_2100 : vector<128x128xi1>, vector<128x128xf32>
    %jit3A_2107 = arith.constant 1.200000e+01 : f32
    %broadcast_in_dim3A_2108 = vector.broadcast %jit3A_2107 : f32 to vector<128x128xf32>
    %select_n3A_2109 = arith.select %gt3A_2105, %broadcast_in_dim3A_2108, %select_n3A_2103 : vector<128x128xi1>, vector<128x128xf32>
    %slice3A_2110 = vector.extract_strided_slice %slice3A_2034 {offsets = [0, 1664], sizes = [128, 128], strides = [1, 1]} : vector<128x8192xf32> to vector<128x128xf32>
    %gt3A_2111 = arith.cmpf ogt, %slice3A_2110, %select_n3A_2106 : vector<128x128xf32>
    %select_n3A_2112 = arith.select %gt3A_2111, %slice3A_2110, %select_n3A_2106 : vector<128x128xi1>, vector<128x128xf32>
    %jit3A_2113 = arith.constant 1.300000e+01 : f32
    %broadcast_in_dim3A_2114 = vector.broadcast %jit3A_2113 : f32 to vector<128x128xf32>
    %select_n3A_2115 = arith.select %gt3A_2111, %broadcast_in_dim3A_2114, %select_n3A_2109 : vector<128x128xi1>, vector<128x128xf32>
    %slice3A_2116 = vector.extract_strided_slice %slice3A_2034 {offsets = [0, 1792], sizes = [128, 128], strides = [1, 1]} : vector<128x8192xf32> to vector<128x128xf32>
    %gt3A_2117 = arith.cmpf ogt, %slice3A_2116, %select_n3A_2112 : vector<128x128xf32>
    %select_n3A_2118 = arith.select %gt3A_2117, %slice3A_2116, %select_n3A_2112 : vector<128x128xi1>, vector<128x128xf32>
    %jit3A_2119 = arith.constant 1.400000e+01 : f32
    %broadcast_in_dim3A_2120 = vector.broadcast %jit3A_2119 : f32 to vector<128x128xf32>
    %select_n3A_2121 = arith.select %gt3A_2117, %broadcast_in_dim3A_2120, %select_n3A_2115 : vector<128x128xi1>, vector<128x128xf32>
    %slice3A_2122 = vector.extract_strided_slice %slice3A_2034 {offsets = [0, 1920], sizes = [128, 128], strides = [1, 1]} : vector<128x8192xf32> to vector<128x128xf32>
    %gt3A_2123 = arith.cmpf ogt, %slice3A_2122, %select_n3A_2118 : vector<128x128xf32>
    %select_n3A_2124 = arith.select %gt3A_2123, %slice3A_2122, %select_n3A_2118 : vector<128x128xi1>, vector<128x128xf32>
    %jit3A_2125 = arith.constant 1.500000e+01 : f32
    %broadcast_in_dim3A_2126 = vector.broadcast %jit3A_2125 : f32 to vector<128x128xf32>
    %select_n3A_2127 = arith.select %gt3A_2123, %broadcast_in_dim3A_2126, %select_n3A_2121 : vector<128x128xi1>, vector<128x128xf32>
    %slice3A_2128 = vector.extract_strided_slice %slice3A_2034 {offsets = [0, 2048], sizes = [128, 128], strides = [1, 1]} : vector<128x8192xf32> to vector<128x128xf32>
    %gt3A_2129 = arith.cmpf ogt, %slice3A_2128, %select_n3A_2124 : vector<128x128xf32>
    %select_n3A_2130 = arith.select %gt3A_2129, %slice3A_2128, %select_n3A_2124 : vector<128x128xi1>, vector<128x128xf32>
    %jit3A_2131 = arith.constant 1.600000e+01 : f32
    %broadcast_in_dim3A_2132 = vector.broadcast %jit3A_2131 : f32 to vector<128x128xf32>
    %select_n3A_2133 = arith.select %gt3A_2129, %broadcast_in_dim3A_2132, %select_n3A_2127 : vector<128x128xi1>, vector<128x128xf32>
    %slice3A_2134 = vector.extract_strided_slice %slice3A_2034 {offsets = [0, 2176], sizes = [128, 128], strides = [1, 1]} : vector<128x8192xf32> to vector<128x128xf32>
    %gt3A_2135 = arith.cmpf ogt, %slice3A_2134, %select_n3A_2130 : vector<128x128xf32>
    %select_n3A_2136 = arith.select %gt3A_2135, %slice3A_2134, %select_n3A_2130 : vector<128x128xi1>, vector<128x128xf32>
    %jit3A_2137 = arith.constant 1.700000e+01 : f32
    %broadcast_in_dim3A_2138 = vector.broadcast %jit3A_2137 : f32 to vector<128x128xf32>
    %select_n3A_2139 = arith.select %gt3A_2135, %broadcast_in_dim3A_2138, %select_n3A_2133 : vector<128x128xi1>, vector<128x128xf32>
    %slice3A_2140 = vector.extract_strided_slice %slice3A_2034 {offsets = [0, 2304], sizes = [128, 128], strides = [1, 1]} : vector<128x8192xf32> to vector<128x128xf32>
    %gt3A_2141 = arith.cmpf ogt, %slice3A_2140, %select_n3A_2136 : vector<128x128xf32>
    %select_n3A_2142 = arith.select %gt3A_2141, %slice3A_2140, %select_n3A_2136 : vector<128x128xi1>, vector<128x128xf32>
    %jit3A_2143 = arith.constant 1.800000e+01 : f32
    %broadcast_in_dim3A_2144 = vector.broadcast %jit3A_2143 : f32 to vector<128x128xf32>
    %select_n3A_2145 = arith.select %gt3A_2141, %broadcast_in_dim3A_2144, %select_n3A_2139 : vector<128x128xi1>, vector<128x128xf32>
    %slice3A_2146 = vector.extract_strided_slice %slice3A_2034 {offsets = [0, 2432], sizes = [128, 128], strides = [1, 1]} : vector<128x8192xf32> to vector<128x128xf32>
    %gt3A_2147 = arith.cmpf ogt, %slice3A_2146, %select_n3A_2142 : vector<128x128xf32>
    %select_n3A_2148 = arith.select %gt3A_2147, %slice3A_2146, %select_n3A_2142 : vector<128x128xi1>, vector<128x128xf32>
    %jit3A_2149 = arith.constant 1.900000e+01 : f32
    %broadcast_in_dim3A_2150 = vector.broadcast %jit3A_2149 : f32 to vector<128x128xf32>
    %select_n3A_2151 = arith.select %gt3A_2147, %broadcast_in_dim3A_2150, %select_n3A_2145 : vector<128x128xi1>, vector<128x128xf32>
    %slice3A_2152 = vector.extract_strided_slice %slice3A_2034 {offsets = [0, 2560], sizes = [128, 128], strides = [1, 1]} : vector<128x8192xf32> to vector<128x128xf32>
    %gt3A_2153 = arith.cmpf ogt, %slice3A_2152, %select_n3A_2148 : vector<128x128xf32>
    %select_n3A_2154 = arith.select %gt3A_2153, %slice3A_2152, %select_n3A_2148 : vector<128x128xi1>, vector<128x128xf32>
    %jit3A_2155 = arith.constant 2.000000e+01 : f32
    %broadcast_in_dim3A_2156 = vector.broadcast %jit3A_2155 : f32 to vector<128x128xf32>
    %select_n3A_2157 = arith.select %gt3A_2153, %broadcast_in_dim3A_2156, %select_n3A_2151 : vector<128x128xi1>, vector<128x128xf32>
    %slice3A_2158 = vector.extract_strided_slice %slice3A_2034 {offsets = [0, 2688], sizes = [128, 128], strides = [1, 1]} : vector<128x8192xf32> to vector<128x128xf32>
    %gt3A_2159 = arith.cmpf ogt, %slice3A_2158, %select_n3A_2154 : vector<128x128xf32>
    %select_n3A_2160 = arith.select %gt3A_2159, %slice3A_2158, %select_n3A_2154 : vector<128x128xi1>, vector<128x128xf32>
    %jit3A_2161 = arith.constant 2.100000e+01 : f32
    %broadcast_in_dim3A_2162 = vector.broadcast %jit3A_2161 : f32 to vector<128x128xf32>
    %select_n3A_2163 = arith.select %gt3A_2159, %broadcast_in_dim3A_2162, %select_n3A_2157 : vector<128x128xi1>, vector<128x128xf32>
    %slice3A_2164 = vector.extract_strided_slice %slice3A_2034 {offsets = [0, 2816], sizes = [128, 128], strides = [1, 1]} : vector<128x8192xf32> to vector<128x128xf32>
    %gt3A_2165 = arith.cmpf ogt, %slice3A_2164, %select_n3A_2160 : vector<128x128xf32>
    %select_n3A_2166 = arith.select %gt3A_2165, %slice3A_2164, %select_n3A_2160 : vector<128x128xi1>, vector<128x128xf32>
    %jit3A_2167 = arith.constant 2.200000e+01 : f32
    %broadcast_in_dim3A_2168 = vector.broadcast %jit3A_2167 : f32 to vector<128x128xf32>
    %select_n3A_2169 = arith.select %gt3A_2165, %broadcast_in_dim3A_2168, %select_n3A_2163 : vector<128x128xi1>, vector<128x128xf32>
    %slice3A_2170 = vector.extract_strided_slice %slice3A_2034 {offsets = [0, 2944], sizes = [128, 128], strides = [1, 1]} : vector<128x8192xf32> to vector<128x128xf32>
    %gt3A_2171 = arith.cmpf ogt, %slice3A_2170, %select_n3A_2166 : vector<128x128xf32>
    %select_n3A_2172 = arith.select %gt3A_2171, %slice3A_2170, %select_n3A_2166 : vector<128x128xi1>, vector<128x128xf32>
    %jit3A_2173 = arith.constant 2.300000e+01 : f32
    %broadcast_in_dim3A_2174 = vector.broadcast %jit3A_2173 : f32 to vector<128x128xf32>
    %select_n3A_2175 = arith.select %gt3A_2171, %broadcast_in_dim3A_2174, %select_n3A_2169 : vector<128x128xi1>, vector<128x128xf32>
    %slice3A_2176 = vector.extract_strided_slice %slice3A_2034 {offsets = [0, 3072], sizes = [128, 128], strides = [1, 1]} : vector<128x8192xf32> to vector<128x128xf32>
    %gt3A_2177 = arith.cmpf ogt, %slice3A_2176, %select_n3A_2172 : vector<128x128xf32>
    %select_n3A_2178 = arith.select %gt3A_2177, %slice3A_2176, %select_n3A_2172 : vector<128x128xi1>, vector<128x128xf32>
    %jit3A_2179 = arith.constant 2.400000e+01 : f32
    %broadcast_in_dim3A_2180 = vector.broadcast %jit3A_2179 : f32 to vector<128x128xf32>
    %select_n3A_2181 = arith.select %gt3A_2177, %broadcast_in_dim3A_2180, %select_n3A_2175 : vector<128x128xi1>, vector<128x128xf32>
    %slice3A_2182 = vector.extract_strided_slice %slice3A_2034 {offsets = [0, 3200], sizes = [128, 128], strides = [1, 1]} : vector<128x8192xf32> to vector<128x128xf32>
    %gt3A_2183 = arith.cmpf ogt, %slice3A_2182, %select_n3A_2178 : vector<128x128xf32>
    %select_n3A_2184 = arith.select %gt3A_2183, %slice3A_2182, %select_n3A_2178 : vector<128x128xi1>, vector<128x128xf32>
    %jit3A_2185 = arith.constant 2.500000e+01 : f32
    %broadcast_in_dim3A_2186 = vector.broadcast %jit3A_2185 : f32 to vector<128x128xf32>
    %select_n3A_2187 = arith.select %gt3A_2183, %broadcast_in_dim3A_2186, %select_n3A_2181 : vector<128x128xi1>, vector<128x128xf32>
    %slice3A_2188 = vector.extract_strided_slice %slice3A_2034 {offsets = [0, 3328], sizes = [128, 128], strides = [1, 1]} : vector<128x8192xf32> to vector<128x128xf32>
    %gt3A_2189 = arith.cmpf ogt, %slice3A_2188, %select_n3A_2184 : vector<128x128xf32>
    %select_n3A_2190 = arith.select %gt3A_2189, %slice3A_2188, %select_n3A_2184 : vector<128x128xi1>, vector<128x128xf32>
    %jit3A_2191 = arith.constant 2.600000e+01 : f32
    %broadcast_in_dim3A_2192 = vector.broadcast %jit3A_2191 : f32 to vector<128x128xf32>
    %select_n3A_2193 = arith.select %gt3A_2189, %broadcast_in_dim3A_2192, %select_n3A_2187 : vector<128x128xi1>, vector<128x128xf32>
    %slice3A_2194 = vector.extract_strided_slice %slice3A_2034 {offsets = [0, 3456], sizes = [128, 128], strides = [1, 1]} : vector<128x8192xf32> to vector<128x128xf32>
    %gt3A_2195 = arith.cmpf ogt, %slice3A_2194, %select_n3A_2190 : vector<128x128xf32>
    %select_n3A_2196 = arith.select %gt3A_2195, %slice3A_2194, %select_n3A_2190 : vector<128x128xi1>, vector<128x128xf32>
    %jit3A_2197 = arith.constant 2.700000e+01 : f32
    %broadcast_in_dim3A_2198 = vector.broadcast %jit3A_2197 : f32 to vector<128x128xf32>
    %select_n3A_2199 = arith.select %gt3A_2195, %broadcast_in_dim3A_2198, %select_n3A_2193 : vector<128x128xi1>, vector<128x128xf32>
    %slice3A_2200 = vector.extract_strided_slice %slice3A_2034 {offsets = [0, 3584], sizes = [128, 128], strides = [1, 1]} : vector<128x8192xf32> to vector<128x128xf32>
    %gt3A_2201 = arith.cmpf ogt, %slice3A_2200, %select_n3A_2196 : vector<128x128xf32>
    %select_n3A_2202 = arith.select %gt3A_2201, %slice3A_2200, %select_n3A_2196 : vector<128x128xi1>, vector<128x128xf32>
    %jit3A_2203 = arith.constant 2.800000e+01 : f32
    %broadcast_in_dim3A_2204 = vector.broadcast %jit3A_2203 : f32 to vector<128x128xf32>
    %select_n3A_2205 = arith.select %gt3A_2201, %broadcast_in_dim3A_2204, %select_n3A_2199 : vector<128x128xi1>, vector<128x128xf32>
    %slice3A_2206 = vector.extract_strided_slice %slice3A_2034 {offsets = [0, 3712], sizes = [128, 128], strides = [1, 1]} : vector<128x8192xf32> to vector<128x128xf32>
    %gt3A_2207 = arith.cmpf ogt, %slice3A_2206, %select_n3A_2202 : vector<128x128xf32>
    %select_n3A_2208 = arith.select %gt3A_2207, %slice3A_2206, %select_n3A_2202 : vector<128x128xi1>, vector<128x128xf32>
    %jit3A_2209 = arith.constant 2.900000e+01 : f32
    %broadcast_in_dim3A_2210 = vector.broadcast %jit3A_2209 : f32 to vector<128x128xf32>
    %select_n3A_2211 = arith.select %gt3A_2207, %broadcast_in_dim3A_2210, %select_n3A_2205 : vector<128x128xi1>, vector<128x128xf32>
    %slice3A_2212 = vector.extract_strided_slice %slice3A_2034 {offsets = [0, 3840], sizes = [128, 128], strides = [1, 1]} : vector<128x8192xf32> to vector<128x128xf32>
    %gt3A_2213 = arith.cmpf ogt, %slice3A_2212, %select_n3A_2208 : vector<128x128xf32>
    %select_n3A_2214 = arith.select %gt3A_2213, %slice3A_2212, %select_n3A_2208 : vector<128x128xi1>, vector<128x128xf32>
    %jit3A_2215 = arith.constant 3.000000e+01 : f32
    %broadcast_in_dim3A_2216 = vector.broadcast %jit3A_2215 : f32 to vector<128x128xf32>
    %select_n3A_2217 = arith.select %gt3A_2213, %broadcast_in_dim3A_2216, %select_n3A_2211 : vector<128x128xi1>, vector<128x128xf32>
    %slice3A_2218 = vector.extract_strided_slice %slice3A_2034 {offsets = [0, 3968], sizes = [128, 128], strides = [1, 1]} : vector<128x8192xf32> to vector<128x128xf32>
    %gt3A_2219 = arith.cmpf ogt, %slice3A_2218, %select_n3A_2214 : vector<128x128xf32>
    %select_n3A_2220 = arith.select %gt3A_2219, %slice3A_2218, %select_n3A_2214 : vector<128x128xi1>, vector<128x128xf32>
    %jit3A_2221 = arith.constant 3.100000e+01 : f32
    %broadcast_in_dim3A_2222 = vector.broadcast %jit3A_2221 : f32 to vector<128x128xf32>
    %select_n3A_2223 = arith.select %gt3A_2219, %broadcast_in_dim3A_2222, %select_n3A_2217 : vector<128x128xi1>, vector<128x128xf32>
    %slice3A_2224 = vector.extract_strided_slice %slice3A_2034 {offsets = [0, 4096], sizes = [128, 128], strides = [1, 1]} : vector<128x8192xf32> to vector<128x128xf32>
    %gt3A_2225 = arith.cmpf ogt, %slice3A_2224, %select_n3A_2220 : vector<128x128xf32>
    %select_n3A_2226 = arith.select %gt3A_2225, %slice3A_2224, %select_n3A_2220 : vector<128x128xi1>, vector<128x128xf32>
    %jit3A_2227 = arith.constant 3.200000e+01 : f32
    %broadcast_in_dim3A_2228 = vector.broadcast %jit3A_2227 : f32 to vector<128x128xf32>
    %select_n3A_2229 = arith.select %gt3A_2225, %broadcast_in_dim3A_2228, %select_n3A_2223 : vector<128x128xi1>, vector<128x128xf32>
    %slice3A_2230 = vector.extract_strided_slice %slice3A_2034 {offsets = [0, 4224], sizes = [128, 128], strides = [1, 1]} : vector<128x8192xf32> to vector<128x128xf32>
    %gt3A_2231 = arith.cmpf ogt, %slice3A_2230, %select_n3A_2226 : vector<128x128xf32>
    %select_n3A_2232 = arith.select %gt3A_2231, %slice3A_2230, %select_n3A_2226 : vector<128x128xi1>, vector<128x128xf32>
    %jit3A_2233 = arith.constant 3.300000e+01 : f32
    %broadcast_in_dim3A_2234 = vector.broadcast %jit3A_2233 : f32 to vector<128x128xf32>
    %select_n3A_2235 = arith.select %gt3A_2231, %broadcast_in_dim3A_2234, %select_n3A_2229 : vector<128x128xi1>, vector<128x128xf32>
    %slice3A_2236 = vector.extract_strided_slice %slice3A_2034 {offsets = [0, 4352], sizes = [128, 128], strides = [1, 1]} : vector<128x8192xf32> to vector<128x128xf32>
    %gt3A_2237 = arith.cmpf ogt, %slice3A_2236, %select_n3A_2232 : vector<128x128xf32>
    %select_n3A_2238 = arith.select %gt3A_2237, %slice3A_2236, %select_n3A_2232 : vector<128x128xi1>, vector<128x128xf32>
    %jit3A_2239 = arith.constant 3.400000e+01 : f32
    %broadcast_in_dim3A_2240 = vector.broadcast %jit3A_2239 : f32 to vector<128x128xf32>
    %select_n3A_2241 = arith.select %gt3A_2237, %broadcast_in_dim3A_2240, %select_n3A_2235 : vector<128x128xi1>, vector<128x128xf32>
    %slice3A_2242 = vector.extract_strided_slice %slice3A_2034 {offsets = [0, 4480], sizes = [128, 128], strides = [1, 1]} : vector<128x8192xf32> to vector<128x128xf32>
    %gt3A_2243 = arith.cmpf ogt, %slice3A_2242, %select_n3A_2238 : vector<128x128xf32>
    %select_n3A_2244 = arith.select %gt3A_2243, %slice3A_2242, %select_n3A_2238 : vector<128x128xi1>, vector<128x128xf32>
    %jit3A_2245 = arith.constant 3.500000e+01 : f32
    %broadcast_in_dim3A_2246 = vector.broadcast %jit3A_2245 : f32 to vector<128x128xf32>
    %select_n3A_2247 = arith.select %gt3A_2243, %broadcast_in_dim3A_2246, %select_n3A_2241 : vector<128x128xi1>, vector<128x128xf32>
    %slice3A_2248 = vector.extract_strided_slice %slice3A_2034 {offsets = [0, 4608], sizes = [128, 128], strides = [1, 1]} : vector<128x8192xf32> to vector<128x128xf32>
    %gt3A_2249 = arith.cmpf ogt, %slice3A_2248, %select_n3A_2244 : vector<128x128xf32>
    %select_n3A_2250 = arith.select %gt3A_2249, %slice3A_2248, %select_n3A_2244 : vector<128x128xi1>, vector<128x128xf32>
    %jit3A_2251 = arith.constant 3.600000e+01 : f32
    %broadcast_in_dim3A_2252 = vector.broadcast %jit3A_2251 : f32 to vector<128x128xf32>
    %select_n3A_2253 = arith.select %gt3A_2249, %broadcast_in_dim3A_2252, %select_n3A_2247 : vector<128x128xi1>, vector<128x128xf32>
    %slice3A_2254 = vector.extract_strided_slice %slice3A_2034 {offsets = [0, 4736], sizes = [128, 128], strides = [1, 1]} : vector<128x8192xf32> to vector<128x128xf32>
    %gt3A_2255 = arith.cmpf ogt, %slice3A_2254, %select_n3A_2250 : vector<128x128xf32>
    %select_n3A_2256 = arith.select %gt3A_2255, %slice3A_2254, %select_n3A_2250 : vector<128x128xi1>, vector<128x128xf32>
    %jit3A_2257 = arith.constant 3.700000e+01 : f32
    %broadcast_in_dim3A_2258 = vector.broadcast %jit3A_2257 : f32 to vector<128x128xf32>
    %select_n3A_2259 = arith.select %gt3A_2255, %broadcast_in_dim3A_2258, %select_n3A_2253 : vector<128x128xi1>, vector<128x128xf32>
    %slice3A_2260 = vector.extract_strided_slice %slice3A_2034 {offsets = [0, 4864], sizes = [128, 128], strides = [1, 1]} : vector<128x8192xf32> to vector<128x128xf32>
    %gt3A_2261 = arith.cmpf ogt, %slice3A_2260, %select_n3A_2256 : vector<128x128xf32>
    %select_n3A_2262 = arith.select %gt3A_2261, %slice3A_2260, %select_n3A_2256 : vector<128x128xi1>, vector<128x128xf32>
    %jit3A_2263 = arith.constant 3.800000e+01 : f32
    %broadcast_in_dim3A_2264 = vector.broadcast %jit3A_2263 : f32 to vector<128x128xf32>
    %select_n3A_2265 = arith.select %gt3A_2261, %broadcast_in_dim3A_2264, %select_n3A_2259 : vector<128x128xi1>, vector<128x128xf32>
    %slice3A_2266 = vector.extract_strided_slice %slice3A_2034 {offsets = [0, 4992], sizes = [128, 128], strides = [1, 1]} : vector<128x8192xf32> to vector<128x128xf32>
    %gt3A_2267 = arith.cmpf ogt, %slice3A_2266, %select_n3A_2262 : vector<128x128xf32>
    %select_n3A_2268 = arith.select %gt3A_2267, %slice3A_2266, %select_n3A_2262 : vector<128x128xi1>, vector<128x128xf32>
    %jit3A_2269 = arith.constant 3.900000e+01 : f32
    %broadcast_in_dim3A_2270 = vector.broadcast %jit3A_2269 : f32 to vector<128x128xf32>
    %select_n3A_2271 = arith.select %gt3A_2267, %broadcast_in_dim3A_2270, %select_n3A_2265 : vector<128x128xi1>, vector<128x128xf32>
    %slice3A_2272 = vector.extract_strided_slice %slice3A_2034 {offsets = [0, 5120], sizes = [128, 128], strides = [1, 1]} : vector<128x8192xf32> to vector<128x128xf32>
    %gt3A_2273 = arith.cmpf ogt, %slice3A_2272, %select_n3A_2268 : vector<128x128xf32>
    %select_n3A_2274 = arith.select %gt3A_2273, %slice3A_2272, %select_n3A_2268 : vector<128x128xi1>, vector<128x128xf32>
    %jit3A_2275 = arith.constant 4.000000e+01 : f32
    %broadcast_in_dim3A_2276 = vector.broadcast %jit3A_2275 : f32 to vector<128x128xf32>
    %select_n3A_2277 = arith.select %gt3A_2273, %broadcast_in_dim3A_2276, %select_n3A_2271 : vector<128x128xi1>, vector<128x128xf32>
    %slice3A_2278 = vector.extract_strided_slice %slice3A_2034 {offsets = [0, 5248], sizes = [128, 128], strides = [1, 1]} : vector<128x8192xf32> to vector<128x128xf32>
    %gt3A_2279 = arith.cmpf ogt, %slice3A_2278, %select_n3A_2274 : vector<128x128xf32>
    %select_n3A_2280 = arith.select %gt3A_2279, %slice3A_2278, %select_n3A_2274 : vector<128x128xi1>, vector<128x128xf32>
    %jit3A_2281 = arith.constant 4.100000e+01 : f32
    %broadcast_in_dim3A_2282 = vector.broadcast %jit3A_2281 : f32 to vector<128x128xf32>
    %select_n3A_2283 = arith.select %gt3A_2279, %broadcast_in_dim3A_2282, %select_n3A_2277 : vector<128x128xi1>, vector<128x128xf32>
    %slice3A_2284 = vector.extract_strided_slice %slice3A_2034 {offsets = [0, 5376], sizes = [128, 128], strides = [1, 1]} : vector<128x8192xf32> to vector<128x128xf32>
    %gt3A_2285 = arith.cmpf ogt, %slice3A_2284, %select_n3A_2280 : vector<128x128xf32>
    %select_n3A_2286 = arith.select %gt3A_2285, %slice3A_2284, %select_n3A_2280 : vector<128x128xi1>, vector<128x128xf32>
    %jit3A_2287 = arith.constant 4.200000e+01 : f32
    %broadcast_in_dim3A_2288 = vector.broadcast %jit3A_2287 : f32 to vector<128x128xf32>
    %select_n3A_2289 = arith.select %gt3A_2285, %broadcast_in_dim3A_2288, %select_n3A_2283 : vector<128x128xi1>, vector<128x128xf32>
    %slice3A_2290 = vector.extract_strided_slice %slice3A_2034 {offsets = [0, 5504], sizes = [128, 128], strides = [1, 1]} : vector<128x8192xf32> to vector<128x128xf32>
    %gt3A_2291 = arith.cmpf ogt, %slice3A_2290, %select_n3A_2286 : vector<128x128xf32>
    %select_n3A_2292 = arith.select %gt3A_2291, %slice3A_2290, %select_n3A_2286 : vector<128x128xi1>, vector<128x128xf32>
    %jit3A_2293 = arith.constant 4.300000e+01 : f32
    %broadcast_in_dim3A_2294 = vector.broadcast %jit3A_2293 : f32 to vector<128x128xf32>
    %select_n3A_2295 = arith.select %gt3A_2291, %broadcast_in_dim3A_2294, %select_n3A_2289 : vector<128x128xi1>, vector<128x128xf32>
    %slice3A_2296 = vector.extract_strided_slice %slice3A_2034 {offsets = [0, 5632], sizes = [128, 128], strides = [1, 1]} : vector<128x8192xf32> to vector<128x128xf32>
    %gt3A_2297 = arith.cmpf ogt, %slice3A_2296, %select_n3A_2292 : vector<128x128xf32>
    %select_n3A_2298 = arith.select %gt3A_2297, %slice3A_2296, %select_n3A_2292 : vector<128x128xi1>, vector<128x128xf32>
    %jit3A_2299 = arith.constant 4.400000e+01 : f32
    %broadcast_in_dim3A_2300 = vector.broadcast %jit3A_2299 : f32 to vector<128x128xf32>
    %select_n3A_2301 = arith.select %gt3A_2297, %broadcast_in_dim3A_2300, %select_n3A_2295 : vector<128x128xi1>, vector<128x128xf32>
    %slice3A_2302 = vector.extract_strided_slice %slice3A_2034 {offsets = [0, 5760], sizes = [128, 128], strides = [1, 1]} : vector<128x8192xf32> to vector<128x128xf32>
    %gt3A_2303 = arith.cmpf ogt, %slice3A_2302, %select_n3A_2298 : vector<128x128xf32>
    %select_n3A_2304 = arith.select %gt3A_2303, %slice3A_2302, %select_n3A_2298 : vector<128x128xi1>, vector<128x128xf32>
    %jit3A_2305 = arith.constant 4.500000e+01 : f32
    %broadcast_in_dim3A_2306 = vector.broadcast %jit3A_2305 : f32 to vector<128x128xf32>
    %select_n3A_2307 = arith.select %gt3A_2303, %broadcast_in_dim3A_2306, %select_n3A_2301 : vector<128x128xi1>, vector<128x128xf32>
    %slice3A_2308 = vector.extract_strided_slice %slice3A_2034 {offsets = [0, 5888], sizes = [128, 128], strides = [1, 1]} : vector<128x8192xf32> to vector<128x128xf32>
    %gt3A_2309 = arith.cmpf ogt, %slice3A_2308, %select_n3A_2304 : vector<128x128xf32>
    %select_n3A_2310 = arith.select %gt3A_2309, %slice3A_2308, %select_n3A_2304 : vector<128x128xi1>, vector<128x128xf32>
    %jit3A_2311 = arith.constant 4.600000e+01 : f32
    %broadcast_in_dim3A_2312 = vector.broadcast %jit3A_2311 : f32 to vector<128x128xf32>
    %select_n3A_2313 = arith.select %gt3A_2309, %broadcast_in_dim3A_2312, %select_n3A_2307 : vector<128x128xi1>, vector<128x128xf32>
    %slice3A_2314 = vector.extract_strided_slice %slice3A_2034 {offsets = [0, 6016], sizes = [128, 128], strides = [1, 1]} : vector<128x8192xf32> to vector<128x128xf32>
    %gt3A_2315 = arith.cmpf ogt, %slice3A_2314, %select_n3A_2310 : vector<128x128xf32>
    %select_n3A_2316 = arith.select %gt3A_2315, %slice3A_2314, %select_n3A_2310 : vector<128x128xi1>, vector<128x128xf32>
    %jit3A_2317 = arith.constant 4.700000e+01 : f32
    %broadcast_in_dim3A_2318 = vector.broadcast %jit3A_2317 : f32 to vector<128x128xf32>
    %select_n3A_2319 = arith.select %gt3A_2315, %broadcast_in_dim3A_2318, %select_n3A_2313 : vector<128x128xi1>, vector<128x128xf32>
    %slice3A_2320 = vector.extract_strided_slice %slice3A_2034 {offsets = [0, 6144], sizes = [128, 128], strides = [1, 1]} : vector<128x8192xf32> to vector<128x128xf32>
    %gt3A_2321 = arith.cmpf ogt, %slice3A_2320, %select_n3A_2316 : vector<128x128xf32>
    %select_n3A_2322 = arith.select %gt3A_2321, %slice3A_2320, %select_n3A_2316 : vector<128x128xi1>, vector<128x128xf32>
    %jit3A_2323 = arith.constant 4.800000e+01 : f32
    %broadcast_in_dim3A_2324 = vector.broadcast %jit3A_2323 : f32 to vector<128x128xf32>
    %select_n3A_2325 = arith.select %gt3A_2321, %broadcast_in_dim3A_2324, %select_n3A_2319 : vector<128x128xi1>, vector<128x128xf32>
    %slice3A_2326 = vector.extract_strided_slice %slice3A_2034 {offsets = [0, 6272], sizes = [128, 128], strides = [1, 1]} : vector<128x8192xf32> to vector<128x128xf32>
    %gt3A_2327 = arith.cmpf ogt, %slice3A_2326, %select_n3A_2322 : vector<128x128xf32>
    %select_n3A_2328 = arith.select %gt3A_2327, %slice3A_2326, %select_n3A_2322 : vector<128x128xi1>, vector<128x128xf32>
    %jit3A_2329 = arith.constant 4.900000e+01 : f32
    %broadcast_in_dim3A_2330 = vector.broadcast %jit3A_2329 : f32 to vector<128x128xf32>
    %select_n3A_2331 = arith.select %gt3A_2327, %broadcast_in_dim3A_2330, %select_n3A_2325 : vector<128x128xi1>, vector<128x128xf32>
    %slice3A_2332 = vector.extract_strided_slice %slice3A_2034 {offsets = [0, 6400], sizes = [128, 128], strides = [1, 1]} : vector<128x8192xf32> to vector<128x128xf32>
    %gt3A_2333 = arith.cmpf ogt, %slice3A_2332, %select_n3A_2328 : vector<128x128xf32>
    %select_n3A_2334 = arith.select %gt3A_2333, %slice3A_2332, %select_n3A_2328 : vector<128x128xi1>, vector<128x128xf32>
    %jit3A_2335 = arith.constant 5.000000e+01 : f32
    %broadcast_in_dim3A_2336 = vector.broadcast %jit3A_2335 : f32 to vector<128x128xf32>
    %select_n3A_2337 = arith.select %gt3A_2333, %broadcast_in_dim3A_2336, %select_n3A_2331 : vector<128x128xi1>, vector<128x128xf32>
    %slice3A_2338 = vector.extract_strided_slice %slice3A_2034 {offsets = [0, 6528], sizes = [128, 128], strides = [1, 1]} : vector<128x8192xf32> to vector<128x128xf32>
    %gt3A_2339 = arith.cmpf ogt, %slice3A_2338, %select_n3A_2334 : vector<128x128xf32>
    %select_n3A_2340 = arith.select %gt3A_2339, %slice3A_2338, %select_n3A_2334 : vector<128x128xi1>, vector<128x128xf32>
    %jit3A_2341 = arith.constant 5.100000e+01 : f32
    %broadcast_in_dim3A_2342 = vector.broadcast %jit3A_2341 : f32 to vector<128x128xf32>
    %select_n3A_2343 = arith.select %gt3A_2339, %broadcast_in_dim3A_2342, %select_n3A_2337 : vector<128x128xi1>, vector<128x128xf32>
    %slice3A_2344 = vector.extract_strided_slice %slice3A_2034 {offsets = [0, 6656], sizes = [128, 128], strides = [1, 1]} : vector<128x8192xf32> to vector<128x128xf32>
    %gt3A_2345 = arith.cmpf ogt, %slice3A_2344, %select_n3A_2340 : vector<128x128xf32>
    %select_n3A_2346 = arith.select %gt3A_2345, %slice3A_2344, %select_n3A_2340 : vector<128x128xi1>, vector<128x128xf32>
    %jit3A_2347 = arith.constant 5.200000e+01 : f32
    %broadcast_in_dim3A_2348 = vector.broadcast %jit3A_2347 : f32 to vector<128x128xf32>
    %select_n3A_2349 = arith.select %gt3A_2345, %broadcast_in_dim3A_2348, %select_n3A_2343 : vector<128x128xi1>, vector<128x128xf32>
    %slice3A_2350 = vector.extract_strided_slice %slice3A_2034 {offsets = [0, 6784], sizes = [128, 128], strides = [1, 1]} : vector<128x8192xf32> to vector<128x128xf32>
    %gt3A_2351 = arith.cmpf ogt, %slice3A_2350, %select_n3A_2346 : vector<128x128xf32>
    %select_n3A_2352 = arith.select %gt3A_2351, %slice3A_2350, %select_n3A_2346 : vector<128x128xi1>, vector<128x128xf32>
    %jit3A_2353 = arith.constant 5.300000e+01 : f32
    %broadcast_in_dim3A_2354 = vector.broadcast %jit3A_2353 : f32 to vector<128x128xf32>
    %select_n3A_2355 = arith.select %gt3A_2351, %broadcast_in_dim3A_2354, %select_n3A_2349 : vector<128x128xi1>, vector<128x128xf32>
    %slice3A_2356 = vector.extract_strided_slice %slice3A_2034 {offsets = [0, 6912], sizes = [128, 128], strides = [1, 1]} : vector<128x8192xf32> to vector<128x128xf32>
    %gt3A_2357 = arith.cmpf ogt, %slice3A_2356, %select_n3A_2352 : vector<128x128xf32>
    %select_n3A_2358 = arith.select %gt3A_2357, %slice3A_2356, %select_n3A_2352 : vector<128x128xi1>, vector<128x128xf32>
    %jit3A_2359 = arith.constant 5.400000e+01 : f32
    %broadcast_in_dim3A_2360 = vector.broadcast %jit3A_2359 : f32 to vector<128x128xf32>
    %select_n3A_2361 = arith.select %gt3A_2357, %broadcast_in_dim3A_2360, %select_n3A_2355 : vector<128x128xi1>, vector<128x128xf32>
    %slice3A_2362 = vector.extract_strided_slice %slice3A_2034 {offsets = [0, 7040], sizes = [128, 128], strides = [1, 1]} : vector<128x8192xf32> to vector<128x128xf32>
    %gt3A_2363 = arith.cmpf ogt, %slice3A_2362, %select_n3A_2358 : vector<128x128xf32>
    %select_n3A_2364 = arith.select %gt3A_2363, %slice3A_2362, %select_n3A_2358 : vector<128x128xi1>, vector<128x128xf32>
    %jit3A_2365 = arith.constant 5.500000e+01 : f32
    %broadcast_in_dim3A_2366 = vector.broadcast %jit3A_2365 : f32 to vector<128x128xf32>
    %select_n3A_2367 = arith.select %gt3A_2363, %broadcast_in_dim3A_2366, %select_n3A_2361 : vector<128x128xi1>, vector<128x128xf32>
    %slice3A_2368 = vector.extract_strided_slice %slice3A_2034 {offsets = [0, 7168], sizes = [128, 128], strides = [1, 1]} : vector<128x8192xf32> to vector<128x128xf32>
    %gt3A_2369 = arith.cmpf ogt, %slice3A_2368, %select_n3A_2364 : vector<128x128xf32>
    %select_n3A_2370 = arith.select %gt3A_2369, %slice3A_2368, %select_n3A_2364 : vector<128x128xi1>, vector<128x128xf32>
    %jit3A_2371 = arith.constant 5.600000e+01 : f32
    %broadcast_in_dim3A_2372 = vector.broadcast %jit3A_2371 : f32 to vector<128x128xf32>
    %select_n3A_2373 = arith.select %gt3A_2369, %broadcast_in_dim3A_2372, %select_n3A_2367 : vector<128x128xi1>, vector<128x128xf32>
    %slice3A_2374 = vector.extract_strided_slice %slice3A_2034 {offsets = [0, 7296], sizes = [128, 128], strides = [1, 1]} : vector<128x8192xf32> to vector<128x128xf32>
    %gt3A_2375 = arith.cmpf ogt, %slice3A_2374, %select_n3A_2370 : vector<128x128xf32>
    %select_n3A_2376 = arith.select %gt3A_2375, %slice3A_2374, %select_n3A_2370 : vector<128x128xi1>, vector<128x128xf32>
    %jit3A_2377 = arith.constant 5.700000e+01 : f32
    %broadcast_in_dim3A_2378 = vector.broadcast %jit3A_2377 : f32 to vector<128x128xf32>
    %select_n3A_2379 = arith.select %gt3A_2375, %broadcast_in_dim3A_2378, %select_n3A_2373 : vector<128x128xi1>, vector<128x128xf32>
    %slice3A_2380 = vector.extract_strided_slice %slice3A_2034 {offsets = [0, 7424], sizes = [128, 128], strides = [1, 1]} : vector<128x8192xf32> to vector<128x128xf32>
    %gt3A_2381 = arith.cmpf ogt, %slice3A_2380, %select_n3A_2376 : vector<128x128xf32>
    %select_n3A_2382 = arith.select %gt3A_2381, %slice3A_2380, %select_n3A_2376 : vector<128x128xi1>, vector<128x128xf32>
    %jit3A_2383 = arith.constant 5.800000e+01 : f32
    %broadcast_in_dim3A_2384 = vector.broadcast %jit3A_2383 : f32 to vector<128x128xf32>
    %select_n3A_2385 = arith.select %gt3A_2381, %broadcast_in_dim3A_2384, %select_n3A_2379 : vector<128x128xi1>, vector<128x128xf32>
    %slice3A_2386 = vector.extract_strided_slice %slice3A_2034 {offsets = [0, 7552], sizes = [128, 128], strides = [1, 1]} : vector<128x8192xf32> to vector<128x128xf32>
    %gt3A_2387 = arith.cmpf ogt, %slice3A_2386, %select_n3A_2382 : vector<128x128xf32>
    %select_n3A_2388 = arith.select %gt3A_2387, %slice3A_2386, %select_n3A_2382 : vector<128x128xi1>, vector<128x128xf32>
    %jit3A_2389 = arith.constant 5.900000e+01 : f32
    %broadcast_in_dim3A_2390 = vector.broadcast %jit3A_2389 : f32 to vector<128x128xf32>
    %select_n3A_2391 = arith.select %gt3A_2387, %broadcast_in_dim3A_2390, %select_n3A_2385 : vector<128x128xi1>, vector<128x128xf32>
    %slice3A_2392 = vector.extract_strided_slice %slice3A_2034 {offsets = [0, 7680], sizes = [128, 128], strides = [1, 1]} : vector<128x8192xf32> to vector<128x128xf32>
    %gt3A_2393 = arith.cmpf ogt, %slice3A_2392, %select_n3A_2388 : vector<128x128xf32>
    %select_n3A_2394 = arith.select %gt3A_2393, %slice3A_2392, %select_n3A_2388 : vector<128x128xi1>, vector<128x128xf32>
    %jit3A_2395 = arith.constant 6.000000e+01 : f32
    %broadcast_in_dim3A_2396 = vector.broadcast %jit3A_2395 : f32 to vector<128x128xf32>
    %select_n3A_2397 = arith.select %gt3A_2393, %broadcast_in_dim3A_2396, %select_n3A_2391 : vector<128x128xi1>, vector<128x128xf32>
    %slice3A_2398 = vector.extract_strided_slice %slice3A_2034 {offsets = [0, 7808], sizes = [128, 128], strides = [1, 1]} : vector<128x8192xf32> to vector<128x128xf32>
    %gt3A_2399 = arith.cmpf ogt, %slice3A_2398, %select_n3A_2394 : vector<128x128xf32>
    %select_n3A_2400 = arith.select %gt3A_2399, %slice3A_2398, %select_n3A_2394 : vector<128x128xi1>, vector<128x128xf32>
    %jit3A_2401 = arith.constant 6.100000e+01 : f32
    %broadcast_in_dim3A_2402 = vector.broadcast %jit3A_2401 : f32 to vector<128x128xf32>
    %select_n3A_2403 = arith.select %gt3A_2399, %broadcast_in_dim3A_2402, %select_n3A_2397 : vector<128x128xi1>, vector<128x128xf32>
    %slice3A_2404 = vector.extract_strided_slice %slice3A_2034 {offsets = [0, 7936], sizes = [128, 128], strides = [1, 1]} : vector<128x8192xf32> to vector<128x128xf32>
    %gt3A_2405 = arith.cmpf ogt, %slice3A_2404, %select_n3A_2400 : vector<128x128xf32>
    %select_n3A_2406 = arith.select %gt3A_2405, %slice3A_2404, %select_n3A_2400 : vector<128x128xi1>, vector<128x128xf32>
    %jit3A_2407 = arith.constant 6.200000e+01 : f32
    %broadcast_in_dim3A_2408 = vector.broadcast %jit3A_2407 : f32 to vector<128x128xf32>
    %select_n3A_2409 = arith.select %gt3A_2405, %broadcast_in_dim3A_2408, %select_n3A_2403 : vector<128x128xi1>, vector<128x128xf32>
    %slice3A_2410 = vector.extract_strided_slice %slice3A_2034 {offsets = [0, 8064], sizes = [128, 128], strides = [1, 1]} : vector<128x8192xf32> to vector<128x128xf32>
    %gt3A_2411 = arith.cmpf ogt, %slice3A_2410, %select_n3A_2406 : vector<128x128xf32>
    %select_n3A_2412 = arith.select %gt3A_2411, %slice3A_2410, %select_n3A_2406 : vector<128x128xi1>, vector<128x128xf32>
    %jit3A_2413 = arith.constant 6.300000e+01 : f32
    %broadcast_in_dim3A_2414 = vector.broadcast %jit3A_2413 : f32 to vector<128x128xf32>
    %select_n3A_2415 = arith.select %gt3A_2411, %broadcast_in_dim3A_2414, %select_n3A_2409 : vector<128x128xi1>, vector<128x128xf32>
    %reduce_max3A_2416 = arith.constant dense<0xFF800000> : vector<128xf32>
    %reduce_max3A_2417 = vector.multi_reduction <maximumf>, %select_n3A_2412, %reduce_max3A_2416 [1] : vector<128x128xf32> to vector<128xf32>
    %broadcast_in_dim3A_2418 = vector.shape_cast %reduce_max3A_2417 : vector<128xf32> to vector<128x1xf32>
    %eq3A_2419 = vector.broadcast %broadcast_in_dim3A_2418 : vector<128x1xf32> to vector<128x128xf32>
    %eq3A_2420 = arith.cmpf oeq, %select_n3A_2412, %eq3A_2419 : vector<128x128xf32>
    %mul3A_2421 = arith.constant 1.280000e+02 : f32
    %mul3A_2422 = vector.broadcast %mul3A_2421 : f32 to vector<128x128xf32>
    %mul3A_2423 = arith.mulf %select_n3A_2415, %mul3A_2422 : vector<128x128xf32>
    %add3A_2424 = vector.broadcast %get3A_33 : vector<1x128xf32> to vector<128x128xf32>
    %add3A_2425 = arith.addf %mul3A_2423, %add3A_2424 : vector<128x128xf32>
    %jit3A_2426 = arith.constant 3.000000e+38 : f32
    %broadcast_in_dim3A_2427 = vector.broadcast %jit3A_2426 : f32 to vector<128x128xf32>
    %select_n3A_2428 = arith.select %eq3A_2420, %add3A_2425, %broadcast_in_dim3A_2427 : vector<128x128xi1>, vector<128x128xf32>
    %reduce_min3A_2429 = arith.constant dense<0x7F800000> : vector<128xf32>
    %reduce_min3A_2430 = vector.multi_reduction <minimumf>, %select_n3A_2428, %reduce_min3A_2429 [1] : vector<128x128xf32> to vector<128xf32>
    %convert_element_type3A_2431 = arith.fptosi %reduce_min3A_2430 : vector<128xf32> to vector<128xi32>
    %reshape3A_2432 = vector.shape_cast %convert_element_type3A_2431 : vector<128xi32> to vector<1x128xi32>
    %swap3A_2433 = arith.constant 5 : index
    %swap3A_2434 = arith.constant 0 : index
    %swap3A_2435 = vector.load %arg6[%swap3A_2433, %swap3A_2434] : memref<8x128xi32, #tpu.memory_space<vmem>>, vector<1x128xi32>
    tpu.vector_store %arg6[%swap3A_2433, %swap3A_2434], %reshape3A_2432 {strides = array<i32>} : memref<8x128xi32, #tpu.memory_space<vmem>>, vector<1x128xi32>,
    %slice3A_2436 = vector.extract_strided_slice %dot_general3A_30 {offsets = [768, 0], sizes = [128, 8192], strides = [1, 1]} : vector<1024x8192xf32> to vector<128x8192xf32>
    %slice3A_2437 = vector.extract_strided_slice %slice3A_2436 {offsets = [0, 0], sizes = [128, 128], strides = [1, 1]} : vector<128x8192xf32> to vector<128x128xf32>
    %broadcast_in_dim3A_2438 = arith.constant 0.000000e+00 : f32
    %broadcast_in_dim3A_2439 = vector.broadcast %broadcast_in_dim3A_2438 : f32 to vector<128x128xf32>
    %slice3A_2440 = vector.extract_strided_slice %slice3A_2436 {offsets = [0, 128], sizes = [128, 128], strides = [1, 1]} : vector<128x8192xf32> to vector<128x128xf32>
    %gt3A_2441 = arith.cmpf ogt, %slice3A_2440, %slice3A_2437 : vector<128x128xf32>
    %select_n3A_2442 = arith.select %gt3A_2441, %slice3A_2440, %slice3A_2437 : vector<128x128xi1>, vector<128x128xf32>
    %jit3A_2443 = arith.constant 1.000000e+00 : f32
    %broadcast_in_dim3A_2444 = vector.broadcast %jit3A_2443 : f32 to vector<128x128xf32>
    %select_n3A_2445 = arith.select %gt3A_2441, %broadcast_in_dim3A_2444, %broadcast_in_dim3A_2439 : vector<128x128xi1>, vector<128x128xf32>
    %slice3A_2446 = vector.extract_strided_slice %slice3A_2436 {offsets = [0, 256], sizes = [128, 128], strides = [1, 1]} : vector<128x8192xf32> to vector<128x128xf32>
    %gt3A_2447 = arith.cmpf ogt, %slice3A_2446, %select_n3A_2442 : vector<128x128xf32>
    %select_n3A_2448 = arith.select %gt3A_2447, %slice3A_2446, %select_n3A_2442 : vector<128x128xi1>, vector<128x128xf32>
    %jit3A_2449 = arith.constant 2.000000e+00 : f32
    %broadcast_in_dim3A_2450 = vector.broadcast %jit3A_2449 : f32 to vector<128x128xf32>
    %select_n3A_2451 = arith.select %gt3A_2447, %broadcast_in_dim3A_2450, %select_n3A_2445 : vector<128x128xi1>, vector<128x128xf32>
    %slice3A_2452 = vector.extract_strided_slice %slice3A_2436 {offsets = [0, 384], sizes = [128, 128], strides = [1, 1]} : vector<128x8192xf32> to vector<128x128xf32>
    %gt3A_2453 = arith.cmpf ogt, %slice3A_2452, %select_n3A_2448 : vector<128x128xf32>
    %select_n3A_2454 = arith.select %gt3A_2453, %slice3A_2452, %select_n3A_2448 : vector<128x128xi1>, vector<128x128xf32>
    %jit3A_2455 = arith.constant 3.000000e+00 : f32
    %broadcast_in_dim3A_2456 = vector.broadcast %jit3A_2455 : f32 to vector<128x128xf32>
    %select_n3A_2457 = arith.select %gt3A_2453, %broadcast_in_dim3A_2456, %select_n3A_2451 : vector<128x128xi1>, vector<128x128xf32>
    %slice3A_2458 = vector.extract_strided_slice %slice3A_2436 {offsets = [0, 512], sizes = [128, 128], strides = [1, 1]} : vector<128x8192xf32> to vector<128x128xf32>
    %gt3A_2459 = arith.cmpf ogt, %slice3A_2458, %select_n3A_2454 : vector<128x128xf32>
    %select_n3A_2460 = arith.select %gt3A_2459, %slice3A_2458, %select_n3A_2454 : vector<128x128xi1>, vector<128x128xf32>
    %jit3A_2461 = arith.constant 4.000000e+00 : f32
    %broadcast_in_dim3A_2462 = vector.broadcast %jit3A_2461 : f32 to vector<128x128xf32>
    %select_n3A_2463 = arith.select %gt3A_2459, %broadcast_in_dim3A_2462, %select_n3A_2457 : vector<128x128xi1>, vector<128x128xf32>
    %slice3A_2464 = vector.extract_strided_slice %slice3A_2436 {offsets = [0, 640], sizes = [128, 128], strides = [1, 1]} : vector<128x8192xf32> to vector<128x128xf32>
    %gt3A_2465 = arith.cmpf ogt, %slice3A_2464, %select_n3A_2460 : vector<128x128xf32>
    %select_n3A_2466 = arith.select %gt3A_2465, %slice3A_2464, %select_n3A_2460 : vector<128x128xi1>, vector<128x128xf32>
    %jit3A_2467 = arith.constant 5.000000e+00 : f32
    %broadcast_in_dim3A_2468 = vector.broadcast %jit3A_2467 : f32 to vector<128x128xf32>
    %select_n3A_2469 = arith.select %gt3A_2465, %broadcast_in_dim3A_2468, %select_n3A_2463 : vector<128x128xi1>, vector<128x128xf32>
    %slice3A_2470 = vector.extract_strided_slice %slice3A_2436 {offsets = [0, 768], sizes = [128, 128], strides = [1, 1]} : vector<128x8192xf32> to vector<128x128xf32>
    %gt3A_2471 = arith.cmpf ogt, %slice3A_2470, %select_n3A_2466 : vector<128x128xf32>
    %select_n3A_2472 = arith.select %gt3A_2471, %slice3A_2470, %select_n3A_2466 : vector<128x128xi1>, vector<128x128xf32>
    %jit3A_2473 = arith.constant 6.000000e+00 : f32
    %broadcast_in_dim3A_2474 = vector.broadcast %jit3A_2473 : f32 to vector<128x128xf32>
    %select_n3A_2475 = arith.select %gt3A_2471, %broadcast_in_dim3A_2474, %select_n3A_2469 : vector<128x128xi1>, vector<128x128xf32>
    %slice3A_2476 = vector.extract_strided_slice %slice3A_2436 {offsets = [0, 896], sizes = [128, 128], strides = [1, 1]} : vector<128x8192xf32> to vector<128x128xf32>
    %gt3A_2477 = arith.cmpf ogt, %slice3A_2476, %select_n3A_2472 : vector<128x128xf32>
    %select_n3A_2478 = arith.select %gt3A_2477, %slice3A_2476, %select_n3A_2472 : vector<128x128xi1>, vector<128x128xf32>
    %jit3A_2479 = arith.constant 7.000000e+00 : f32
    %broadcast_in_dim3A_2480 = vector.broadcast %jit3A_2479 : f32 to vector<128x128xf32>
    %select_n3A_2481 = arith.select %gt3A_2477, %broadcast_in_dim3A_2480, %select_n3A_2475 : vector<128x128xi1>, vector<128x128xf32>
    %slice3A_2482 = vector.extract_strided_slice %slice3A_2436 {offsets = [0, 1024], sizes = [128, 128], strides = [1, 1]} : vector<128x8192xf32> to vector<128x128xf32>
    %gt3A_2483 = arith.cmpf ogt, %slice3A_2482, %select_n3A_2478 : vector<128x128xf32>
    %select_n3A_2484 = arith.select %gt3A_2483, %slice3A_2482, %select_n3A_2478 : vector<128x128xi1>, vector<128x128xf32>
    %jit3A_2485 = arith.constant 8.000000e+00 : f32
    %broadcast_in_dim3A_2486 = vector.broadcast %jit3A_2485 : f32 to vector<128x128xf32>
    %select_n3A_2487 = arith.select %gt3A_2483, %broadcast_in_dim3A_2486, %select_n3A_2481 : vector<128x128xi1>, vector<128x128xf32>
    %slice3A_2488 = vector.extract_strided_slice %slice3A_2436 {offsets = [0, 1152], sizes = [128, 128], strides = [1, 1]} : vector<128x8192xf32> to vector<128x128xf32>
    %gt3A_2489 = arith.cmpf ogt, %slice3A_2488, %select_n3A_2484 : vector<128x128xf32>
    %select_n3A_2490 = arith.select %gt3A_2489, %slice3A_2488, %select_n3A_2484 : vector<128x128xi1>, vector<128x128xf32>
    %jit3A_2491 = arith.constant 9.000000e+00 : f32
    %broadcast_in_dim3A_2492 = vector.broadcast %jit3A_2491 : f32 to vector<128x128xf32>
    %select_n3A_2493 = arith.select %gt3A_2489, %broadcast_in_dim3A_2492, %select_n3A_2487 : vector<128x128xi1>, vector<128x128xf32>
    %slice3A_2494 = vector.extract_strided_slice %slice3A_2436 {offsets = [0, 1280], sizes = [128, 128], strides = [1, 1]} : vector<128x8192xf32> to vector<128x128xf32>
    %gt3A_2495 = arith.cmpf ogt, %slice3A_2494, %select_n3A_2490 : vector<128x128xf32>
    %select_n3A_2496 = arith.select %gt3A_2495, %slice3A_2494, %select_n3A_2490 : vector<128x128xi1>, vector<128x128xf32>
    %jit3A_2497 = arith.constant 1.000000e+01 : f32
    %broadcast_in_dim3A_2498 = vector.broadcast %jit3A_2497 : f32 to vector<128x128xf32>
    %select_n3A_2499 = arith.select %gt3A_2495, %broadcast_in_dim3A_2498, %select_n3A_2493 : vector<128x128xi1>, vector<128x128xf32>
    %slice3A_2500 = vector.extract_strided_slice %slice3A_2436 {offsets = [0, 1408], sizes = [128, 128], strides = [1, 1]} : vector<128x8192xf32> to vector<128x128xf32>
    %gt3A_2501 = arith.cmpf ogt, %slice3A_2500, %select_n3A_2496 : vector<128x128xf32>
    %select_n3A_2502 = arith.select %gt3A_2501, %slice3A_2500, %select_n3A_2496 : vector<128x128xi1>, vector<128x128xf32>
    %jit3A_2503 = arith.constant 1.100000e+01 : f32
    %broadcast_in_dim3A_2504 = vector.broadcast %jit3A_2503 : f32 to vector<128x128xf32>
    %select_n3A_2505 = arith.select %gt3A_2501, %broadcast_in_dim3A_2504, %select_n3A_2499 : vector<128x128xi1>, vector<128x128xf32>
    %slice3A_2506 = vector.extract_strided_slice %slice3A_2436 {offsets = [0, 1536], sizes = [128, 128], strides = [1, 1]} : vector<128x8192xf32> to vector<128x128xf32>
    %gt3A_2507 = arith.cmpf ogt, %slice3A_2506, %select_n3A_2502 : vector<128x128xf32>
    %select_n3A_2508 = arith.select %gt3A_2507, %slice3A_2506, %select_n3A_2502 : vector<128x128xi1>, vector<128x128xf32>
    %jit3A_2509 = arith.constant 1.200000e+01 : f32
    %broadcast_in_dim3A_2510 = vector.broadcast %jit3A_2509 : f32 to vector<128x128xf32>
    %select_n3A_2511 = arith.select %gt3A_2507, %broadcast_in_dim3A_2510, %select_n3A_2505 : vector<128x128xi1>, vector<128x128xf32>
    %slice3A_2512 = vector.extract_strided_slice %slice3A_2436 {offsets = [0, 1664], sizes = [128, 128], strides = [1, 1]} : vector<128x8192xf32> to vector<128x128xf32>
    %gt3A_2513 = arith.cmpf ogt, %slice3A_2512, %select_n3A_2508 : vector<128x128xf32>
    %select_n3A_2514 = arith.select %gt3A_2513, %slice3A_2512, %select_n3A_2508 : vector<128x128xi1>, vector<128x128xf32>
    %jit3A_2515 = arith.constant 1.300000e+01 : f32
    %broadcast_in_dim3A_2516 = vector.broadcast %jit3A_2515 : f32 to vector<128x128xf32>
    %select_n3A_2517 = arith.select %gt3A_2513, %broadcast_in_dim3A_2516, %select_n3A_2511 : vector<128x128xi1>, vector<128x128xf32>
    %slice3A_2518 = vector.extract_strided_slice %slice3A_2436 {offsets = [0, 1792], sizes = [128, 128], strides = [1, 1]} : vector<128x8192xf32> to vector<128x128xf32>
    %gt3A_2519 = arith.cmpf ogt, %slice3A_2518, %select_n3A_2514 : vector<128x128xf32>
    %select_n3A_2520 = arith.select %gt3A_2519, %slice3A_2518, %select_n3A_2514 : vector<128x128xi1>, vector<128x128xf32>
    %jit3A_2521 = arith.constant 1.400000e+01 : f32
    %broadcast_in_dim3A_2522 = vector.broadcast %jit3A_2521 : f32 to vector<128x128xf32>
    %select_n3A_2523 = arith.select %gt3A_2519, %broadcast_in_dim3A_2522, %select_n3A_2517 : vector<128x128xi1>, vector<128x128xf32>
    %slice3A_2524 = vector.extract_strided_slice %slice3A_2436 {offsets = [0, 1920], sizes = [128, 128], strides = [1, 1]} : vector<128x8192xf32> to vector<128x128xf32>
    %gt3A_2525 = arith.cmpf ogt, %slice3A_2524, %select_n3A_2520 : vector<128x128xf32>
    %select_n3A_2526 = arith.select %gt3A_2525, %slice3A_2524, %select_n3A_2520 : vector<128x128xi1>, vector<128x128xf32>
    %jit3A_2527 = arith.constant 1.500000e+01 : f32
    %broadcast_in_dim3A_2528 = vector.broadcast %jit3A_2527 : f32 to vector<128x128xf32>
    %select_n3A_2529 = arith.select %gt3A_2525, %broadcast_in_dim3A_2528, %select_n3A_2523 : vector<128x128xi1>, vector<128x128xf32>
    %slice3A_2530 = vector.extract_strided_slice %slice3A_2436 {offsets = [0, 2048], sizes = [128, 128], strides = [1, 1]} : vector<128x8192xf32> to vector<128x128xf32>
    %gt3A_2531 = arith.cmpf ogt, %slice3A_2530, %select_n3A_2526 : vector<128x128xf32>
    %select_n3A_2532 = arith.select %gt3A_2531, %slice3A_2530, %select_n3A_2526 : vector<128x128xi1>, vector<128x128xf32>
    %jit3A_2533 = arith.constant 1.600000e+01 : f32
    %broadcast_in_dim3A_2534 = vector.broadcast %jit3A_2533 : f32 to vector<128x128xf32>
    %select_n3A_2535 = arith.select %gt3A_2531, %broadcast_in_dim3A_2534, %select_n3A_2529 : vector<128x128xi1>, vector<128x128xf32>
    %slice3A_2536 = vector.extract_strided_slice %slice3A_2436 {offsets = [0, 2176], sizes = [128, 128], strides = [1, 1]} : vector<128x8192xf32> to vector<128x128xf32>
    %gt3A_2537 = arith.cmpf ogt, %slice3A_2536, %select_n3A_2532 : vector<128x128xf32>
    %select_n3A_2538 = arith.select %gt3A_2537, %slice3A_2536, %select_n3A_2532 : vector<128x128xi1>, vector<128x128xf32>
    %jit3A_2539 = arith.constant 1.700000e+01 : f32
    %broadcast_in_dim3A_2540 = vector.broadcast %jit3A_2539 : f32 to vector<128x128xf32>
    %select_n3A_2541 = arith.select %gt3A_2537, %broadcast_in_dim3A_2540, %select_n3A_2535 : vector<128x128xi1>, vector<128x128xf32>
    %slice3A_2542 = vector.extract_strided_slice %slice3A_2436 {offsets = [0, 2304], sizes = [128, 128], strides = [1, 1]} : vector<128x8192xf32> to vector<128x128xf32>
    %gt3A_2543 = arith.cmpf ogt, %slice3A_2542, %select_n3A_2538 : vector<128x128xf32>
    %select_n3A_2544 = arith.select %gt3A_2543, %slice3A_2542, %select_n3A_2538 : vector<128x128xi1>, vector<128x128xf32>
    %jit3A_2545 = arith.constant 1.800000e+01 : f32
    %broadcast_in_dim3A_2546 = vector.broadcast %jit3A_2545 : f32 to vector<128x128xf32>
    %select_n3A_2547 = arith.select %gt3A_2543, %broadcast_in_dim3A_2546, %select_n3A_2541 : vector<128x128xi1>, vector<128x128xf32>
    %slice3A_2548 = vector.extract_strided_slice %slice3A_2436 {offsets = [0, 2432], sizes = [128, 128], strides = [1, 1]} : vector<128x8192xf32> to vector<128x128xf32>
    %gt3A_2549 = arith.cmpf ogt, %slice3A_2548, %select_n3A_2544 : vector<128x128xf32>
    %select_n3A_2550 = arith.select %gt3A_2549, %slice3A_2548, %select_n3A_2544 : vector<128x128xi1>, vector<128x128xf32>
    %jit3A_2551 = arith.constant 1.900000e+01 : f32
    %broadcast_in_dim3A_2552 = vector.broadcast %jit3A_2551 : f32 to vector<128x128xf32>
    %select_n3A_2553 = arith.select %gt3A_2549, %broadcast_in_dim3A_2552, %select_n3A_2547 : vector<128x128xi1>, vector<128x128xf32>
    %slice3A_2554 = vector.extract_strided_slice %slice3A_2436 {offsets = [0, 2560], sizes = [128, 128], strides = [1, 1]} : vector<128x8192xf32> to vector<128x128xf32>
    %gt3A_2555 = arith.cmpf ogt, %slice3A_2554, %select_n3A_2550 : vector<128x128xf32>
    %select_n3A_2556 = arith.select %gt3A_2555, %slice3A_2554, %select_n3A_2550 : vector<128x128xi1>, vector<128x128xf32>
    %jit3A_2557 = arith.constant 2.000000e+01 : f32
    %broadcast_in_dim3A_2558 = vector.broadcast %jit3A_2557 : f32 to vector<128x128xf32>
    %select_n3A_2559 = arith.select %gt3A_2555, %broadcast_in_dim3A_2558, %select_n3A_2553 : vector<128x128xi1>, vector<128x128xf32>
    %slice3A_2560 = vector.extract_strided_slice %slice3A_2436 {offsets = [0, 2688], sizes = [128, 128], strides = [1, 1]} : vector<128x8192xf32> to vector<128x128xf32>
    %gt3A_2561 = arith.cmpf ogt, %slice3A_2560, %select_n3A_2556 : vector<128x128xf32>
    %select_n3A_2562 = arith.select %gt3A_2561, %slice3A_2560, %select_n3A_2556 : vector<128x128xi1>, vector<128x128xf32>
    %jit3A_2563 = arith.constant 2.100000e+01 : f32
    %broadcast_in_dim3A_2564 = vector.broadcast %jit3A_2563 : f32 to vector<128x128xf32>
    %select_n3A_2565 = arith.select %gt3A_2561, %broadcast_in_dim3A_2564, %select_n3A_2559 : vector<128x128xi1>, vector<128x128xf32>
    %slice3A_2566 = vector.extract_strided_slice %slice3A_2436 {offsets = [0, 2816], sizes = [128, 128], strides = [1, 1]} : vector<128x8192xf32> to vector<128x128xf32>
    %gt3A_2567 = arith.cmpf ogt, %slice3A_2566, %select_n3A_2562 : vector<128x128xf32>
    %select_n3A_2568 = arith.select %gt3A_2567, %slice3A_2566, %select_n3A_2562 : vector<128x128xi1>, vector<128x128xf32>
    %jit3A_2569 = arith.constant 2.200000e+01 : f32
    %broadcast_in_dim3A_2570 = vector.broadcast %jit3A_2569 : f32 to vector<128x128xf32>
    %select_n3A_2571 = arith.select %gt3A_2567, %broadcast_in_dim3A_2570, %select_n3A_2565 : vector<128x128xi1>, vector<128x128xf32>
    %slice3A_2572 = vector.extract_strided_slice %slice3A_2436 {offsets = [0, 2944], sizes = [128, 128], strides = [1, 1]} : vector<128x8192xf32> to vector<128x128xf32>
    %gt3A_2573 = arith.cmpf ogt, %slice3A_2572, %select_n3A_2568 : vector<128x128xf32>
    %select_n3A_2574 = arith.select %gt3A_2573, %slice3A_2572, %select_n3A_2568 : vector<128x128xi1>, vector<128x128xf32>
    %jit3A_2575 = arith.constant 2.300000e+01 : f32
    %broadcast_in_dim3A_2576 = vector.broadcast %jit3A_2575 : f32 to vector<128x128xf32>
    %select_n3A_2577 = arith.select %gt3A_2573, %broadcast_in_dim3A_2576, %select_n3A_2571 : vector<128x128xi1>, vector<128x128xf32>
    %slice3A_2578 = vector.extract_strided_slice %slice3A_2436 {offsets = [0, 3072], sizes = [128, 128], strides = [1, 1]} : vector<128x8192xf32> to vector<128x128xf32>
    %gt3A_2579 = arith.cmpf ogt, %slice3A_2578, %select_n3A_2574 : vector<128x128xf32>
    %select_n3A_2580 = arith.select %gt3A_2579, %slice3A_2578, %select_n3A_2574 : vector<128x128xi1>, vector<128x128xf32>
    %jit3A_2581 = arith.constant 2.400000e+01 : f32
    %broadcast_in_dim3A_2582 = vector.broadcast %jit3A_2581 : f32 to vector<128x128xf32>
    %select_n3A_2583 = arith.select %gt3A_2579, %broadcast_in_dim3A_2582, %select_n3A_2577 : vector<128x128xi1>, vector<128x128xf32>
    %slice3A_2584 = vector.extract_strided_slice %slice3A_2436 {offsets = [0, 3200], sizes = [128, 128], strides = [1, 1]} : vector<128x8192xf32> to vector<128x128xf32>
    %gt3A_2585 = arith.cmpf ogt, %slice3A_2584, %select_n3A_2580 : vector<128x128xf32>
    %select_n3A_2586 = arith.select %gt3A_2585, %slice3A_2584, %select_n3A_2580 : vector<128x128xi1>, vector<128x128xf32>
    %jit3A_2587 = arith.constant 2.500000e+01 : f32
    %broadcast_in_dim3A_2588 = vector.broadcast %jit3A_2587 : f32 to vector<128x128xf32>
    %select_n3A_2589 = arith.select %gt3A_2585, %broadcast_in_dim3A_2588, %select_n3A_2583 : vector<128x128xi1>, vector<128x128xf32>
    %slice3A_2590 = vector.extract_strided_slice %slice3A_2436 {offsets = [0, 3328], sizes = [128, 128], strides = [1, 1]} : vector<128x8192xf32> to vector<128x128xf32>
    %gt3A_2591 = arith.cmpf ogt, %slice3A_2590, %select_n3A_2586 : vector<128x128xf32>
    %select_n3A_2592 = arith.select %gt3A_2591, %slice3A_2590, %select_n3A_2586 : vector<128x128xi1>, vector<128x128xf32>
    %jit3A_2593 = arith.constant 2.600000e+01 : f32
    %broadcast_in_dim3A_2594 = vector.broadcast %jit3A_2593 : f32 to vector<128x128xf32>
    %select_n3A_2595 = arith.select %gt3A_2591, %broadcast_in_dim3A_2594, %select_n3A_2589 : vector<128x128xi1>, vector<128x128xf32>
    %slice3A_2596 = vector.extract_strided_slice %slice3A_2436 {offsets = [0, 3456], sizes = [128, 128], strides = [1, 1]} : vector<128x8192xf32> to vector<128x128xf32>
    %gt3A_2597 = arith.cmpf ogt, %slice3A_2596, %select_n3A_2592 : vector<128x128xf32>
    %select_n3A_2598 = arith.select %gt3A_2597, %slice3A_2596, %select_n3A_2592 : vector<128x128xi1>, vector<128x128xf32>
    %jit3A_2599 = arith.constant 2.700000e+01 : f32
    %broadcast_in_dim3A_2600 = vector.broadcast %jit3A_2599 : f32 to vector<128x128xf32>
    %select_n3A_2601 = arith.select %gt3A_2597, %broadcast_in_dim3A_2600, %select_n3A_2595 : vector<128x128xi1>, vector<128x128xf32>
    %slice3A_2602 = vector.extract_strided_slice %slice3A_2436 {offsets = [0, 3584], sizes = [128, 128], strides = [1, 1]} : vector<128x8192xf32> to vector<128x128xf32>
    %gt3A_2603 = arith.cmpf ogt, %slice3A_2602, %select_n3A_2598 : vector<128x128xf32>
    %select_n3A_2604 = arith.select %gt3A_2603, %slice3A_2602, %select_n3A_2598 : vector<128x128xi1>, vector<128x128xf32>
    %jit3A_2605 = arith.constant 2.800000e+01 : f32
    %broadcast_in_dim3A_2606 = vector.broadcast %jit3A_2605 : f32 to vector<128x128xf32>
    %select_n3A_2607 = arith.select %gt3A_2603, %broadcast_in_dim3A_2606, %select_n3A_2601 : vector<128x128xi1>, vector<128x128xf32>
    %slice3A_2608 = vector.extract_strided_slice %slice3A_2436 {offsets = [0, 3712], sizes = [128, 128], strides = [1, 1]} : vector<128x8192xf32> to vector<128x128xf32>
    %gt3A_2609 = arith.cmpf ogt, %slice3A_2608, %select_n3A_2604 : vector<128x128xf32>
    %select_n3A_2610 = arith.select %gt3A_2609, %slice3A_2608, %select_n3A_2604 : vector<128x128xi1>, vector<128x128xf32>
    %jit3A_2611 = arith.constant 2.900000e+01 : f32
    %broadcast_in_dim3A_2612 = vector.broadcast %jit3A_2611 : f32 to vector<128x128xf32>
    %select_n3A_2613 = arith.select %gt3A_2609, %broadcast_in_dim3A_2612, %select_n3A_2607 : vector<128x128xi1>, vector<128x128xf32>
    %slice3A_2614 = vector.extract_strided_slice %slice3A_2436 {offsets = [0, 3840], sizes = [128, 128], strides = [1, 1]} : vector<128x8192xf32> to vector<128x128xf32>
    %gt3A_2615 = arith.cmpf ogt, %slice3A_2614, %select_n3A_2610 : vector<128x128xf32>
    %select_n3A_2616 = arith.select %gt3A_2615, %slice3A_2614, %select_n3A_2610 : vector<128x128xi1>, vector<128x128xf32>
    %jit3A_2617 = arith.constant 3.000000e+01 : f32
    %broadcast_in_dim3A_2618 = vector.broadcast %jit3A_2617 : f32 to vector<128x128xf32>
    %select_n3A_2619 = arith.select %gt3A_2615, %broadcast_in_dim3A_2618, %select_n3A_2613 : vector<128x128xi1>, vector<128x128xf32>
    %slice3A_2620 = vector.extract_strided_slice %slice3A_2436 {offsets = [0, 3968], sizes = [128, 128], strides = [1, 1]} : vector<128x8192xf32> to vector<128x128xf32>
    %gt3A_2621 = arith.cmpf ogt, %slice3A_2620, %select_n3A_2616 : vector<128x128xf32>
    %select_n3A_2622 = arith.select %gt3A_2621, %slice3A_2620, %select_n3A_2616 : vector<128x128xi1>, vector<128x128xf32>
    %jit3A_2623 = arith.constant 3.100000e+01 : f32
    %broadcast_in_dim3A_2624 = vector.broadcast %jit3A_2623 : f32 to vector<128x128xf32>
    %select_n3A_2625 = arith.select %gt3A_2621, %broadcast_in_dim3A_2624, %select_n3A_2619 : vector<128x128xi1>, vector<128x128xf32>
    %slice3A_2626 = vector.extract_strided_slice %slice3A_2436 {offsets = [0, 4096], sizes = [128, 128], strides = [1, 1]} : vector<128x8192xf32> to vector<128x128xf32>
    %gt3A_2627 = arith.cmpf ogt, %slice3A_2626, %select_n3A_2622 : vector<128x128xf32>
    %select_n3A_2628 = arith.select %gt3A_2627, %slice3A_2626, %select_n3A_2622 : vector<128x128xi1>, vector<128x128xf32>
    %jit3A_2629 = arith.constant 3.200000e+01 : f32
    %broadcast_in_dim3A_2630 = vector.broadcast %jit3A_2629 : f32 to vector<128x128xf32>
    %select_n3A_2631 = arith.select %gt3A_2627, %broadcast_in_dim3A_2630, %select_n3A_2625 : vector<128x128xi1>, vector<128x128xf32>
    %slice3A_2632 = vector.extract_strided_slice %slice3A_2436 {offsets = [0, 4224], sizes = [128, 128], strides = [1, 1]} : vector<128x8192xf32> to vector<128x128xf32>
    %gt3A_2633 = arith.cmpf ogt, %slice3A_2632, %select_n3A_2628 : vector<128x128xf32>
    %select_n3A_2634 = arith.select %gt3A_2633, %slice3A_2632, %select_n3A_2628 : vector<128x128xi1>, vector<128x128xf32>
    %jit3A_2635 = arith.constant 3.300000e+01 : f32
    %broadcast_in_dim3A_2636 = vector.broadcast %jit3A_2635 : f32 to vector<128x128xf32>
    %select_n3A_2637 = arith.select %gt3A_2633, %broadcast_in_dim3A_2636, %select_n3A_2631 : vector<128x128xi1>, vector<128x128xf32>
    %slice3A_2638 = vector.extract_strided_slice %slice3A_2436 {offsets = [0, 4352], sizes = [128, 128], strides = [1, 1]} : vector<128x8192xf32> to vector<128x128xf32>
    %gt3A_2639 = arith.cmpf ogt, %slice3A_2638, %select_n3A_2634 : vector<128x128xf32>
    %select_n3A_2640 = arith.select %gt3A_2639, %slice3A_2638, %select_n3A_2634 : vector<128x128xi1>, vector<128x128xf32>
    %jit3A_2641 = arith.constant 3.400000e+01 : f32
    %broadcast_in_dim3A_2642 = vector.broadcast %jit3A_2641 : f32 to vector<128x128xf32>
    %select_n3A_2643 = arith.select %gt3A_2639, %broadcast_in_dim3A_2642, %select_n3A_2637 : vector<128x128xi1>, vector<128x128xf32>
    %slice3A_2644 = vector.extract_strided_slice %slice3A_2436 {offsets = [0, 4480], sizes = [128, 128], strides = [1, 1]} : vector<128x8192xf32> to vector<128x128xf32>
    %gt3A_2645 = arith.cmpf ogt, %slice3A_2644, %select_n3A_2640 : vector<128x128xf32>
    %select_n3A_2646 = arith.select %gt3A_2645, %slice3A_2644, %select_n3A_2640 : vector<128x128xi1>, vector<128x128xf32>
    %jit3A_2647 = arith.constant 3.500000e+01 : f32
    %broadcast_in_dim3A_2648 = vector.broadcast %jit3A_2647 : f32 to vector<128x128xf32>
    %select_n3A_2649 = arith.select %gt3A_2645, %broadcast_in_dim3A_2648, %select_n3A_2643 : vector<128x128xi1>, vector<128x128xf32>
    %slice3A_2650 = vector.extract_strided_slice %slice3A_2436 {offsets = [0, 4608], sizes = [128, 128], strides = [1, 1]} : vector<128x8192xf32> to vector<128x128xf32>
    %gt3A_2651 = arith.cmpf ogt, %slice3A_2650, %select_n3A_2646 : vector<128x128xf32>
    %select_n3A_2652 = arith.select %gt3A_2651, %slice3A_2650, %select_n3A_2646 : vector<128x128xi1>, vector<128x128xf32>
    %jit3A_2653 = arith.constant 3.600000e+01 : f32
    %broadcast_in_dim3A_2654 = vector.broadcast %jit3A_2653 : f32 to vector<128x128xf32>
    %select_n3A_2655 = arith.select %gt3A_2651, %broadcast_in_dim3A_2654, %select_n3A_2649 : vector<128x128xi1>, vector<128x128xf32>
    %slice3A_2656 = vector.extract_strided_slice %slice3A_2436 {offsets = [0, 4736], sizes = [128, 128], strides = [1, 1]} : vector<128x8192xf32> to vector<128x128xf32>
    %gt3A_2657 = arith.cmpf ogt, %slice3A_2656, %select_n3A_2652 : vector<128x128xf32>
    %select_n3A_2658 = arith.select %gt3A_2657, %slice3A_2656, %select_n3A_2652 : vector<128x128xi1>, vector<128x128xf32>
    %jit3A_2659 = arith.constant 3.700000e+01 : f32
    %broadcast_in_dim3A_2660 = vector.broadcast %jit3A_2659 : f32 to vector<128x128xf32>
    %select_n3A_2661 = arith.select %gt3A_2657, %broadcast_in_dim3A_2660, %select_n3A_2655 : vector<128x128xi1>, vector<128x128xf32>
    %slice3A_2662 = vector.extract_strided_slice %slice3A_2436 {offsets = [0, 4864], sizes = [128, 128], strides = [1, 1]} : vector<128x8192xf32> to vector<128x128xf32>
    %gt3A_2663 = arith.cmpf ogt, %slice3A_2662, %select_n3A_2658 : vector<128x128xf32>
    %select_n3A_2664 = arith.select %gt3A_2663, %slice3A_2662, %select_n3A_2658 : vector<128x128xi1>, vector<128x128xf32>
    %jit3A_2665 = arith.constant 3.800000e+01 : f32
    %broadcast_in_dim3A_2666 = vector.broadcast %jit3A_2665 : f32 to vector<128x128xf32>
    %select_n3A_2667 = arith.select %gt3A_2663, %broadcast_in_dim3A_2666, %select_n3A_2661 : vector<128x128xi1>, vector<128x128xf32>
    %slice3A_2668 = vector.extract_strided_slice %slice3A_2436 {offsets = [0, 4992], sizes = [128, 128], strides = [1, 1]} : vector<128x8192xf32> to vector<128x128xf32>
    %gt3A_2669 = arith.cmpf ogt, %slice3A_2668, %select_n3A_2664 : vector<128x128xf32>
    %select_n3A_2670 = arith.select %gt3A_2669, %slice3A_2668, %select_n3A_2664 : vector<128x128xi1>, vector<128x128xf32>
    %jit3A_2671 = arith.constant 3.900000e+01 : f32
    %broadcast_in_dim3A_2672 = vector.broadcast %jit3A_2671 : f32 to vector<128x128xf32>
    %select_n3A_2673 = arith.select %gt3A_2669, %broadcast_in_dim3A_2672, %select_n3A_2667 : vector<128x128xi1>, vector<128x128xf32>
    %slice3A_2674 = vector.extract_strided_slice %slice3A_2436 {offsets = [0, 5120], sizes = [128, 128], strides = [1, 1]} : vector<128x8192xf32> to vector<128x128xf32>
    %gt3A_2675 = arith.cmpf ogt, %slice3A_2674, %select_n3A_2670 : vector<128x128xf32>
    %select_n3A_2676 = arith.select %gt3A_2675, %slice3A_2674, %select_n3A_2670 : vector<128x128xi1>, vector<128x128xf32>
    %jit3A_2677 = arith.constant 4.000000e+01 : f32
    %broadcast_in_dim3A_2678 = vector.broadcast %jit3A_2677 : f32 to vector<128x128xf32>
    %select_n3A_2679 = arith.select %gt3A_2675, %broadcast_in_dim3A_2678, %select_n3A_2673 : vector<128x128xi1>, vector<128x128xf32>
    %slice3A_2680 = vector.extract_strided_slice %slice3A_2436 {offsets = [0, 5248], sizes = [128, 128], strides = [1, 1]} : vector<128x8192xf32> to vector<128x128xf32>
    %gt3A_2681 = arith.cmpf ogt, %slice3A_2680, %select_n3A_2676 : vector<128x128xf32>
    %select_n3A_2682 = arith.select %gt3A_2681, %slice3A_2680, %select_n3A_2676 : vector<128x128xi1>, vector<128x128xf32>
    %jit3A_2683 = arith.constant 4.100000e+01 : f32
    %broadcast_in_dim3A_2684 = vector.broadcast %jit3A_2683 : f32 to vector<128x128xf32>
    %select_n3A_2685 = arith.select %gt3A_2681, %broadcast_in_dim3A_2684, %select_n3A_2679 : vector<128x128xi1>, vector<128x128xf32>
    %slice3A_2686 = vector.extract_strided_slice %slice3A_2436 {offsets = [0, 5376], sizes = [128, 128], strides = [1, 1]} : vector<128x8192xf32> to vector<128x128xf32>
    %gt3A_2687 = arith.cmpf ogt, %slice3A_2686, %select_n3A_2682 : vector<128x128xf32>
    %select_n3A_2688 = arith.select %gt3A_2687, %slice3A_2686, %select_n3A_2682 : vector<128x128xi1>, vector<128x128xf32>
    %jit3A_2689 = arith.constant 4.200000e+01 : f32
    %broadcast_in_dim3A_2690 = vector.broadcast %jit3A_2689 : f32 to vector<128x128xf32>
    %select_n3A_2691 = arith.select %gt3A_2687, %broadcast_in_dim3A_2690, %select_n3A_2685 : vector<128x128xi1>, vector<128x128xf32>
    %slice3A_2692 = vector.extract_strided_slice %slice3A_2436 {offsets = [0, 5504], sizes = [128, 128], strides = [1, 1]} : vector<128x8192xf32> to vector<128x128xf32>
    %gt3A_2693 = arith.cmpf ogt, %slice3A_2692, %select_n3A_2688 : vector<128x128xf32>
    %select_n3A_2694 = arith.select %gt3A_2693, %slice3A_2692, %select_n3A_2688 : vector<128x128xi1>, vector<128x128xf32>
    %jit3A_2695 = arith.constant 4.300000e+01 : f32
    %broadcast_in_dim3A_2696 = vector.broadcast %jit3A_2695 : f32 to vector<128x128xf32>
    %select_n3A_2697 = arith.select %gt3A_2693, %broadcast_in_dim3A_2696, %select_n3A_2691 : vector<128x128xi1>, vector<128x128xf32>
    %slice3A_2698 = vector.extract_strided_slice %slice3A_2436 {offsets = [0, 5632], sizes = [128, 128], strides = [1, 1]} : vector<128x8192xf32> to vector<128x128xf32>
    %gt3A_2699 = arith.cmpf ogt, %slice3A_2698, %select_n3A_2694 : vector<128x128xf32>
    %select_n3A_2700 = arith.select %gt3A_2699, %slice3A_2698, %select_n3A_2694 : vector<128x128xi1>, vector<128x128xf32>
    %jit3A_2701 = arith.constant 4.400000e+01 : f32
    %broadcast_in_dim3A_2702 = vector.broadcast %jit3A_2701 : f32 to vector<128x128xf32>
    %select_n3A_2703 = arith.select %gt3A_2699, %broadcast_in_dim3A_2702, %select_n3A_2697 : vector<128x128xi1>, vector<128x128xf32>
    %slice3A_2704 = vector.extract_strided_slice %slice3A_2436 {offsets = [0, 5760], sizes = [128, 128], strides = [1, 1]} : vector<128x8192xf32> to vector<128x128xf32>
    %gt3A_2705 = arith.cmpf ogt, %slice3A_2704, %select_n3A_2700 : vector<128x128xf32>
    %select_n3A_2706 = arith.select %gt3A_2705, %slice3A_2704, %select_n3A_2700 : vector<128x128xi1>, vector<128x128xf32>
    %jit3A_2707 = arith.constant 4.500000e+01 : f32
    %broadcast_in_dim3A_2708 = vector.broadcast %jit3A_2707 : f32 to vector<128x128xf32>
    %select_n3A_2709 = arith.select %gt3A_2705, %broadcast_in_dim3A_2708, %select_n3A_2703 : vector<128x128xi1>, vector<128x128xf32>
    %slice3A_2710 = vector.extract_strided_slice %slice3A_2436 {offsets = [0, 5888], sizes = [128, 128], strides = [1, 1]} : vector<128x8192xf32> to vector<128x128xf32>
    %gt3A_2711 = arith.cmpf ogt, %slice3A_2710, %select_n3A_2706 : vector<128x128xf32>
    %select_n3A_2712 = arith.select %gt3A_2711, %slice3A_2710, %select_n3A_2706 : vector<128x128xi1>, vector<128x128xf32>
    %jit3A_2713 = arith.constant 4.600000e+01 : f32
    %broadcast_in_dim3A_2714 = vector.broadcast %jit3A_2713 : f32 to vector<128x128xf32>
    %select_n3A_2715 = arith.select %gt3A_2711, %broadcast_in_dim3A_2714, %select_n3A_2709 : vector<128x128xi1>, vector<128x128xf32>
    %slice3A_2716 = vector.extract_strided_slice %slice3A_2436 {offsets = [0, 6016], sizes = [128, 128], strides = [1, 1]} : vector<128x8192xf32> to vector<128x128xf32>
    %gt3A_2717 = arith.cmpf ogt, %slice3A_2716, %select_n3A_2712 : vector<128x128xf32>
    %select_n3A_2718 = arith.select %gt3A_2717, %slice3A_2716, %select_n3A_2712 : vector<128x128xi1>, vector<128x128xf32>
    %jit3A_2719 = arith.constant 4.700000e+01 : f32
    %broadcast_in_dim3A_2720 = vector.broadcast %jit3A_2719 : f32 to vector<128x128xf32>
    %select_n3A_2721 = arith.select %gt3A_2717, %broadcast_in_dim3A_2720, %select_n3A_2715 : vector<128x128xi1>, vector<128x128xf32>
    %slice3A_2722 = vector.extract_strided_slice %slice3A_2436 {offsets = [0, 6144], sizes = [128, 128], strides = [1, 1]} : vector<128x8192xf32> to vector<128x128xf32>
    %gt3A_2723 = arith.cmpf ogt, %slice3A_2722, %select_n3A_2718 : vector<128x128xf32>
    %select_n3A_2724 = arith.select %gt3A_2723, %slice3A_2722, %select_n3A_2718 : vector<128x128xi1>, vector<128x128xf32>
    %jit3A_2725 = arith.constant 4.800000e+01 : f32
    %broadcast_in_dim3A_2726 = vector.broadcast %jit3A_2725 : f32 to vector<128x128xf32>
    %select_n3A_2727 = arith.select %gt3A_2723, %broadcast_in_dim3A_2726, %select_n3A_2721 : vector<128x128xi1>, vector<128x128xf32>
    %slice3A_2728 = vector.extract_strided_slice %slice3A_2436 {offsets = [0, 6272], sizes = [128, 128], strides = [1, 1]} : vector<128x8192xf32> to vector<128x128xf32>
    %gt3A_2729 = arith.cmpf ogt, %slice3A_2728, %select_n3A_2724 : vector<128x128xf32>
    %select_n3A_2730 = arith.select %gt3A_2729, %slice3A_2728, %select_n3A_2724 : vector<128x128xi1>, vector<128x128xf32>
    %jit3A_2731 = arith.constant 4.900000e+01 : f32
    %broadcast_in_dim3A_2732 = vector.broadcast %jit3A_2731 : f32 to vector<128x128xf32>
    %select_n3A_2733 = arith.select %gt3A_2729, %broadcast_in_dim3A_2732, %select_n3A_2727 : vector<128x128xi1>, vector<128x128xf32>
    %slice3A_2734 = vector.extract_strided_slice %slice3A_2436 {offsets = [0, 6400], sizes = [128, 128], strides = [1, 1]} : vector<128x8192xf32> to vector<128x128xf32>
    %gt3A_2735 = arith.cmpf ogt, %slice3A_2734, %select_n3A_2730 : vector<128x128xf32>
    %select_n3A_2736 = arith.select %gt3A_2735, %slice3A_2734, %select_n3A_2730 : vector<128x128xi1>, vector<128x128xf32>
    %jit3A_2737 = arith.constant 5.000000e+01 : f32
    %broadcast_in_dim3A_2738 = vector.broadcast %jit3A_2737 : f32 to vector<128x128xf32>
    %select_n3A_2739 = arith.select %gt3A_2735, %broadcast_in_dim3A_2738, %select_n3A_2733 : vector<128x128xi1>, vector<128x128xf32>
    %slice3A_2740 = vector.extract_strided_slice %slice3A_2436 {offsets = [0, 6528], sizes = [128, 128], strides = [1, 1]} : vector<128x8192xf32> to vector<128x128xf32>
    %gt3A_2741 = arith.cmpf ogt, %slice3A_2740, %select_n3A_2736 : vector<128x128xf32>
    %select_n3A_2742 = arith.select %gt3A_2741, %slice3A_2740, %select_n3A_2736 : vector<128x128xi1>, vector<128x128xf32>
    %jit3A_2743 = arith.constant 5.100000e+01 : f32
    %broadcast_in_dim3A_2744 = vector.broadcast %jit3A_2743 : f32 to vector<128x128xf32>
    %select_n3A_2745 = arith.select %gt3A_2741, %broadcast_in_dim3A_2744, %select_n3A_2739 : vector<128x128xi1>, vector<128x128xf32>
    %slice3A_2746 = vector.extract_strided_slice %slice3A_2436 {offsets = [0, 6656], sizes = [128, 128], strides = [1, 1]} : vector<128x8192xf32> to vector<128x128xf32>
    %gt3A_2747 = arith.cmpf ogt, %slice3A_2746, %select_n3A_2742 : vector<128x128xf32>
    %select_n3A_2748 = arith.select %gt3A_2747, %slice3A_2746, %select_n3A_2742 : vector<128x128xi1>, vector<128x128xf32>
    %jit3A_2749 = arith.constant 5.200000e+01 : f32
    %broadcast_in_dim3A_2750 = vector.broadcast %jit3A_2749 : f32 to vector<128x128xf32>
    %select_n3A_2751 = arith.select %gt3A_2747, %broadcast_in_dim3A_2750, %select_n3A_2745 : vector<128x128xi1>, vector<128x128xf32>
    %slice3A_2752 = vector.extract_strided_slice %slice3A_2436 {offsets = [0, 6784], sizes = [128, 128], strides = [1, 1]} : vector<128x8192xf32> to vector<128x128xf32>
    %gt3A_2753 = arith.cmpf ogt, %slice3A_2752, %select_n3A_2748 : vector<128x128xf32>
    %select_n3A_2754 = arith.select %gt3A_2753, %slice3A_2752, %select_n3A_2748 : vector<128x128xi1>, vector<128x128xf32>
    %jit3A_2755 = arith.constant 5.300000e+01 : f32
    %broadcast_in_dim3A_2756 = vector.broadcast %jit3A_2755 : f32 to vector<128x128xf32>
    %select_n3A_2757 = arith.select %gt3A_2753, %broadcast_in_dim3A_2756, %select_n3A_2751 : vector<128x128xi1>, vector<128x128xf32>
    %slice3A_2758 = vector.extract_strided_slice %slice3A_2436 {offsets = [0, 6912], sizes = [128, 128], strides = [1, 1]} : vector<128x8192xf32> to vector<128x128xf32>
    %gt3A_2759 = arith.cmpf ogt, %slice3A_2758, %select_n3A_2754 : vector<128x128xf32>
    %select_n3A_2760 = arith.select %gt3A_2759, %slice3A_2758, %select_n3A_2754 : vector<128x128xi1>, vector<128x128xf32>
    %jit3A_2761 = arith.constant 5.400000e+01 : f32
    %broadcast_in_dim3A_2762 = vector.broadcast %jit3A_2761 : f32 to vector<128x128xf32>
    %select_n3A_2763 = arith.select %gt3A_2759, %broadcast_in_dim3A_2762, %select_n3A_2757 : vector<128x128xi1>, vector<128x128xf32>
    %slice3A_2764 = vector.extract_strided_slice %slice3A_2436 {offsets = [0, 7040], sizes = [128, 128], strides = [1, 1]} : vector<128x8192xf32> to vector<128x128xf32>
    %gt3A_2765 = arith.cmpf ogt, %slice3A_2764, %select_n3A_2760 : vector<128x128xf32>
    %select_n3A_2766 = arith.select %gt3A_2765, %slice3A_2764, %select_n3A_2760 : vector<128x128xi1>, vector<128x128xf32>
    %jit3A_2767 = arith.constant 5.500000e+01 : f32
    %broadcast_in_dim3A_2768 = vector.broadcast %jit3A_2767 : f32 to vector<128x128xf32>
    %select_n3A_2769 = arith.select %gt3A_2765, %broadcast_in_dim3A_2768, %select_n3A_2763 : vector<128x128xi1>, vector<128x128xf32>
    %slice3A_2770 = vector.extract_strided_slice %slice3A_2436 {offsets = [0, 7168], sizes = [128, 128], strides = [1, 1]} : vector<128x8192xf32> to vector<128x128xf32>
    %gt3A_2771 = arith.cmpf ogt, %slice3A_2770, %select_n3A_2766 : vector<128x128xf32>
    %select_n3A_2772 = arith.select %gt3A_2771, %slice3A_2770, %select_n3A_2766 : vector<128x128xi1>, vector<128x128xf32>
    %jit3A_2773 = arith.constant 5.600000e+01 : f32
    %broadcast_in_dim3A_2774 = vector.broadcast %jit3A_2773 : f32 to vector<128x128xf32>
    %select_n3A_2775 = arith.select %gt3A_2771, %broadcast_in_dim3A_2774, %select_n3A_2769 : vector<128x128xi1>, vector<128x128xf32>
    %slice3A_2776 = vector.extract_strided_slice %slice3A_2436 {offsets = [0, 7296], sizes = [128, 128], strides = [1, 1]} : vector<128x8192xf32> to vector<128x128xf32>
    %gt3A_2777 = arith.cmpf ogt, %slice3A_2776, %select_n3A_2772 : vector<128x128xf32>
    %select_n3A_2778 = arith.select %gt3A_2777, %slice3A_2776, %select_n3A_2772 : vector<128x128xi1>, vector<128x128xf32>
    %jit3A_2779 = arith.constant 5.700000e+01 : f32
    %broadcast_in_dim3A_2780 = vector.broadcast %jit3A_2779 : f32 to vector<128x128xf32>
    %select_n3A_2781 = arith.select %gt3A_2777, %broadcast_in_dim3A_2780, %select_n3A_2775 : vector<128x128xi1>, vector<128x128xf32>
    %slice3A_2782 = vector.extract_strided_slice %slice3A_2436 {offsets = [0, 7424], sizes = [128, 128], strides = [1, 1]} : vector<128x8192xf32> to vector<128x128xf32>
    %gt3A_2783 = arith.cmpf ogt, %slice3A_2782, %select_n3A_2778 : vector<128x128xf32>
    %select_n3A_2784 = arith.select %gt3A_2783, %slice3A_2782, %select_n3A_2778 : vector<128x128xi1>, vector<128x128xf32>
    %jit3A_2785 = arith.constant 5.800000e+01 : f32
    %broadcast_in_dim3A_2786 = vector.broadcast %jit3A_2785 : f32 to vector<128x128xf32>
    %select_n3A_2787 = arith.select %gt3A_2783, %broadcast_in_dim3A_2786, %select_n3A_2781 : vector<128x128xi1>, vector<128x128xf32>
    %slice3A_2788 = vector.extract_strided_slice %slice3A_2436 {offsets = [0, 7552], sizes = [128, 128], strides = [1, 1]} : vector<128x8192xf32> to vector<128x128xf32>
    %gt3A_2789 = arith.cmpf ogt, %slice3A_2788, %select_n3A_2784 : vector<128x128xf32>
    %select_n3A_2790 = arith.select %gt3A_2789, %slice3A_2788, %select_n3A_2784 : vector<128x128xi1>, vector<128x128xf32>
    %jit3A_2791 = arith.constant 5.900000e+01 : f32
    %broadcast_in_dim3A_2792 = vector.broadcast %jit3A_2791 : f32 to vector<128x128xf32>
    %select_n3A_2793 = arith.select %gt3A_2789, %broadcast_in_dim3A_2792, %select_n3A_2787 : vector<128x128xi1>, vector<128x128xf32>
    %slice3A_2794 = vector.extract_strided_slice %slice3A_2436 {offsets = [0, 7680], sizes = [128, 128], strides = [1, 1]} : vector<128x8192xf32> to vector<128x128xf32>
    %gt3A_2795 = arith.cmpf ogt, %slice3A_2794, %select_n3A_2790 : vector<128x128xf32>
    %select_n3A_2796 = arith.select %gt3A_2795, %slice3A_2794, %select_n3A_2790 : vector<128x128xi1>, vector<128x128xf32>
    %jit3A_2797 = arith.constant 6.000000e+01 : f32
    %broadcast_in_dim3A_2798 = vector.broadcast %jit3A_2797 : f32 to vector<128x128xf32>
    %select_n3A_2799 = arith.select %gt3A_2795, %broadcast_in_dim3A_2798, %select_n3A_2793 : vector<128x128xi1>, vector<128x128xf32>
    %slice3A_2800 = vector.extract_strided_slice %slice3A_2436 {offsets = [0, 7808], sizes = [128, 128], strides = [1, 1]} : vector<128x8192xf32> to vector<128x128xf32>
    %gt3A_2801 = arith.cmpf ogt, %slice3A_2800, %select_n3A_2796 : vector<128x128xf32>
    %select_n3A_2802 = arith.select %gt3A_2801, %slice3A_2800, %select_n3A_2796 : vector<128x128xi1>, vector<128x128xf32>
    %jit3A_2803 = arith.constant 6.100000e+01 : f32
    %broadcast_in_dim3A_2804 = vector.broadcast %jit3A_2803 : f32 to vector<128x128xf32>
    %select_n3A_2805 = arith.select %gt3A_2801, %broadcast_in_dim3A_2804, %select_n3A_2799 : vector<128x128xi1>, vector<128x128xf32>
    %slice3A_2806 = vector.extract_strided_slice %slice3A_2436 {offsets = [0, 7936], sizes = [128, 128], strides = [1, 1]} : vector<128x8192xf32> to vector<128x128xf32>
    %gt3A_2807 = arith.cmpf ogt, %slice3A_2806, %select_n3A_2802 : vector<128x128xf32>
    %select_n3A_2808 = arith.select %gt3A_2807, %slice3A_2806, %select_n3A_2802 : vector<128x128xi1>, vector<128x128xf32>
    %jit3A_2809 = arith.constant 6.200000e+01 : f32
    %broadcast_in_dim3A_2810 = vector.broadcast %jit3A_2809 : f32 to vector<128x128xf32>
    %select_n3A_2811 = arith.select %gt3A_2807, %broadcast_in_dim3A_2810, %select_n3A_2805 : vector<128x128xi1>, vector<128x128xf32>
    %slice3A_2812 = vector.extract_strided_slice %slice3A_2436 {offsets = [0, 8064], sizes = [128, 128], strides = [1, 1]} : vector<128x8192xf32> to vector<128x128xf32>
    %gt3A_2813 = arith.cmpf ogt, %slice3A_2812, %select_n3A_2808 : vector<128x128xf32>
    %select_n3A_2814 = arith.select %gt3A_2813, %slice3A_2812, %select_n3A_2808 : vector<128x128xi1>, vector<128x128xf32>
    %jit3A_2815 = arith.constant 6.300000e+01 : f32
    %broadcast_in_dim3A_2816 = vector.broadcast %jit3A_2815 : f32 to vector<128x128xf32>
    %select_n3A_2817 = arith.select %gt3A_2813, %broadcast_in_dim3A_2816, %select_n3A_2811 : vector<128x128xi1>, vector<128x128xf32>
    %reduce_max3A_2818 = arith.constant dense<0xFF800000> : vector<128xf32>
    %reduce_max3A_2819 = vector.multi_reduction <maximumf>, %select_n3A_2814, %reduce_max3A_2818 [1] : vector<128x128xf32> to vector<128xf32>
    %broadcast_in_dim3A_2820 = vector.shape_cast %reduce_max3A_2819 : vector<128xf32> to vector<128x1xf32>
    %eq3A_2821 = vector.broadcast %broadcast_in_dim3A_2820 : vector<128x1xf32> to vector<128x128xf32>
    %eq3A_2822 = arith.cmpf oeq, %select_n3A_2814, %eq3A_2821 : vector<128x128xf32>
    %mul3A_2823 = arith.constant 1.280000e+02 : f32
    %mul3A_2824 = vector.broadcast %mul3A_2823 : f32 to vector<128x128xf32>
    %mul3A_2825 = arith.mulf %select_n3A_2817, %mul3A_2824 : vector<128x128xf32>
    %add3A_2826 = vector.broadcast %get3A_33 : vector<1x128xf32> to vector<128x128xf32>
    %add3A_2827 = arith.addf %mul3A_2825, %add3A_2826 : vector<128x128xf32>
    %jit3A_2828 = arith.constant 3.000000e+38 : f32
    %broadcast_in_dim3A_2829 = vector.broadcast %jit3A_2828 : f32 to vector<128x128xf32>
    %select_n3A_2830 = arith.select %eq3A_2822, %add3A_2827, %broadcast_in_dim3A_2829 : vector<128x128xi1>, vector<128x128xf32>
    %reduce_min3A_2831 = arith.constant dense<0x7F800000> : vector<128xf32>
    %reduce_min3A_2832 = vector.multi_reduction <minimumf>, %select_n3A_2830, %reduce_min3A_2831 [1] : vector<128x128xf32> to vector<128xf32>
    %convert_element_type3A_2833 = arith.fptosi %reduce_min3A_2832 : vector<128xf32> to vector<128xi32>
    %reshape3A_2834 = vector.shape_cast %convert_element_type3A_2833 : vector<128xi32> to vector<1x128xi32>
    %swap3A_2835 = arith.constant 6 : index
    %swap3A_2836 = arith.constant 0 : index
    %swap3A_2837 = vector.load %arg6[%swap3A_2835, %swap3A_2836] : memref<8x128xi32, #tpu.memory_space<vmem>>, vector<1x128xi32>
    tpu.vector_store %arg6[%swap3A_2835, %swap3A_2836], %reshape3A_2834 {strides = array<i32>} : memref<8x128xi32, #tpu.memory_space<vmem>>, vector<1x128xi32>,
    %slice3A_2838 = vector.extract_strided_slice %dot_general3A_30 {offsets = [896, 0], sizes = [128, 8192], strides = [1, 1]} : vector<1024x8192xf32> to vector<128x8192xf32>
    %slice3A_2839 = vector.extract_strided_slice %slice3A_2838 {offsets = [0, 0], sizes = [128, 128], strides = [1, 1]} : vector<128x8192xf32> to vector<128x128xf32>
    %broadcast_in_dim3A_2840 = arith.constant 0.000000e+00 : f32
    %broadcast_in_dim3A_2841 = vector.broadcast %broadcast_in_dim3A_2840 : f32 to vector<128x128xf32>
    %slice3A_2842 = vector.extract_strided_slice %slice3A_2838 {offsets = [0, 128], sizes = [128, 128], strides = [1, 1]} : vector<128x8192xf32> to vector<128x128xf32>
    %gt3A_2843 = arith.cmpf ogt, %slice3A_2842, %slice3A_2839 : vector<128x128xf32>
    %select_n3A_2844 = arith.select %gt3A_2843, %slice3A_2842, %slice3A_2839 : vector<128x128xi1>, vector<128x128xf32>
    %jit3A_2845 = arith.constant 1.000000e+00 : f32
    %broadcast_in_dim3A_2846 = vector.broadcast %jit3A_2845 : f32 to vector<128x128xf32>
    %select_n3A_2847 = arith.select %gt3A_2843, %broadcast_in_dim3A_2846, %broadcast_in_dim3A_2841 : vector<128x128xi1>, vector<128x128xf32>
    %slice3A_2848 = vector.extract_strided_slice %slice3A_2838 {offsets = [0, 256], sizes = [128, 128], strides = [1, 1]} : vector<128x8192xf32> to vector<128x128xf32>
    %gt3A_2849 = arith.cmpf ogt, %slice3A_2848, %select_n3A_2844 : vector<128x128xf32>
    %select_n3A_2850 = arith.select %gt3A_2849, %slice3A_2848, %select_n3A_2844 : vector<128x128xi1>, vector<128x128xf32>
    %jit3A_2851 = arith.constant 2.000000e+00 : f32
    %broadcast_in_dim3A_2852 = vector.broadcast %jit3A_2851 : f32 to vector<128x128xf32>
    %select_n3A_2853 = arith.select %gt3A_2849, %broadcast_in_dim3A_2852, %select_n3A_2847 : vector<128x128xi1>, vector<128x128xf32>
    %slice3A_2854 = vector.extract_strided_slice %slice3A_2838 {offsets = [0, 384], sizes = [128, 128], strides = [1, 1]} : vector<128x8192xf32> to vector<128x128xf32>
    %gt3A_2855 = arith.cmpf ogt, %slice3A_2854, %select_n3A_2850 : vector<128x128xf32>
    %select_n3A_2856 = arith.select %gt3A_2855, %slice3A_2854, %select_n3A_2850 : vector<128x128xi1>, vector<128x128xf32>
    %jit3A_2857 = arith.constant 3.000000e+00 : f32
    %broadcast_in_dim3A_2858 = vector.broadcast %jit3A_2857 : f32 to vector<128x128xf32>
    %select_n3A_2859 = arith.select %gt3A_2855, %broadcast_in_dim3A_2858, %select_n3A_2853 : vector<128x128xi1>, vector<128x128xf32>
    %slice3A_2860 = vector.extract_strided_slice %slice3A_2838 {offsets = [0, 512], sizes = [128, 128], strides = [1, 1]} : vector<128x8192xf32> to vector<128x128xf32>
    %gt3A_2861 = arith.cmpf ogt, %slice3A_2860, %select_n3A_2856 : vector<128x128xf32>
    %select_n3A_2862 = arith.select %gt3A_2861, %slice3A_2860, %select_n3A_2856 : vector<128x128xi1>, vector<128x128xf32>
    %jit3A_2863 = arith.constant 4.000000e+00 : f32
    %broadcast_in_dim3A_2864 = vector.broadcast %jit3A_2863 : f32 to vector<128x128xf32>
    %select_n3A_2865 = arith.select %gt3A_2861, %broadcast_in_dim3A_2864, %select_n3A_2859 : vector<128x128xi1>, vector<128x128xf32>
    %slice3A_2866 = vector.extract_strided_slice %slice3A_2838 {offsets = [0, 640], sizes = [128, 128], strides = [1, 1]} : vector<128x8192xf32> to vector<128x128xf32>
    %gt3A_2867 = arith.cmpf ogt, %slice3A_2866, %select_n3A_2862 : vector<128x128xf32>
    %select_n3A_2868 = arith.select %gt3A_2867, %slice3A_2866, %select_n3A_2862 : vector<128x128xi1>, vector<128x128xf32>
    %jit3A_2869 = arith.constant 5.000000e+00 : f32
    %broadcast_in_dim3A_2870 = vector.broadcast %jit3A_2869 : f32 to vector<128x128xf32>
    %select_n3A_2871 = arith.select %gt3A_2867, %broadcast_in_dim3A_2870, %select_n3A_2865 : vector<128x128xi1>, vector<128x128xf32>
    %slice3A_2872 = vector.extract_strided_slice %slice3A_2838 {offsets = [0, 768], sizes = [128, 128], strides = [1, 1]} : vector<128x8192xf32> to vector<128x128xf32>
    %gt3A_2873 = arith.cmpf ogt, %slice3A_2872, %select_n3A_2868 : vector<128x128xf32>
    %select_n3A_2874 = arith.select %gt3A_2873, %slice3A_2872, %select_n3A_2868 : vector<128x128xi1>, vector<128x128xf32>
    %jit3A_2875 = arith.constant 6.000000e+00 : f32
    %broadcast_in_dim3A_2876 = vector.broadcast %jit3A_2875 : f32 to vector<128x128xf32>
    %select_n3A_2877 = arith.select %gt3A_2873, %broadcast_in_dim3A_2876, %select_n3A_2871 : vector<128x128xi1>, vector<128x128xf32>
    %slice3A_2878 = vector.extract_strided_slice %slice3A_2838 {offsets = [0, 896], sizes = [128, 128], strides = [1, 1]} : vector<128x8192xf32> to vector<128x128xf32>
    %gt3A_2879 = arith.cmpf ogt, %slice3A_2878, %select_n3A_2874 : vector<128x128xf32>
    %select_n3A_2880 = arith.select %gt3A_2879, %slice3A_2878, %select_n3A_2874 : vector<128x128xi1>, vector<128x128xf32>
    %jit3A_2881 = arith.constant 7.000000e+00 : f32
    %broadcast_in_dim3A_2882 = vector.broadcast %jit3A_2881 : f32 to vector<128x128xf32>
    %select_n3A_2883 = arith.select %gt3A_2879, %broadcast_in_dim3A_2882, %select_n3A_2877 : vector<128x128xi1>, vector<128x128xf32>
    %slice3A_2884 = vector.extract_strided_slice %slice3A_2838 {offsets = [0, 1024], sizes = [128, 128], strides = [1, 1]} : vector<128x8192xf32> to vector<128x128xf32>
    %gt3A_2885 = arith.cmpf ogt, %slice3A_2884, %select_n3A_2880 : vector<128x128xf32>
    %select_n3A_2886 = arith.select %gt3A_2885, %slice3A_2884, %select_n3A_2880 : vector<128x128xi1>, vector<128x128xf32>
    %jit3A_2887 = arith.constant 8.000000e+00 : f32
    %broadcast_in_dim3A_2888 = vector.broadcast %jit3A_2887 : f32 to vector<128x128xf32>
    %select_n3A_2889 = arith.select %gt3A_2885, %broadcast_in_dim3A_2888, %select_n3A_2883 : vector<128x128xi1>, vector<128x128xf32>
    %slice3A_2890 = vector.extract_strided_slice %slice3A_2838 {offsets = [0, 1152], sizes = [128, 128], strides = [1, 1]} : vector<128x8192xf32> to vector<128x128xf32>
    %gt3A_2891 = arith.cmpf ogt, %slice3A_2890, %select_n3A_2886 : vector<128x128xf32>
    %select_n3A_2892 = arith.select %gt3A_2891, %slice3A_2890, %select_n3A_2886 : vector<128x128xi1>, vector<128x128xf32>
    %jit3A_2893 = arith.constant 9.000000e+00 : f32
    %broadcast_in_dim3A_2894 = vector.broadcast %jit3A_2893 : f32 to vector<128x128xf32>
    %select_n3A_2895 = arith.select %gt3A_2891, %broadcast_in_dim3A_2894, %select_n3A_2889 : vector<128x128xi1>, vector<128x128xf32>
    %slice3A_2896 = vector.extract_strided_slice %slice3A_2838 {offsets = [0, 1280], sizes = [128, 128], strides = [1, 1]} : vector<128x8192xf32> to vector<128x128xf32>
    %gt3A_2897 = arith.cmpf ogt, %slice3A_2896, %select_n3A_2892 : vector<128x128xf32>
    %select_n3A_2898 = arith.select %gt3A_2897, %slice3A_2896, %select_n3A_2892 : vector<128x128xi1>, vector<128x128xf32>
    %jit3A_2899 = arith.constant 1.000000e+01 : f32
    %broadcast_in_dim3A_2900 = vector.broadcast %jit3A_2899 : f32 to vector<128x128xf32>
    %select_n3A_2901 = arith.select %gt3A_2897, %broadcast_in_dim3A_2900, %select_n3A_2895 : vector<128x128xi1>, vector<128x128xf32>
    %slice3A_2902 = vector.extract_strided_slice %slice3A_2838 {offsets = [0, 1408], sizes = [128, 128], strides = [1, 1]} : vector<128x8192xf32> to vector<128x128xf32>
    %gt3A_2903 = arith.cmpf ogt, %slice3A_2902, %select_n3A_2898 : vector<128x128xf32>
    %select_n3A_2904 = arith.select %gt3A_2903, %slice3A_2902, %select_n3A_2898 : vector<128x128xi1>, vector<128x128xf32>
    %jit3A_2905 = arith.constant 1.100000e+01 : f32
    %broadcast_in_dim3A_2906 = vector.broadcast %jit3A_2905 : f32 to vector<128x128xf32>
    %select_n3A_2907 = arith.select %gt3A_2903, %broadcast_in_dim3A_2906, %select_n3A_2901 : vector<128x128xi1>, vector<128x128xf32>
    %slice3A_2908 = vector.extract_strided_slice %slice3A_2838 {offsets = [0, 1536], sizes = [128, 128], strides = [1, 1]} : vector<128x8192xf32> to vector<128x128xf32>
    %gt3A_2909 = arith.cmpf ogt, %slice3A_2908, %select_n3A_2904 : vector<128x128xf32>
    %select_n3A_2910 = arith.select %gt3A_2909, %slice3A_2908, %select_n3A_2904 : vector<128x128xi1>, vector<128x128xf32>
    %jit3A_2911 = arith.constant 1.200000e+01 : f32
    %broadcast_in_dim3A_2912 = vector.broadcast %jit3A_2911 : f32 to vector<128x128xf32>
    %select_n3A_2913 = arith.select %gt3A_2909, %broadcast_in_dim3A_2912, %select_n3A_2907 : vector<128x128xi1>, vector<128x128xf32>
    %slice3A_2914 = vector.extract_strided_slice %slice3A_2838 {offsets = [0, 1664], sizes = [128, 128], strides = [1, 1]} : vector<128x8192xf32> to vector<128x128xf32>
    %gt3A_2915 = arith.cmpf ogt, %slice3A_2914, %select_n3A_2910 : vector<128x128xf32>
    %select_n3A_2916 = arith.select %gt3A_2915, %slice3A_2914, %select_n3A_2910 : vector<128x128xi1>, vector<128x128xf32>
    %jit3A_2917 = arith.constant 1.300000e+01 : f32
    %broadcast_in_dim3A_2918 = vector.broadcast %jit3A_2917 : f32 to vector<128x128xf32>
    %select_n3A_2919 = arith.select %gt3A_2915, %broadcast_in_dim3A_2918, %select_n3A_2913 : vector<128x128xi1>, vector<128x128xf32>
    %slice3A_2920 = vector.extract_strided_slice %slice3A_2838 {offsets = [0, 1792], sizes = [128, 128], strides = [1, 1]} : vector<128x8192xf32> to vector<128x128xf32>
    %gt3A_2921 = arith.cmpf ogt, %slice3A_2920, %select_n3A_2916 : vector<128x128xf32>
    %select_n3A_2922 = arith.select %gt3A_2921, %slice3A_2920, %select_n3A_2916 : vector<128x128xi1>, vector<128x128xf32>
    %jit3A_2923 = arith.constant 1.400000e+01 : f32
    %broadcast_in_dim3A_2924 = vector.broadcast %jit3A_2923 : f32 to vector<128x128xf32>
    %select_n3A_2925 = arith.select %gt3A_2921, %broadcast_in_dim3A_2924, %select_n3A_2919 : vector<128x128xi1>, vector<128x128xf32>
    %slice3A_2926 = vector.extract_strided_slice %slice3A_2838 {offsets = [0, 1920], sizes = [128, 128], strides = [1, 1]} : vector<128x8192xf32> to vector<128x128xf32>
    %gt3A_2927 = arith.cmpf ogt, %slice3A_2926, %select_n3A_2922 : vector<128x128xf32>
    %select_n3A_2928 = arith.select %gt3A_2927, %slice3A_2926, %select_n3A_2922 : vector<128x128xi1>, vector<128x128xf32>
    %jit3A_2929 = arith.constant 1.500000e+01 : f32
    %broadcast_in_dim3A_2930 = vector.broadcast %jit3A_2929 : f32 to vector<128x128xf32>
    %select_n3A_2931 = arith.select %gt3A_2927, %broadcast_in_dim3A_2930, %select_n3A_2925 : vector<128x128xi1>, vector<128x128xf32>
    %slice3A_2932 = vector.extract_strided_slice %slice3A_2838 {offsets = [0, 2048], sizes = [128, 128], strides = [1, 1]} : vector<128x8192xf32> to vector<128x128xf32>
    %gt3A_2933 = arith.cmpf ogt, %slice3A_2932, %select_n3A_2928 : vector<128x128xf32>
    %select_n3A_2934 = arith.select %gt3A_2933, %slice3A_2932, %select_n3A_2928 : vector<128x128xi1>, vector<128x128xf32>
    %jit3A_2935 = arith.constant 1.600000e+01 : f32
    %broadcast_in_dim3A_2936 = vector.broadcast %jit3A_2935 : f32 to vector<128x128xf32>
    %select_n3A_2937 = arith.select %gt3A_2933, %broadcast_in_dim3A_2936, %select_n3A_2931 : vector<128x128xi1>, vector<128x128xf32>
    %slice3A_2938 = vector.extract_strided_slice %slice3A_2838 {offsets = [0, 2176], sizes = [128, 128], strides = [1, 1]} : vector<128x8192xf32> to vector<128x128xf32>
    %gt3A_2939 = arith.cmpf ogt, %slice3A_2938, %select_n3A_2934 : vector<128x128xf32>
    %select_n3A_2940 = arith.select %gt3A_2939, %slice3A_2938, %select_n3A_2934 : vector<128x128xi1>, vector<128x128xf32>
    %jit3A_2941 = arith.constant 1.700000e+01 : f32
    %broadcast_in_dim3A_2942 = vector.broadcast %jit3A_2941 : f32 to vector<128x128xf32>
    %select_n3A_2943 = arith.select %gt3A_2939, %broadcast_in_dim3A_2942, %select_n3A_2937 : vector<128x128xi1>, vector<128x128xf32>
    %slice3A_2944 = vector.extract_strided_slice %slice3A_2838 {offsets = [0, 2304], sizes = [128, 128], strides = [1, 1]} : vector<128x8192xf32> to vector<128x128xf32>
    %gt3A_2945 = arith.cmpf ogt, %slice3A_2944, %select_n3A_2940 : vector<128x128xf32>
    %select_n3A_2946 = arith.select %gt3A_2945, %slice3A_2944, %select_n3A_2940 : vector<128x128xi1>, vector<128x128xf32>
    %jit3A_2947 = arith.constant 1.800000e+01 : f32
    %broadcast_in_dim3A_2948 = vector.broadcast %jit3A_2947 : f32 to vector<128x128xf32>
    %select_n3A_2949 = arith.select %gt3A_2945, %broadcast_in_dim3A_2948, %select_n3A_2943 : vector<128x128xi1>, vector<128x128xf32>
    %slice3A_2950 = vector.extract_strided_slice %slice3A_2838 {offsets = [0, 2432], sizes = [128, 128], strides = [1, 1]} : vector<128x8192xf32> to vector<128x128xf32>
    %gt3A_2951 = arith.cmpf ogt, %slice3A_2950, %select_n3A_2946 : vector<128x128xf32>
    %select_n3A_2952 = arith.select %gt3A_2951, %slice3A_2950, %select_n3A_2946 : vector<128x128xi1>, vector<128x128xf32>
    %jit3A_2953 = arith.constant 1.900000e+01 : f32
    %broadcast_in_dim3A_2954 = vector.broadcast %jit3A_2953 : f32 to vector<128x128xf32>
    %select_n3A_2955 = arith.select %gt3A_2951, %broadcast_in_dim3A_2954, %select_n3A_2949 : vector<128x128xi1>, vector<128x128xf32>
    %slice3A_2956 = vector.extract_strided_slice %slice3A_2838 {offsets = [0, 2560], sizes = [128, 128], strides = [1, 1]} : vector<128x8192xf32> to vector<128x128xf32>
    %gt3A_2957 = arith.cmpf ogt, %slice3A_2956, %select_n3A_2952 : vector<128x128xf32>
    %select_n3A_2958 = arith.select %gt3A_2957, %slice3A_2956, %select_n3A_2952 : vector<128x128xi1>, vector<128x128xf32>
    %jit3A_2959 = arith.constant 2.000000e+01 : f32
    %broadcast_in_dim3A_2960 = vector.broadcast %jit3A_2959 : f32 to vector<128x128xf32>
    %select_n3A_2961 = arith.select %gt3A_2957, %broadcast_in_dim3A_2960, %select_n3A_2955 : vector<128x128xi1>, vector<128x128xf32>
    %slice3A_2962 = vector.extract_strided_slice %slice3A_2838 {offsets = [0, 2688], sizes = [128, 128], strides = [1, 1]} : vector<128x8192xf32> to vector<128x128xf32>
    %gt3A_2963 = arith.cmpf ogt, %slice3A_2962, %select_n3A_2958 : vector<128x128xf32>
    %select_n3A_2964 = arith.select %gt3A_2963, %slice3A_2962, %select_n3A_2958 : vector<128x128xi1>, vector<128x128xf32>
    %jit3A_2965 = arith.constant 2.100000e+01 : f32
    %broadcast_in_dim3A_2966 = vector.broadcast %jit3A_2965 : f32 to vector<128x128xf32>
    %select_n3A_2967 = arith.select %gt3A_2963, %broadcast_in_dim3A_2966, %select_n3A_2961 : vector<128x128xi1>, vector<128x128xf32>
    %slice3A_2968 = vector.extract_strided_slice %slice3A_2838 {offsets = [0, 2816], sizes = [128, 128], strides = [1, 1]} : vector<128x8192xf32> to vector<128x128xf32>
    %gt3A_2969 = arith.cmpf ogt, %slice3A_2968, %select_n3A_2964 : vector<128x128xf32>
    %select_n3A_2970 = arith.select %gt3A_2969, %slice3A_2968, %select_n3A_2964 : vector<128x128xi1>, vector<128x128xf32>
    %jit3A_2971 = arith.constant 2.200000e+01 : f32
    %broadcast_in_dim3A_2972 = vector.broadcast %jit3A_2971 : f32 to vector<128x128xf32>
    %select_n3A_2973 = arith.select %gt3A_2969, %broadcast_in_dim3A_2972, %select_n3A_2967 : vector<128x128xi1>, vector<128x128xf32>
    %slice3A_2974 = vector.extract_strided_slice %slice3A_2838 {offsets = [0, 2944], sizes = [128, 128], strides = [1, 1]} : vector<128x8192xf32> to vector<128x128xf32>
    %gt3A_2975 = arith.cmpf ogt, %slice3A_2974, %select_n3A_2970 : vector<128x128xf32>
    %select_n3A_2976 = arith.select %gt3A_2975, %slice3A_2974, %select_n3A_2970 : vector<128x128xi1>, vector<128x128xf32>
    %jit3A_2977 = arith.constant 2.300000e+01 : f32
    %broadcast_in_dim3A_2978 = vector.broadcast %jit3A_2977 : f32 to vector<128x128xf32>
    %select_n3A_2979 = arith.select %gt3A_2975, %broadcast_in_dim3A_2978, %select_n3A_2973 : vector<128x128xi1>, vector<128x128xf32>
    %slice3A_2980 = vector.extract_strided_slice %slice3A_2838 {offsets = [0, 3072], sizes = [128, 128], strides = [1, 1]} : vector<128x8192xf32> to vector<128x128xf32>
    %gt3A_2981 = arith.cmpf ogt, %slice3A_2980, %select_n3A_2976 : vector<128x128xf32>
    %select_n3A_2982 = arith.select %gt3A_2981, %slice3A_2980, %select_n3A_2976 : vector<128x128xi1>, vector<128x128xf32>
    %jit3A_2983 = arith.constant 2.400000e+01 : f32
    %broadcast_in_dim3A_2984 = vector.broadcast %jit3A_2983 : f32 to vector<128x128xf32>
    %select_n3A_2985 = arith.select %gt3A_2981, %broadcast_in_dim3A_2984, %select_n3A_2979 : vector<128x128xi1>, vector<128x128xf32>
    %slice3A_2986 = vector.extract_strided_slice %slice3A_2838 {offsets = [0, 3200], sizes = [128, 128], strides = [1, 1]} : vector<128x8192xf32> to vector<128x128xf32>
    %gt3A_2987 = arith.cmpf ogt, %slice3A_2986, %select_n3A_2982 : vector<128x128xf32>
    %select_n3A_2988 = arith.select %gt3A_2987, %slice3A_2986, %select_n3A_2982 : vector<128x128xi1>, vector<128x128xf32>
    %jit3A_2989 = arith.constant 2.500000e+01 : f32
    %broadcast_in_dim3A_2990 = vector.broadcast %jit3A_2989 : f32 to vector<128x128xf32>
    %select_n3A_2991 = arith.select %gt3A_2987, %broadcast_in_dim3A_2990, %select_n3A_2985 : vector<128x128xi1>, vector<128x128xf32>
    %slice3A_2992 = vector.extract_strided_slice %slice3A_2838 {offsets = [0, 3328], sizes = [128, 128], strides = [1, 1]} : vector<128x8192xf32> to vector<128x128xf32>
    %gt3A_2993 = arith.cmpf ogt, %slice3A_2992, %select_n3A_2988 : vector<128x128xf32>
    %select_n3A_2994 = arith.select %gt3A_2993, %slice3A_2992, %select_n3A_2988 : vector<128x128xi1>, vector<128x128xf32>
    %jit3A_2995 = arith.constant 2.600000e+01 : f32
    %broadcast_in_dim3A_2996 = vector.broadcast %jit3A_2995 : f32 to vector<128x128xf32>
    %select_n3A_2997 = arith.select %gt3A_2993, %broadcast_in_dim3A_2996, %select_n3A_2991 : vector<128x128xi1>, vector<128x128xf32>
    %slice3A_2998 = vector.extract_strided_slice %slice3A_2838 {offsets = [0, 3456], sizes = [128, 128], strides = [1, 1]} : vector<128x8192xf32> to vector<128x128xf32>
    %gt3A_2999 = arith.cmpf ogt, %slice3A_2998, %select_n3A_2994 : vector<128x128xf32>
    %select_n3A_3000 = arith.select %gt3A_2999, %slice3A_2998, %select_n3A_2994 : vector<128x128xi1>, vector<128x128xf32>
    %jit3A_3001 = arith.constant 2.700000e+01 : f32
    %broadcast_in_dim3A_3002 = vector.broadcast %jit3A_3001 : f32 to vector<128x128xf32>
    %select_n3A_3003 = arith.select %gt3A_2999, %broadcast_in_dim3A_3002, %select_n3A_2997 : vector<128x128xi1>, vector<128x128xf32>
    %slice3A_3004 = vector.extract_strided_slice %slice3A_2838 {offsets = [0, 3584], sizes = [128, 128], strides = [1, 1]} : vector<128x8192xf32> to vector<128x128xf32>
    %gt3A_3005 = arith.cmpf ogt, %slice3A_3004, %select_n3A_3000 : vector<128x128xf32>
    %select_n3A_3006 = arith.select %gt3A_3005, %slice3A_3004, %select_n3A_3000 : vector<128x128xi1>, vector<128x128xf32>
    %jit3A_3007 = arith.constant 2.800000e+01 : f32
    %broadcast_in_dim3A_3008 = vector.broadcast %jit3A_3007 : f32 to vector<128x128xf32>
    %select_n3A_3009 = arith.select %gt3A_3005, %broadcast_in_dim3A_3008, %select_n3A_3003 : vector<128x128xi1>, vector<128x128xf32>
    %slice3A_3010 = vector.extract_strided_slice %slice3A_2838 {offsets = [0, 3712], sizes = [128, 128], strides = [1, 1]} : vector<128x8192xf32> to vector<128x128xf32>
    %gt3A_3011 = arith.cmpf ogt, %slice3A_3010, %select_n3A_3006 : vector<128x128xf32>
    %select_n3A_3012 = arith.select %gt3A_3011, %slice3A_3010, %select_n3A_3006 : vector<128x128xi1>, vector<128x128xf32>
    %jit3A_3013 = arith.constant 2.900000e+01 : f32
    %broadcast_in_dim3A_3014 = vector.broadcast %jit3A_3013 : f32 to vector<128x128xf32>
    %select_n3A_3015 = arith.select %gt3A_3011, %broadcast_in_dim3A_3014, %select_n3A_3009 : vector<128x128xi1>, vector<128x128xf32>
    %slice3A_3016 = vector.extract_strided_slice %slice3A_2838 {offsets = [0, 3840], sizes = [128, 128], strides = [1, 1]} : vector<128x8192xf32> to vector<128x128xf32>
    %gt3A_3017 = arith.cmpf ogt, %slice3A_3016, %select_n3A_3012 : vector<128x128xf32>
    %select_n3A_3018 = arith.select %gt3A_3017, %slice3A_3016, %select_n3A_3012 : vector<128x128xi1>, vector<128x128xf32>
    %jit3A_3019 = arith.constant 3.000000e+01 : f32
    %broadcast_in_dim3A_3020 = vector.broadcast %jit3A_3019 : f32 to vector<128x128xf32>
    %select_n3A_3021 = arith.select %gt3A_3017, %broadcast_in_dim3A_3020, %select_n3A_3015 : vector<128x128xi1>, vector<128x128xf32>
    %slice3A_3022 = vector.extract_strided_slice %slice3A_2838 {offsets = [0, 3968], sizes = [128, 128], strides = [1, 1]} : vector<128x8192xf32> to vector<128x128xf32>
    %gt3A_3023 = arith.cmpf ogt, %slice3A_3022, %select_n3A_3018 : vector<128x128xf32>
    %select_n3A_3024 = arith.select %gt3A_3023, %slice3A_3022, %select_n3A_3018 : vector<128x128xi1>, vector<128x128xf32>
    %jit3A_3025 = arith.constant 3.100000e+01 : f32
    %broadcast_in_dim3A_3026 = vector.broadcast %jit3A_3025 : f32 to vector<128x128xf32>
    %select_n3A_3027 = arith.select %gt3A_3023, %broadcast_in_dim3A_3026, %select_n3A_3021 : vector<128x128xi1>, vector<128x128xf32>
    %slice3A_3028 = vector.extract_strided_slice %slice3A_2838 {offsets = [0, 4096], sizes = [128, 128], strides = [1, 1]} : vector<128x8192xf32> to vector<128x128xf32>
    %gt3A_3029 = arith.cmpf ogt, %slice3A_3028, %select_n3A_3024 : vector<128x128xf32>
    %select_n3A_3030 = arith.select %gt3A_3029, %slice3A_3028, %select_n3A_3024 : vector<128x128xi1>, vector<128x128xf32>
    %jit3A_3031 = arith.constant 3.200000e+01 : f32
    %broadcast_in_dim3A_3032 = vector.broadcast %jit3A_3031 : f32 to vector<128x128xf32>
    %select_n3A_3033 = arith.select %gt3A_3029, %broadcast_in_dim3A_3032, %select_n3A_3027 : vector<128x128xi1>, vector<128x128xf32>
    %slice3A_3034 = vector.extract_strided_slice %slice3A_2838 {offsets = [0, 4224], sizes = [128, 128], strides = [1, 1]} : vector<128x8192xf32> to vector<128x128xf32>
    %gt3A_3035 = arith.cmpf ogt, %slice3A_3034, %select_n3A_3030 : vector<128x128xf32>
    %select_n3A_3036 = arith.select %gt3A_3035, %slice3A_3034, %select_n3A_3030 : vector<128x128xi1>, vector<128x128xf32>
    %jit3A_3037 = arith.constant 3.300000e+01 : f32
    %broadcast_in_dim3A_3038 = vector.broadcast %jit3A_3037 : f32 to vector<128x128xf32>
    %select_n3A_3039 = arith.select %gt3A_3035, %broadcast_in_dim3A_3038, %select_n3A_3033 : vector<128x128xi1>, vector<128x128xf32>
    %slice3A_3040 = vector.extract_strided_slice %slice3A_2838 {offsets = [0, 4352], sizes = [128, 128], strides = [1, 1]} : vector<128x8192xf32> to vector<128x128xf32>
    %gt3A_3041 = arith.cmpf ogt, %slice3A_3040, %select_n3A_3036 : vector<128x128xf32>
    %select_n3A_3042 = arith.select %gt3A_3041, %slice3A_3040, %select_n3A_3036 : vector<128x128xi1>, vector<128x128xf32>
    %jit3A_3043 = arith.constant 3.400000e+01 : f32
    %broadcast_in_dim3A_3044 = vector.broadcast %jit3A_3043 : f32 to vector<128x128xf32>
    %select_n3A_3045 = arith.select %gt3A_3041, %broadcast_in_dim3A_3044, %select_n3A_3039 : vector<128x128xi1>, vector<128x128xf32>
    %slice3A_3046 = vector.extract_strided_slice %slice3A_2838 {offsets = [0, 4480], sizes = [128, 128], strides = [1, 1]} : vector<128x8192xf32> to vector<128x128xf32>
    %gt3A_3047 = arith.cmpf ogt, %slice3A_3046, %select_n3A_3042 : vector<128x128xf32>
    %select_n3A_3048 = arith.select %gt3A_3047, %slice3A_3046, %select_n3A_3042 : vector<128x128xi1>, vector<128x128xf32>
    %jit3A_3049 = arith.constant 3.500000e+01 : f32
    %broadcast_in_dim3A_3050 = vector.broadcast %jit3A_3049 : f32 to vector<128x128xf32>
    %select_n3A_3051 = arith.select %gt3A_3047, %broadcast_in_dim3A_3050, %select_n3A_3045 : vector<128x128xi1>, vector<128x128xf32>
    %slice3A_3052 = vector.extract_strided_slice %slice3A_2838 {offsets = [0, 4608], sizes = [128, 128], strides = [1, 1]} : vector<128x8192xf32> to vector<128x128xf32>
    %gt3A_3053 = arith.cmpf ogt, %slice3A_3052, %select_n3A_3048 : vector<128x128xf32>
    %select_n3A_3054 = arith.select %gt3A_3053, %slice3A_3052, %select_n3A_3048 : vector<128x128xi1>, vector<128x128xf32>
    %jit3A_3055 = arith.constant 3.600000e+01 : f32
    %broadcast_in_dim3A_3056 = vector.broadcast %jit3A_3055 : f32 to vector<128x128xf32>
    %select_n3A_3057 = arith.select %gt3A_3053, %broadcast_in_dim3A_3056, %select_n3A_3051 : vector<128x128xi1>, vector<128x128xf32>
    %slice3A_3058 = vector.extract_strided_slice %slice3A_2838 {offsets = [0, 4736], sizes = [128, 128], strides = [1, 1]} : vector<128x8192xf32> to vector<128x128xf32>
    %gt3A_3059 = arith.cmpf ogt, %slice3A_3058, %select_n3A_3054 : vector<128x128xf32>
    %select_n3A_3060 = arith.select %gt3A_3059, %slice3A_3058, %select_n3A_3054 : vector<128x128xi1>, vector<128x128xf32>
    %jit3A_3061 = arith.constant 3.700000e+01 : f32
    %broadcast_in_dim3A_3062 = vector.broadcast %jit3A_3061 : f32 to vector<128x128xf32>
    %select_n3A_3063 = arith.select %gt3A_3059, %broadcast_in_dim3A_3062, %select_n3A_3057 : vector<128x128xi1>, vector<128x128xf32>
    %slice3A_3064 = vector.extract_strided_slice %slice3A_2838 {offsets = [0, 4864], sizes = [128, 128], strides = [1, 1]} : vector<128x8192xf32> to vector<128x128xf32>
    %gt3A_3065 = arith.cmpf ogt, %slice3A_3064, %select_n3A_3060 : vector<128x128xf32>
    %select_n3A_3066 = arith.select %gt3A_3065, %slice3A_3064, %select_n3A_3060 : vector<128x128xi1>, vector<128x128xf32>
    %jit3A_3067 = arith.constant 3.800000e+01 : f32
    %broadcast_in_dim3A_3068 = vector.broadcast %jit3A_3067 : f32 to vector<128x128xf32>
    %select_n3A_3069 = arith.select %gt3A_3065, %broadcast_in_dim3A_3068, %select_n3A_3063 : vector<128x128xi1>, vector<128x128xf32>
    %slice3A_3070 = vector.extract_strided_slice %slice3A_2838 {offsets = [0, 4992], sizes = [128, 128], strides = [1, 1]} : vector<128x8192xf32> to vector<128x128xf32>
    %gt3A_3071 = arith.cmpf ogt, %slice3A_3070, %select_n3A_3066 : vector<128x128xf32>
    %select_n3A_3072 = arith.select %gt3A_3071, %slice3A_3070, %select_n3A_3066 : vector<128x128xi1>, vector<128x128xf32>
    %jit3A_3073 = arith.constant 3.900000e+01 : f32
    %broadcast_in_dim3A_3074 = vector.broadcast %jit3A_3073 : f32 to vector<128x128xf32>
    %select_n3A_3075 = arith.select %gt3A_3071, %broadcast_in_dim3A_3074, %select_n3A_3069 : vector<128x128xi1>, vector<128x128xf32>
    %slice3A_3076 = vector.extract_strided_slice %slice3A_2838 {offsets = [0, 5120], sizes = [128, 128], strides = [1, 1]} : vector<128x8192xf32> to vector<128x128xf32>
    %gt3A_3077 = arith.cmpf ogt, %slice3A_3076, %select_n3A_3072 : vector<128x128xf32>
    %select_n3A_3078 = arith.select %gt3A_3077, %slice3A_3076, %select_n3A_3072 : vector<128x128xi1>, vector<128x128xf32>
    %jit3A_3079 = arith.constant 4.000000e+01 : f32
    %broadcast_in_dim3A_3080 = vector.broadcast %jit3A_3079 : f32 to vector<128x128xf32>
    %select_n3A_3081 = arith.select %gt3A_3077, %broadcast_in_dim3A_3080, %select_n3A_3075 : vector<128x128xi1>, vector<128x128xf32>
    %slice3A_3082 = vector.extract_strided_slice %slice3A_2838 {offsets = [0, 5248], sizes = [128, 128], strides = [1, 1]} : vector<128x8192xf32> to vector<128x128xf32>
    %gt3A_3083 = arith.cmpf ogt, %slice3A_3082, %select_n3A_3078 : vector<128x128xf32>
    %select_n3A_3084 = arith.select %gt3A_3083, %slice3A_3082, %select_n3A_3078 : vector<128x128xi1>, vector<128x128xf32>
    %jit3A_3085 = arith.constant 4.100000e+01 : f32
    %broadcast_in_dim3A_3086 = vector.broadcast %jit3A_3085 : f32 to vector<128x128xf32>
    %select_n3A_3087 = arith.select %gt3A_3083, %broadcast_in_dim3A_3086, %select_n3A_3081 : vector<128x128xi1>, vector<128x128xf32>
    %slice3A_3088 = vector.extract_strided_slice %slice3A_2838 {offsets = [0, 5376], sizes = [128, 128], strides = [1, 1]} : vector<128x8192xf32> to vector<128x128xf32>
    %gt3A_3089 = arith.cmpf ogt, %slice3A_3088, %select_n3A_3084 : vector<128x128xf32>
    %select_n3A_3090 = arith.select %gt3A_3089, %slice3A_3088, %select_n3A_3084 : vector<128x128xi1>, vector<128x128xf32>
    %jit3A_3091 = arith.constant 4.200000e+01 : f32
    %broadcast_in_dim3A_3092 = vector.broadcast %jit3A_3091 : f32 to vector<128x128xf32>
    %select_n3A_3093 = arith.select %gt3A_3089, %broadcast_in_dim3A_3092, %select_n3A_3087 : vector<128x128xi1>, vector<128x128xf32>
    %slice3A_3094 = vector.extract_strided_slice %slice3A_2838 {offsets = [0, 5504], sizes = [128, 128], strides = [1, 1]} : vector<128x8192xf32> to vector<128x128xf32>
    %gt3A_3095 = arith.cmpf ogt, %slice3A_3094, %select_n3A_3090 : vector<128x128xf32>
    %select_n3A_3096 = arith.select %gt3A_3095, %slice3A_3094, %select_n3A_3090 : vector<128x128xi1>, vector<128x128xf32>
    %jit3A_3097 = arith.constant 4.300000e+01 : f32
    %broadcast_in_dim3A_3098 = vector.broadcast %jit3A_3097 : f32 to vector<128x128xf32>
    %select_n3A_3099 = arith.select %gt3A_3095, %broadcast_in_dim3A_3098, %select_n3A_3093 : vector<128x128xi1>, vector<128x128xf32>
    %slice3A_3100 = vector.extract_strided_slice %slice3A_2838 {offsets = [0, 5632], sizes = [128, 128], strides = [1, 1]} : vector<128x8192xf32> to vector<128x128xf32>
    %gt3A_3101 = arith.cmpf ogt, %slice3A_3100, %select_n3A_3096 : vector<128x128xf32>
    %select_n3A_3102 = arith.select %gt3A_3101, %slice3A_3100, %select_n3A_3096 : vector<128x128xi1>, vector<128x128xf32>
    %jit3A_3103 = arith.constant 4.400000e+01 : f32
    %broadcast_in_dim3A_3104 = vector.broadcast %jit3A_3103 : f32 to vector<128x128xf32>
    %select_n3A_3105 = arith.select %gt3A_3101, %broadcast_in_dim3A_3104, %select_n3A_3099 : vector<128x128xi1>, vector<128x128xf32>
    %slice3A_3106 = vector.extract_strided_slice %slice3A_2838 {offsets = [0, 5760], sizes = [128, 128], strides = [1, 1]} : vector<128x8192xf32> to vector<128x128xf32>
    %gt3A_3107 = arith.cmpf ogt, %slice3A_3106, %select_n3A_3102 : vector<128x128xf32>
    %select_n3A_3108 = arith.select %gt3A_3107, %slice3A_3106, %select_n3A_3102 : vector<128x128xi1>, vector<128x128xf32>
    %jit3A_3109 = arith.constant 4.500000e+01 : f32
    %broadcast_in_dim3A_3110 = vector.broadcast %jit3A_3109 : f32 to vector<128x128xf32>
    %select_n3A_3111 = arith.select %gt3A_3107, %broadcast_in_dim3A_3110, %select_n3A_3105 : vector<128x128xi1>, vector<128x128xf32>
    %slice3A_3112 = vector.extract_strided_slice %slice3A_2838 {offsets = [0, 5888], sizes = [128, 128], strides = [1, 1]} : vector<128x8192xf32> to vector<128x128xf32>
    %gt3A_3113 = arith.cmpf ogt, %slice3A_3112, %select_n3A_3108 : vector<128x128xf32>
    %select_n3A_3114 = arith.select %gt3A_3113, %slice3A_3112, %select_n3A_3108 : vector<128x128xi1>, vector<128x128xf32>
    %jit3A_3115 = arith.constant 4.600000e+01 : f32
    %broadcast_in_dim3A_3116 = vector.broadcast %jit3A_3115 : f32 to vector<128x128xf32>
    %select_n3A_3117 = arith.select %gt3A_3113, %broadcast_in_dim3A_3116, %select_n3A_3111 : vector<128x128xi1>, vector<128x128xf32>
    %slice3A_3118 = vector.extract_strided_slice %slice3A_2838 {offsets = [0, 6016], sizes = [128, 128], strides = [1, 1]} : vector<128x8192xf32> to vector<128x128xf32>
    %gt3A_3119 = arith.cmpf ogt, %slice3A_3118, %select_n3A_3114 : vector<128x128xf32>
    %select_n3A_3120 = arith.select %gt3A_3119, %slice3A_3118, %select_n3A_3114 : vector<128x128xi1>, vector<128x128xf32>
    %jit3A_3121 = arith.constant 4.700000e+01 : f32
    %broadcast_in_dim3A_3122 = vector.broadcast %jit3A_3121 : f32 to vector<128x128xf32>
    %select_n3A_3123 = arith.select %gt3A_3119, %broadcast_in_dim3A_3122, %select_n3A_3117 : vector<128x128xi1>, vector<128x128xf32>
    %slice3A_3124 = vector.extract_strided_slice %slice3A_2838 {offsets = [0, 6144], sizes = [128, 128], strides = [1, 1]} : vector<128x8192xf32> to vector<128x128xf32>
    %gt3A_3125 = arith.cmpf ogt, %slice3A_3124, %select_n3A_3120 : vector<128x128xf32>
    %select_n3A_3126 = arith.select %gt3A_3125, %slice3A_3124, %select_n3A_3120 : vector<128x128xi1>, vector<128x128xf32>
    %jit3A_3127 = arith.constant 4.800000e+01 : f32
    %broadcast_in_dim3A_3128 = vector.broadcast %jit3A_3127 : f32 to vector<128x128xf32>
    %select_n3A_3129 = arith.select %gt3A_3125, %broadcast_in_dim3A_3128, %select_n3A_3123 : vector<128x128xi1>, vector<128x128xf32>
    %slice3A_3130 = vector.extract_strided_slice %slice3A_2838 {offsets = [0, 6272], sizes = [128, 128], strides = [1, 1]} : vector<128x8192xf32> to vector<128x128xf32>
    %gt3A_3131 = arith.cmpf ogt, %slice3A_3130, %select_n3A_3126 : vector<128x128xf32>
    %select_n3A_3132 = arith.select %gt3A_3131, %slice3A_3130, %select_n3A_3126 : vector<128x128xi1>, vector<128x128xf32>
    %jit3A_3133 = arith.constant 4.900000e+01 : f32
    %broadcast_in_dim3A_3134 = vector.broadcast %jit3A_3133 : f32 to vector<128x128xf32>
    %select_n3A_3135 = arith.select %gt3A_3131, %broadcast_in_dim3A_3134, %select_n3A_3129 : vector<128x128xi1>, vector<128x128xf32>
    %slice3A_3136 = vector.extract_strided_slice %slice3A_2838 {offsets = [0, 6400], sizes = [128, 128], strides = [1, 1]} : vector<128x8192xf32> to vector<128x128xf32>
    %gt3A_3137 = arith.cmpf ogt, %slice3A_3136, %select_n3A_3132 : vector<128x128xf32>
    %select_n3A_3138 = arith.select %gt3A_3137, %slice3A_3136, %select_n3A_3132 : vector<128x128xi1>, vector<128x128xf32>
    %jit3A_3139 = arith.constant 5.000000e+01 : f32
    %broadcast_in_dim3A_3140 = vector.broadcast %jit3A_3139 : f32 to vector<128x128xf32>
    %select_n3A_3141 = arith.select %gt3A_3137, %broadcast_in_dim3A_3140, %select_n3A_3135 : vector<128x128xi1>, vector<128x128xf32>
    %slice3A_3142 = vector.extract_strided_slice %slice3A_2838 {offsets = [0, 6528], sizes = [128, 128], strides = [1, 1]} : vector<128x8192xf32> to vector<128x128xf32>
    %gt3A_3143 = arith.cmpf ogt, %slice3A_3142, %select_n3A_3138 : vector<128x128xf32>
    %select_n3A_3144 = arith.select %gt3A_3143, %slice3A_3142, %select_n3A_3138 : vector<128x128xi1>, vector<128x128xf32>
    %jit3A_3145 = arith.constant 5.100000e+01 : f32
    %broadcast_in_dim3A_3146 = vector.broadcast %jit3A_3145 : f32 to vector<128x128xf32>
    %select_n3A_3147 = arith.select %gt3A_3143, %broadcast_in_dim3A_3146, %select_n3A_3141 : vector<128x128xi1>, vector<128x128xf32>
    %slice3A_3148 = vector.extract_strided_slice %slice3A_2838 {offsets = [0, 6656], sizes = [128, 128], strides = [1, 1]} : vector<128x8192xf32> to vector<128x128xf32>
    %gt3A_3149 = arith.cmpf ogt, %slice3A_3148, %select_n3A_3144 : vector<128x128xf32>
    %select_n3A_3150 = arith.select %gt3A_3149, %slice3A_3148, %select_n3A_3144 : vector<128x128xi1>, vector<128x128xf32>
    %jit3A_3151 = arith.constant 5.200000e+01 : f32
    %broadcast_in_dim3A_3152 = vector.broadcast %jit3A_3151 : f32 to vector<128x128xf32>
    %select_n3A_3153 = arith.select %gt3A_3149, %broadcast_in_dim3A_3152, %select_n3A_3147 : vector<128x128xi1>, vector<128x128xf32>
    %slice3A_3154 = vector.extract_strided_slice %slice3A_2838 {offsets = [0, 6784], sizes = [128, 128], strides = [1, 1]} : vector<128x8192xf32> to vector<128x128xf32>
    %gt3A_3155 = arith.cmpf ogt, %slice3A_3154, %select_n3A_3150 : vector<128x128xf32>
    %select_n3A_3156 = arith.select %gt3A_3155, %slice3A_3154, %select_n3A_3150 : vector<128x128xi1>, vector<128x128xf32>
    %jit3A_3157 = arith.constant 5.300000e+01 : f32
    %broadcast_in_dim3A_3158 = vector.broadcast %jit3A_3157 : f32 to vector<128x128xf32>
    %select_n3A_3159 = arith.select %gt3A_3155, %broadcast_in_dim3A_3158, %select_n3A_3153 : vector<128x128xi1>, vector<128x128xf32>
    %slice3A_3160 = vector.extract_strided_slice %slice3A_2838 {offsets = [0, 6912], sizes = [128, 128], strides = [1, 1]} : vector<128x8192xf32> to vector<128x128xf32>
    %gt3A_3161 = arith.cmpf ogt, %slice3A_3160, %select_n3A_3156 : vector<128x128xf32>
    %select_n3A_3162 = arith.select %gt3A_3161, %slice3A_3160, %select_n3A_3156 : vector<128x128xi1>, vector<128x128xf32>
    %jit3A_3163 = arith.constant 5.400000e+01 : f32
    %broadcast_in_dim3A_3164 = vector.broadcast %jit3A_3163 : f32 to vector<128x128xf32>
    %select_n3A_3165 = arith.select %gt3A_3161, %broadcast_in_dim3A_3164, %select_n3A_3159 : vector<128x128xi1>, vector<128x128xf32>
    %slice3A_3166 = vector.extract_strided_slice %slice3A_2838 {offsets = [0, 7040], sizes = [128, 128], strides = [1, 1]} : vector<128x8192xf32> to vector<128x128xf32>
    %gt3A_3167 = arith.cmpf ogt, %slice3A_3166, %select_n3A_3162 : vector<128x128xf32>
    %select_n3A_3168 = arith.select %gt3A_3167, %slice3A_3166, %select_n3A_3162 : vector<128x128xi1>, vector<128x128xf32>
    %jit3A_3169 = arith.constant 5.500000e+01 : f32
    %broadcast_in_dim3A_3170 = vector.broadcast %jit3A_3169 : f32 to vector<128x128xf32>
    %select_n3A_3171 = arith.select %gt3A_3167, %broadcast_in_dim3A_3170, %select_n3A_3165 : vector<128x128xi1>, vector<128x128xf32>
    %slice3A_3172 = vector.extract_strided_slice %slice3A_2838 {offsets = [0, 7168], sizes = [128, 128], strides = [1, 1]} : vector<128x8192xf32> to vector<128x128xf32>
    %gt3A_3173 = arith.cmpf ogt, %slice3A_3172, %select_n3A_3168 : vector<128x128xf32>
    %select_n3A_3174 = arith.select %gt3A_3173, %slice3A_3172, %select_n3A_3168 : vector<128x128xi1>, vector<128x128xf32>
    %jit3A_3175 = arith.constant 5.600000e+01 : f32
    %broadcast_in_dim3A_3176 = vector.broadcast %jit3A_3175 : f32 to vector<128x128xf32>
    %select_n3A_3177 = arith.select %gt3A_3173, %broadcast_in_dim3A_3176, %select_n3A_3171 : vector<128x128xi1>, vector<128x128xf32>
    %slice3A_3178 = vector.extract_strided_slice %slice3A_2838 {offsets = [0, 7296], sizes = [128, 128], strides = [1, 1]} : vector<128x8192xf32> to vector<128x128xf32>
    %gt3A_3179 = arith.cmpf ogt, %slice3A_3178, %select_n3A_3174 : vector<128x128xf32>
    %select_n3A_3180 = arith.select %gt3A_3179, %slice3A_3178, %select_n3A_3174 : vector<128x128xi1>, vector<128x128xf32>
    %jit3A_3181 = arith.constant 5.700000e+01 : f32
    %broadcast_in_dim3A_3182 = vector.broadcast %jit3A_3181 : f32 to vector<128x128xf32>
    %select_n3A_3183 = arith.select %gt3A_3179, %broadcast_in_dim3A_3182, %select_n3A_3177 : vector<128x128xi1>, vector<128x128xf32>
    %slice3A_3184 = vector.extract_strided_slice %slice3A_2838 {offsets = [0, 7424], sizes = [128, 128], strides = [1, 1]} : vector<128x8192xf32> to vector<128x128xf32>
    %gt3A_3185 = arith.cmpf ogt, %slice3A_3184, %select_n3A_3180 : vector<128x128xf32>
    %select_n3A_3186 = arith.select %gt3A_3185, %slice3A_3184, %select_n3A_3180 : vector<128x128xi1>, vector<128x128xf32>
    %jit3A_3187 = arith.constant 5.800000e+01 : f32
    %broadcast_in_dim3A_3188 = vector.broadcast %jit3A_3187 : f32 to vector<128x128xf32>
    %select_n3A_3189 = arith.select %gt3A_3185, %broadcast_in_dim3A_3188, %select_n3A_3183 : vector<128x128xi1>, vector<128x128xf32>
    %slice3A_3190 = vector.extract_strided_slice %slice3A_2838 {offsets = [0, 7552], sizes = [128, 128], strides = [1, 1]} : vector<128x8192xf32> to vector<128x128xf32>
    %gt3A_3191 = arith.cmpf ogt, %slice3A_3190, %select_n3A_3186 : vector<128x128xf32>
    %select_n3A_3192 = arith.select %gt3A_3191, %slice3A_3190, %select_n3A_3186 : vector<128x128xi1>, vector<128x128xf32>
    %jit3A_3193 = arith.constant 5.900000e+01 : f32
    %broadcast_in_dim3A_3194 = vector.broadcast %jit3A_3193 : f32 to vector<128x128xf32>
    %select_n3A_3195 = arith.select %gt3A_3191, %broadcast_in_dim3A_3194, %select_n3A_3189 : vector<128x128xi1>, vector<128x128xf32>
    %slice3A_3196 = vector.extract_strided_slice %slice3A_2838 {offsets = [0, 7680], sizes = [128, 128], strides = [1, 1]} : vector<128x8192xf32> to vector<128x128xf32>
    %gt3A_3197 = arith.cmpf ogt, %slice3A_3196, %select_n3A_3192 : vector<128x128xf32>
    %select_n3A_3198 = arith.select %gt3A_3197, %slice3A_3196, %select_n3A_3192 : vector<128x128xi1>, vector<128x128xf32>
    %jit3A_3199 = arith.constant 6.000000e+01 : f32
    %broadcast_in_dim3A_3200 = vector.broadcast %jit3A_3199 : f32 to vector<128x128xf32>
    %select_n3A_3201 = arith.select %gt3A_3197, %broadcast_in_dim3A_3200, %select_n3A_3195 : vector<128x128xi1>, vector<128x128xf32>
    %slice3A_3202 = vector.extract_strided_slice %slice3A_2838 {offsets = [0, 7808], sizes = [128, 128], strides = [1, 1]} : vector<128x8192xf32> to vector<128x128xf32>
    %gt3A_3203 = arith.cmpf ogt, %slice3A_3202, %select_n3A_3198 : vector<128x128xf32>
    %select_n3A_3204 = arith.select %gt3A_3203, %slice3A_3202, %select_n3A_3198 : vector<128x128xi1>, vector<128x128xf32>
    %jit3A_3205 = arith.constant 6.100000e+01 : f32
    %broadcast_in_dim3A_3206 = vector.broadcast %jit3A_3205 : f32 to vector<128x128xf32>
    %select_n3A_3207 = arith.select %gt3A_3203, %broadcast_in_dim3A_3206, %select_n3A_3201 : vector<128x128xi1>, vector<128x128xf32>
    %slice3A_3208 = vector.extract_strided_slice %slice3A_2838 {offsets = [0, 7936], sizes = [128, 128], strides = [1, 1]} : vector<128x8192xf32> to vector<128x128xf32>
    %gt3A_3209 = arith.cmpf ogt, %slice3A_3208, %select_n3A_3204 : vector<128x128xf32>
    %select_n3A_3210 = arith.select %gt3A_3209, %slice3A_3208, %select_n3A_3204 : vector<128x128xi1>, vector<128x128xf32>
    %jit3A_3211 = arith.constant 6.200000e+01 : f32
    %broadcast_in_dim3A_3212 = vector.broadcast %jit3A_3211 : f32 to vector<128x128xf32>
    %select_n3A_3213 = arith.select %gt3A_3209, %broadcast_in_dim3A_3212, %select_n3A_3207 : vector<128x128xi1>, vector<128x128xf32>
    %slice3A_3214 = vector.extract_strided_slice %slice3A_2838 {offsets = [0, 8064], sizes = [128, 128], strides = [1, 1]} : vector<128x8192xf32> to vector<128x128xf32>
    %gt3A_3215 = arith.cmpf ogt, %slice3A_3214, %select_n3A_3210 : vector<128x128xf32>
    %select_n3A_3216 = arith.select %gt3A_3215, %slice3A_3214, %select_n3A_3210 : vector<128x128xi1>, vector<128x128xf32>
    %jit3A_3217 = arith.constant 6.300000e+01 : f32
    %broadcast_in_dim3A_3218 = vector.broadcast %jit3A_3217 : f32 to vector<128x128xf32>
    %select_n3A_3219 = arith.select %gt3A_3215, %broadcast_in_dim3A_3218, %select_n3A_3213 : vector<128x128xi1>, vector<128x128xf32>
    %reduce_max3A_3220 = arith.constant dense<0xFF800000> : vector<128xf32>
    %reduce_max3A_3221 = vector.multi_reduction <maximumf>, %select_n3A_3216, %reduce_max3A_3220 [1] : vector<128x128xf32> to vector<128xf32>
    %broadcast_in_dim3A_3222 = vector.shape_cast %reduce_max3A_3221 : vector<128xf32> to vector<128x1xf32>
    %eq3A_3223 = vector.broadcast %broadcast_in_dim3A_3222 : vector<128x1xf32> to vector<128x128xf32>
    %eq3A_3224 = arith.cmpf oeq, %select_n3A_3216, %eq3A_3223 : vector<128x128xf32>
    %mul3A_3225 = arith.constant 1.280000e+02 : f32
    %mul3A_3226 = vector.broadcast %mul3A_3225 : f32 to vector<128x128xf32>
    %mul3A_3227 = arith.mulf %select_n3A_3219, %mul3A_3226 : vector<128x128xf32>
    %add3A_3228 = vector.broadcast %get3A_33 : vector<1x128xf32> to vector<128x128xf32>
    %add3A_3229 = arith.addf %mul3A_3227, %add3A_3228 : vector<128x128xf32>
    %jit3A_3230 = arith.constant 3.000000e+38 : f32
    %broadcast_in_dim3A_3231 = vector.broadcast %jit3A_3230 : f32 to vector<128x128xf32>
    %select_n3A_3232 = arith.select %eq3A_3224, %add3A_3229, %broadcast_in_dim3A_3231 : vector<128x128xi1>, vector<128x128xf32>
    %reduce_min3A_3233 = arith.constant dense<0x7F800000> : vector<128xf32>
    %reduce_min3A_3234 = vector.multi_reduction <minimumf>, %select_n3A_3232, %reduce_min3A_3233 [1] : vector<128x128xf32> to vector<128xf32>
    %convert_element_type3A_3235 = arith.fptosi %reduce_min3A_3234 : vector<128xf32> to vector<128xi32>
    %reshape3A_3236 = vector.shape_cast %convert_element_type3A_3235 : vector<128xi32> to vector<1x128xi32>
    %swap3A_3237 = arith.constant 7 : index
    %swap3A_3238 = arith.constant 0 : index
    %swap3A_3239 = vector.load %arg6[%swap3A_3237, %swap3A_3238] : memref<8x128xi32, #tpu.memory_space<vmem>>, vector<1x128xi32>
    tpu.vector_store %arg6[%swap3A_3237, %swap3A_3238], %reshape3A_3236 {strides = array<i32>} : memref<8x128xi32, #tpu.memory_space<vmem>>, vector<1x128xi32>,
    return
  }
  func.func @transform_0(%arg0: i32) -> (i32, i32) {
    %c0_i32 = arith.constant 0 : i32
    %c0_i32_0 = arith.constant 0 : i32
    return %arg0, %c0_i32 : i32, i32
  }
  func.func @transform_1(%arg0: i32) -> (i32, i32) {
    %c0_i32 = arith.constant 0 : i32
    %c0_i32_0 = arith.constant 0 : i32
    %c0_i32_1 = arith.constant 0 : i32
    return %c0_i32, %c0_i32_0 : i32, i32
  }
  func.func @transform_2(%arg0: i32) -> (i32, i32) {
    %c0_i32 = arith.constant 0 : i32
    %c0_i32_0 = arith.constant 0 : i32
    %c0_i32_1 = arith.constant 0 : i32
    return %c0_i32, %c0_i32_0 : i32, i32
  }
  func.func @transform_3(%arg0: i32) -> (i32, i32) {
    %c0_i32 = arith.constant 0 : i32
    %c0_i32_0 = arith.constant 0 : i32
    %c0_i32_1 = arith.constant 0 : i32
    return %c0_i32, %c0_i32_0 : i32, i32
  }
  func.func @transform_4(%arg0: i32) -> (i32, i32) {
    %c0_i32 = arith.constant 0 : i32
    %c0_i32_0 = arith.constant 0 : i32
    %c0_i32_1 = arith.constant 0 : i32
    return %c0_i32, %c0_i32_0 : i32, i32
  }
  func.func @transform_5(%arg0: i32) -> (i32, i32) {
    %c0_i32 = arith.constant 0 : i32
    %c0_i32_0 = arith.constant 0 : i32
    return %arg0, %c0_i32 : i32, i32
  }
}

</mosaic_0001>

<sc_bundles>
// kernel: kernel.4.cloned.1.call-start
scs
__scs_entry_jumppad:
0x0: {  	(pc) =	sbr.rel $0x88, $3  }
0x1: {  	(tag) =	ssettag $0x0;
	lr =	simm.s32 $0x1  }
0x2: {  	[smem:$0x3F9D] =	sst lr;
	_ =	strace $0xD0000000  }
0x3: {  	_ = 	snop  }
0x4: {  	_ = 	snop  }
0x5: {  	_ = 	snop  }
0x6: {  	_ = 	snop  }
0x7: {  	_ = 	snop  }
__scs_overlays_trampoline_lowered:
0x8: {  	[smem:$0x3FAC] =	sst s0  }
0x9: {  	[smem:$0x3FAD] =	sst s1  }
0xa: {  	[smem:$0x3FAE] =	sst s2  }
0xb: {  	[smem:$0x3FAF] =	sst s3  }
0xc: {  	[smem:$0x3FB0] =	sst s4  }
0xd: {  	[smem:$0x3FB1] =	sst s5  }
0xe: {  	[smem:$0x3FB2] =	sst s6  }
0xf: {  	[smem:$0x3FB3] =	sst s7  }
0x10: {  	[smem:$0x3FB4] =	sst s8  }
0x11: {  	[smem:$0x3FB5] =	sst s9;
	s0 =	simm.s32 @!p0 $0x0  }
0x12: {  	s1 =	sld [smem:$0x3F9B];
	s0 =	simm.s32 @p0 $0x1  }
0x13: {  	[smem:$0x3FB6] =	sst s0;
	s0 =	simm.s32 @!p1 $0x0  }
0x14: {  	s2 =	sld [smem:$0x3F9A];
	s0 =	simm.s32 @p1 $0x1  }
0x15: {  	[smem:$0x3FB7] =	sst s0;
	s0 =	simm.s32 @!p2 $0x0  }
0x16: {  	s3 =	sld [smem:$0x3FDB];
	s0 =	simm.s32 @p2 $0x1  }
0x17: {  	s4 =	simm.s32 $0x1BF5;
	[smem:$0x3FB9] =	sst s0  }
0x18: {  	s0 =	sld [smem:$0x3F9C];
	_ =	swait.ge [sflag:s4], $0x0  }
0x19: {  	s7 =	sld [smem:$0x3F9D]  }
0x1a: {  	s8 =	sadd.s32 $0xFFFFE003, lr  }
0x1b: {  	s9 =	sadd.s32 $0xFFFFFEF7, lr;
	s5 =	simm.s32 $0xFFFFFFFF;
	p2 =	slt.u32 s8, $0xFFFFF086  }
0x1c: {  	p1 =	slt.u32 s9, $0xF7A;
	s5 =	simm.s32 @!p2 $0x0  }
0x1d: {  	s5 =	simm.s32 @p1 $0x1;
	p0 =	seq.s32 s7, s2  }
0x1e: {  	s7 =	smul.u32 @!p0 $0xF7A, s2;
	p2 =	seq.s32 @!p0 s5, $0x0  }
0x1f: {  	s9 =	smul.u32 $0xF7A, s1;
	s8 =	simm.s32 @!p0 $0x1BF5;
	p2 =	por !p2, p0  }
0x20: {  	[sflag:s8] =	ssyncset.s32 @!p0 $0xFFFFF086;
	s6 =	sadd.s32 @!p0 s3, s7;
	s7 =	simm.s32 @!p0 $0x108  }
0x21: {  	s3 =	sadd.s32 s3, s9;
	s6 =	sadd.s32 @!p0 $0x88, s6;
	s7 =	simm.s32 @p2 $0x1082  }
0x22: {  	[simem:s7], [sflag:s8] =	dma.local @!p0 [hbm:s6], $0xF7A  }
0x23: {  	s9 =	sor.u32 $0xD0000000, s2;
	s6 =	simm.s32 $0x108;
	_ =	swait.ge @!p0 [sflag:s8], $0x0  }
0x24: {  	s3 =	sadd.s32 $0x88, s3;
	s6 =	simm.s32 @!p1 $0x1082;
	[sflag:s4] =	ssyncset.s32 $0xFFFFF086  }
0x25: {  	[simem:s6], [sflag:s4] =	dma.local [hbm:s3], $0xF7A  }
0x26: {  	[smem:$0x3F9D] =	sst s1;
	(tag) =	ssettag s2;
	_ =	strace s9  }
0x27: {  	s1 =	sld [smem:$0x3FAD]  }
0x28: {  	s2 =	sld [smem:$0x3FAE]  }
0x29: {  	s4 =	sld [smem:$0x3FB0]  }
0x2a: {  	p0 =	seq.s32 s5, $0x0;
	s5 =	sld [smem:$0x3FB1]  }
0x2b: {  	s6 =	sld [smem:$0x3FB2]  }
0x2c: {  	s7 =	sld [smem:$0x3FB3]  }
0x2d: {  	s3 =	simm.s32 $0x108;
	s8 =	sld [smem:$0x3FB4]  }
0x2e: {  	s3 =	simm.s32 @!p0 $0x1082;
	s9 =	sld [smem:$0x3FB5]  }
0x2f: {  	lr =	sadd.s32 s0, s3;
	s0 =	sld [smem:$0x3FAC]  }
0x30: {  	s3 =	sld [smem:$0x3FAF]  }
0x31: {  	[smem:$0x3FB8] =	sst s10  }
0x32: {  	s10 =	sld [smem:$0x3FB6];
	_ =	sdelay $0x3  }
0x33: {  	p0 =	seq.s32 s10, $0x1;
	s10 =	sld [smem:$0x3FB8];
	_ =	sdelay $0x3  }
0x34: {  	[smem:$0x3FB8] =	sst s10  }
0x35: {  	s10 =	sld [smem:$0x3FB7];
	_ =	sdelay $0x3  }
0x36: {  	p1 =	seq.s32 s10, $0x1;
	s10 =	sld [smem:$0x3FB8];
	_ =	sdelay $0x3  }
0x37: {  	[smem:$0x3FB8] =	sst s10  }
0x38: {  	s10 =	sld [smem:$0x3FB9]  }
0x39: {  	_ = 	snop;
	(pc) =	sbr.ind lr, $3  }
0x3a: {  	_ = 	snop  }
0x3b: {  	_ = 	snop  }
0x3c: {  	p2 =	seq.s32 s10, $0x1;
	s10 =	sld [smem:$0x3FB8]  }
0x3d: {  	_ =	shalt  }
0x3e: {  	_ =	shalt  }
0x3f: {  	_ =	shalt  }
0x40: {  	_ =	shalt  }
0x41: {  	_ =	shalt  }
0x42: {  	_ =	shalt  }
0x43: {  	_ =	shalt  }
0x44: {  	_ =	shalt  }
0x45: {  	_ =	shalt  }
0x46: {  	_ =	shalt  }
0x47: {  	_ =	shalt  }
0x48: {  	_ =	shalt  }
0x49: {  	_ =	shalt  }
0x4a: {  	_ =	shalt  }
0x4b: {  	_ =	shalt  }
0x4c: {  	_ =	shalt  }
0x4d: {  	_ =	shalt  }
0x4e: {  	_ =	shalt  }
0x4f: {  	_ =	shalt  }
0x50: {  	_ =	shalt  }
0x51: {  	_ =	shalt  }
0x52: {  	_ =	shalt  }
0x53: {  	_ =	shalt  }
0x54: {  	_ =	shalt  }
0x55: {  	_ =	shalt  }
0x56: {  	_ =	shalt  }
0x57: {  	_ =	shalt  }
0x58: {  	_ =	shalt  }
0x59: {  	_ =	shalt  }
0x5a: {  	_ =	shalt  }
0x5b: {  	_ =	shalt  }
0x5c: {  	_ =	shalt  }
0x5d: {  	_ =	shalt  }
0x5e: {  	_ =	shalt  }
0x5f: {  	_ =	shalt  }
0x60: {  	_ =	shalt  }
0x61: {  	_ =	shalt  }
0x62: {  	_ =	shalt  }
0x63: {  	_ =	shalt  }
0x64: {  	_ =	shalt  }
0x65: {  	_ =	shalt  }
0x66: {  	_ =	shalt  }
0x67: {  	_ =	shalt  }
0x68: {  	_ =	shalt  }
0x69: {  	_ =	shalt  }
0x6a: {  	_ =	shalt  }
0x6b: {  	_ =	shalt  }
0x6c: {  	_ =	shalt  }
0x6d: {  	_ =	shalt  }
0x6e: {  	_ =	shalt  }
0x6f: {  	_ =	shalt  }
0x70: {  	_ =	shalt  }
0x71: {  	_ =	shalt  }
0x72: {  	_ =	shalt  }
0x73: {  	_ =	shalt  }
0x74: {  	_ =	shalt  }
0x75: {  	_ =	shalt  }
0x76: {  	_ =	shalt  }
0x77: {  	_ =	shalt  }
0x78: {  	_ =	shalt  }
0x79: {  	_ =	shalt  }
0x7a: {  	_ =	shalt  }
0x7b: {  	_ =	shalt  }
0x7c: {  	_ =	shalt  }
0x7d: {  	_ =	shalt  }
0x7e: {  	_ =	shalt  }
0x7f: {  	_ =	shalt  }
0x80: {  	_ =	shalt  }
0x81: {  	_ =	shalt  }
0x82: {  	_ =	shalt  }
0x83: {  	_ =	shalt  }
0x84: {  	_ =	shalt  }
0x85: {  	_ =	shalt  }
0x86: {  	_ =	shalt  }
0x87: {  	_ =	shalt  }
.Lfunc_end0:
.L_simem_size_0:
called_computation_lowered:
.L_overlay_start_0:
0x88: {  	s2 =	sld [smem:$0x3FD9]  }
0x89: {  	s3 =	sld [smem:$0x3FFE];
	_ =	sdelay $0x1  }
0x8a: {  	s1 =	srdreg.scid  }
0x8b: {  	s0 =	sand.u32 $0x1, s1  }
0x8c: {  	s14 =	sshll.u32 s0, $0xA;
	s2 =	sadd.s32 s3, s2  }
0x8d: {  	s2 =	sadd.s32 s2, s14  }
0x8e: {  	[smem:$0x3FC4] =	sst s2  }
0x8f: {  	_ = 	snop  }
0x90: {  	s2 =	sld [smem:$0x3FD0];
	_ =	sdelay $0x2  }
0x91: {  	s15 =	simm.s32 $0xA;
	s4 =	simm.s32 $0x10  }
0x92: {  	[smem:s4], [sflag:s15] =	dma.local [hbm:s2], $0x1  }
0x93: {  	_ =	swait.eq [sflag:s15], $0x1  }
0x94: {  	[sflag:s15] =	ssyncset.done $0x0  }
0x95: {  	[sflag:s15] =	ssyncadd.s32 $0xFFFFFFFF  }
0x96: {  	s16 =	sld [smem:$0x10];
	(tm) =	ssettm $0x1  }
0x97: {  	s17 =	sld [smem:$0x3FFB];
	_ =	sdelay $0x3  }
0x98: {  	_ =	strace s17  }
0x99: {  	s3 =	sld [smem:$0x3FFC];
	_ =	sdelay $0x3  }
0x9a: {  	_ =	strace s3  }
0x9b: {  	s3 =	sld [smem:$0x3FFD];
	_ =	sdelay $0x3  }
0x9c: {  	_ =	strace s3  }
0x9d: {  	_ =	strace $0x8FFFFFFF  }
0x9e: {  	s18 =	sld [smem:$0x3FDB];
	_ =	sdelay $0x1  }
0x9f: {  	s19 =	simm.s32 $_scs_section_size  }
0xa0: {  	s5 =	simm.s32 $_size__tile_overlayer_lowered;
	s6 =	simm.s32 $_tile_overlayer_lowered  }
0xa1: {  	s22 =	simm.s32 $0x1BFF;
	s21 =	sshll.u32 s6, $0x1;
	s3 =	sadd.s32 s19, s18  }
0xa2: {  	s7 =	simm.s32 $0x0;
	s20 =	sshll.u32 s5, $0x1;
	s5 =	sadd.s32 s21, s3  }
0xa3: {  	[timem:s7], [sflag:s22] =	dma.local [hbm:s5], s20  }
0xa4: {  	_ =	swait.ge [sflag:s22], s20  }
0xa5: {  	s4 =	ssub.s32 $0x0, s20;
	[sflag:s22] =	ssyncset.done $0x0  }
0xa6: {  	[sflag:s22] =	ssyncadd.s32 s4;
	_ =	sdelay $0x1  }
0xa7: {  	s23 =	simm.s32 $0x1B8B  }
0xa8: {  	_ =	swait.ge [sflag:s23], $0x1  }
0xa9: {  	[sflag:s23] =	ssyncset.done $0x0  }
0xaa: {  	s25 =	simm.s32 $0x1B8E;
	s24 =	sld [smem:$0x3FFE];
	[sflag:s23] =	ssyncadd.s32 $0xFFFFFFFF  }
0xab: {  	s26 =	simm.s32 $execute0_lowered;
	[smem:$0x3FD2] =	sst s25  }
0xac: {  	s5 =	sshll.u32 s26, $0x1;
	_ =	strace $0x80000046;
	[dreg:$0x1] =	wrdreg $0xFFFFFFFF  }
0xad: {  	s28 =	simm.s32 $_size_execute0_lowered;
	s3 =	sadd.s32 s3, s5;
	[dreg:$0x0] =	wrdreg $0x0  }
0xae: {  	s5 =	sshll.u32 s28, $0x1;
	[dreg:$0x2] =	wrdreg s3  }
0xaf: {  	[dreg:$0x3] =	wrdreg s5  }
0xb0: {  	[dreg:$0x4] =	wrdreg $0xC0  }
0xb1: {  	_ =	task [dreg:s7], $0x5FFFF  }
0xb2: {  	[dreg:$0x1] =	wrdreg $0xFFFFFFFF  }
0xb3: {  	[dreg:$0x0] =	wrdreg $0x60  }
0xb4: {  	[dreg:$0x2] =	wrdreg s24  }
0xb5: {  	[dreg:$0x3] =	wrdreg s16  }
0xb6: {  	[dreg:$0x4] =	wrdreg $0x9  }
0xb7: {  	_ =	task.clear_ibuf [dreg:s7], $0x5FFFF;
	_ =	strace $0x90000046  }
0xb8: {  	s29 =	simm.s32 $0x9;
	_ =	strace $0x80000048  }
0xb9: {  	_ =	swait.ge [sflag:s29], $0x1  }
0xba: {  	[sflag:s29] =	ssyncadd.s32 $0xFFFFFFFF  }
0xbb: {  	_ =	strace $0x90000048  }
0xbc: {  	_ =	sfence  }
0xbd: {  	s30 =	sld [smem:$0x0];
	_ =	sdelay $0x2  }
0xbe: {  	s31 =	sshll.u32 s1, $0xD;
	s1 =	sshrl.u32 s1, $0x2  }
0xbf: {  	s3 =	sand.u32 $0x4000, s31;
	s1 =	sadd.s32 s1, s30  }
0xc0: {  	s0 =	sor.u32 s3, s0;
	s1 =	sshll.u32 s1, $0x11  }
0xc1: {  	s0 =	sor.u32 s1, s0  }
0xc2: {  	s0 =	sadd.s32 $0x8F2B, s0  }
0xc3: {  	[sflag:s0] =	ssyncadd.remote.s32 $0x1  }
0xc4: {  	_ =	sfence.sel $0xFFFF  }
0xc5: {  	[dreg:$0x0] =	wrdreg $0xFFFFFFFF;
	(pc) =	sbr.abs _section_cstart, $3  }
0xc6: {  	[dreg:$0x1] =	wrdreg $0xFFFFFFFF  }
0xc7: {  	_ =	task.clear_ibuf [dreg:s7], $0x2FFFF;
	_ =	strace $0x9FFFFFFF  }
0xc8: {  	(tm) =	ssettm $0x7FFFFFFF  }
0xc9: {  	_ =	shalt  }
tec
execute0_lowered:
.L_overlay_start_1:
0x0: {  	(tag) =	ssettag $0x1  }
0x1: {  	s1 =	srdreg.scid;
	s0 =	stileid.u32  }
0x2: {  	s6 =	sand.u32 $0x1, s1;
	s30 =	sshll.u32 s0, $0x1  }
0x3: {  	s5 =	rddreg [dreg:$0x0];
	s8 =	sor.u32 s6, s30  }
0x4: {  	s9 =	rddreg [dreg:$0x1];
	s2 =	simm.s32 $0x0;
	s3 =	smul.u32 $0x24, s8  }
0x5: {  	[smem:$0x7FF] =	sst s2  }
0x6: {  	s1 =	rddreg [dreg:$0x2];
	_ =	strace $0x80000047;
	s3 =	sadd.s32 s3, s5  }
0x7: {  	s10 =	ssub.s32 $0x2, s6;
	s4 =	sadd.s32 $0x10E00, s3;
	s3 =	simm.s32 $0x2  }
0x8: {  	[tilespmem:s2], [sflag:$0x2] =	stream.linear.gather [hbm4b:s4+s2], $0x120, $0x38;
	[tilespmem:$0x4920] =	vst v63  }
0x9: {  	s7 =	simm.s32 $0x1;
	s11 =	sshrl.u32 s10, $0x1;
	_ =	swait.ge [sflag:s3], $0x120  }
0xa: {  	s6 =	simm.s32 $0x120;
	s10 =	ssub.s32 s10, s11;
	[sflag:s3] =	ssyncset.done $0x0  }
0xb: {  	s5 =	sadd.s32 $0xE00, s5;
	s31 =	smax.u32 s10, $0x1;
	[sflag:s3] =	ssyncadd.s32 $0xFFFFFEE0  }
0xc: {  	[tilespmem:s6], [sflag:$0x1] =	stream.indirect.gather [hbm4b:s5+s6], $0x40, s2, s6, $0xb8;
	[tilespmem:$0x4920] =	vst v63  }
0xd: {  	s8 =	smul.u32 $0x900, s8;
	p0 =	sne.s32 s31, $0x1;
	_ =	swait.ge [sflag:s7], $0x4800  }
.Ltmp0:
0xe: {  	[sflag:s7] =	ssyncset.done $0x0;
	(pc) =	sbr.rel @!p0 .LBB2_2-.Ltmp0, $4  }
0xf: {  	s8 =	sadd.s32 s9, s8;
	[sflag:s7] =	ssyncadd.s32 $0xFFFFB800  }
0x10: {  	[hbm4b:s8+s2] =	stream.linear.scatter [tilespmem:s6], [sflag:$0x2], $0x4800, $0x38;
	[tilespmem:$0x4920] =	vst v63  }
0x11: {  	_ =	swait.ge [sflag:s3], $0x4800  }
0x12: {  	s9 =	sadd.s32 $0xFFFFFFFF, s31;
	[sflag:s3] =	ssyncset.done $0x0  }
.LBB2_1:
0x13: {  	p0 =	sne.s32 s9, $0x1;
	s9 =	sadd.s32 $0xFFFFFFFF, s9;
	[sflag:s3] =	ssyncadd.s32 $0xFFFFB800  }
0x14: {  	[tilespmem:s2], [sflag:$0x2] =	stream.linear.gather [hbm4b:s4+s2], $0x120, $0x38;
	[tilespmem:$0x4920] =	vst v63  }
0x15: {  	_ =	swait.ge [sflag:s3], $0x120  }
0x16: {  	[sflag:s3] =	ssyncset.done $0x0  }
0x17: {  	[sflag:s3] =	ssyncadd.s32 $0xFFFFFEE0  }
0x18: {  	[tilespmem:s6], [sflag:$0x1] =	stream.indirect.gather [hbm4b:s5+s6], $0x40, s2, s6, $0xb8;
	[tilespmem:$0x4920] =	vst v63  }
0x19: {  	_ =	swait.ge [sflag:s7], $0x4800  }
.Ltmp1:
0x1a: {  	[sflag:s7] =	ssyncset.done $0x0;
	(pc) =	sbr.rel @p0 .LBB2_1-.Ltmp1, $4  }
0x1b: {  	[sflag:s7] =	ssyncadd.s32 $0xFFFFB800  }
0x1c: {  	[hbm4b:s8+s2] =	stream.linear.scatter [tilespmem:s6], [sflag:$0x2], $0x4800, $0x38;
	[tilespmem:$0x4920] =	vst v63  }
0x1d: {  	_ =	swait.ge [sflag:s3], $0x4800  }
0x1e: {  	[sflag:s3] =	ssyncset.done $0x0  }
.LBB2_2:
0x1f: {  	[sflag:s3] =	ssyncadd.s32 $0xFFFFB800  }
0x20: {  	_ =	sfence.sel $0x180000  }
0x21: {  	[bflag:$0x0] =	sbarrier.arrive $0xFFFF  }
0x22: {  	p0 =	sne.s32 s0, $0x0;
	_ =	strace $0x90000047  }
0x23: {  	s0 =	sadd.s32 @!p0 $0x100000, s1;
	[bflag:$0x2] =	sbarrier.arrive $0xFFFF  }
0x24: {  	[sflag:s0] =	ssyncadd.tile.s32 @!p0 $0x1;
	_ =	shalt  }
.Lfunc_end2:
_tile_overlayer_lowered:
.L_overlay_start_2:
0x25: {  	(tag) =	ssettag $0x2  }
0x26: {  	s0 =	rddreg [dreg:$0x0];
	s2 =	stileid.u32  }
0x27: {  	s1 =	rddreg [dreg:$0x1];
	p0 =	sne.s32 s2, $0x0  }
0x28: {  	s3 =	rddreg [dreg:$0x2];
	[bflag:$0x3] =	sbarrier.arrive $0xFFFF;
	s2 =	simm.s32 @!p0 $0x1C02  }
0x29: {  	[timem:s3], [sflag:s2] =	dma.local @!p0 [hbm:s0], s1  }
0x2a: {  	s0 =	simm.s32 @!p0 $0x2  }
0x2b: {  	_ =	swait.ge @!p0 [sflag:s0], s1  }
0x2c: {  	s1 =	ssub.s32 @!p0 $0x0, s1;
	[sflag:s0] =	ssyncset.done @!p0 $0x0  }
0x2d: {  	[sflag:s0] =	ssyncadd.s32 @!p0 s1  }
0x2e: {  	[bflag:$0x3] =	sbarrier.arrive $0xFFFF  }
0x2f: {  	_ =	shalt  }

</sc_bundles>
